<compile_context>
chip_gen: v7x
topology: tpu7x:2x2x1
jax: 0.10.2.dev20260603
libtpu: 0.0.44.dev20260713+nightly
codegen_flags: <defaults>
</compile_context>

<pallas_src>
import functools

import jax
import jax.numpy as jnp
from jax import lax
from jax.experimental import pallas as pl
from jax.experimental.pallas import tpu as pltpu
from jax.experimental.pallas import tpu_sc as plsc

_R = 131072
_NC = 64
_NB = 129
_NK = _NC + 1
_OB = _NC + _NB - 1
_ROWS = 194
_PAD = 0.01
_EPS = 1e-5
_NCORES = 2
_NSUB = 16
_NW = _NCORES * _NSUB
_L = 16
_NG = 4
_G = _NG * _L
_RPW = _R // _NW
_CHUNKS = _RPW // _G
_OSZ = _G * _OB


def _sc_sample(wf, bf, mb1d, zf_hbm):
    mesh = plsc.VectorSubcoreMesh(core_axis_name="c", subcore_axis_name="s")

    @functools.partial(
        pl.kernel,
        out_type=[
            jax.ShapeDtypeStruct((_R * _OB,), jnp.float32),
            jax.ShapeDtypeStruct((_R,), jnp.float32),
        ],
        mesh=mesh,
        compiler_params=pltpu.CompilerParams(needs_layout_passes=False),
        scratch_types=[
            pltpu.VMEM((_G * _NC,), jnp.float32),
            pltpu.VMEM((_G * _NC,), jnp.float32),
            pltpu.VMEM((_G * _NC,), jnp.float32),
            pltpu.VMEM((_G * _NC,), jnp.float32),
            pltpu.VMEM((_G,), jnp.float32),
            pltpu.VMEM((_G,), jnp.float32),
            pltpu.VMEM((_ROWS * _G,), jnp.float32),
            pltpu.VMEM((_ROWS * _G,), jnp.float32),
            pltpu.VMEM((_ROWS * _G,), jnp.float32),
            pltpu.VMEM((_ROWS * _G,), jnp.float32),
            pltpu.VMEM((_OSZ,), jnp.float32),
            pltpu.VMEM((_OSZ,), jnp.float32),
            pltpu.VMEM((_G,), jnp.float32),
            pltpu.VMEM((_G,), jnp.float32),
            pltpu.SemaphoreType.DMA,
            pltpu.SemaphoreType.DMA,
            pltpu.SemaphoreType.DMA,
            pltpu.SemaphoreType.DMA,
            pltpu.SemaphoreType.DMA,
            pltpu.SemaphoreType.DMA,
        ],
    )
    def kern(w_hbm, b_hbm, mb_hbm, z_hbm, ob_hbm, omb_hbm,
             wbuf0, wbuf1, bbuf0, bbuf1, mbuf0, mbuf1,
             dV0, dV1, dB0, dB1, obuf0, obuf1, mstage0, mstage1,
             isem0, isem1, zsem0, zsem1, osem0, osem1):
        wbufs = (wbuf0, wbuf1)
        bbufs = (bbuf0, bbuf1)
        mbufs = (mbuf0, mbuf1)
        dVs = (dV0, dV1)
        dBs = (dB0, dB1)
        obufs = (obuf0, obuf1)
        mstages = (mstage0, mstage1)
        isems = (isem0, isem1)
        zsems = (zsem0, zsem1)
        osems = (osem0, osem1)

        wid = lax.axis_index("s") * _NCORES + lax.axis_index("c")
        base0 = wid * _RPW
        lane = lax.iota(jnp.int32, _L)
        zf = jnp.zeros((_L,), jnp.float32)
        zi = jnp.zeros((_L,), jnp.int32)
        oi = jnp.ones((_L,), jnp.int32)
        glv = [lane + g * _L for g in range(_NG)]
        obase = [(jnp.asarray(g * _L, jnp.int32) + lane) * _OB
                 for g in range(_NG)]

        def in_start(p, c):
            base = base0 + c * _G
            pltpu.make_async_copy(
                w_hbm.at[pl.ds(base * _NC, _G * _NC)], wbufs[p],
                isems[p]).start()
            pltpu.make_async_copy(
                b_hbm.at[pl.ds(base * _NC, _G * _NC)], bbufs[p],
                isems[p]).start()
            pltpu.make_async_copy(
                mb_hbm.at[pl.ds(base, _G)], mbufs[p], isems[p]).start()

        def in_wait(p):
            pltpu.make_async_copy(
                w_hbm.at[pl.ds(0, _G * _NC)], wbufs[p], isems[p]).wait()
            pltpu.make_async_copy(
                b_hbm.at[pl.ds(0, _G * _NC)], bbufs[p], isems[p]).wait()
            pltpu.make_async_copy(
                mb_hbm.at[pl.ds(0, _G)], mbufs[p], isems[p]).wait()

        def z_start(p):
            pltpu.make_async_copy(z_hbm, dVs[p], zsems[p]).start()
            pltpu.make_async_copy(z_hbm, dBs[p], zsems[p]).start()

        def z_wait(p):
            pltpu.make_async_copy(z_hbm, dVs[p], zsems[p]).wait()
            pltpu.make_async_copy(z_hbm, dBs[p], zsems[p]).wait()

        def out_start(p, c):
            base = base0 + c * _G
            pltpu.make_async_copy(
                obufs[p], ob_hbm.at[pl.ds(base * _OB, _OSZ)],
                osems[p]).start()
            pltpu.make_async_copy(
                mstages[p], omb_hbm.at[pl.ds(base, _G)], osems[p]).start()

        def out_wait(p):
            pltpu.make_async_copy(
                obufs[p], ob_hbm.at[pl.ds(0, _OSZ)], osems[p]).wait()
            pltpu.make_async_copy(
                mstages[p], omb_hbm.at[pl.ds(0, _G)], osems[p]).wait()

        for p in range(2):
            in_start(p, p)
            z_start(p)

        def chunk(p, c0, c):
            wbuf, bbuf, mbuf = wbufs[p], bbufs[p], mbufs[p]
            dV, dB = dVs[p], dBs[p]
            obuf, mstage = obufs[p], mstages[p]
            in_wait(p)

            @plsc.parallel_loop(0, _NC, carry=(zf,) * _NG)
            def S(k, ss):
                return tuple(
                    ss[g] + plsc.load_gather(wbuf, [glv[g] * _NC + k])
                    for g in range(_NG))
            rinv, padc = [], []
            for g in range(_NG):
                Sg = S[g] + (_NC * _PAD)
                padding = jnp.maximum(_EPS - Sg, 0.0)
                rinv.append(1.0 / (Sg + padding))
                padc.append(padding * (1.0 / _NC) + _PAD)

            z_wait(p)

            mvec = [mbuf[pl.ds(g * _L, _L)] for g in range(_NG)]
            e0 = [plsc.load_gather(bbuf, [glv[g] * _NC]) for g in range(_NG)]
            for g in range(_NG):
                plsc.store_scatter(dV, [glv[g]], e0[g])

            def seg_step(k, ek, st, g):
                cs, cdfp, ep, tpf, idxp = st
                wk = plsc.load_gather(wbuf, [glv[g] * _NC + (k - 1)])
                cs = cs + (wk + padc[g]) * rinv[g]
                cdfk = jnp.minimum(cs, 1.0)
                y = cdfk * _NB - 0.5
                iy = y.astype(jnp.int32)
                ck = jnp.maximum(
                    iy + jnp.where(iy.astype(jnp.float32) < y, oi, zi), 0)
                d = cdfk - cdfp
                inv = jnp.where(d > 0, 1.0 / d, 0.0)
                gr = (ek - ep) * inv
                beta = gr * (1.0 / _NB)
                Am = ep + gr * ((0.5 - k) * (1.0 / _NB) - cdfp)
                dv0 = Am + beta * tpf - ep
                idx0 = idxp + _G
                plsc.addupdate_scatter(dV, [idx0], dv0)
                plsc.addupdate_scatter(dB, [idx0], beta)
                tE = ck + k
                tEf = tE.astype(jnp.float32)
                dvE = ek - (Am + beta * (tEf - 1.0))
                idxE = tE * _G + glv[g]
                plsc.addupdate_scatter(dV, [idxE], dvE)
                plsc.addupdate_scatter(dB, [idxE], -beta)
                return (cs, cdfk, ek, tEf, idxE)

            sts0 = tuple((zf, zf, e0[g], zf, glv[g]) for g in range(_NG))

            @plsc.parallel_loop(1, _NC, carry=sts0)
            def sts(k, st):
                return tuple(
                    seg_step(k, plsc.load_gather(bbuf, [glv[g] * _NC + k]),
                             st[g], g)
                    for g in range(_NG))
            for g in range(_NG):
                seg_step(_NC, mvec[g], sts[g], g)

            @pl.when(c0 < _CHUNKS - 2)
            def _():
                in_start(p, c + 2)

            @pl.when(c0 > 0)
            def _():
                out_wait(p)

            st0 = tuple((zf, zf, obase[g]) for g in range(_NG))

            @plsc.parallel_loop(0, _OB, carry=st0)
            def st(t, stc):
                off = t * _G
                out = []
                for g in range(_NG):
                    cB, val, oidx = stc[g]
                    a = dV[pl.ds(off + g * _L, _L)]
                    b = dB[pl.ds(off + g * _L, _L)]
                    cB = cB + b
                    val = val + cB + a
                    plsc.store_scatter(obuf, [oidx], val)
                    out.append((cB, val, oidx + 1))
                return tuple(out)
            off = _OB * _G
            for g in range(_NG):
                cB, val, _ = st[g]
                a = dV[pl.ds(off + g * _L, _L)]
                b = dB[pl.ds(off + g * _L, _L)]
                mstage[pl.ds(g * _L, _L)] = val + (cB + b) + a

            out_start(p, c)

            @pl.when(c0 < _CHUNKS - 2)
            def _():
                z_start(p)

        def pair(i, carry):
            c0 = i * 2
            for p in range(2):
                chunk(p, c0, c0 + p)
            return carry

        lax.fori_loop(0, _CHUNKS // 2, pair, 0)
        out_wait(0)
        out_wait(1)

    return kern(wf, bf, mb1d, zf_hbm)


def kernel(origins, directions, weights, bins, max_bin):
    ob, omb = _sc_sample(weights.reshape(_R * _NC),
                         bins.reshape(_R * _NC), max_bin[:, 0],
                         jnp.zeros((_ROWS * _G,), jnp.float32))
    return (origins, directions, ob.reshape(_R, _OB, 1), omb[:, None])

# --- scband reference (transcript-rebuilt; emitter-appended) ---
"""Pipeline reference for scband-pdfsampler-88837103551055 (READ-ONLY COPY).

The authoritative reference and input builder live on the scoring server;
editing this copy changes nothing except your own understanding.
"""

import jax, jax.numpy as jnp
import numpy as np

NUM_SAMPLES_PER_RAY = 128
HISTOGRAM_PADDING = 0.01
EPS = 1e-05
R = 131072
NC = 64


def setup_inputs(seed: int = 0) -> dict:
    key = jax.random.key(seed)
    k1, k2, k3, k4 = jax.random.split(key, 4)
    origins = jax.random.normal(k1, (R, 3), dtype=jnp.float32)
    directions = jax.random.normal(k2, (R, 3), dtype=jnp.float32)
    weights = jax.random.uniform(k3, (R, NC, 1), dtype=jnp.float32)
    # bins must be monotonically increasing along the sample axis: build via cumsum of positive deltas
    deltas = jax.random.uniform(k4, (R, NC + 1), dtype=jnp.float32, minval=0.01, maxval=1.0)
    t = jnp.cumsum(deltas, axis=-1)
    bins = t[:, :NC, None]
    max_bin = t[:, NC:]
    return {"origins": origins, "directions": directions, "weights": weights, "bins": bins, "max_bin": max_bin}


def reference(origins, directions, weights, bins, max_bin):
    # coarse_samples.detach()
    weights = jax.lax.stop_gradient(weights)
    bins = jax.lax.stop_gradient(bins)
    max_bin = jax.lax.stop_gradient(max_bin)

    w = weights[..., 0] + HISTOGRAM_PADDING  # [R, NC]
    weights_sum = jnp.sum(w, axis=-1, keepdims=True)  # [R, 1]
    padding = jax.nn.relu(EPS - weights_sum)
    w = w + padding / w.shape[-1]
    pdf = w / (weights_sum + padding)
    cdf = jnp.minimum(jnp.cumsum(pdf, axis=-1), 1.0)
    cdf = jnp.concatenate([jnp.zeros_like(cdf[..., :1]), cdf], axis=-1)  # [R, NC+1]

    num_bins = NUM_SAMPLES_PER_RAY + 1
    u = jnp.linspace(0.0, 1.0 - 1.0 / num_bins, num_bins, dtype=jnp.float32)
    # eval mode (self.training == False): deterministic mid-bin offsets
    u = u + 0.5 / num_bins
    u = jnp.broadcast_to(u, (*cdf.shape[:-1], num_bins))  # [R, num_bins]

    existing_bins = jnp.concatenate([bins, max_bin[..., None]], axis=-2)[..., 0]  # [R, NC+1]

    indices = jax.vmap(lambda c, uu: jnp.searchsorted(c, uu, side='right'))(cdf, u)  # [R, num_bins]
    below = jnp.clip(indices - 1, 0, cdf.shape[-1] - 1)
    above = jnp.clip(indices, 0, cdf.shape[-1] - 1)

    cdf_g0 = jnp.take_along_axis(cdf, below, axis=-1)
    cdf_g1 = jnp.take_along_axis(cdf, above, axis=-1)
    bins_g0 = jnp.take_along_axis(existing_bins, below, axis=-1)
    bins_g1 = jnp.take_along_axis(existing_bins, above, axis=-1)

    ts = jnp.nan_to_num((u - cdf_g0) / (cdf_g1 - cdf_g0), nan=0.0)
    ts = jnp.clip(ts, 0.0, 1.0)
    new_bins = bins_g0 + ts * (bins_g1 - bins_g0)  # [R, num_bins]

    # include_original == True
    new_bins = jnp.sort(jnp.concatenate([existing_bins, new_bins], axis=-1), axis=-1)[..., :-1]  # [R, NC+num_bins]

    out_bins = new_bins[..., :-1, None]  # [R, NC+num_bins-1, 1]
    out_max_bin = new_bins[..., -1:]     # [R, 1]
    return (origins, directions, out_bins, out_max_bin)

if __name__ == "__main__":
    import jax
    _d = setup_inputs()
    print(jax.jit(kernel)(*tuple(_d.values())))

</pallas_src>

<mosaic_0001>
#map = affine_map<(d0, d1) -> (0)>
module attributes {stable_mosaic.version = 14 : i64} {
  func.func @kern(%arg0: i32, %arg1: i32, %arg2: memref<8388608xf32, #tpu.memory_space<hbm>>, %arg3: memref<8388608xf32, #tpu.memory_space<hbm>>, %arg4: memref<131072xf32, #tpu.memory_space<hbm>>, %arg5: memref<12416xf32, #tpu.memory_space<hbm>>, %arg6: memref<25165824xf32, #tpu.memory_space<hbm>>, %arg7: memref<131072xf32, #tpu.memory_space<hbm>>, %arg8: memref<4096xf32, #tpu.memory_space<vmem>>, %arg9: memref<4096xf32, #tpu.memory_space<vmem>>, %arg10: memref<4096xf32, #tpu.memory_space<vmem>>, %arg11: memref<4096xf32, #tpu.memory_space<vmem>>, %arg12: memref<64xf32, #tpu.memory_space<vmem>>, %arg13: memref<64xf32, #tpu.memory_space<vmem>>, %arg14: memref<12416xf32, #tpu.memory_space<vmem>>, %arg15: memref<12416xf32, #tpu.memory_space<vmem>>, %arg16: memref<12416xf32, #tpu.memory_space<vmem>>, %arg17: memref<12416xf32, #tpu.memory_space<vmem>>, %arg18: memref<12288xf32, #tpu.memory_space<vmem>>, %arg19: memref<12288xf32, #tpu.memory_space<vmem>>, %arg20: memref<64xf32, #tpu.memory_space<vmem>>, %arg21: memref<64xf32, #tpu.memory_space<vmem>>, %arg22: memref<!tpu.dma_semaphore, #tpu.memory_space<semaphore_mem>>, %arg23: memref<!tpu.dma_semaphore, #tpu.memory_space<semaphore_mem>>, %arg24: memref<!tpu.dma_semaphore, #tpu.memory_space<semaphore_mem>>, %arg25: memref<!tpu.dma_semaphore, #tpu.memory_space<semaphore_mem>>, %arg26: memref<!tpu.dma_semaphore, #tpu.memory_space<semaphore_mem>>, %arg27: memref<!tpu.dma_semaphore, #tpu.memory_space<semaphore_mem>>) attributes {dimension_semantics = [#tpu.dimension_semantics<core_parallel>, #tpu.dimension_semantics<subcore_parallel>], iteration_bounds = array<i64: 2, 16>, scalar_prefetch = 0 : i64, scratch_operands = 20 : i64, tpu.core_type = #tpu.core_type<sc_vector_subcore>, window_params = [{transform_indices = #map}, {transform_indices = #map}, {transform_indices = #map}, {transform_indices = #map}, {transform_indices = #map}, {transform_indices = #map}]} {
    %mul3A = arith.constant 2 : i32
    %mul3A_0 = arith.muli %arg1, %mul3A : i32
    %add3A = arith.addi %mul3A_0, %arg0 : i32
    %mul3A_1 = arith.constant 4096 : i32
    %mul3A_2 = arith.muli %add3A, %mul3A_1 : i32
    %iota3A = tpu.iota {dimensions = array<i32: 0>} : vector<16xi32>
    %broadcast_in_dim3A = arith.constant 0.000000e+00 : f32
    %broadcast_in_dim3A_3 = vector.broadcast %broadcast_in_dim3A : f32 to vector<16xf32>
    %broadcast_in_dim3A_4 = arith.constant 0 : i32
    %broadcast_in_dim3A_5 = vector.broadcast %broadcast_in_dim3A_4 : i32 to vector<16xi32>
    %broadcast_in_dim3A_6 = arith.constant 1 : i32
    %broadcast_in_dim3A_7 = vector.broadcast %broadcast_in_dim3A_6 : i32 to vector<16xi32>
    %add3A_8 = arith.constant 0 : i32
    %add3A_9 = vector.broadcast %add3A_8 : i32 to vector<16xi32>
    %add3A_10 = arith.addi %iota3A, %add3A_9 : vector<16xi32>
    %add3A_11 = arith.constant 16 : i32
    %add3A_12 = vector.broadcast %add3A_11 : i32 to vector<16xi32>
    %add3A_13 = arith.addi %iota3A, %add3A_12 : vector<16xi32>
    %add3A_14 = arith.constant 32 : i32
    %add3A_15 = vector.broadcast %add3A_14 : i32 to vector<16xi32>
    %add3A_16 = arith.addi %iota3A, %add3A_15 : vector<16xi32>
    %add3A_17 = arith.constant 48 : i32
    %add3A_18 = vector.broadcast %add3A_17 : i32 to vector<16xi32>
    %add3A_19 = arith.addi %iota3A, %add3A_18 : vector<16xi32>
    %add3A_20 = arith.constant 0 : i32
    %add3A_21 = vector.broadcast %add3A_20 : i32 to vector<16xi32>
    %add3A_22 = arith.addi %add3A_21, %iota3A : vector<16xi32>
    %mul3A_23 = arith.constant 192 : i32
    %mul3A_24 = vector.broadcast %mul3A_23 : i32 to vector<16xi32>
    %mul3A_25 = arith.muli %add3A_22, %mul3A_24 : vector<16xi32>
    %add3A_26 = arith.constant 16 : i32
    %add3A_27 = vector.broadcast %add3A_26 : i32 to vector<16xi32>
    %add3A_28 = arith.addi %add3A_27, %iota3A : vector<16xi32>
    %mul3A_29 = arith.constant 192 : i32
    %mul3A_30 = vector.broadcast %mul3A_29 : i32 to vector<16xi32>
    %mul3A_31 = arith.muli %add3A_28, %mul3A_30 : vector<16xi32>
    %add3A_32 = arith.constant 32 : i32
    %add3A_33 = vector.broadcast %add3A_32 : i32 to vector<16xi32>
    %add3A_34 = arith.addi %add3A_33, %iota3A : vector<16xi32>
    %mul3A_35 = arith.constant 192 : i32
    %mul3A_36 = vector.broadcast %mul3A_35 : i32 to vector<16xi32>
    %mul3A_37 = arith.muli %add3A_34, %mul3A_36 : vector<16xi32>
    %add3A_38 = arith.constant 48 : i32
    %add3A_39 = vector.broadcast %add3A_38 : i32 to vector<16xi32>
    %add3A_40 = arith.addi %add3A_39, %iota3A : vector<16xi32>
    %mul3A_41 = arith.constant 192 : i32
    %mul3A_42 = vector.broadcast %mul3A_41 : i32 to vector<16xi32>
    %mul3A_43 = arith.muli %add3A_40, %mul3A_42 : vector<16xi32>
    %add3A_44 = arith.constant 0 : i32
    %add3A_45 = arith.addi %mul3A_2, %add3A_44 : i32
    %mul3A_46 = arith.constant 64 : i32
    %mul3A_47 = arith.muli %add3A_45, %mul3A_46 : i32
    %dma_start3A = tpu.memref_slice %arg2[%mul3A_47] : memref<8388608xf32, #tpu.memory_space<hbm>> -> memref<4096xf32, #tpu.memory_space<hbm>>
    %dma_start3A_48 = tpu.memref_slice %arg2[%mul3A_47] : memref<8388608xf32, #tpu.memory_space<hbm>> -> memref<4096xf32, #tpu.memory_space<hbm>>
    tpu.enqueue_dma source(%dma_start3A_48 : memref<4096xf32, #tpu.memory_space<hbm>>) target(%arg8 : memref<4096xf32, #tpu.memory_space<vmem>>) target_semaphore(%arg22 : memref<!tpu.dma_semaphore, #tpu.memory_space<semaphore_mem>>)
    %mul3A_49 = arith.constant 64 : i32
    %mul3A_50 = arith.muli %add3A_45, %mul3A_49 : i32
    %dma_start3A_51 = tpu.memref_slice %arg3[%mul3A_50] : memref<8388608xf32, #tpu.memory_space<hbm>> -> memref<4096xf32, #tpu.memory_space<hbm>>
    %dma_start3A_52 = tpu.memref_slice %arg3[%mul3A_50] : memref<8388608xf32, #tpu.memory_space<hbm>> -> memref<4096xf32, #tpu.memory_space<hbm>>
    tpu.enqueue_dma source(%dma_start3A_52 : memref<4096xf32, #tpu.memory_space<hbm>>) target(%arg10 : memref<4096xf32, #tpu.memory_space<vmem>>) target_semaphore(%arg22 : memref<!tpu.dma_semaphore, #tpu.memory_space<semaphore_mem>>)
    %dma_start3A_53 = tpu.memref_slice %arg4[%add3A_45] : memref<131072xf32, #tpu.memory_space<hbm>> -> memref<64xf32, #tpu.memory_space<hbm>>
    %dma_start3A_54 = tpu.memref_slice %arg4[%add3A_45] : memref<131072xf32, #tpu.memory_space<hbm>> -> memref<64xf32, #tpu.memory_space<hbm>>
    tpu.enqueue_dma source(%dma_start3A_54 : memref<64xf32, #tpu.memory_space<hbm>>) target(%arg12 : memref<64xf32, #tpu.memory_space<vmem>>) target_semaphore(%arg22 : memref<!tpu.dma_semaphore, #tpu.memory_space<semaphore_mem>>)
    tpu.enqueue_dma source(%arg5 : memref<12416xf32, #tpu.memory_space<hbm>>) target(%arg14 : memref<12416xf32, #tpu.memory_space<vmem>>) target_semaphore(%arg24 : memref<!tpu.dma_semaphore, #tpu.memory_space<semaphore_mem>>)
    tpu.enqueue_dma source(%arg5 : memref<12416xf32, #tpu.memory_space<hbm>>) target(%arg16 : memref<12416xf32, #tpu.memory_space<vmem>>) target_semaphore(%arg24 : memref<!tpu.dma_semaphore, #tpu.memory_space<semaphore_mem>>)
    %add3A_55 = arith.constant 64 : i32
    %add3A_56 = arith.addi %mul3A_2, %add3A_55 : i32
    %mul3A_57 = arith.constant 64 : i32
    %mul3A_58 = arith.muli %add3A_56, %mul3A_57 : i32
    %dma_start3A_59 = tpu.memref_slice %arg2[%mul3A_58] : memref<8388608xf32, #tpu.memory_space<hbm>> -> memref<4096xf32, #tpu.memory_space<hbm>>
    %dma_start3A_60 = tpu.memref_slice %arg2[%mul3A_58] : memref<8388608xf32, #tpu.memory_space<hbm>> -> memref<4096xf32, #tpu.memory_space<hbm>>
    tpu.enqueue_dma source(%dma_start3A_60 : memref<4096xf32, #tpu.memory_space<hbm>>) target(%arg9 : memref<4096xf32, #tpu.memory_space<vmem>>) target_semaphore(%arg23 : memref<!tpu.dma_semaphore, #tpu.memory_space<semaphore_mem>>)
    %mul3A_61 = arith.constant 64 : i32
    %mul3A_62 = arith.muli %add3A_56, %mul3A_61 : i32
    %dma_start3A_63 = tpu.memref_slice %arg3[%mul3A_62] : memref<8388608xf32, #tpu.memory_space<hbm>> -> memref<4096xf32, #tpu.memory_space<hbm>>
    %dma_start3A_64 = tpu.memref_slice %arg3[%mul3A_62] : memref<8388608xf32, #tpu.memory_space<hbm>> -> memref<4096xf32, #tpu.memory_space<hbm>>
    tpu.enqueue_dma source(%dma_start3A_64 : memref<4096xf32, #tpu.memory_space<hbm>>) target(%arg11 : memref<4096xf32, #tpu.memory_space<vmem>>) target_semaphore(%arg23 : memref<!tpu.dma_semaphore, #tpu.memory_space<semaphore_mem>>)
    %dma_start3A_65 = tpu.memref_slice %arg4[%add3A_56] : memref<131072xf32, #tpu.memory_space<hbm>> -> memref<64xf32, #tpu.memory_space<hbm>>
    %dma_start3A_66 = tpu.memref_slice %arg4[%add3A_56] : memref<131072xf32, #tpu.memory_space<hbm>> -> memref<64xf32, #tpu.memory_space<hbm>>
    tpu.enqueue_dma source(%dma_start3A_66 : memref<64xf32, #tpu.memory_space<hbm>>) target(%arg13 : memref<64xf32, #tpu.memory_space<vmem>>) target_semaphore(%arg23 : memref<!tpu.dma_semaphore, #tpu.memory_space<semaphore_mem>>)
    tpu.enqueue_dma source(%arg5 : memref<12416xf32, #tpu.memory_space<hbm>>) target(%arg15 : memref<12416xf32, #tpu.memory_space<vmem>>) target_semaphore(%arg25 : memref<!tpu.dma_semaphore, #tpu.memory_space<semaphore_mem>>)
    tpu.enqueue_dma source(%arg5 : memref<12416xf32, #tpu.memory_space<hbm>>) target(%arg17 : memref<12416xf32, #tpu.memory_space<vmem>>) target_semaphore(%arg25 : memref<!tpu.dma_semaphore, #tpu.memory_space<semaphore_mem>>)
    %scan3A = arith.constant 0 : i32
    %scan3A_67 = arith.constant 0 : i32
    %scan3A_68 = arith.constant 32 : i32
    %scan3A_69 = arith.addi %scan3A_67, %scan3A_68 : i32
    %scan3A_70 = arith.constant 1 : i32
    scf.for %scan3A_87 = %scan3A_67 to %scan3A_69 step %scan3A_70  : i32 {
      %mul3A_88 = arith.constant 2 : i32
      %mul3A_89 = arith.muli %scan3A_87, %mul3A_88 : i32
      %add3A_90 = arith.constant 0 : i32
      %add3A_91 = arith.addi %mul3A_89, %add3A_90 : i32
      %dma_wait3A_92 = arith.constant 0 : i32
      %dma_wait3A_93 = tpu.memref_slice %arg2[%dma_wait3A_92] : memref<8388608xf32, #tpu.memory_space<hbm>> -> memref<4096xf32, #tpu.memory_space<hbm>>
      %dma_wait3A_94 = arith.constant 0 : i32
      %dma_wait3A_95 = tpu.memref_slice %arg2[%dma_wait3A_94] : memref<8388608xf32, #tpu.memory_space<hbm>> -> memref<4096xf32, #tpu.memory_space<hbm>>
      tpu.wait_dma2 semaphore(%arg22 : memref<!tpu.dma_semaphore, #tpu.memory_space<semaphore_mem>>) src(%dma_wait3A_95 : memref<4096xf32, #tpu.memory_space<hbm>>) dst(%arg8 : memref<4096xf32, #tpu.memory_space<vmem>>)
      %dma_wait3A_96 = arith.constant 0 : i32
      %dma_wait3A_97 = tpu.memref_slice %arg3[%dma_wait3A_96] : memref<8388608xf32, #tpu.memory_space<hbm>> -> memref<4096xf32, #tpu.memory_space<hbm>>
      %dma_wait3A_98 = arith.constant 0 : i32
      %dma_wait3A_99 = tpu.memref_slice %arg3[%dma_wait3A_98] : memref<8388608xf32, #tpu.memory_space<hbm>> -> memref<4096xf32, #tpu.memory_space<hbm>>
      tpu.wait_dma2 semaphore(%arg22 : memref<!tpu.dma_semaphore, #tpu.memory_space<semaphore_mem>>) src(%dma_wait3A_99 : memref<4096xf32, #tpu.memory_space<hbm>>) dst(%arg10 : memref<4096xf32, #tpu.memory_space<vmem>>)
      %dma_wait3A_100 = arith.constant 0 : i32
      %dma_wait3A_101 = tpu.memref_slice %arg4[%dma_wait3A_100] : memref<131072xf32, #tpu.memory_space<hbm>> -> memref<64xf32, #tpu.memory_space<hbm>>
      %dma_wait3A_102 = arith.constant 0 : i32
      %dma_wait3A_103 = tpu.memref_slice %arg4[%dma_wait3A_102] : memref<131072xf32, #tpu.memory_space<hbm>> -> memref<64xf32, #tpu.memory_space<hbm>>
      tpu.wait_dma2 semaphore(%arg22 : memref<!tpu.dma_semaphore, #tpu.memory_space<semaphore_mem>>) src(%dma_wait3A_103 : memref<64xf32, #tpu.memory_space<hbm>>) dst(%arg12 : memref<64xf32, #tpu.memory_space<vmem>>)
      %parallel_loop3A = arith.constant 0 : i32
      %parallel_loop3A_104 = arith.constant 64 : i32
      %parallel_loop3A_105 = arith.constant 1 : i32
      %parallel_loop3A_106:4 = scf.for %parallel_loop3A_1007 = %parallel_loop3A to %parallel_loop3A_104 step %parallel_loop3A_105 iter_args(%parallel_loop3A_1008 = %broadcast_in_dim3A_3, %parallel_loop3A_1009 = %broadcast_in_dim3A_3, %parallel_loop3A_1010 = %broadcast_in_dim3A_3, %parallel_loop3A_1011 = %broadcast_in_dim3A_3) -> (vector<16xf32>, vector<16xf32>, vector<16xf32>, vector<16xf32>)  : i32 {
        %parallel_loop3A_1012 = arith.constant 64 : i32
        %parallel_loop3A_1013 = vector.broadcast %parallel_loop3A_1012 : i32 to vector<16xi32>
        %parallel_loop3A_1014 = arith.muli %add3A_10, %parallel_loop3A_1013 : vector<16xi32>
        %parallel_loop3A_1015 = vector.broadcast %parallel_loop3A_1007 : i32 to vector<16xi32>
        %parallel_loop3A_1016 = arith.addi %parallel_loop3A_1014, %parallel_loop3A_1015 : vector<16xi32>
        %parallel_loop3A_1017 = tpu.vector_load_idx %arg8[%parallel_loop3A_1016] : memref<4096xf32, #tpu.memory_space<vmem>>[vector<16xi32>], vector<16xf32>,
        %parallel_loop3A_1018 = arith.addf %parallel_loop3A_1008, %parallel_loop3A_1017 : vector<16xf32>
        %parallel_loop3A_1019 = arith.constant 64 : i32
        %parallel_loop3A_1020 = vector.broadcast %parallel_loop3A_1019 : i32 to vector<16xi32>
        %parallel_loop3A_1021 = arith.muli %add3A_13, %parallel_loop3A_1020 : vector<16xi32>
        %parallel_loop3A_1022 = vector.broadcast %parallel_loop3A_1007 : i32 to vector<16xi32>
        %parallel_loop3A_1023 = arith.addi %parallel_loop3A_1021, %parallel_loop3A_1022 : vector<16xi32>
        %parallel_loop3A_1024 = tpu.vector_load_idx %arg8[%parallel_loop3A_1023] : memref<4096xf32, #tpu.memory_space<vmem>>[vector<16xi32>], vector<16xf32>,
        %parallel_loop3A_1025 = arith.addf %parallel_loop3A_1009, %parallel_loop3A_1024 : vector<16xf32>
        %parallel_loop3A_1026 = arith.constant 64 : i32
        %parallel_loop3A_1027 = vector.broadcast %parallel_loop3A_1026 : i32 to vector<16xi32>
        %parallel_loop3A_1028 = arith.muli %add3A_16, %parallel_loop3A_1027 : vector<16xi32>
        %parallel_loop3A_1029 = vector.broadcast %parallel_loop3A_1007 : i32 to vector<16xi32>
        %parallel_loop3A_1030 = arith.addi %parallel_loop3A_1028, %parallel_loop3A_1029 : vector<16xi32>
        %parallel_loop3A_1031 = tpu.vector_load_idx %arg8[%parallel_loop3A_1030] : memref<4096xf32, #tpu.memory_space<vmem>>[vector<16xi32>], vector<16xf32>,
        %parallel_loop3A_1032 = arith.addf %parallel_loop3A_1010, %parallel_loop3A_1031 : vector<16xf32>
        %parallel_loop3A_1033 = arith.constant 64 : i32
        %parallel_loop3A_1034 = vector.broadcast %parallel_loop3A_1033 : i32 to vector<16xi32>
        %parallel_loop3A_1035 = arith.muli %add3A_19, %parallel_loop3A_1034 : vector<16xi32>
        %parallel_loop3A_1036 = vector.broadcast %parallel_loop3A_1007 : i32 to vector<16xi32>
        %parallel_loop3A_1037 = arith.addi %parallel_loop3A_1035, %parallel_loop3A_1036 : vector<16xi32>
        %parallel_loop3A_1038 = tpu.vector_load_idx %arg8[%parallel_loop3A_1037] : memref<4096xf32, #tpu.memory_space<vmem>>[vector<16xi32>], vector<16xf32>,
        %parallel_loop3A_1039 = arith.addf %parallel_loop3A_1011, %parallel_loop3A_1038 : vector<16xf32>
        scf.yield %parallel_loop3A_1018, %parallel_loop3A_1025, %parallel_loop3A_1032, %parallel_loop3A_1039 : vector<16xf32>, vector<16xf32>, vector<16xf32>, vector<16xf32>
      } {sc.loop_unroll_factor = 1 : i64, sc.parallel_access}
      %add3A_107 = arith.constant 6.400000e-01 : f32
      %add3A_108 = vector.broadcast %add3A_107 : f32 to vector<16xf32>
      %add3A_109 = arith.addf %parallel_loop3A_106#0, %add3A_108 : vector<16xf32>
      %sub3A = arith.constant 9.99999974E-6 : f32
      %sub3A_110 = vector.broadcast %sub3A : f32 to vector<16xf32>
      %sub3A_111 = arith.subf %sub3A_110, %add3A_109 : vector<16xf32>
      %max3A = arith.constant 0.000000e+00 : f32
      %max3A_112 = vector.broadcast %max3A : f32 to vector<16xf32>
      %max3A_113 = arith.maximumf %sub3A_111, %max3A_112 : vector<16xf32>
      %add3A_114 = arith.addf %add3A_109, %max3A_113 : vector<16xf32>
      %div3A = arith.constant 1.000000e+00 : f32
      %div3A_115 = vector.broadcast %div3A : f32 to vector<16xf32>
      %div3A_116 = arith.divf %div3A_115, %add3A_114 : vector<16xf32>
      %mul3A_117 = arith.constant 1.562500e-02 : f32
      %mul3A_118 = vector.broadcast %mul3A_117 : f32 to vector<16xf32>
      %mul3A_119 = arith.mulf %max3A_113, %mul3A_118 : vector<16xf32>
      %add3A_120 = arith.constant 0.00999999977 : f32
      %add3A_121 = vector.broadcast %add3A_120 : f32 to vector<16xf32>
      %add3A_122 = arith.addf %mul3A_119, %add3A_121 : vector<16xf32>
      %add3A_123 = arith.constant 6.400000e-01 : f32
      %add3A_124 = vector.broadcast %add3A_123 : f32 to vector<16xf32>
      %add3A_125 = arith.addf %parallel_loop3A_106#1, %add3A_124 : vector<16xf32>
      %sub3A_126 = arith.constant 9.99999974E-6 : f32
      %sub3A_127 = vector.broadcast %sub3A_126 : f32 to vector<16xf32>
      %sub3A_128 = arith.subf %sub3A_127, %add3A_125 : vector<16xf32>
      %max3A_129 = arith.constant 0.000000e+00 : f32
      %max3A_130 = vector.broadcast %max3A_129 : f32 to vector<16xf32>
      %max3A_131 = arith.maximumf %sub3A_128, %max3A_130 : vector<16xf32>
      %add3A_132 = arith.addf %add3A_125, %max3A_131 : vector<16xf32>
      %div3A_133 = arith.constant 1.000000e+00 : f32
      %div3A_134 = vector.broadcast %div3A_133 : f32 to vector<16xf32>
      %div3A_135 = arith.divf %div3A_134, %add3A_132 : vector<16xf32>
      %mul3A_136 = arith.constant 1.562500e-02 : f32
      %mul3A_137 = vector.broadcast %mul3A_136 : f32 to vector<16xf32>
      %mul3A_138 = arith.mulf %max3A_131, %mul3A_137 : vector<16xf32>
      %add3A_139 = arith.constant 0.00999999977 : f32
      %add3A_140 = vector.broadcast %add3A_139 : f32 to vector<16xf32>
      %add3A_141 = arith.addf %mul3A_138, %add3A_140 : vector<16xf32>
      %add3A_142 = arith.constant 6.400000e-01 : f32
      %add3A_143 = vector.broadcast %add3A_142 : f32 to vector<16xf32>
      %add3A_144 = arith.addf %parallel_loop3A_106#2, %add3A_143 : vector<16xf32>
      %sub3A_145 = arith.constant 9.99999974E-6 : f32
      %sub3A_146 = vector.broadcast %sub3A_145 : f32 to vector<16xf32>
      %sub3A_147 = arith.subf %sub3A_146, %add3A_144 : vector<16xf32>
      %max3A_148 = arith.constant 0.000000e+00 : f32
      %max3A_149 = vector.broadcast %max3A_148 : f32 to vector<16xf32>
      %max3A_150 = arith.maximumf %sub3A_147, %max3A_149 : vector<16xf32>
      %add3A_151 = arith.addf %add3A_144, %max3A_150 : vector<16xf32>
      %div3A_152 = arith.constant 1.000000e+00 : f32
      %div3A_153 = vector.broadcast %div3A_152 : f32 to vector<16xf32>
      %div3A_154 = arith.divf %div3A_153, %add3A_151 : vector<16xf32>
      %mul3A_155 = arith.constant 1.562500e-02 : f32
      %mul3A_156 = vector.broadcast %mul3A_155 : f32 to vector<16xf32>
      %mul3A_157 = arith.mulf %max3A_150, %mul3A_156 : vector<16xf32>
      %add3A_158 = arith.constant 0.00999999977 : f32
      %add3A_159 = vector.broadcast %add3A_158 : f32 to vector<16xf32>
      %add3A_160 = arith.addf %mul3A_157, %add3A_159 : vector<16xf32>
      %add3A_161 = arith.constant 6.400000e-01 : f32
      %add3A_162 = vector.broadcast %add3A_161 : f32 to vector<16xf32>
      %add3A_163 = arith.addf %parallel_loop3A_106#3, %add3A_162 : vector<16xf32>
      %sub3A_164 = arith.constant 9.99999974E-6 : f32
      %sub3A_165 = vector.broadcast %sub3A_164 : f32 to vector<16xf32>
      %sub3A_166 = arith.subf %sub3A_165, %add3A_163 : vector<16xf32>
      %max3A_167 = arith.constant 0.000000e+00 : f32
      %max3A_168 = vector.broadcast %max3A_167 : f32 to vector<16xf32>
      %max3A_169 = arith.maximumf %sub3A_166, %max3A_168 : vector<16xf32>
      %add3A_170 = arith.addf %add3A_163, %max3A_169 : vector<16xf32>
      %div3A_171 = arith.constant 1.000000e+00 : f32
      %div3A_172 = vector.broadcast %div3A_171 : f32 to vector<16xf32>
      %div3A_173 = arith.divf %div3A_172, %add3A_170 : vector<16xf32>
      %mul3A_174 = arith.constant 1.562500e-02 : f32
      %mul3A_175 = vector.broadcast %mul3A_174 : f32 to vector<16xf32>
      %mul3A_176 = arith.mulf %max3A_169, %mul3A_175 : vector<16xf32>
      %add3A_177 = arith.constant 0.00999999977 : f32
      %add3A_178 = vector.broadcast %add3A_177 : f32 to vector<16xf32>
      %add3A_179 = arith.addf %mul3A_176, %add3A_178 : vector<16xf32>
      tpu.wait_dma2 semaphore(%arg24 : memref<!tpu.dma_semaphore, #tpu.memory_space<semaphore_mem>>) src(%arg5 : memref<12416xf32, #tpu.memory_space<hbm>>) dst(%arg14 : memref<12416xf32, #tpu.memory_space<vmem>>)
      tpu.wait_dma2 semaphore(%arg24 : memref<!tpu.dma_semaphore, #tpu.memory_space<semaphore_mem>>) src(%arg5 : memref<12416xf32, #tpu.memory_space<hbm>>) dst(%arg16 : memref<12416xf32, #tpu.memory_space<vmem>>)
      %get3A = arith.constant 0 : index
      %get3A_180 = tpu.vector_load %arg12[%get3A] {strides = array<i32>} : memref<64xf32, #tpu.memory_space<vmem>>, vector<16xf32>,
      %get3A_181 = arith.constant 16 : index
      %get3A_182 = tpu.vector_load %arg12[%get3A_181] {strides = array<i32>} : memref<64xf32, #tpu.memory_space<vmem>>, vector<16xf32>,
      %get3A_183 = arith.constant 32 : index
      %get3A_184 = tpu.vector_load %arg12[%get3A_183] {strides = array<i32>} : memref<64xf32, #tpu.memory_space<vmem>>, vector<16xf32>,
      %get3A_185 = arith.constant 48 : index
      %get3A_186 = tpu.vector_load %arg12[%get3A_185] {strides = array<i32>} : memref<64xf32, #tpu.memory_space<vmem>>, vector<16xf32>,
      %mul3A_187 = arith.constant 64 : i32
      %mul3A_188 = vector.broadcast %mul3A_187 : i32 to vector<16xi32>
      %mul3A_189 = arith.muli %add3A_10, %mul3A_188 : vector<16xi32>
      %gather3A = tpu.vector_load_idx %arg10[%mul3A_189] : memref<4096xf32, #tpu.memory_space<vmem>>[vector<16xi32>], vector<16xf32>,
      %mul3A_190 = arith.constant 64 : i32
      %mul3A_191 = vector.broadcast %mul3A_190 : i32 to vector<16xi32>
      %mul3A_192 = arith.muli %add3A_13, %mul3A_191 : vector<16xi32>
      %gather3A_193 = tpu.vector_load_idx %arg10[%mul3A_192] : memref<4096xf32, #tpu.memory_space<vmem>>[vector<16xi32>], vector<16xf32>,
      %mul3A_194 = arith.constant 64 : i32
      %mul3A_195 = vector.broadcast %mul3A_194 : i32 to vector<16xi32>
      %mul3A_196 = arith.muli %add3A_16, %mul3A_195 : vector<16xi32>
      %gather3A_197 = tpu.vector_load_idx %arg10[%mul3A_196] : memref<4096xf32, #tpu.memory_space<vmem>>[vector<16xi32>], vector<16xf32>,
      %mul3A_198 = arith.constant 64 : i32
      %mul3A_199 = vector.broadcast %mul3A_198 : i32 to vector<16xi32>
      %mul3A_200 = arith.muli %add3A_19, %mul3A_199 : vector<16xi32>
      %gather3A_201 = tpu.vector_load_idx %arg10[%mul3A_200] : memref<4096xf32, #tpu.memory_space<vmem>>[vector<16xi32>], vector<16xf32>,
      tpu.vector_store_idx %arg14[%add3A_10], %gather3A : memref<12416xf32, #tpu.memory_space<vmem>>[vector<16xi32>], vector<16xf32>,
      tpu.vector_store_idx %arg14[%add3A_13], %gather3A_193 : memref<12416xf32, #tpu.memory_space<vmem>>[vector<16xi32>], vector<16xf32>,
      tpu.vector_store_idx %arg14[%add3A_16], %gather3A_197 : memref<12416xf32, #tpu.memory_space<vmem>>[vector<16xi32>], vector<16xf32>,
      tpu.vector_store_idx %arg14[%add3A_19], %gather3A_201 : memref<12416xf32, #tpu.memory_space<vmem>>[vector<16xi32>], vector<16xf32>,
      %parallel_loop3A_202 = arith.constant 1 : i32
      %parallel_loop3A_203 = arith.constant 64 : i32
      %parallel_loop3A_204 = arith.constant 1 : i32
      %parallel_loop3A_205:20 = scf.for %parallel_loop3A_1007 = %parallel_loop3A_202 to %parallel_loop3A_203 step %parallel_loop3A_204 iter_args(%parallel_loop3A_1008 = %broadcast_in_dim3A_3, %parallel_loop3A_1009 = %broadcast_in_dim3A_3, %parallel_loop3A_1010 = %gather3A, %parallel_loop3A_1011 = %broadcast_in_dim3A_3, %parallel_loop3A_1012 = %add3A_10, %parallel_loop3A_1013 = %broadcast_in_dim3A_3, %parallel_loop3A_1014 = %broadcast_in_dim3A_3, %parallel_loop3A_1015 = %gather3A_193, %parallel_loop3A_1016 = %broadcast_in_dim3A_3, %parallel_loop3A_1017 = %add3A_13, %parallel_loop3A_1018 = %broadcast_in_dim3A_3, %parallel_loop3A_1019 = %broadcast_in_dim3A_3, %parallel_loop3A_1020 = %gather3A_197, %parallel_loop3A_1021 = %broadcast_in_dim3A_3, %parallel_loop3A_1022 = %add3A_16, %parallel_loop3A_1023 = %broadcast_in_dim3A_3, %parallel_loop3A_1024 = %broadcast_in_dim3A_3, %parallel_loop3A_1025 = %gather3A_201, %parallel_loop3A_1026 = %broadcast_in_dim3A_3, %parallel_loop3A_1027 = %add3A_19) -> (vector<16xf32>, vector<16xf32>, vector<16xf32>, vector<16xf32>, vector<16xi32>, vector<16xf32>, vector<16xf32>, vector<16xf32>, vector<16xf32>, vector<16xi32>, vector<16xf32>, vector<16xf32>, vector<16xf32>, vector<16xf32>, vector<16xi32>, vector<16xf32>, vector<16xf32>, vector<16xf32>, vector<16xf32>, vector<16xi32>)  : i32 {
        %parallel_loop3A_1028 = arith.constant 64 : i32
        %parallel_loop3A_1029 = vector.broadcast %parallel_loop3A_1028 : i32 to vector<16xi32>
        %parallel_loop3A_1030 = arith.muli %add3A_10, %parallel_loop3A_1029 : vector<16xi32>
        %parallel_loop3A_1031 = vector.broadcast %parallel_loop3A_1007 : i32 to vector<16xi32>
        %parallel_loop3A_1032 = arith.addi %parallel_loop3A_1030, %parallel_loop3A_1031 : vector<16xi32>
        %parallel_loop3A_1033 = tpu.vector_load_idx %arg10[%parallel_loop3A_1032] : memref<4096xf32, #tpu.memory_space<vmem>>[vector<16xi32>], vector<16xf32>,
        %parallel_loop3A_1034 = arith.constant 64 : i32
        %parallel_loop3A_1035 = vector.broadcast %parallel_loop3A_1034 : i32 to vector<16xi32>
        %parallel_loop3A_1036 = arith.muli %add3A_10, %parallel_loop3A_1035 : vector<16xi32>
        %parallel_loop3A_1037 = arith.constant 1 : i32
        %parallel_loop3A_1038 = arith.subi %parallel_loop3A_1007, %parallel_loop3A_1037 : i32
        %parallel_loop3A_1039 = vector.broadcast %parallel_loop3A_1038 : i32 to vector<16xi32>
        %parallel_loop3A_1040 = arith.addi %parallel_loop3A_1036, %parallel_loop3A_1039 : vector<16xi32>
        %parallel_loop3A_1041 = tpu.vector_load_idx %arg8[%parallel_loop3A_1040] : memref<4096xf32, #tpu.memory_space<vmem>>[vector<16xi32>], vector<16xf32>,
        %parallel_loop3A_1042 = arith.addf %parallel_loop3A_1041, %add3A_122 : vector<16xf32>
        %parallel_loop3A_1043 = arith.mulf %parallel_loop3A_1042, %div3A_116 : vector<16xf32>
        %parallel_loop3A_1044 = arith.addf %parallel_loop3A_1008, %parallel_loop3A_1043 : vector<16xf32>
        %parallel_loop3A_1045 = arith.constant 1.000000e+00 : f32
        %parallel_loop3A_1046 = vector.broadcast %parallel_loop3A_1045 : f32 to vector<16xf32>
        %parallel_loop3A_1047 = arith.minimumf %parallel_loop3A_1044, %parallel_loop3A_1046 : vector<16xf32>
        %parallel_loop3A_1048 = arith.constant 1.290000e+02 : f32
        %parallel_loop3A_1049 = vector.broadcast %parallel_loop3A_1048 : f32 to vector<16xf32>
        %parallel_loop3A_1050 = arith.mulf %parallel_loop3A_1047, %parallel_loop3A_1049 : vector<16xf32>
        %parallel_loop3A_1051 = arith.constant 5.000000e-01 : f32
        %parallel_loop3A_1052 = vector.broadcast %parallel_loop3A_1051 : f32 to vector<16xf32>
        %parallel_loop3A_1053 = arith.subf %parallel_loop3A_1050, %parallel_loop3A_1052 : vector<16xf32>
        %parallel_loop3A_1054 = arith.fptosi %parallel_loop3A_1053 : vector<16xf32> to vector<16xi32>
        %parallel_loop3A_1055 = arith.sitofp %parallel_loop3A_1054 : vector<16xi32> to vector<16xf32>
        %parallel_loop3A_1056 = arith.cmpf olt, %parallel_loop3A_1055, %parallel_loop3A_1053 : vector<16xf32>
        %parallel_loop3A_1057 = arith.select %parallel_loop3A_1056, %broadcast_in_dim3A_7, %broadcast_in_dim3A_5 : vector<16xi1>, vector<16xi32>
        %parallel_loop3A_1058 = arith.addi %parallel_loop3A_1054, %parallel_loop3A_1057 : vector<16xi32>
        %parallel_loop3A_1059 = arith.constant 0 : i32
        %parallel_loop3A_1060 = vector.broadcast %parallel_loop3A_1059 : i32 to vector<16xi32>
        %parallel_loop3A_1061 = arith.maxsi %parallel_loop3A_1058, %parallel_loop3A_1060 : vector<16xi32>
        %parallel_loop3A_1062 = arith.subf %parallel_loop3A_1047, %parallel_loop3A_1009 : vector<16xf32>
        %parallel_loop3A_1063 = arith.constant 0.000000e+00 : f32
        %parallel_loop3A_1064 = vector.broadcast %parallel_loop3A_1063 : f32 to vector<16xf32>
        %parallel_loop3A_1065 = arith.cmpf ogt, %parallel_loop3A_1062, %parallel_loop3A_1064 : vector<16xf32>
        %parallel_loop3A_1066 = arith.constant 1.000000e+00 : f32
        %parallel_loop3A_1067 = vector.broadcast %parallel_loop3A_1066 : f32 to vector<16xf32>
        %parallel_loop3A_1068 = arith.divf %parallel_loop3A_1067, %parallel_loop3A_1062 : vector<16xf32>
        %parallel_loop3A_1069 = arith.constant 0.000000e+00 : f32
        %parallel_loop3A_1070 = vector.broadcast %parallel_loop3A_1069 : f32 to vector<16xf32>
        %parallel_loop3A_1071 = arith.select %parallel_loop3A_1065, %parallel_loop3A_1068, %parallel_loop3A_1070 : vector<16xi1>, vector<16xf32>
        %parallel_loop3A_1072 = arith.subf %parallel_loop3A_1033, %parallel_loop3A_1010 : vector<16xf32>
        %parallel_loop3A_1073 = arith.mulf %parallel_loop3A_1072, %parallel_loop3A_1071 : vector<16xf32>
        %parallel_loop3A_1074 = arith.constant 0.00775193795 : f32
        %parallel_loop3A_1075 = vector.broadcast %parallel_loop3A_1074 : f32 to vector<16xf32>
        %parallel_loop3A_1076 = arith.mulf %parallel_loop3A_1073, %parallel_loop3A_1075 : vector<16xf32>
        %parallel_loop3A_1077 = arith.sitofp %parallel_loop3A_1007 : i32 to f32
        %parallel_loop3A_1078 = arith.constant 5.000000e-01 : f32
        %parallel_loop3A_1079 = arith.subf %parallel_loop3A_1078, %parallel_loop3A_1077 : f32
        %parallel_loop3A_1080 = arith.constant 0.00775193795 : f32
        %parallel_loop3A_1081 = arith.mulf %parallel_loop3A_1079, %parallel_loop3A_1080 : f32
        %parallel_loop3A_1082 = vector.broadcast %parallel_loop3A_1081 : f32 to vector<16xf32>
        %parallel_loop3A_1083 = arith.subf %parallel_loop3A_1082, %parallel_loop3A_1009 : vector<16xf32>
        %parallel_loop3A_1084 = arith.mulf %parallel_loop3A_1073, %parallel_loop3A_1083 : vector<16xf32>
        %parallel_loop3A_1085 = arith.addf %parallel_loop3A_1010, %parallel_loop3A_1084 : vector<16xf32>
        %parallel_loop3A_1086 = arith.mulf %parallel_loop3A_1076, %parallel_loop3A_1011 : vector<16xf32>
        %parallel_loop3A_1087 = arith.addf %parallel_loop3A_1085, %parallel_loop3A_1086 : vector<16xf32>
        %parallel_loop3A_1088 = arith.subf %parallel_loop3A_1087, %parallel_loop3A_1010 : vector<16xf32>
        %parallel_loop3A_1089 = arith.constant 64 : i32
        %parallel_loop3A_1090 = vector.broadcast %parallel_loop3A_1089 : i32 to vector<16xi32>
        %parallel_loop3A_1091 = arith.addi %parallel_loop3A_1012, %parallel_loop3A_1090 : vector<16xi32>
        tpu.vector_store_idx %arg14[%parallel_loop3A_1091], %parallel_loop3A_1088 {add = true} : memref<12416xf32, #tpu.memory_space<vmem>>[vector<16xi32>], vector<16xf32>,
        tpu.vector_store_idx %arg16[%parallel_loop3A_1091], %parallel_loop3A_1076 {add = true} : memref<12416xf32, #tpu.memory_space<vmem>>[vector<16xi32>], vector<16xf32>,
        %parallel_loop3A_1092 = vector.broadcast %parallel_loop3A_1007 : i32 to vector<16xi32>
        %parallel_loop3A_1093 = arith.addi %parallel_loop3A_1061, %parallel_loop3A_1092 : vector<16xi32>
        %parallel_loop3A_1094 = arith.sitofp %parallel_loop3A_1093 : vector<16xi32> to vector<16xf32>
        %parallel_loop3A_1095 = arith.constant 1.000000e+00 : f32
        %parallel_loop3A_1096 = vector.broadcast %parallel_loop3A_1095 : f32 to vector<16xf32>
        %parallel_loop3A_1097 = arith.subf %parallel_loop3A_1094, %parallel_loop3A_1096 : vector<16xf32>
        %parallel_loop3A_1098 = arith.mulf %parallel_loop3A_1076, %parallel_loop3A_1097 : vector<16xf32>
        %parallel_loop3A_1099 = arith.addf %parallel_loop3A_1085, %parallel_loop3A_1098 : vector<16xf32>
        %parallel_loop3A_1100 = arith.subf %parallel_loop3A_1033, %parallel_loop3A_1099 : vector<16xf32>
        %parallel_loop3A_1101 = arith.constant 64 : i32
        %parallel_loop3A_1102 = vector.broadcast %parallel_loop3A_1101 : i32 to vector<16xi32>
        %parallel_loop3A_1103 = arith.muli %parallel_loop3A_1093, %parallel_loop3A_1102 : vector<16xi32>
        %parallel_loop3A_1104 = arith.addi %parallel_loop3A_1103, %add3A_10 : vector<16xi32>
        tpu.vector_store_idx %arg14[%parallel_loop3A_1104], %parallel_loop3A_1100 {add = true} : memref<12416xf32, #tpu.memory_space<vmem>>[vector<16xi32>], vector<16xf32>,
        %parallel_loop3A_1105 = arith.constant 0.000000e+00 : f32
        %parallel_loop3A_1106 = vector.broadcast %parallel_loop3A_1105 : f32 to vector<16xf32>
        %parallel_loop3A_1107 = arith.subf %parallel_loop3A_1106, %parallel_loop3A_1076 : vector<16xf32>
        tpu.vector_store_idx %arg16[%parallel_loop3A_1104], %parallel_loop3A_1107 {add = true} : memref<12416xf32, #tpu.memory_space<vmem>>[vector<16xi32>], vector<16xf32>,
        %parallel_loop3A_1108 = arith.constant 64 : i32
        %parallel_loop3A_1109 = vector.broadcast %parallel_loop3A_1108 : i32 to vector<16xi32>
        %parallel_loop3A_1110 = arith.muli %add3A_13, %parallel_loop3A_1109 : vector<16xi32>
        %parallel_loop3A_1111 = vector.broadcast %parallel_loop3A_1007 : i32 to vector<16xi32>
        %parallel_loop3A_1112 = arith.addi %parallel_loop3A_1110, %parallel_loop3A_1111 : vector<16xi32>
        %parallel_loop3A_1113 = tpu.vector_load_idx %arg10[%parallel_loop3A_1112] : memref<4096xf32, #tpu.memory_space<vmem>>[vector<16xi32>], vector<16xf32>,
        %parallel_loop3A_1114 = arith.constant 64 : i32
        %parallel_loop3A_1115 = vector.broadcast %parallel_loop3A_1114 : i32 to vector<16xi32>
        %parallel_loop3A_1116 = arith.muli %add3A_13, %parallel_loop3A_1115 : vector<16xi32>
        %parallel_loop3A_1117 = arith.constant 1 : i32
        %parallel_loop3A_1118 = arith.subi %parallel_loop3A_1007, %parallel_loop3A_1117 : i32
        %parallel_loop3A_1119 = vector.broadcast %parallel_loop3A_1118 : i32 to vector<16xi32>
        %parallel_loop3A_1120 = arith.addi %parallel_loop3A_1116, %parallel_loop3A_1119 : vector<16xi32>
        %parallel_loop3A_1121 = tpu.vector_load_idx %arg8[%parallel_loop3A_1120] : memref<4096xf32, #tpu.memory_space<vmem>>[vector<16xi32>], vector<16xf32>,
        %parallel_loop3A_1122 = arith.addf %parallel_loop3A_1121, %add3A_141 : vector<16xf32>
        %parallel_loop3A_1123 = arith.mulf %parallel_loop3A_1122, %div3A_135 : vector<16xf32>
        %parallel_loop3A_1124 = arith.addf %parallel_loop3A_1013, %parallel_loop3A_1123 : vector<16xf32>
        %parallel_loop3A_1125 = arith.constant 1.000000e+00 : f32
        %parallel_loop3A_1126 = vector.broadcast %parallel_loop3A_1125 : f32 to vector<16xf32>
        %parallel_loop3A_1127 = arith.minimumf %parallel_loop3A_1124, %parallel_loop3A_1126 : vector<16xf32>
        %parallel_loop3A_1128 = arith.constant 1.290000e+02 : f32
        %parallel_loop3A_1129 = vector.broadcast %parallel_loop3A_1128 : f32 to vector<16xf32>
        %parallel_loop3A_1130 = arith.mulf %parallel_loop3A_1127, %parallel_loop3A_1129 : vector<16xf32>
        %parallel_loop3A_1131 = arith.constant 5.000000e-01 : f32
        %parallel_loop3A_1132 = vector.broadcast %parallel_loop3A_1131 : f32 to vector<16xf32>
        %parallel_loop3A_1133 = arith.subf %parallel_loop3A_1130, %parallel_loop3A_1132 : vector<16xf32>
        %parallel_loop3A_1134 = arith.fptosi %parallel_loop3A_1133 : vector<16xf32> to vector<16xi32>
        %parallel_loop3A_1135 = arith.sitofp %parallel_loop3A_1134 : vector<16xi32> to vector<16xf32>
        %parallel_loop3A_1136 = arith.cmpf olt, %parallel_loop3A_1135, %parallel_loop3A_1133 : vector<16xf32>
        %parallel_loop3A_1137 = arith.select %parallel_loop3A_1136, %broadcast_in_dim3A_7, %broadcast_in_dim3A_5 : vector<16xi1>, vector<16xi32>
        %parallel_loop3A_1138 = arith.addi %parallel_loop3A_1134, %parallel_loop3A_1137 : vector<16xi32>
        %parallel_loop3A_1139 = arith.constant 0 : i32
        %parallel_loop3A_1140 = vector.broadcast %parallel_loop3A_1139 : i32 to vector<16xi32>
        %parallel_loop3A_1141 = arith.maxsi %parallel_loop3A_1138, %parallel_loop3A_1140 : vector<16xi32>
        %parallel_loop3A_1142 = arith.subf %parallel_loop3A_1127, %parallel_loop3A_1014 : vector<16xf32>
        %parallel_loop3A_1143 = arith.constant 0.000000e+00 : f32
        %parallel_loop3A_1144 = vector.broadcast %parallel_loop3A_1143 : f32 to vector<16xf32>
        %parallel_loop3A_1145 = arith.cmpf ogt, %parallel_loop3A_1142, %parallel_loop3A_1144 : vector<16xf32>
        %parallel_loop3A_1146 = arith.constant 1.000000e+00 : f32
        %parallel_loop3A_1147 = vector.broadcast %parallel_loop3A_1146 : f32 to vector<16xf32>
        %parallel_loop3A_1148 = arith.divf %parallel_loop3A_1147, %parallel_loop3A_1142 : vector<16xf32>
        %parallel_loop3A_1149 = arith.constant 0.000000e+00 : f32
        %parallel_loop3A_1150 = vector.broadcast %parallel_loop3A_1149 : f32 to vector<16xf32>
        %parallel_loop3A_1151 = arith.select %parallel_loop3A_1145, %parallel_loop3A_1148, %parallel_loop3A_1150 : vector<16xi1>, vector<16xf32>
        %parallel_loop3A_1152 = arith.subf %parallel_loop3A_1113, %parallel_loop3A_1015 : vector<16xf32>
        %parallel_loop3A_1153 = arith.mulf %parallel_loop3A_1152, %parallel_loop3A_1151 : vector<16xf32>
        %parallel_loop3A_1154 = arith.constant 0.00775193795 : f32
        %parallel_loop3A_1155 = vector.broadcast %parallel_loop3A_1154 : f32 to vector<16xf32>
        %parallel_loop3A_1156 = arith.mulf %parallel_loop3A_1153, %parallel_loop3A_1155 : vector<16xf32>
        %parallel_loop3A_1157 = arith.sitofp %parallel_loop3A_1007 : i32 to f32
        %parallel_loop3A_1158 = arith.constant 5.000000e-01 : f32
        %parallel_loop3A_1159 = arith.subf %parallel_loop3A_1158, %parallel_loop3A_1157 : f32
        %parallel_loop3A_1160 = arith.constant 0.00775193795 : f32
        %parallel_loop3A_1161 = arith.mulf %parallel_loop3A_1159, %parallel_loop3A_1160 : f32
        %parallel_loop3A_1162 = vector.broadcast %parallel_loop3A_1161 : f32 to vector<16xf32>
        %parallel_loop3A_1163 = arith.subf %parallel_loop3A_1162, %parallel_loop3A_1014 : vector<16xf32>
        %parallel_loop3A_1164 = arith.mulf %parallel_loop3A_1153, %parallel_loop3A_1163 : vector<16xf32>
        %parallel_loop3A_1165 = arith.addf %parallel_loop3A_1015, %parallel_loop3A_1164 : vector<16xf32>
        %parallel_loop3A_1166 = arith.mulf %parallel_loop3A_1156, %parallel_loop3A_1016 : vector<16xf32>
        %parallel_loop3A_1167 = arith.addf %parallel_loop3A_1165, %parallel_loop3A_1166 : vector<16xf32>
        %parallel_loop3A_1168 = arith.subf %parallel_loop3A_1167, %parallel_loop3A_1015 : vector<16xf32>
        %parallel_loop3A_1169 = arith.constant 64 : i32
        %parallel_loop3A_1170 = vector.broadcast %parallel_loop3A_1169 : i32 to vector<16xi32>
        %parallel_loop3A_1171 = arith.addi %parallel_loop3A_1017, %parallel_loop3A_1170 : vector<16xi32>
        tpu.vector_store_idx %arg14[%parallel_loop3A_1171], %parallel_loop3A_1168 {add = true} : memref<12416xf32, #tpu.memory_space<vmem>>[vector<16xi32>], vector<16xf32>,
        tpu.vector_store_idx %arg16[%parallel_loop3A_1171], %parallel_loop3A_1156 {add = true} : memref<12416xf32, #tpu.memory_space<vmem>>[vector<16xi32>], vector<16xf32>,
        %parallel_loop3A_1172 = vector.broadcast %parallel_loop3A_1007 : i32 to vector<16xi32>
        %parallel_loop3A_1173 = arith.addi %parallel_loop3A_1141, %parallel_loop3A_1172 : vector<16xi32>
        %parallel_loop3A_1174 = arith.sitofp %parallel_loop3A_1173 : vector<16xi32> to vector<16xf32>
        %parallel_loop3A_1175 = arith.constant 1.000000e+00 : f32
        %parallel_loop3A_1176 = vector.broadcast %parallel_loop3A_1175 : f32 to vector<16xf32>
        %parallel_loop3A_1177 = arith.subf %parallel_loop3A_1174, %parallel_loop3A_1176 : vector<16xf32>
        %parallel_loop3A_1178 = arith.mulf %parallel_loop3A_1156, %parallel_loop3A_1177 : vector<16xf32>
        %parallel_loop3A_1179 = arith.addf %parallel_loop3A_1165, %parallel_loop3A_1178 : vector<16xf32>
        %parallel_loop3A_1180 = arith.subf %parallel_loop3A_1113, %parallel_loop3A_1179 : vector<16xf32>
        %parallel_loop3A_1181 = arith.constant 64 : i32
        %parallel_loop3A_1182 = vector.broadcast %parallel_loop3A_1181 : i32 to vector<16xi32>
        %parallel_loop3A_1183 = arith.muli %parallel_loop3A_1173, %parallel_loop3A_1182 : vector<16xi32>
        %parallel_loop3A_1184 = arith.addi %parallel_loop3A_1183, %add3A_13 : vector<16xi32>
        tpu.vector_store_idx %arg14[%parallel_loop3A_1184], %parallel_loop3A_1180 {add = true} : memref<12416xf32, #tpu.memory_space<vmem>>[vector<16xi32>], vector<16xf32>,
        %parallel_loop3A_1185 = arith.constant 0.000000e+00 : f32
        %parallel_loop3A_1186 = vector.broadcast %parallel_loop3A_1185 : f32 to vector<16xf32>
        %parallel_loop3A_1187 = arith.subf %parallel_loop3A_1186, %parallel_loop3A_1156 : vector<16xf32>
        tpu.vector_store_idx %arg16[%parallel_loop3A_1184], %parallel_loop3A_1187 {add = true} : memref<12416xf32, #tpu.memory_space<vmem>>[vector<16xi32>], vector<16xf32>,
        %parallel_loop3A_1188 = arith.constant 64 : i32
        %parallel_loop3A_1189 = vector.broadcast %parallel_loop3A_1188 : i32 to vector<16xi32>
        %parallel_loop3A_1190 = arith.muli %add3A_16, %parallel_loop3A_1189 : vector<16xi32>
        %parallel_loop3A_1191 = vector.broadcast %parallel_loop3A_1007 : i32 to vector<16xi32>
        %parallel_loop3A_1192 = arith.addi %parallel_loop3A_1190, %parallel_loop3A_1191 : vector<16xi32>
        %parallel_loop3A_1193 = tpu.vector_load_idx %arg10[%parallel_loop3A_1192] : memref<4096xf32, #tpu.memory_space<vmem>>[vector<16xi32>], vector<16xf32>,
        %parallel_loop3A_1194 = arith.constant 64 : i32
        %parallel_loop3A_1195 = vector.broadcast %parallel_loop3A_1194 : i32 to vector<16xi32>
        %parallel_loop3A_1196 = arith.muli %add3A_16, %parallel_loop3A_1195 : vector<16xi32>
        %parallel_loop3A_1197 = arith.constant 1 : i32
        %parallel_loop3A_1198 = arith.subi %parallel_loop3A_1007, %parallel_loop3A_1197 : i32
        %parallel_loop3A_1199 = vector.broadcast %parallel_loop3A_1198 : i32 to vector<16xi32>
        %parallel_loop3A_1200 = arith.addi %parallel_loop3A_1196, %parallel_loop3A_1199 : vector<16xi32>
        %parallel_loop3A_1201 = tpu.vector_load_idx %arg8[%parallel_loop3A_1200] : memref<4096xf32, #tpu.memory_space<vmem>>[vector<16xi32>], vector<16xf32>,
        %parallel_loop3A_1202 = arith.addf %parallel_loop3A_1201, %add3A_160 : vector<16xf32>
        %parallel_loop3A_1203 = arith.mulf %parallel_loop3A_1202, %div3A_154 : vector<16xf32>
        %parallel_loop3A_1204 = arith.addf %parallel_loop3A_1018, %parallel_loop3A_1203 : vector<16xf32>
        %parallel_loop3A_1205 = arith.constant 1.000000e+00 : f32
        %parallel_loop3A_1206 = vector.broadcast %parallel_loop3A_1205 : f32 to vector<16xf32>
        %parallel_loop3A_1207 = arith.minimumf %parallel_loop3A_1204, %parallel_loop3A_1206 : vector<16xf32>
        %parallel_loop3A_1208 = arith.constant 1.290000e+02 : f32
        %parallel_loop3A_1209 = vector.broadcast %parallel_loop3A_1208 : f32 to vector<16xf32>
        %parallel_loop3A_1210 = arith.mulf %parallel_loop3A_1207, %parallel_loop3A_1209 : vector<16xf32>
        %parallel_loop3A_1211 = arith.constant 5.000000e-01 : f32
        %parallel_loop3A_1212 = vector.broadcast %parallel_loop3A_1211 : f32 to vector<16xf32>
        %parallel_loop3A_1213 = arith.subf %parallel_loop3A_1210, %parallel_loop3A_1212 : vector<16xf32>
        %parallel_loop3A_1214 = arith.fptosi %parallel_loop3A_1213 : vector<16xf32> to vector<16xi32>
        %parallel_loop3A_1215 = arith.sitofp %parallel_loop3A_1214 : vector<16xi32> to vector<16xf32>
        %parallel_loop3A_1216 = arith.cmpf olt, %parallel_loop3A_1215, %parallel_loop3A_1213 : vector<16xf32>
        %parallel_loop3A_1217 = arith.select %parallel_loop3A_1216, %broadcast_in_dim3A_7, %broadcast_in_dim3A_5 : vector<16xi1>, vector<16xi32>
        %parallel_loop3A_1218 = arith.addi %parallel_loop3A_1214, %parallel_loop3A_1217 : vector<16xi32>
        %parallel_loop3A_1219 = arith.constant 0 : i32
        %parallel_loop3A_1220 = vector.broadcast %parallel_loop3A_1219 : i32 to vector<16xi32>
        %parallel_loop3A_1221 = arith.maxsi %parallel_loop3A_1218, %parallel_loop3A_1220 : vector<16xi32>
        %parallel_loop3A_1222 = arith.subf %parallel_loop3A_1207, %parallel_loop3A_1019 : vector<16xf32>
        %parallel_loop3A_1223 = arith.constant 0.000000e+00 : f32
        %parallel_loop3A_1224 = vector.broadcast %parallel_loop3A_1223 : f32 to vector<16xf32>
        %parallel_loop3A_1225 = arith.cmpf ogt, %parallel_loop3A_1222, %parallel_loop3A_1224 : vector<16xf32>
        %parallel_loop3A_1226 = arith.constant 1.000000e+00 : f32
        %parallel_loop3A_1227 = vector.broadcast %parallel_loop3A_1226 : f32 to vector<16xf32>
        %parallel_loop3A_1228 = arith.divf %parallel_loop3A_1227, %parallel_loop3A_1222 : vector<16xf32>
        %parallel_loop3A_1229 = arith.constant 0.000000e+00 : f32
        %parallel_loop3A_1230 = vector.broadcast %parallel_loop3A_1229 : f32 to vector<16xf32>
        %parallel_loop3A_1231 = arith.select %parallel_loop3A_1225, %parallel_loop3A_1228, %parallel_loop3A_1230 : vector<16xi1>, vector<16xf32>
        %parallel_loop3A_1232 = arith.subf %parallel_loop3A_1193, %parallel_loop3A_1020 : vector<16xf32>
        %parallel_loop3A_1233 = arith.mulf %parallel_loop3A_1232, %parallel_loop3A_1231 : vector<16xf32>
        %parallel_loop3A_1234 = arith.constant 0.00775193795 : f32
        %parallel_loop3A_1235 = vector.broadcast %parallel_loop3A_1234 : f32 to vector<16xf32>
        %parallel_loop3A_1236 = arith.mulf %parallel_loop3A_1233, %parallel_loop3A_1235 : vector<16xf32>
        %parallel_loop3A_1237 = arith.sitofp %parallel_loop3A_1007 : i32 to f32
        %parallel_loop3A_1238 = arith.constant 5.000000e-01 : f32
        %parallel_loop3A_1239 = arith.subf %parallel_loop3A_1238, %parallel_loop3A_1237 : f32
        %parallel_loop3A_1240 = arith.constant 0.00775193795 : f32
        %parallel_loop3A_1241 = arith.mulf %parallel_loop3A_1239, %parallel_loop3A_1240 : f32
        %parallel_loop3A_1242 = vector.broadcast %parallel_loop3A_1241 : f32 to vector<16xf32>
        %parallel_loop3A_1243 = arith.subf %parallel_loop3A_1242, %parallel_loop3A_1019 : vector<16xf32>
        %parallel_loop3A_1244 = arith.mulf %parallel_loop3A_1233, %parallel_loop3A_1243 : vector<16xf32>
        %parallel_loop3A_1245 = arith.addf %parallel_loop3A_1020, %parallel_loop3A_1244 : vector<16xf32>
        %parallel_loop3A_1246 = arith.mulf %parallel_loop3A_1236, %parallel_loop3A_1021 : vector<16xf32>
        %parallel_loop3A_1247 = arith.addf %parallel_loop3A_1245, %parallel_loop3A_1246 : vector<16xf32>
        %parallel_loop3A_1248 = arith.subf %parallel_loop3A_1247, %parallel_loop3A_1020 : vector<16xf32>
        %parallel_loop3A_1249 = arith.constant 64 : i32
        %parallel_loop3A_1250 = vector.broadcast %parallel_loop3A_1249 : i32 to vector<16xi32>
        %parallel_loop3A_1251 = arith.addi %parallel_loop3A_1022, %parallel_loop3A_1250 : vector<16xi32>
        tpu.vector_store_idx %arg14[%parallel_loop3A_1251], %parallel_loop3A_1248 {add = true} : memref<12416xf32, #tpu.memory_space<vmem>>[vector<16xi32>], vector<16xf32>,
        tpu.vector_store_idx %arg16[%parallel_loop3A_1251], %parallel_loop3A_1236 {add = true} : memref<12416xf32, #tpu.memory_space<vmem>>[vector<16xi32>], vector<16xf32>,
        %parallel_loop3A_1252 = vector.broadcast %parallel_loop3A_1007 : i32 to vector<16xi32>
        %parallel_loop3A_1253 = arith.addi %parallel_loop3A_1221, %parallel_loop3A_1252 : vector<16xi32>
        %parallel_loop3A_1254 = arith.sitofp %parallel_loop3A_1253 : vector<16xi32> to vector<16xf32>
        %parallel_loop3A_1255 = arith.constant 1.000000e+00 : f32
        %parallel_loop3A_1256 = vector.broadcast %parallel_loop3A_1255 : f32 to vector<16xf32>
        %parallel_loop3A_1257 = arith.subf %parallel_loop3A_1254, %parallel_loop3A_1256 : vector<16xf32>
        %parallel_loop3A_1258 = arith.mulf %parallel_loop3A_1236, %parallel_loop3A_1257 : vector<16xf32>
        %parallel_loop3A_1259 = arith.addf %parallel_loop3A_1245, %parallel_loop3A_1258 : vector<16xf32>
        %parallel_loop3A_1260 = arith.subf %parallel_loop3A_1193, %parallel_loop3A_1259 : vector<16xf32>
        %parallel_loop3A_1261 = arith.constant 64 : i32
        %parallel_loop3A_1262 = vector.broadcast %parallel_loop3A_1261 : i32 to vector<16xi32>
        %parallel_loop3A_1263 = arith.muli %parallel_loop3A_1253, %parallel_loop3A_1262 : vector<16xi32>
        %parallel_loop3A_1264 = arith.addi %parallel_loop3A_1263, %add3A_16 : vector<16xi32>
        tpu.vector_store_idx %arg14[%parallel_loop3A_1264], %parallel_loop3A_1260 {add = true} : memref<12416xf32, #tpu.memory_space<vmem>>[vector<16xi32>], vector<16xf32>,
        %parallel_loop3A_1265 = arith.constant 0.000000e+00 : f32
        %parallel_loop3A_1266 = vector.broadcast %parallel_loop3A_1265 : f32 to vector<16xf32>
        %parallel_loop3A_1267 = arith.subf %parallel_loop3A_1266, %parallel_loop3A_1236 : vector<16xf32>
        tpu.vector_store_idx %arg16[%parallel_loop3A_1264], %parallel_loop3A_1267 {add = true} : memref<12416xf32, #tpu.memory_space<vmem>>[vector<16xi32>], vector<16xf32>,
        %parallel_loop3A_1268 = arith.constant 64 : i32
        %parallel_loop3A_1269 = vector.broadcast %parallel_loop3A_1268 : i32 to vector<16xi32>
        %parallel_loop3A_1270 = arith.muli %add3A_19, %parallel_loop3A_1269 : vector<16xi32>
        %parallel_loop3A_1271 = vector.broadcast %parallel_loop3A_1007 : i32 to vector<16xi32>
        %parallel_loop3A_1272 = arith.addi %parallel_loop3A_1270, %parallel_loop3A_1271 : vector<16xi32>
        %parallel_loop3A_1273 = tpu.vector_load_idx %arg10[%parallel_loop3A_1272] : memref<4096xf32, #tpu.memory_space<vmem>>[vector<16xi32>], vector<16xf32>,
        %parallel_loop3A_1274 = arith.constant 64 : i32
        %parallel_loop3A_1275 = vector.broadcast %parallel_loop3A_1274 : i32 to vector<16xi32>
        %parallel_loop3A_1276 = arith.muli %add3A_19, %parallel_loop3A_1275 : vector<16xi32>
        %parallel_loop3A_1277 = arith.constant 1 : i32
        %parallel_loop3A_1278 = arith.subi %parallel_loop3A_1007, %parallel_loop3A_1277 : i32
        %parallel_loop3A_1279 = vector.broadcast %parallel_loop3A_1278 : i32 to vector<16xi32>
        %parallel_loop3A_1280 = arith.addi %parallel_loop3A_1276, %parallel_loop3A_1279 : vector<16xi32>
        %parallel_loop3A_1281 = tpu.vector_load_idx %arg8[%parallel_loop3A_1280] : memref<4096xf32, #tpu.memory_space<vmem>>[vector<16xi32>], vector<16xf32>,
        %parallel_loop3A_1282 = arith.addf %parallel_loop3A_1281, %add3A_179 : vector<16xf32>
        %parallel_loop3A_1283 = arith.mulf %parallel_loop3A_1282, %div3A_173 : vector<16xf32>
        %parallel_loop3A_1284 = arith.addf %parallel_loop3A_1023, %parallel_loop3A_1283 : vector<16xf32>
        %parallel_loop3A_1285 = arith.constant 1.000000e+00 : f32
        %parallel_loop3A_1286 = vector.broadcast %parallel_loop3A_1285 : f32 to vector<16xf32>
        %parallel_loop3A_1287 = arith.minimumf %parallel_loop3A_1284, %parallel_loop3A_1286 : vector<16xf32>
        %parallel_loop3A_1288 = arith.constant 1.290000e+02 : f32
        %parallel_loop3A_1289 = vector.broadcast %parallel_loop3A_1288 : f32 to vector<16xf32>
        %parallel_loop3A_1290 = arith.mulf %parallel_loop3A_1287, %parallel_loop3A_1289 : vector<16xf32>
        %parallel_loop3A_1291 = arith.constant 5.000000e-01 : f32
        %parallel_loop3A_1292 = vector.broadcast %parallel_loop3A_1291 : f32 to vector<16xf32>
        %parallel_loop3A_1293 = arith.subf %parallel_loop3A_1290, %parallel_loop3A_1292 : vector<16xf32>
        %parallel_loop3A_1294 = arith.fptosi %parallel_loop3A_1293 : vector<16xf32> to vector<16xi32>
        %parallel_loop3A_1295 = arith.sitofp %parallel_loop3A_1294 : vector<16xi32> to vector<16xf32>
        %parallel_loop3A_1296 = arith.cmpf olt, %parallel_loop3A_1295, %parallel_loop3A_1293 : vector<16xf32>
        %parallel_loop3A_1297 = arith.select %parallel_loop3A_1296, %broadcast_in_dim3A_7, %broadcast_in_dim3A_5 : vector<16xi1>, vector<16xi32>
        %parallel_loop3A_1298 = arith.addi %parallel_loop3A_1294, %parallel_loop3A_1297 : vector<16xi32>
        %parallel_loop3A_1299 = arith.constant 0 : i32
        %parallel_loop3A_1300 = vector.broadcast %parallel_loop3A_1299 : i32 to vector<16xi32>
        %parallel_loop3A_1301 = arith.maxsi %parallel_loop3A_1298, %parallel_loop3A_1300 : vector<16xi32>
        %parallel_loop3A_1302 = arith.subf %parallel_loop3A_1287, %parallel_loop3A_1024 : vector<16xf32>
        %parallel_loop3A_1303 = arith.constant 0.000000e+00 : f32
        %parallel_loop3A_1304 = vector.broadcast %parallel_loop3A_1303 : f32 to vector<16xf32>
        %parallel_loop3A_1305 = arith.cmpf ogt, %parallel_loop3A_1302, %parallel_loop3A_1304 : vector<16xf32>
        %parallel_loop3A_1306 = arith.constant 1.000000e+00 : f32
        %parallel_loop3A_1307 = vector.broadcast %parallel_loop3A_1306 : f32 to vector<16xf32>
        %parallel_loop3A_1308 = arith.divf %parallel_loop3A_1307, %parallel_loop3A_1302 : vector<16xf32>
        %parallel_loop3A_1309 = arith.constant 0.000000e+00 : f32
        %parallel_loop3A_1310 = vector.broadcast %parallel_loop3A_1309 : f32 to vector<16xf32>
        %parallel_loop3A_1311 = arith.select %parallel_loop3A_1305, %parallel_loop3A_1308, %parallel_loop3A_1310 : vector<16xi1>, vector<16xf32>
        %parallel_loop3A_1312 = arith.subf %parallel_loop3A_1273, %parallel_loop3A_1025 : vector<16xf32>
        %parallel_loop3A_1313 = arith.mulf %parallel_loop3A_1312, %parallel_loop3A_1311 : vector<16xf32>
        %parallel_loop3A_1314 = arith.constant 0.00775193795 : f32
        %parallel_loop3A_1315 = vector.broadcast %parallel_loop3A_1314 : f32 to vector<16xf32>
        %parallel_loop3A_1316 = arith.mulf %parallel_loop3A_1313, %parallel_loop3A_1315 : vector<16xf32>
        %parallel_loop3A_1317 = arith.sitofp %parallel_loop3A_1007 : i32 to f32
        %parallel_loop3A_1318 = arith.constant 5.000000e-01 : f32
        %parallel_loop3A_1319 = arith.subf %parallel_loop3A_1318, %parallel_loop3A_1317 : f32
        %parallel_loop3A_1320 = arith.constant 0.00775193795 : f32
        %parallel_loop3A_1321 = arith.mulf %parallel_loop3A_1319, %parallel_loop3A_1320 : f32
        %parallel_loop3A_1322 = vector.broadcast %parallel_loop3A_1321 : f32 to vector<16xf32>
        %parallel_loop3A_1323 = arith.subf %parallel_loop3A_1322, %parallel_loop3A_1024 : vector<16xf32>
        %parallel_loop3A_1324 = arith.mulf %parallel_loop3A_1313, %parallel_loop3A_1323 : vector<16xf32>
        %parallel_loop3A_1325 = arith.addf %parallel_loop3A_1025, %parallel_loop3A_1324 : vector<16xf32>
        %parallel_loop3A_1326 = arith.mulf %parallel_loop3A_1316, %parallel_loop3A_1026 : vector<16xf32>
        %parallel_loop3A_1327 = arith.addf %parallel_loop3A_1325, %parallel_loop3A_1326 : vector<16xf32>
        %parallel_loop3A_1328 = arith.subf %parallel_loop3A_1327, %parallel_loop3A_1025 : vector<16xf32>
        %parallel_loop3A_1329 = arith.constant 64 : i32
        %parallel_loop3A_1330 = vector.broadcast %parallel_loop3A_1329 : i32 to vector<16xi32>
        %parallel_loop3A_1331 = arith.addi %parallel_loop3A_1027, %parallel_loop3A_1330 : vector<16xi32>
        tpu.vector_store_idx %arg14[%parallel_loop3A_1331], %parallel_loop3A_1328 {add = true} : memref<12416xf32, #tpu.memory_space<vmem>>[vector<16xi32>], vector<16xf32>,
        tpu.vector_store_idx %arg16[%parallel_loop3A_1331], %parallel_loop3A_1316 {add = true} : memref<12416xf32, #tpu.memory_space<vmem>>[vector<16xi32>], vector<16xf32>,
        %parallel_loop3A_1332 = vector.broadcast %parallel_loop3A_1007 : i32 to vector<16xi32>
        %parallel_loop3A_1333 = arith.addi %parallel_loop3A_1301, %parallel_loop3A_1332 : vector<16xi32>
        %parallel_loop3A_1334 = arith.sitofp %parallel_loop3A_1333 : vector<16xi32> to vector<16xf32>
        %parallel_loop3A_1335 = arith.constant 1.000000e+00 : f32
        %parallel_loop3A_1336 = vector.broadcast %parallel_loop3A_1335 : f32 to vector<16xf32>
        %parallel_loop3A_1337 = arith.subf %parallel_loop3A_1334, %parallel_loop3A_1336 : vector<16xf32>
        %parallel_loop3A_1338 = arith.mulf %parallel_loop3A_1316, %parallel_loop3A_1337 : vector<16xf32>
        %parallel_loop3A_1339 = arith.addf %parallel_loop3A_1325, %parallel_loop3A_1338 : vector<16xf32>
        %parallel_loop3A_1340 = arith.subf %parallel_loop3A_1273, %parallel_loop3A_1339 : vector<16xf32>
        %parallel_loop3A_1341 = arith.constant 64 : i32
        %parallel_loop3A_1342 = vector.broadcast %parallel_loop3A_1341 : i32 to vector<16xi32>
        %parallel_loop3A_1343 = arith.muli %parallel_loop3A_1333, %parallel_loop3A_1342 : vector<16xi32>
        %parallel_loop3A_1344 = arith.addi %parallel_loop3A_1343, %add3A_19 : vector<16xi32>
        tpu.vector_store_idx %arg14[%parallel_loop3A_1344], %parallel_loop3A_1340 {add = true} : memref<12416xf32, #tpu.memory_space<vmem>>[vector<16xi32>], vector<16xf32>,
        %parallel_loop3A_1345 = arith.constant 0.000000e+00 : f32
        %parallel_loop3A_1346 = vector.broadcast %parallel_loop3A_1345 : f32 to vector<16xf32>
        %parallel_loop3A_1347 = arith.subf %parallel_loop3A_1346, %parallel_loop3A_1316 : vector<16xf32>
        tpu.vector_store_idx %arg16[%parallel_loop3A_1344], %parallel_loop3A_1347 {add = true} : memref<12416xf32, #tpu.memory_space<vmem>>[vector<16xi32>], vector<16xf32>,
        scf.yield %parallel_loop3A_1044, %parallel_loop3A_1047, %parallel_loop3A_1033, %parallel_loop3A_1094, %parallel_loop3A_1104, %parallel_loop3A_1124, %parallel_loop3A_1127, %parallel_loop3A_1113, %parallel_loop3A_1174, %parallel_loop3A_1184, %parallel_loop3A_1204, %parallel_loop3A_1207, %parallel_loop3A_1193, %parallel_loop3A_1254, %parallel_loop3A_1264, %parallel_loop3A_1284, %parallel_loop3A_1287, %parallel_loop3A_1273, %parallel_loop3A_1334, %parallel_loop3A_1344 : vector<16xf32>, vector<16xf32>, vector<16xf32>, vector<16xf32>, vector<16xi32>, vector<16xf32>, vector<16xf32>, vector<16xf32>, vector<16xf32>, vector<16xi32>, vector<16xf32>, vector<16xf32>, vector<16xf32>, vector<16xf32>, vector<16xi32>, vector<16xf32>, vector<16xf32>, vector<16xf32>, vector<16xf32>, vector<16xi32>
      } {sc.loop_unroll_factor = 1 : i64, sc.parallel_access}
      %mul3A_206 = arith.constant 64 : i32
      %mul3A_207 = vector.broadcast %mul3A_206 : i32 to vector<16xi32>
      %mul3A_208 = arith.muli %add3A_10, %mul3A_207 : vector<16xi32>
      %add3A_209 = arith.constant 63 : i32
      %add3A_210 = vector.broadcast %add3A_209 : i32 to vector<16xi32>
      %add3A_211 = arith.addi %mul3A_208, %add3A_210 : vector<16xi32>
      %gather3A_212 = tpu.vector_load_idx %arg8[%add3A_211] : memref<4096xf32, #tpu.memory_space<vmem>>[vector<16xi32>], vector<16xf32>,
      %add3A_213 = arith.addf %gather3A_212, %add3A_122 : vector<16xf32>
      %mul3A_214 = arith.mulf %add3A_213, %div3A_116 : vector<16xf32>
      %add3A_215 = arith.addf %parallel_loop3A_205#0, %mul3A_214 : vector<16xf32>
      %min3A = arith.constant 1.000000e+00 : f32
      %min3A_216 = vector.broadcast %min3A : f32 to vector<16xf32>
      %min3A_217 = arith.minimumf %add3A_215, %min3A_216 : vector<16xf32>
      %mul3A_218 = arith.constant 1.290000e+02 : f32
      %mul3A_219 = vector.broadcast %mul3A_218 : f32 to vector<16xf32>
      %mul3A_220 = arith.mulf %min3A_217, %mul3A_219 : vector<16xf32>
      %sub3A_221 = arith.constant 5.000000e-01 : f32
      %sub3A_222 = vector.broadcast %sub3A_221 : f32 to vector<16xf32>
      %sub3A_223 = arith.subf %mul3A_220, %sub3A_222 : vector<16xf32>
      %convert_element_type3A = arith.fptosi %sub3A_223 : vector<16xf32> to vector<16xi32>
      %convert_element_type3A_224 = arith.sitofp %convert_element_type3A : vector<16xi32> to vector<16xf32>
      %lt3A = arith.cmpf olt, %convert_element_type3A_224, %sub3A_223 : vector<16xf32>
      %select_n3A = arith.select %lt3A, %broadcast_in_dim3A_7, %broadcast_in_dim3A_5 : vector<16xi1>, vector<16xi32>
      %add3A_225 = arith.addi %convert_element_type3A, %select_n3A : vector<16xi32>
      %max3A_226 = arith.constant 0 : i32
      %max3A_227 = vector.broadcast %max3A_226 : i32 to vector<16xi32>
      %max3A_228 = arith.maxsi %add3A_225, %max3A_227 : vector<16xi32>
      %sub3A_229 = arith.subf %min3A_217, %parallel_loop3A_205#1 : vector<16xf32>
      %gt3A = arith.constant 0.000000e+00 : f32
      %gt3A_230 = vector.broadcast %gt3A : f32 to vector<16xf32>
      %gt3A_231 = arith.cmpf ogt, %sub3A_229, %gt3A_230 : vector<16xf32>
      %div3A_232 = arith.constant 1.000000e+00 : f32
      %div3A_233 = vector.broadcast %div3A_232 : f32 to vector<16xf32>
      %div3A_234 = arith.divf %div3A_233, %sub3A_229 : vector<16xf32>
      %jit3A = arith.constant 0.000000e+00 : f32
      %broadcast_in_dim3A_235 = vector.broadcast %jit3A : f32 to vector<16xf32>
      %select_n3A_236 = arith.select %gt3A_231, %div3A_234, %broadcast_in_dim3A_235 : vector<16xi1>, vector<16xf32>
      %sub3A_237 = arith.subf %get3A_180, %parallel_loop3A_205#2 : vector<16xf32>
      %mul3A_238 = arith.mulf %sub3A_237, %select_n3A_236 : vector<16xf32>
      %mul3A_239 = arith.constant 0.00775193795 : f32
      %mul3A_240 = vector.broadcast %mul3A_239 : f32 to vector<16xf32>
      %mul3A_241 = arith.mulf %mul3A_238, %mul3A_240 : vector<16xf32>
      %sub3A_242 = arith.constant -0.492248058 : f32
      %sub3A_243 = vector.broadcast %sub3A_242 : f32 to vector<16xf32>
      %sub3A_244 = arith.subf %sub3A_243, %parallel_loop3A_205#1 : vector<16xf32>
      %mul3A_245 = arith.mulf %mul3A_238, %sub3A_244 : vector<16xf32>
      %add3A_246 = arith.addf %parallel_loop3A_205#2, %mul3A_245 : vector<16xf32>
      %mul3A_247 = arith.mulf %mul3A_241, %parallel_loop3A_205#3 : vector<16xf32>
      %add3A_248 = arith.addf %add3A_246, %mul3A_247 : vector<16xf32>
      %sub3A_249 = arith.subf %add3A_248, %parallel_loop3A_205#2 : vector<16xf32>
      %add3A_250 = arith.constant 64 : i32
      %add3A_251 = vector.broadcast %add3A_250 : i32 to vector<16xi32>
      %add3A_252 = arith.addi %parallel_loop3A_205#4, %add3A_251 : vector<16xi32>
      tpu.vector_store_idx %arg14[%add3A_252], %sub3A_249 {add = true} : memref<12416xf32, #tpu.memory_space<vmem>>[vector<16xi32>], vector<16xf32>,
      tpu.vector_store_idx %arg16[%add3A_252], %mul3A_241 {add = true} : memref<12416xf32, #tpu.memory_space<vmem>>[vector<16xi32>], vector<16xf32>,
      %add3A_253 = arith.constant 64 : i32
      %add3A_254 = vector.broadcast %add3A_253 : i32 to vector<16xi32>
      %add3A_255 = arith.addi %max3A_228, %add3A_254 : vector<16xi32>
      %convert_element_type3A_256 = arith.sitofp %add3A_255 : vector<16xi32> to vector<16xf32>
      %sub3A_257 = arith.constant 1.000000e+00 : f32
      %sub3A_258 = vector.broadcast %sub3A_257 : f32 to vector<16xf32>
      %sub3A_259 = arith.subf %convert_element_type3A_256, %sub3A_258 : vector<16xf32>
      %mul3A_260 = arith.mulf %mul3A_241, %sub3A_259 : vector<16xf32>
      %add3A_261 = arith.addf %add3A_246, %mul3A_260 : vector<16xf32>
      %sub3A_262 = arith.subf %get3A_180, %add3A_261 : vector<16xf32>
      %mul3A_263 = arith.constant 64 : i32
      %mul3A_264 = vector.broadcast %mul3A_263 : i32 to vector<16xi32>
      %mul3A_265 = arith.muli %add3A_255, %mul3A_264 : vector<16xi32>
      %add3A_266 = arith.addi %mul3A_265, %add3A_10 : vector<16xi32>
      tpu.vector_store_idx %arg14[%add3A_266], %sub3A_262 {add = true} : memref<12416xf32, #tpu.memory_space<vmem>>[vector<16xi32>], vector<16xf32>,
      %neg3A = arith.constant 0.000000e+00 : f32
      %neg3A_267 = vector.broadcast %neg3A : f32 to vector<16xf32>
      %neg3A_268 = arith.subf %neg3A_267, %mul3A_241 : vector<16xf32>
      tpu.vector_store_idx %arg16[%add3A_266], %neg3A_268 {add = true} : memref<12416xf32, #tpu.memory_space<vmem>>[vector<16xi32>], vector<16xf32>,
      %mul3A_269 = arith.constant 64 : i32
      %mul3A_270 = vector.broadcast %mul3A_269 : i32 to vector<16xi32>
      %mul3A_271 = arith.muli %add3A_13, %mul3A_270 : vector<16xi32>
      %add3A_272 = arith.constant 63 : i32
      %add3A_273 = vector.broadcast %add3A_272 : i32 to vector<16xi32>
      %add3A_274 = arith.addi %mul3A_271, %add3A_273 : vector<16xi32>
      %gather3A_275 = tpu.vector_load_idx %arg8[%add3A_274] : memref<4096xf32, #tpu.memory_space<vmem>>[vector<16xi32>], vector<16xf32>,
      %add3A_276 = arith.addf %gather3A_275, %add3A_141 : vector<16xf32>
      %mul3A_277 = arith.mulf %add3A_276, %div3A_135 : vector<16xf32>
      %add3A_278 = arith.addf %parallel_loop3A_205#5, %mul3A_277 : vector<16xf32>
      %min3A_279 = arith.constant 1.000000e+00 : f32
      %min3A_280 = vector.broadcast %min3A_279 : f32 to vector<16xf32>
      %min3A_281 = arith.minimumf %add3A_278, %min3A_280 : vector<16xf32>
      %mul3A_282 = arith.constant 1.290000e+02 : f32
      %mul3A_283 = vector.broadcast %mul3A_282 : f32 to vector<16xf32>
      %mul3A_284 = arith.mulf %min3A_281, %mul3A_283 : vector<16xf32>
      %sub3A_285 = arith.constant 5.000000e-01 : f32
      %sub3A_286 = vector.broadcast %sub3A_285 : f32 to vector<16xf32>
      %sub3A_287 = arith.subf %mul3A_284, %sub3A_286 : vector<16xf32>
      %convert_element_type3A_288 = arith.fptosi %sub3A_287 : vector<16xf32> to vector<16xi32>
      %convert_element_type3A_289 = arith.sitofp %convert_element_type3A_288 : vector<16xi32> to vector<16xf32>
      %lt3A_290 = arith.cmpf olt, %convert_element_type3A_289, %sub3A_287 : vector<16xf32>
      %select_n3A_291 = arith.select %lt3A_290, %broadcast_in_dim3A_7, %broadcast_in_dim3A_5 : vector<16xi1>, vector<16xi32>
      %add3A_292 = arith.addi %convert_element_type3A_288, %select_n3A_291 : vector<16xi32>
      %max3A_293 = arith.constant 0 : i32
      %max3A_294 = vector.broadcast %max3A_293 : i32 to vector<16xi32>
      %max3A_295 = arith.maxsi %add3A_292, %max3A_294 : vector<16xi32>
      %sub3A_296 = arith.subf %min3A_281, %parallel_loop3A_205#6 : vector<16xf32>
      %gt3A_297 = arith.constant 0.000000e+00 : f32
      %gt3A_298 = vector.broadcast %gt3A_297 : f32 to vector<16xf32>
      %gt3A_299 = arith.cmpf ogt, %sub3A_296, %gt3A_298 : vector<16xf32>
      %div3A_300 = arith.constant 1.000000e+00 : f32
      %div3A_301 = vector.broadcast %div3A_300 : f32 to vector<16xf32>
      %div3A_302 = arith.divf %div3A_301, %sub3A_296 : vector<16xf32>
      %jit3A_303 = arith.constant 0.000000e+00 : f32
      %broadcast_in_dim3A_304 = vector.broadcast %jit3A_303 : f32 to vector<16xf32>
      %select_n3A_305 = arith.select %gt3A_299, %div3A_302, %broadcast_in_dim3A_304 : vector<16xi1>, vector<16xf32>
      %sub3A_306 = arith.subf %get3A_182, %parallel_loop3A_205#7 : vector<16xf32>
      %mul3A_307 = arith.mulf %sub3A_306, %select_n3A_305 : vector<16xf32>
      %mul3A_308 = arith.constant 0.00775193795 : f32
      %mul3A_309 = vector.broadcast %mul3A_308 : f32 to vector<16xf32>
      %mul3A_310 = arith.mulf %mul3A_307, %mul3A_309 : vector<16xf32>
      %sub3A_311 = arith.constant -0.492248058 : f32
      %sub3A_312 = vector.broadcast %sub3A_311 : f32 to vector<16xf32>
      %sub3A_313 = arith.subf %sub3A_312, %parallel_loop3A_205#6 : vector<16xf32>
      %mul3A_314 = arith.mulf %mul3A_307, %sub3A_313 : vector<16xf32>
      %add3A_315 = arith.addf %parallel_loop3A_205#7, %mul3A_314 : vector<16xf32>
      %mul3A_316 = arith.mulf %mul3A_310, %parallel_loop3A_205#8 : vector<16xf32>
      %add3A_317 = arith.addf %add3A_315, %mul3A_316 : vector<16xf32>
      %sub3A_318 = arith.subf %add3A_317, %parallel_loop3A_205#7 : vector<16xf32>
      %add3A_319 = arith.constant 64 : i32
      %add3A_320 = vector.broadcast %add3A_319 : i32 to vector<16xi32>
      %add3A_321 = arith.addi %parallel_loop3A_205#9, %add3A_320 : vector<16xi32>
      tpu.vector_store_idx %arg14[%add3A_321], %sub3A_318 {add = true} : memref<12416xf32, #tpu.memory_space<vmem>>[vector<16xi32>], vector<16xf32>,
      tpu.vector_store_idx %arg16[%add3A_321], %mul3A_310 {add = true} : memref<12416xf32, #tpu.memory_space<vmem>>[vector<16xi32>], vector<16xf32>,
      %add3A_322 = arith.constant 64 : i32
      %add3A_323 = vector.broadcast %add3A_322 : i32 to vector<16xi32>
      %add3A_324 = arith.addi %max3A_295, %add3A_323 : vector<16xi32>
      %convert_element_type3A_325 = arith.sitofp %add3A_324 : vector<16xi32> to vector<16xf32>
      %sub3A_326 = arith.constant 1.000000e+00 : f32
      %sub3A_327 = vector.broadcast %sub3A_326 : f32 to vector<16xf32>
      %sub3A_328 = arith.subf %convert_element_type3A_325, %sub3A_327 : vector<16xf32>
      %mul3A_329 = arith.mulf %mul3A_310, %sub3A_328 : vector<16xf32>
      %add3A_330 = arith.addf %add3A_315, %mul3A_329 : vector<16xf32>
      %sub3A_331 = arith.subf %get3A_182, %add3A_330 : vector<16xf32>
      %mul3A_332 = arith.constant 64 : i32
      %mul3A_333 = vector.broadcast %mul3A_332 : i32 to vector<16xi32>
      %mul3A_334 = arith.muli %add3A_324, %mul3A_333 : vector<16xi32>
      %add3A_335 = arith.addi %mul3A_334, %add3A_13 : vector<16xi32>
      tpu.vector_store_idx %arg14[%add3A_335], %sub3A_331 {add = true} : memref<12416xf32, #tpu.memory_space<vmem>>[vector<16xi32>], vector<16xf32>,
      %neg3A_336 = arith.constant 0.000000e+00 : f32
      %neg3A_337 = vector.broadcast %neg3A_336 : f32 to vector<16xf32>
      %neg3A_338 = arith.subf %neg3A_337, %mul3A_310 : vector<16xf32>
      tpu.vector_store_idx %arg16[%add3A_335], %neg3A_338 {add = true} : memref<12416xf32, #tpu.memory_space<vmem>>[vector<16xi32>], vector<16xf32>,
      %mul3A_339 = arith.constant 64 : i32
      %mul3A_340 = vector.broadcast %mul3A_339 : i32 to vector<16xi32>
      %mul3A_341 = arith.muli %add3A_16, %mul3A_340 : vector<16xi32>
      %add3A_342 = arith.constant 63 : i32
      %add3A_343 = vector.broadcast %add3A_342 : i32 to vector<16xi32>
      %add3A_344 = arith.addi %mul3A_341, %add3A_343 : vector<16xi32>
      %gather3A_345 = tpu.vector_load_idx %arg8[%add3A_344] : memref<4096xf32, #tpu.memory_space<vmem>>[vector<16xi32>], vector<16xf32>,
      %add3A_346 = arith.addf %gather3A_345, %add3A_160 : vector<16xf32>
      %mul3A_347 = arith.mulf %add3A_346, %div3A_154 : vector<16xf32>
      %add3A_348 = arith.addf %parallel_loop3A_205#10, %mul3A_347 : vector<16xf32>
      %min3A_349 = arith.constant 1.000000e+00 : f32
      %min3A_350 = vector.broadcast %min3A_349 : f32 to vector<16xf32>
      %min3A_351 = arith.minimumf %add3A_348, %min3A_350 : vector<16xf32>
      %mul3A_352 = arith.constant 1.290000e+02 : f32
      %mul3A_353 = vector.broadcast %mul3A_352 : f32 to vector<16xf32>
      %mul3A_354 = arith.mulf %min3A_351, %mul3A_353 : vector<16xf32>
      %sub3A_355 = arith.constant 5.000000e-01 : f32
      %sub3A_356 = vector.broadcast %sub3A_355 : f32 to vector<16xf32>
      %sub3A_357 = arith.subf %mul3A_354, %sub3A_356 : vector<16xf32>
      %convert_element_type3A_358 = arith.fptosi %sub3A_357 : vector<16xf32> to vector<16xi32>
      %convert_element_type3A_359 = arith.sitofp %convert_element_type3A_358 : vector<16xi32> to vector<16xf32>
      %lt3A_360 = arith.cmpf olt, %convert_element_type3A_359, %sub3A_357 : vector<16xf32>
      %select_n3A_361 = arith.select %lt3A_360, %broadcast_in_dim3A_7, %broadcast_in_dim3A_5 : vector<16xi1>, vector<16xi32>
      %add3A_362 = arith.addi %convert_element_type3A_358, %select_n3A_361 : vector<16xi32>
      %max3A_363 = arith.constant 0 : i32
      %max3A_364 = vector.broadcast %max3A_363 : i32 to vector<16xi32>
      %max3A_365 = arith.maxsi %add3A_362, %max3A_364 : vector<16xi32>
      %sub3A_366 = arith.subf %min3A_351, %parallel_loop3A_205#11 : vector<16xf32>
      %gt3A_367 = arith.constant 0.000000e+00 : f32
      %gt3A_368 = vector.broadcast %gt3A_367 : f32 to vector<16xf32>
      %gt3A_369 = arith.cmpf ogt, %sub3A_366, %gt3A_368 : vector<16xf32>
      %div3A_370 = arith.constant 1.000000e+00 : f32
      %div3A_371 = vector.broadcast %div3A_370 : f32 to vector<16xf32>
      %div3A_372 = arith.divf %div3A_371, %sub3A_366 : vector<16xf32>
      %jit3A_373 = arith.constant 0.000000e+00 : f32
      %broadcast_in_dim3A_374 = vector.broadcast %jit3A_373 : f32 to vector<16xf32>
      %select_n3A_375 = arith.select %gt3A_369, %div3A_372, %broadcast_in_dim3A_374 : vector<16xi1>, vector<16xf32>
      %sub3A_376 = arith.subf %get3A_184, %parallel_loop3A_205#12 : vector<16xf32>
      %mul3A_377 = arith.mulf %sub3A_376, %select_n3A_375 : vector<16xf32>
      %mul3A_378 = arith.constant 0.00775193795 : f32
      %mul3A_379 = vector.broadcast %mul3A_378 : f32 to vector<16xf32>
      %mul3A_380 = arith.mulf %mul3A_377, %mul3A_379 : vector<16xf32>
      %sub3A_381 = arith.constant -0.492248058 : f32
      %sub3A_382 = vector.broadcast %sub3A_381 : f32 to vector<16xf32>
      %sub3A_383 = arith.subf %sub3A_382, %parallel_loop3A_205#11 : vector<16xf32>
      %mul3A_384 = arith.mulf %mul3A_377, %sub3A_383 : vector<16xf32>
      %add3A_385 = arith.addf %parallel_loop3A_205#12, %mul3A_384 : vector<16xf32>
      %mul3A_386 = arith.mulf %mul3A_380, %parallel_loop3A_205#13 : vector<16xf32>
      %add3A_387 = arith.addf %add3A_385, %mul3A_386 : vector<16xf32>
      %sub3A_388 = arith.subf %add3A_387, %parallel_loop3A_205#12 : vector<16xf32>
      %add3A_389 = arith.constant 64 : i32
      %add3A_390 = vector.broadcast %add3A_389 : i32 to vector<16xi32>
      %add3A_391 = arith.addi %parallel_loop3A_205#14, %add3A_390 : vector<16xi32>
      tpu.vector_store_idx %arg14[%add3A_391], %sub3A_388 {add = true} : memref<12416xf32, #tpu.memory_space<vmem>>[vector<16xi32>], vector<16xf32>,
      tpu.vector_store_idx %arg16[%add3A_391], %mul3A_380 {add = true} : memref<12416xf32, #tpu.memory_space<vmem>>[vector<16xi32>], vector<16xf32>,
      %add3A_392 = arith.constant 64 : i32
      %add3A_393 = vector.broadcast %add3A_392 : i32 to vector<16xi32>
      %add3A_394 = arith.addi %max3A_365, %add3A_393 : vector<16xi32>
      %convert_element_type3A_395 = arith.sitofp %add3A_394 : vector<16xi32> to vector<16xf32>
      %sub3A_396 = arith.constant 1.000000e+00 : f32
      %sub3A_397 = vector.broadcast %sub3A_396 : f32 to vector<16xf32>
      %sub3A_398 = arith.subf %convert_element_type3A_395, %sub3A_397 : vector<16xf32>
      %mul3A_399 = arith.mulf %mul3A_380, %sub3A_398 : vector<16xf32>
      %add3A_400 = arith.addf %add3A_385, %mul3A_399 : vector<16xf32>
      %sub3A_401 = arith.subf %get3A_184, %add3A_400 : vector<16xf32>
      %mul3A_402 = arith.constant 64 : i32
      %mul3A_403 = vector.broadcast %mul3A_402 : i32 to vector<16xi32>
      %mul3A_404 = arith.muli %add3A_394, %mul3A_403 : vector<16xi32>
      %add3A_405 = arith.addi %mul3A_404, %add3A_16 : vector<16xi32>
      tpu.vector_store_idx %arg14[%add3A_405], %sub3A_401 {add = true} : memref<12416xf32, #tpu.memory_space<vmem>>[vector<16xi32>], vector<16xf32>,
      %neg3A_406 = arith.constant 0.000000e+00 : f32
      %neg3A_407 = vector.broadcast %neg3A_406 : f32 to vector<16xf32>
      %neg3A_408 = arith.subf %neg3A_407, %mul3A_380 : vector<16xf32>
      tpu.vector_store_idx %arg16[%add3A_405], %neg3A_408 {add = true} : memref<12416xf32, #tpu.memory_space<vmem>>[vector<16xi32>], vector<16xf32>,
      %mul3A_409 = arith.constant 64 : i32
      %mul3A_410 = vector.broadcast %mul3A_409 : i32 to vector<16xi32>
      %mul3A_411 = arith.muli %add3A_19, %mul3A_410 : vector<16xi32>
      %add3A_412 = arith.constant 63 : i32
      %add3A_413 = vector.broadcast %add3A_412 : i32 to vector<16xi32>
      %add3A_414 = arith.addi %mul3A_411, %add3A_413 : vector<16xi32>
      %gather3A_415 = tpu.vector_load_idx %arg8[%add3A_414] : memref<4096xf32, #tpu.memory_space<vmem>>[vector<16xi32>], vector<16xf32>,
      %add3A_416 = arith.addf %gather3A_415, %add3A_179 : vector<16xf32>
      %mul3A_417 = arith.mulf %add3A_416, %div3A_173 : vector<16xf32>
      %add3A_418 = arith.addf %parallel_loop3A_205#15, %mul3A_417 : vector<16xf32>
      %min3A_419 = arith.constant 1.000000e+00 : f32
      %min3A_420 = vector.broadcast %min3A_419 : f32 to vector<16xf32>
      %min3A_421 = arith.minimumf %add3A_418, %min3A_420 : vector<16xf32>
      %mul3A_422 = arith.constant 1.290000e+02 : f32
      %mul3A_423 = vector.broadcast %mul3A_422 : f32 to vector<16xf32>
      %mul3A_424 = arith.mulf %min3A_421, %mul3A_423 : vector<16xf32>
      %sub3A_425 = arith.constant 5.000000e-01 : f32
      %sub3A_426 = vector.broadcast %sub3A_425 : f32 to vector<16xf32>
      %sub3A_427 = arith.subf %mul3A_424, %sub3A_426 : vector<16xf32>
      %convert_element_type3A_428 = arith.fptosi %sub3A_427 : vector<16xf32> to vector<16xi32>
      %convert_element_type3A_429 = arith.sitofp %convert_element_type3A_428 : vector<16xi32> to vector<16xf32>
      %lt3A_430 = arith.cmpf olt, %convert_element_type3A_429, %sub3A_427 : vector<16xf32>
      %select_n3A_431 = arith.select %lt3A_430, %broadcast_in_dim3A_7, %broadcast_in_dim3A_5 : vector<16xi1>, vector<16xi32>
      %add3A_432 = arith.addi %convert_element_type3A_428, %select_n3A_431 : vector<16xi32>
      %max3A_433 = arith.constant 0 : i32
      %max3A_434 = vector.broadcast %max3A_433 : i32 to vector<16xi32>
      %max3A_435 = arith.maxsi %add3A_432, %max3A_434 : vector<16xi32>
      %sub3A_436 = arith.subf %min3A_421, %parallel_loop3A_205#16 : vector<16xf32>
      %gt3A_437 = arith.constant 0.000000e+00 : f32
      %gt3A_438 = vector.broadcast %gt3A_437 : f32 to vector<16xf32>
      %gt3A_439 = arith.cmpf ogt, %sub3A_436, %gt3A_438 : vector<16xf32>
      %div3A_440 = arith.constant 1.000000e+00 : f32
      %div3A_441 = vector.broadcast %div3A_440 : f32 to vector<16xf32>
      %div3A_442 = arith.divf %div3A_441, %sub3A_436 : vector<16xf32>
      %jit3A_443 = arith.constant 0.000000e+00 : f32
      %broadcast_in_dim3A_444 = vector.broadcast %jit3A_443 : f32 to vector<16xf32>
      %select_n3A_445 = arith.select %gt3A_439, %div3A_442, %broadcast_in_dim3A_444 : vector<16xi1>, vector<16xf32>
      %sub3A_446 = arith.subf %get3A_186, %parallel_loop3A_205#17 : vector<16xf32>
      %mul3A_447 = arith.mulf %sub3A_446, %select_n3A_445 : vector<16xf32>
      %mul3A_448 = arith.constant 0.00775193795 : f32
      %mul3A_449 = vector.broadcast %mul3A_448 : f32 to vector<16xf32>
      %mul3A_450 = arith.mulf %mul3A_447, %mul3A_449 : vector<16xf32>
      %sub3A_451 = arith.constant -0.492248058 : f32
      %sub3A_452 = vector.broadcast %sub3A_451 : f32 to vector<16xf32>
      %sub3A_453 = arith.subf %sub3A_452, %parallel_loop3A_205#16 : vector<16xf32>
      %mul3A_454 = arith.mulf %mul3A_447, %sub3A_453 : vector<16xf32>
      %add3A_455 = arith.addf %parallel_loop3A_205#17, %mul3A_454 : vector<16xf32>
      %mul3A_456 = arith.mulf %mul3A_450, %parallel_loop3A_205#18 : vector<16xf32>
      %add3A_457 = arith.addf %add3A_455, %mul3A_456 : vector<16xf32>
      %sub3A_458 = arith.subf %add3A_457, %parallel_loop3A_205#17 : vector<16xf32>
      %add3A_459 = arith.constant 64 : i32
      %add3A_460 = vector.broadcast %add3A_459 : i32 to vector<16xi32>
      %add3A_461 = arith.addi %parallel_loop3A_205#19, %add3A_460 : vector<16xi32>
      tpu.vector_store_idx %arg14[%add3A_461], %sub3A_458 {add = true} : memref<12416xf32, #tpu.memory_space<vmem>>[vector<16xi32>], vector<16xf32>,
      tpu.vector_store_idx %arg16[%add3A_461], %mul3A_450 {add = true} : memref<12416xf32, #tpu.memory_space<vmem>>[vector<16xi32>], vector<16xf32>,
      %add3A_462 = arith.constant 64 : i32
      %add3A_463 = vector.broadcast %add3A_462 : i32 to vector<16xi32>
      %add3A_464 = arith.addi %max3A_435, %add3A_463 : vector<16xi32>
      %convert_element_type3A_465 = arith.sitofp %add3A_464 : vector<16xi32> to vector<16xf32>
      %sub3A_466 = arith.constant 1.000000e+00 : f32
      %sub3A_467 = vector.broadcast %sub3A_466 : f32 to vector<16xf32>
      %sub3A_468 = arith.subf %convert_element_type3A_465, %sub3A_467 : vector<16xf32>
      %mul3A_469 = arith.mulf %mul3A_450, %sub3A_468 : vector<16xf32>
      %add3A_470 = arith.addf %add3A_455, %mul3A_469 : vector<16xf32>
      %sub3A_471 = arith.subf %get3A_186, %add3A_470 : vector<16xf32>
      %mul3A_472 = arith.constant 64 : i32
      %mul3A_473 = vector.broadcast %mul3A_472 : i32 to vector<16xi32>
      %mul3A_474 = arith.muli %add3A_464, %mul3A_473 : vector<16xi32>
      %add3A_475 = arith.addi %mul3A_474, %add3A_19 : vector<16xi32>
      tpu.vector_store_idx %arg14[%add3A_475], %sub3A_471 {add = true} : memref<12416xf32, #tpu.memory_space<vmem>>[vector<16xi32>], vector<16xf32>,
      %neg3A_476 = arith.constant 0.000000e+00 : f32
      %neg3A_477 = vector.broadcast %neg3A_476 : f32 to vector<16xf32>
      %neg3A_478 = arith.subf %neg3A_477, %mul3A_450 : vector<16xf32>
      tpu.vector_store_idx %arg16[%add3A_475], %neg3A_478 {add = true} : memref<12416xf32, #tpu.memory_space<vmem>>[vector<16xi32>], vector<16xf32>,
      %lt3A_479 = arith.constant 62 : i32
      %lt3A_480 = arith.cmpi slt, %mul3A_89, %lt3A_479 : i32
      %convert_element_type3A_481 = arith.extui %lt3A_480 : i1 to i32
      %cond3A = arith.constant 0 : i32
      %cond3A_482 = arith.cmpi ne, %convert_element_type3A_481, %cond3A : i32
      scf.if %cond3A_482 {
        %add3A_1007 = arith.constant 2 : i32
        %add3A_1008 = arith.addi %add3A_91, %add3A_1007 : i32
        %mul3A_1009 = arith.constant 64 : i32
        %mul3A_1010 = arith.muli %add3A_1008, %mul3A_1009 : i32
        %add3A_1011 = arith.addi %mul3A_2, %mul3A_1010 : i32
        %mul3A_1012 = arith.constant 64 : i32
        %mul3A_1013 = arith.muli %add3A_1011, %mul3A_1012 : i32
        %dma_start3A_1014 = tpu.memref_slice %arg2[%mul3A_1013] : memref<8388608xf32, #tpu.memory_space<hbm>> -> memref<4096xf32, #tpu.memory_space<hbm>>
        %dma_start3A_1015 = tpu.memref_slice %arg2[%mul3A_1013] : memref<8388608xf32, #tpu.memory_space<hbm>> -> memref<4096xf32, #tpu.memory_space<hbm>>
        tpu.enqueue_dma source(%dma_start3A_1015 : memref<4096xf32, #tpu.memory_space<hbm>>) target(%arg8 : memref<4096xf32, #tpu.memory_space<vmem>>) target_semaphore(%arg22 : memref<!tpu.dma_semaphore, #tpu.memory_space<semaphore_mem>>)
        %mul3A_1016 = arith.constant 64 : i32
        %mul3A_1017 = arith.muli %add3A_1011, %mul3A_1016 : i32
        %dma_start3A_1018 = tpu.memref_slice %arg3[%mul3A_1017] : memref<8388608xf32, #tpu.memory_space<hbm>> -> memref<4096xf32, #tpu.memory_space<hbm>>
        %dma_start3A_1019 = tpu.memref_slice %arg3[%mul3A_1017] : memref<8388608xf32, #tpu.memory_space<hbm>> -> memref<4096xf32, #tpu.memory_space<hbm>>
        tpu.enqueue_dma source(%dma_start3A_1019 : memref<4096xf32, #tpu.memory_space<hbm>>) target(%arg10 : memref<4096xf32, #tpu.memory_space<vmem>>) target_semaphore(%arg22 : memref<!tpu.dma_semaphore, #tpu.memory_space<semaphore_mem>>)
        %dma_start3A_1020 = tpu.memref_slice %arg4[%add3A_1011] : memref<131072xf32, #tpu.memory_space<hbm>> -> memref<64xf32, #tpu.memory_space<hbm>>
        %dma_start3A_1021 = tpu.memref_slice %arg4[%add3A_1011] : memref<131072xf32, #tpu.memory_space<hbm>> -> memref<64xf32, #tpu.memory_space<hbm>>
        tpu.enqueue_dma source(%dma_start3A_1021 : memref<64xf32, #tpu.memory_space<hbm>>) target(%arg12 : memref<64xf32, #tpu.memory_space<vmem>>) target_semaphore(%arg22 : memref<!tpu.dma_semaphore, #tpu.memory_space<semaphore_mem>>)
      } else {
      }
      %gt3A_483 = arith.constant 0 : i32
      %gt3A_484 = arith.cmpi sgt, %mul3A_89, %gt3A_483 : i32
      %convert_element_type3A_485 = arith.extui %gt3A_484 : i1 to i32
      %cond3A_486 = arith.constant 0 : i32
      %cond3A_487 = arith.cmpi ne, %convert_element_type3A_485, %cond3A_486 : i32
      scf.if %cond3A_487 {
        %dma_wait3A_1007 = arith.constant 0 : i32
        %dma_wait3A_1008 = tpu.memref_slice %arg6[%dma_wait3A_1007] : memref<25165824xf32, #tpu.memory_space<hbm>> -> memref<12288xf32, #tpu.memory_space<hbm>>
        %dma_wait3A_1009 = arith.constant 0 : i32
        %dma_wait3A_1010 = tpu.memref_slice %arg6[%dma_wait3A_1009] : memref<25165824xf32, #tpu.memory_space<hbm>> -> memref<12288xf32, #tpu.memory_space<hbm>>
        tpu.wait_dma2 semaphore(%arg26 : memref<!tpu.dma_semaphore, #tpu.memory_space<semaphore_mem>>) src(%arg18 : memref<12288xf32, #tpu.memory_space<vmem>>) dst(%dma_wait3A_1010 : memref<12288xf32, #tpu.memory_space<hbm>>)
        %dma_wait3A_1011 = arith.constant 0 : i32
        %dma_wait3A_1012 = tpu.memref_slice %arg7[%dma_wait3A_1011] : memref<131072xf32, #tpu.memory_space<hbm>> -> memref<64xf32, #tpu.memory_space<hbm>>
        %dma_wait3A_1013 = arith.constant 0 : i32
        %dma_wait3A_1014 = tpu.memref_slice %arg7[%dma_wait3A_1013] : memref<131072xf32, #tpu.memory_space<hbm>> -> memref<64xf32, #tpu.memory_space<hbm>>
        tpu.wait_dma2 semaphore(%arg26 : memref<!tpu.dma_semaphore, #tpu.memory_space<semaphore_mem>>) src(%arg20 : memref<64xf32, #tpu.memory_space<vmem>>) dst(%dma_wait3A_1014 : memref<64xf32, #tpu.memory_space<hbm>>)
      } else {
      }
      %parallel_loop3A_488 = arith.constant 0 : i32
      %parallel_loop3A_489 = arith.constant 192 : i32
      %parallel_loop3A_490 = arith.constant 1 : i32
      %parallel_loop3A_491:12 = scf.for %parallel_loop3A_1007 = %parallel_loop3A_488 to %parallel_loop3A_489 step %parallel_loop3A_490 iter_args(%parallel_loop3A_1008 = %broadcast_in_dim3A_3, %parallel_loop3A_1009 = %broadcast_in_dim3A_3, %parallel_loop3A_1010 = %mul3A_25, %parallel_loop3A_1011 = %broadcast_in_dim3A_3, %parallel_loop3A_1012 = %broadcast_in_dim3A_3, %parallel_loop3A_1013 = %mul3A_31, %parallel_loop3A_1014 = %broadcast_in_dim3A_3, %parallel_loop3A_1015 = %broadcast_in_dim3A_3, %parallel_loop3A_1016 = %mul3A_37, %parallel_loop3A_1017 = %broadcast_in_dim3A_3, %parallel_loop3A_1018 = %broadcast_in_dim3A_3, %parallel_loop3A_1019 = %mul3A_43) -> (vector<16xf32>, vector<16xf32>, vector<16xi32>, vector<16xf32>, vector<16xf32>, vector<16xi32>, vector<16xf32>, vector<16xf32>, vector<16xi32>, vector<16xf32>, vector<16xf32>, vector<16xi32>)  : i32 {
        %parallel_loop3A_1020 = arith.constant 64 : i32
        %parallel_loop3A_1021 = arith.muli %parallel_loop3A_1007, %parallel_loop3A_1020 : i32
        %parallel_loop3A_1022 = arith.constant 0 : i32
        %parallel_loop3A_1023 = arith.addi %parallel_loop3A_1021, %parallel_loop3A_1022 : i32
        %parallel_loop3A_1024 = arith.index_cast %parallel_loop3A_1023 : i32 to index
        %parallel_loop3A_1025 = tpu.vector_load %arg14[%parallel_loop3A_1024] {strides = array<i32>} : memref<12416xf32, #tpu.memory_space<vmem>>, vector<16xf32>,
        %parallel_loop3A_1026 = arith.constant 0 : i32
        %parallel_loop3A_1027 = arith.addi %parallel_loop3A_1021, %parallel_loop3A_1026 : i32
        %parallel_loop3A_1028 = arith.index_cast %parallel_loop3A_1027 : i32 to index
        %parallel_loop3A_1029 = tpu.vector_load %arg16[%parallel_loop3A_1028] {strides = array<i32>} : memref<12416xf32, #tpu.memory_space<vmem>>, vector<16xf32>,
        %parallel_loop3A_1030 = arith.addf %parallel_loop3A_1008, %parallel_loop3A_1029 : vector<16xf32>
        %parallel_loop3A_1031 = arith.addf %parallel_loop3A_1009, %parallel_loop3A_1030 : vector<16xf32>
        %parallel_loop3A_1032 = arith.addf %parallel_loop3A_1031, %parallel_loop3A_1025 : vector<16xf32>
        tpu.vector_store_idx %arg18[%parallel_loop3A_1010], %parallel_loop3A_1032 : memref<12288xf32, #tpu.memory_space<vmem>>[vector<16xi32>], vector<16xf32>,
        %parallel_loop3A_1033 = arith.constant 1 : i32
        %parallel_loop3A_1034 = vector.broadcast %parallel_loop3A_1033 : i32 to vector<16xi32>
        %parallel_loop3A_1035 = arith.addi %parallel_loop3A_1010, %parallel_loop3A_1034 : vector<16xi32>
        %parallel_loop3A_1036 = arith.constant 16 : i32
        %parallel_loop3A_1037 = arith.addi %parallel_loop3A_1021, %parallel_loop3A_1036 : i32
        %parallel_loop3A_1038 = arith.index_cast %parallel_loop3A_1037 : i32 to index
        %parallel_loop3A_1039 = tpu.vector_load %arg14[%parallel_loop3A_1038] {strides = array<i32>} : memref<12416xf32, #tpu.memory_space<vmem>>, vector<16xf32>,
        %parallel_loop3A_1040 = arith.constant 16 : i32
        %parallel_loop3A_1041 = arith.addi %parallel_loop3A_1021, %parallel_loop3A_1040 : i32
        %parallel_loop3A_1042 = arith.index_cast %parallel_loop3A_1041 : i32 to index
        %parallel_loop3A_1043 = tpu.vector_load %arg16[%parallel_loop3A_1042] {strides = array<i32>} : memref<12416xf32, #tpu.memory_space<vmem>>, vector<16xf32>,
        %parallel_loop3A_1044 = arith.addf %parallel_loop3A_1011, %parallel_loop3A_1043 : vector<16xf32>
        %parallel_loop3A_1045 = arith.addf %parallel_loop3A_1012, %parallel_loop3A_1044 : vector<16xf32>
        %parallel_loop3A_1046 = arith.addf %parallel_loop3A_1045, %parallel_loop3A_1039 : vector<16xf32>
        tpu.vector_store_idx %arg18[%parallel_loop3A_1013], %parallel_loop3A_1046 : memref<12288xf32, #tpu.memory_space<vmem>>[vector<16xi32>], vector<16xf32>,
        %parallel_loop3A_1047 = arith.constant 1 : i32
        %parallel_loop3A_1048 = vector.broadcast %parallel_loop3A_1047 : i32 to vector<16xi32>
        %parallel_loop3A_1049 = arith.addi %parallel_loop3A_1013, %parallel_loop3A_1048 : vector<16xi32>
        %parallel_loop3A_1050 = arith.constant 32 : i32
        %parallel_loop3A_1051 = arith.addi %parallel_loop3A_1021, %parallel_loop3A_1050 : i32
        %parallel_loop3A_1052 = arith.index_cast %parallel_loop3A_1051 : i32 to index
        %parallel_loop3A_1053 = tpu.vector_load %arg14[%parallel_loop3A_1052] {strides = array<i32>} : memref<12416xf32, #tpu.memory_space<vmem>>, vector<16xf32>,
        %parallel_loop3A_1054 = arith.constant 32 : i32
        %parallel_loop3A_1055 = arith.addi %parallel_loop3A_1021, %parallel_loop3A_1054 : i32
        %parallel_loop3A_1056 = arith.index_cast %parallel_loop3A_1055 : i32 to index
        %parallel_loop3A_1057 = tpu.vector_load %arg16[%parallel_loop3A_1056] {strides = array<i32>} : memref<12416xf32, #tpu.memory_space<vmem>>, vector<16xf32>,
        %parallel_loop3A_1058 = arith.addf %parallel_loop3A_1014, %parallel_loop3A_1057 : vector<16xf32>
        %parallel_loop3A_1059 = arith.addf %parallel_loop3A_1015, %parallel_loop3A_1058 : vector<16xf32>
        %parallel_loop3A_1060 = arith.addf %parallel_loop3A_1059, %parallel_loop3A_1053 : vector<16xf32>
        tpu.vector_store_idx %arg18[%parallel_loop3A_1016], %parallel_loop3A_1060 : memref<12288xf32, #tpu.memory_space<vmem>>[vector<16xi32>], vector<16xf32>,
        %parallel_loop3A_1061 = arith.constant 1 : i32
        %parallel_loop3A_1062 = vector.broadcast %parallel_loop3A_1061 : i32 to vector<16xi32>
        %parallel_loop3A_1063 = arith.addi %parallel_loop3A_1016, %parallel_loop3A_1062 : vector<16xi32>
        %parallel_loop3A_1064 = arith.constant 48 : i32
        %parallel_loop3A_1065 = arith.addi %parallel_loop3A_1021, %parallel_loop3A_1064 : i32
        %parallel_loop3A_1066 = arith.index_cast %parallel_loop3A_1065 : i32 to index
        %parallel_loop3A_1067 = tpu.vector_load %arg14[%parallel_loop3A_1066] {strides = array<i32>} : memref<12416xf32, #tpu.memory_space<vmem>>, vector<16xf32>,
        %parallel_loop3A_1068 = arith.constant 48 : i32
        %parallel_loop3A_1069 = arith.addi %parallel_loop3A_1021, %parallel_loop3A_1068 : i32
        %parallel_loop3A_1070 = arith.index_cast %parallel_loop3A_1069 : i32 to index
        %parallel_loop3A_1071 = tpu.vector_load %arg16[%parallel_loop3A_1070] {strides = array<i32>} : memref<12416xf32, #tpu.memory_space<vmem>>, vector<16xf32>,
        %parallel_loop3A_1072 = arith.addf %parallel_loop3A_1017, %parallel_loop3A_1071 : vector<16xf32>
        %parallel_loop3A_1073 = arith.addf %parallel_loop3A_1018, %parallel_loop3A_1072 : vector<16xf32>
        %parallel_loop3A_1074 = arith.addf %parallel_loop3A_1073, %parallel_loop3A_1067 : vector<16xf32>
        tpu.vector_store_idx %arg18[%parallel_loop3A_1019], %parallel_loop3A_1074 : memref<12288xf32, #tpu.memory_space<vmem>>[vector<16xi32>], vector<16xf32>,
        %parallel_loop3A_1075 = arith.constant 1 : i32
        %parallel_loop3A_1076 = vector.broadcast %parallel_loop3A_1075 : i32 to vector<16xi32>
        %parallel_loop3A_1077 = arith.addi %parallel_loop3A_1019, %parallel_loop3A_1076 : vector<16xi32>
        scf.yield %parallel_loop3A_1030, %parallel_loop3A_1032, %parallel_loop3A_1035, %parallel_loop3A_1044, %parallel_loop3A_1046, %parallel_loop3A_1049, %parallel_loop3A_1058, %parallel_loop3A_1060, %parallel_loop3A_1063, %parallel_loop3A_1072, %parallel_loop3A_1074, %parallel_loop3A_1077 : vector<16xf32>, vector<16xf32>, vector<16xi32>, vector<16xf32>, vector<16xf32>, vector<16xi32>, vector<16xf32>, vector<16xf32>, vector<16xi32>, vector<16xf32>, vector<16xf32>, vector<16xi32>
      } {sc.loop_unroll_factor = 1 : i64, sc.parallel_access}
      %get3A_492 = arith.constant 12288 : index
      %get3A_493 = tpu.vector_load %arg14[%get3A_492] {strides = array<i32>} : memref<12416xf32, #tpu.memory_space<vmem>>, vector<16xf32>,
      %get3A_494 = arith.constant 12288 : index
      %get3A_495 = tpu.vector_load %arg16[%get3A_494] {strides = array<i32>} : memref<12416xf32, #tpu.memory_space<vmem>>, vector<16xf32>,
      %add3A_496 = arith.addf %parallel_loop3A_491#0, %get3A_495 : vector<16xf32>
      %add3A_497 = arith.addf %parallel_loop3A_491#1, %add3A_496 : vector<16xf32>
      %add3A_498 = arith.addf %add3A_497, %get3A_493 : vector<16xf32>
      %swap3A = arith.constant 0 : index
      %swap3A_499 = tpu.vector_load %arg20[%swap3A] {strides = array<i32>} : memref<64xf32, #tpu.memory_space<vmem>>, vector<16xf32>,
      tpu.vector_store %arg20[%swap3A], %add3A_498 {strides = array<i32>} : memref<64xf32, #tpu.memory_space<vmem>>, vector<16xf32>,
      %get3A_500 = arith.constant 12304 : index
      %get3A_501 = tpu.vector_load %arg14[%get3A_500] {strides = array<i32>} : memref<12416xf32, #tpu.memory_space<vmem>>, vector<16xf32>,
      %get3A_502 = arith.constant 12304 : index
      %get3A_503 = tpu.vector_load %arg16[%get3A_502] {strides = array<i32>} : memref<12416xf32, #tpu.memory_space<vmem>>, vector<16xf32>,
      %add3A_504 = arith.addf %parallel_loop3A_491#3, %get3A_503 : vector<16xf32>
      %add3A_505 = arith.addf %parallel_loop3A_491#4, %add3A_504 : vector<16xf32>
      %add3A_506 = arith.addf %add3A_505, %get3A_501 : vector<16xf32>
      %swap3A_507 = arith.constant 16 : index
      %swap3A_508 = tpu.vector_load %arg20[%swap3A_507] {strides = array<i32>} : memref<64xf32, #tpu.memory_space<vmem>>, vector<16xf32>,
      tpu.vector_store %arg20[%swap3A_507], %add3A_506 {strides = array<i32>} : memref<64xf32, #tpu.memory_space<vmem>>, vector<16xf32>,
      %get3A_509 = arith.constant 12320 : index
      %get3A_510 = tpu.vector_load %arg14[%get3A_509] {strides = array<i32>} : memref<12416xf32, #tpu.memory_space<vmem>>, vector<16xf32>,
      %get3A_511 = arith.constant 12320 : index
      %get3A_512 = tpu.vector_load %arg16[%get3A_511] {strides = array<i32>} : memref<12416xf32, #tpu.memory_space<vmem>>, vector<16xf32>,
      %add3A_513 = arith.addf %parallel_loop3A_491#6, %get3A_512 : vector<16xf32>
      %add3A_514 = arith.addf %parallel_loop3A_491#7, %add3A_513 : vector<16xf32>
      %add3A_515 = arith.addf %add3A_514, %get3A_510 : vector<16xf32>
      %swap3A_516 = arith.constant 32 : index
      %swap3A_517 = tpu.vector_load %arg20[%swap3A_516] {strides = array<i32>} : memref<64xf32, #tpu.memory_space<vmem>>, vector<16xf32>,
      tpu.vector_store %arg20[%swap3A_516], %add3A_515 {strides = array<i32>} : memref<64xf32, #tpu.memory_space<vmem>>, vector<16xf32>,
      %get3A_518 = arith.constant 12336 : index
      %get3A_519 = tpu.vector_load %arg14[%get3A_518] {strides = array<i32>} : memref<12416xf32, #tpu.memory_space<vmem>>, vector<16xf32>,
      %get3A_520 = arith.constant 12336 : index
      %get3A_521 = tpu.vector_load %arg16[%get3A_520] {strides = array<i32>} : memref<12416xf32, #tpu.memory_space<vmem>>, vector<16xf32>,
      %add3A_522 = arith.addf %parallel_loop3A_491#9, %get3A_521 : vector<16xf32>
      %add3A_523 = arith.addf %parallel_loop3A_491#10, %add3A_522 : vector<16xf32>
      %add3A_524 = arith.addf %add3A_523, %get3A_519 : vector<16xf32>
      %swap3A_525 = arith.constant 48 : index
      %swap3A_526 = tpu.vector_load %arg20[%swap3A_525] {strides = array<i32>} : memref<64xf32, #tpu.memory_space<vmem>>, vector<16xf32>,
      tpu.vector_store %arg20[%swap3A_525], %add3A_524 {strides = array<i32>} : memref<64xf32, #tpu.memory_space<vmem>>, vector<16xf32>,
      %mul3A_527 = arith.constant 64 : i32
      %mul3A_528 = arith.muli %add3A_91, %mul3A_527 : i32
      %add3A_529 = arith.addi %mul3A_2, %mul3A_528 : i32
      %mul3A_530 = arith.constant 192 : i32
      %mul3A_531 = arith.muli %add3A_529, %mul3A_530 : i32
      %dma_start3A_532 = tpu.memref_slice %arg6[%mul3A_531] : memref<25165824xf32, #tpu.memory_space<hbm>> -> memref<12288xf32, #tpu.memory_space<hbm>>
      %dma_start3A_533 = tpu.memref_slice %arg6[%mul3A_531] : memref<25165824xf32, #tpu.memory_space<hbm>> -> memref<12288xf32, #tpu.memory_space<hbm>>
      tpu.enqueue_dma source(%arg18 : memref<12288xf32, #tpu.memory_space<vmem>>) target(%dma_start3A_533 : memref<12288xf32, #tpu.memory_space<hbm>>) target_semaphore(%arg26 : memref<!tpu.dma_semaphore, #tpu.memory_space<semaphore_mem>>)
      %dma_start3A_534 = tpu.memref_slice %arg7[%add3A_529] : memref<131072xf32, #tpu.memory_space<hbm>> -> memref<64xf32, #tpu.memory_space<hbm>>
      %dma_start3A_535 = tpu.memref_slice %arg7[%add3A_529] : memref<131072xf32, #tpu.memory_space<hbm>> -> memref<64xf32, #tpu.memory_space<hbm>>
      tpu.enqueue_dma source(%arg20 : memref<64xf32, #tpu.memory_space<vmem>>) target(%dma_start3A_535 : memref<64xf32, #tpu.memory_space<hbm>>) target_semaphore(%arg26 : memref<!tpu.dma_semaphore, #tpu.memory_space<semaphore_mem>>)
      %lt3A_536 = arith.constant 62 : i32
      %lt3A_537 = arith.cmpi slt, %mul3A_89, %lt3A_536 : i32
      %convert_element_type3A_538 = arith.extui %lt3A_537 : i1 to i32
      %cond3A_539 = arith.constant 0 : i32
      %cond3A_540 = arith.cmpi ne, %convert_element_type3A_538, %cond3A_539 : i32
      scf.if %cond3A_540 {
        tpu.enqueue_dma source(%arg5 : memref<12416xf32, #tpu.memory_space<hbm>>) target(%arg14 : memref<12416xf32, #tpu.memory_space<vmem>>) target_semaphore(%arg24 : memref<!tpu.dma_semaphore, #tpu.memory_space<semaphore_mem>>)
        tpu.enqueue_dma source(%arg5 : memref<12416xf32, #tpu.memory_space<hbm>>) target(%arg16 : memref<12416xf32, #tpu.memory_space<vmem>>) target_semaphore(%arg24 : memref<!tpu.dma_semaphore, #tpu.memory_space<semaphore_mem>>)
      } else {
      }
      %add3A_541 = arith.constant 1 : i32
      %add3A_542 = arith.addi %mul3A_89, %add3A_541 : i32
      %dma_wait3A_543 = arith.constant 0 : i32
      %dma_wait3A_544 = tpu.memref_slice %arg2[%dma_wait3A_543] : memref<8388608xf32, #tpu.memory_space<hbm>> -> memref<4096xf32, #tpu.memory_space<hbm>>
      %dma_wait3A_545 = arith.constant 0 : i32
      %dma_wait3A_546 = tpu.memref_slice %arg2[%dma_wait3A_545] : memref<8388608xf32, #tpu.memory_space<hbm>> -> memref<4096xf32, #tpu.memory_space<hbm>>
      tpu.wait_dma2 semaphore(%arg23 : memref<!tpu.dma_semaphore, #tpu.memory_space<semaphore_mem>>) src(%dma_wait3A_546 : memref<4096xf32, #tpu.memory_space<hbm>>) dst(%arg9 : memref<4096xf32, #tpu.memory_space<vmem>>)
      %dma_wait3A_547 = arith.constant 0 : i32
      %dma_wait3A_548 = tpu.memref_slice %arg3[%dma_wait3A_547] : memref<8388608xf32, #tpu.memory_space<hbm>> -> memref<4096xf32, #tpu.memory_space<hbm>>
      %dma_wait3A_549 = arith.constant 0 : i32
      %dma_wait3A_550 = tpu.memref_slice %arg3[%dma_wait3A_549] : memref<8388608xf32, #tpu.memory_space<hbm>> -> memref<4096xf32, #tpu.memory_space<hbm>>
      tpu.wait_dma2 semaphore(%arg23 : memref<!tpu.dma_semaphore, #tpu.memory_space<semaphore_mem>>) src(%dma_wait3A_550 : memref<4096xf32, #tpu.memory_space<hbm>>) dst(%arg11 : memref<4096xf32, #tpu.memory_space<vmem>>)
      %dma_wait3A_551 = arith.constant 0 : i32
      %dma_wait3A_552 = tpu.memref_slice %arg4[%dma_wait3A_551] : memref<131072xf32, #tpu.memory_space<hbm>> -> memref<64xf32, #tpu.memory_space<hbm>>
      %dma_wait3A_553 = arith.constant 0 : i32
      %dma_wait3A_554 = tpu.memref_slice %arg4[%dma_wait3A_553] : memref<131072xf32, #tpu.memory_space<hbm>> -> memref<64xf32, #tpu.memory_space<hbm>>
      tpu.wait_dma2 semaphore(%arg23 : memref<!tpu.dma_semaphore, #tpu.memory_space<semaphore_mem>>) src(%dma_wait3A_554 : memref<64xf32, #tpu.memory_space<hbm>>) dst(%arg13 : memref<64xf32, #tpu.memory_space<vmem>>)
      %parallel_loop3A_555 = arith.constant 0 : i32
      %parallel_loop3A_556 = arith.constant 64 : i32
      %parallel_loop3A_557 = arith.constant 1 : i32
      %parallel_loop3A_558:4 = scf.for %parallel_loop3A_1007 = %parallel_loop3A_555 to %parallel_loop3A_556 step %parallel_loop3A_557 iter_args(%parallel_loop3A_1008 = %broadcast_in_dim3A_3, %parallel_loop3A_1009 = %broadcast_in_dim3A_3, %parallel_loop3A_1010 = %broadcast_in_dim3A_3, %parallel_loop3A_1011 = %broadcast_in_dim3A_3) -> (vector<16xf32>, vector<16xf32>, vector<16xf32>, vector<16xf32>)  : i32 {
        %parallel_loop3A_1012 = arith.constant 64 : i32
        %parallel_loop3A_1013 = vector.broadcast %parallel_loop3A_1012 : i32 to vector<16xi32>
        %parallel_loop3A_1014 = arith.muli %add3A_10, %parallel_loop3A_1013 : vector<16xi32>
        %parallel_loop3A_1015 = vector.broadcast %parallel_loop3A_1007 : i32 to vector<16xi32>
        %parallel_loop3A_1016 = arith.addi %parallel_loop3A_1014, %parallel_loop3A_1015 : vector<16xi32>
        %parallel_loop3A_1017 = tpu.vector_load_idx %arg9[%parallel_loop3A_1016] : memref<4096xf32, #tpu.memory_space<vmem>>[vector<16xi32>], vector<16xf32>,
        %parallel_loop3A_1018 = arith.addf %parallel_loop3A_1008, %parallel_loop3A_1017 : vector<16xf32>
        %parallel_loop3A_1019 = arith.constant 64 : i32
        %parallel_loop3A_1020 = vector.broadcast %parallel_loop3A_1019 : i32 to vector<16xi32>
        %parallel_loop3A_1021 = arith.muli %add3A_13, %parallel_loop3A_1020 : vector<16xi32>
        %parallel_loop3A_1022 = vector.broadcast %parallel_loop3A_1007 : i32 to vector<16xi32>
        %parallel_loop3A_1023 = arith.addi %parallel_loop3A_1021, %parallel_loop3A_1022 : vector<16xi32>
        %parallel_loop3A_1024 = tpu.vector_load_idx %arg9[%parallel_loop3A_1023] : memref<4096xf32, #tpu.memory_space<vmem>>[vector<16xi32>], vector<16xf32>,
        %parallel_loop3A_1025 = arith.addf %parallel_loop3A_1009, %parallel_loop3A_1024 : vector<16xf32>
        %parallel_loop3A_1026 = arith.constant 64 : i32
        %parallel_loop3A_1027 = vector.broadcast %parallel_loop3A_1026 : i32 to vector<16xi32>
        %parallel_loop3A_1028 = arith.muli %add3A_16, %parallel_loop3A_1027 : vector<16xi32>
        %parallel_loop3A_1029 = vector.broadcast %parallel_loop3A_1007 : i32 to vector<16xi32>
        %parallel_loop3A_1030 = arith.addi %parallel_loop3A_1028, %parallel_loop3A_1029 : vector<16xi32>
        %parallel_loop3A_1031 = tpu.vector_load_idx %arg9[%parallel_loop3A_1030] : memref<4096xf32, #tpu.memory_space<vmem>>[vector<16xi32>], vector<16xf32>,
        %parallel_loop3A_1032 = arith.addf %parallel_loop3A_1010, %parallel_loop3A_1031 : vector<16xf32>
        %parallel_loop3A_1033 = arith.constant 64 : i32
        %parallel_loop3A_1034 = vector.broadcast %parallel_loop3A_1033 : i32 to vector<16xi32>
        %parallel_loop3A_1035 = arith.muli %add3A_19, %parallel_loop3A_1034 : vector<16xi32>
        %parallel_loop3A_1036 = vector.broadcast %parallel_loop3A_1007 : i32 to vector<16xi32>
        %parallel_loop3A_1037 = arith.addi %parallel_loop3A_1035, %parallel_loop3A_1036 : vector<16xi32>
        %parallel_loop3A_1038 = tpu.vector_load_idx %arg9[%parallel_loop3A_1037] : memref<4096xf32, #tpu.memory_space<vmem>>[vector<16xi32>], vector<16xf32>,
        %parallel_loop3A_1039 = arith.addf %parallel_loop3A_1011, %parallel_loop3A_1038 : vector<16xf32>
        scf.yield %parallel_loop3A_1018, %parallel_loop3A_1025, %parallel_loop3A_1032, %parallel_loop3A_1039 : vector<16xf32>, vector<16xf32>, vector<16xf32>, vector<16xf32>
      } {sc.loop_unroll_factor = 1 : i64, sc.parallel_access}
      %add3A_559 = arith.constant 6.400000e-01 : f32
      %add3A_560 = vector.broadcast %add3A_559 : f32 to vector<16xf32>
      %add3A_561 = arith.addf %parallel_loop3A_558#0, %add3A_560 : vector<16xf32>
      %sub3A_562 = arith.constant 9.99999974E-6 : f32
      %sub3A_563 = vector.broadcast %sub3A_562 : f32 to vector<16xf32>
      %sub3A_564 = arith.subf %sub3A_563, %add3A_561 : vector<16xf32>
      %max3A_565 = arith.constant 0.000000e+00 : f32
      %max3A_566 = vector.broadcast %max3A_565 : f32 to vector<16xf32>
      %max3A_567 = arith.maximumf %sub3A_564, %max3A_566 : vector<16xf32>
      %add3A_568 = arith.addf %add3A_561, %max3A_567 : vector<16xf32>
      %div3A_569 = arith.constant 1.000000e+00 : f32
      %div3A_570 = vector.broadcast %div3A_569 : f32 to vector<16xf32>
      %div3A_571 = arith.divf %div3A_570, %add3A_568 : vector<16xf32>
      %mul3A_572 = arith.constant 1.562500e-02 : f32
      %mul3A_573 = vector.broadcast %mul3A_572 : f32 to vector<16xf32>
      %mul3A_574 = arith.mulf %max3A_567, %mul3A_573 : vector<16xf32>
      %add3A_575 = arith.constant 0.00999999977 : f32
      %add3A_576 = vector.broadcast %add3A_575 : f32 to vector<16xf32>
      %add3A_577 = arith.addf %mul3A_574, %add3A_576 : vector<16xf32>
      %add3A_578 = arith.constant 6.400000e-01 : f32
      %add3A_579 = vector.broadcast %add3A_578 : f32 to vector<16xf32>
      %add3A_580 = arith.addf %parallel_loop3A_558#1, %add3A_579 : vector<16xf32>
      %sub3A_581 = arith.constant 9.99999974E-6 : f32
      %sub3A_582 = vector.broadcast %sub3A_581 : f32 to vector<16xf32>
      %sub3A_583 = arith.subf %sub3A_582, %add3A_580 : vector<16xf32>
      %max3A_584 = arith.constant 0.000000e+00 : f32
      %max3A_585 = vector.broadcast %max3A_584 : f32 to vector<16xf32>
      %max3A_586 = arith.maximumf %sub3A_583, %max3A_585 : vector<16xf32>
      %add3A_587 = arith.addf %add3A_580, %max3A_586 : vector<16xf32>
      %div3A_588 = arith.constant 1.000000e+00 : f32
      %div3A_589 = vector.broadcast %div3A_588 : f32 to vector<16xf32>
      %div3A_590 = arith.divf %div3A_589, %add3A_587 : vector<16xf32>
      %mul3A_591 = arith.constant 1.562500e-02 : f32
      %mul3A_592 = vector.broadcast %mul3A_591 : f32 to vector<16xf32>
      %mul3A_593 = arith.mulf %max3A_586, %mul3A_592 : vector<16xf32>
      %add3A_594 = arith.constant 0.00999999977 : f32
      %add3A_595 = vector.broadcast %add3A_594 : f32 to vector<16xf32>
      %add3A_596 = arith.addf %mul3A_593, %add3A_595 : vector<16xf32>
      %add3A_597 = arith.constant 6.400000e-01 : f32
      %add3A_598 = vector.broadcast %add3A_597 : f32 to vector<16xf32>
      %add3A_599 = arith.addf %parallel_loop3A_558#2, %add3A_598 : vector<16xf32>
      %sub3A_600 = arith.constant 9.99999974E-6 : f32
      %sub3A_601 = vector.broadcast %sub3A_600 : f32 to vector<16xf32>
      %sub3A_602 = arith.subf %sub3A_601, %add3A_599 : vector<16xf32>
      %max3A_603 = arith.constant 0.000000e+00 : f32
      %max3A_604 = vector.broadcast %max3A_603 : f32 to vector<16xf32>
      %max3A_605 = arith.maximumf %sub3A_602, %max3A_604 : vector<16xf32>
      %add3A_606 = arith.addf %add3A_599, %max3A_605 : vector<16xf32>
      %div3A_607 = arith.constant 1.000000e+00 : f32
      %div3A_608 = vector.broadcast %div3A_607 : f32 to vector<16xf32>
      %div3A_609 = arith.divf %div3A_608, %add3A_606 : vector<16xf32>
      %mul3A_610 = arith.constant 1.562500e-02 : f32
      %mul3A_611 = vector.broadcast %mul3A_610 : f32 to vector<16xf32>
      %mul3A_612 = arith.mulf %max3A_605, %mul3A_611 : vector<16xf32>
      %add3A_613 = arith.constant 0.00999999977 : f32
      %add3A_614 = vector.broadcast %add3A_613 : f32 to vector<16xf32>
      %add3A_615 = arith.addf %mul3A_612, %add3A_614 : vector<16xf32>
      %add3A_616 = arith.constant 6.400000e-01 : f32
      %add3A_617 = vector.broadcast %add3A_616 : f32 to vector<16xf32>
      %add3A_618 = arith.addf %parallel_loop3A_558#3, %add3A_617 : vector<16xf32>
      %sub3A_619 = arith.constant 9.99999974E-6 : f32
      %sub3A_620 = vector.broadcast %sub3A_619 : f32 to vector<16xf32>
      %sub3A_621 = arith.subf %sub3A_620, %add3A_618 : vector<16xf32>
      %max3A_622 = arith.constant 0.000000e+00 : f32
      %max3A_623 = vector.broadcast %max3A_622 : f32 to vector<16xf32>
      %max3A_624 = arith.maximumf %sub3A_621, %max3A_623 : vector<16xf32>
      %add3A_625 = arith.addf %add3A_618, %max3A_624 : vector<16xf32>
      %div3A_626 = arith.constant 1.000000e+00 : f32
      %div3A_627 = vector.broadcast %div3A_626 : f32 to vector<16xf32>
      %div3A_628 = arith.divf %div3A_627, %add3A_625 : vector<16xf32>
      %mul3A_629 = arith.constant 1.562500e-02 : f32
      %mul3A_630 = vector.broadcast %mul3A_629 : f32 to vector<16xf32>
      %mul3A_631 = arith.mulf %max3A_624, %mul3A_630 : vector<16xf32>
      %add3A_632 = arith.constant 0.00999999977 : f32
      %add3A_633 = vector.broadcast %add3A_632 : f32 to vector<16xf32>
      %add3A_634 = arith.addf %mul3A_631, %add3A_633 : vector<16xf32>
      tpu.wait_dma2 semaphore(%arg25 : memref<!tpu.dma_semaphore, #tpu.memory_space<semaphore_mem>>) src(%arg5 : memref<12416xf32, #tpu.memory_space<hbm>>) dst(%arg15 : memref<12416xf32, #tpu.memory_space<vmem>>)
      tpu.wait_dma2 semaphore(%arg25 : memref<!tpu.dma_semaphore, #tpu.memory_space<semaphore_mem>>) src(%arg5 : memref<12416xf32, #tpu.memory_space<hbm>>) dst(%arg17 : memref<12416xf32, #tpu.memory_space<vmem>>)
      %get3A_635 = arith.constant 0 : index
      %get3A_636 = tpu.vector_load %arg13[%get3A_635] {strides = array<i32>} : memref<64xf32, #tpu.memory_space<vmem>>, vector<16xf32>,
      %get3A_637 = arith.constant 16 : index
      %get3A_638 = tpu.vector_load %arg13[%get3A_637] {strides = array<i32>} : memref<64xf32, #tpu.memory_space<vmem>>, vector<16xf32>,
      %get3A_639 = arith.constant 32 : index
      %get3A_640 = tpu.vector_load %arg13[%get3A_639] {strides = array<i32>} : memref<64xf32, #tpu.memory_space<vmem>>, vector<16xf32>,
      %get3A_641 = arith.constant 48 : index
      %get3A_642 = tpu.vector_load %arg13[%get3A_641] {strides = array<i32>} : memref<64xf32, #tpu.memory_space<vmem>>, vector<16xf32>,
      %mul3A_643 = arith.constant 64 : i32
      %mul3A_644 = vector.broadcast %mul3A_643 : i32 to vector<16xi32>
      %mul3A_645 = arith.muli %add3A_10, %mul3A_644 : vector<16xi32>
      %gather3A_646 = tpu.vector_load_idx %arg11[%mul3A_645] : memref<4096xf32, #tpu.memory_space<vmem>>[vector<16xi32>], vector<16xf32>,
      %mul3A_647 = arith.constant 64 : i32
      %mul3A_648 = vector.broadcast %mul3A_647 : i32 to vector<16xi32>
      %mul3A_649 = arith.muli %add3A_13, %mul3A_648 : vector<16xi32>
      %gather3A_650 = tpu.vector_load_idx %arg11[%mul3A_649] : memref<4096xf32, #tpu.memory_space<vmem>>[vector<16xi32>], vector<16xf32>,
      %mul3A_651 = arith.constant 64 : i32
      %mul3A_652 = vector.broadcast %mul3A_651 : i32 to vector<16xi32>
      %mul3A_653 = arith.muli %add3A_16, %mul3A_652 : vector<16xi32>
      %gather3A_654 = tpu.vector_load_idx %arg11[%mul3A_653] : memref<4096xf32, #tpu.memory_space<vmem>>[vector<16xi32>], vector<16xf32>,
      %mul3A_655 = arith.constant 64 : i32
      %mul3A_656 = vector.broadcast %mul3A_655 : i32 to vector<16xi32>
      %mul3A_657 = arith.muli %add3A_19, %mul3A_656 : vector<16xi32>
      %gather3A_658 = tpu.vector_load_idx %arg11[%mul3A_657] : memref<4096xf32, #tpu.memory_space<vmem>>[vector<16xi32>], vector<16xf32>,
      tpu.vector_store_idx %arg15[%add3A_10], %gather3A_646 : memref<12416xf32, #tpu.memory_space<vmem>>[vector<16xi32>], vector<16xf32>,
      tpu.vector_store_idx %arg15[%add3A_13], %gather3A_650 : memref<12416xf32, #tpu.memory_space<vmem>>[vector<16xi32>], vector<16xf32>,
      tpu.vector_store_idx %arg15[%add3A_16], %gather3A_654 : memref<12416xf32, #tpu.memory_space<vmem>>[vector<16xi32>], vector<16xf32>,
      tpu.vector_store_idx %arg15[%add3A_19], %gather3A_658 : memref<12416xf32, #tpu.memory_space<vmem>>[vector<16xi32>], vector<16xf32>,
      %parallel_loop3A_659 = arith.constant 1 : i32
      %parallel_loop3A_660 = arith.constant 64 : i32
      %parallel_loop3A_661 = arith.constant 1 : i32
      %parallel_loop3A_662:20 = scf.for %parallel_loop3A_1007 = %parallel_loop3A_659 to %parallel_loop3A_660 step %parallel_loop3A_661 iter_args(%parallel_loop3A_1008 = %broadcast_in_dim3A_3, %parallel_loop3A_1009 = %broadcast_in_dim3A_3, %parallel_loop3A_1010 = %gather3A_646, %parallel_loop3A_1011 = %broadcast_in_dim3A_3, %parallel_loop3A_1012 = %add3A_10, %parallel_loop3A_1013 = %broadcast_in_dim3A_3, %parallel_loop3A_1014 = %broadcast_in_dim3A_3, %parallel_loop3A_1015 = %gather3A_650, %parallel_loop3A_1016 = %broadcast_in_dim3A_3, %parallel_loop3A_1017 = %add3A_13, %parallel_loop3A_1018 = %broadcast_in_dim3A_3, %parallel_loop3A_1019 = %broadcast_in_dim3A_3, %parallel_loop3A_1020 = %gather3A_654, %parallel_loop3A_1021 = %broadcast_in_dim3A_3, %parallel_loop3A_1022 = %add3A_16, %parallel_loop3A_1023 = %broadcast_in_dim3A_3, %parallel_loop3A_1024 = %broadcast_in_dim3A_3, %parallel_loop3A_1025 = %gather3A_658, %parallel_loop3A_1026 = %broadcast_in_dim3A_3, %parallel_loop3A_1027 = %add3A_19) -> (vector<16xf32>, vector<16xf32>, vector<16xf32>, vector<16xf32>, vector<16xi32>, vector<16xf32>, vector<16xf32>, vector<16xf32>, vector<16xf32>, vector<16xi32>, vector<16xf32>, vector<16xf32>, vector<16xf32>, vector<16xf32>, vector<16xi32>, vector<16xf32>, vector<16xf32>, vector<16xf32>, vector<16xf32>, vector<16xi32>)  : i32 {
        %parallel_loop3A_1028 = arith.constant 64 : i32
        %parallel_loop3A_1029 = vector.broadcast %parallel_loop3A_1028 : i32 to vector<16xi32>
        %parallel_loop3A_1030 = arith.muli %add3A_10, %parallel_loop3A_1029 : vector<16xi32>
        %parallel_loop3A_1031 = vector.broadcast %parallel_loop3A_1007 : i32 to vector<16xi32>
        %parallel_loop3A_1032 = arith.addi %parallel_loop3A_1030, %parallel_loop3A_1031 : vector<16xi32>
        %parallel_loop3A_1033 = tpu.vector_load_idx %arg11[%parallel_loop3A_1032] : memref<4096xf32, #tpu.memory_space<vmem>>[vector<16xi32>], vector<16xf32>,
        %parallel_loop3A_1034 = arith.constant 64 : i32
        %parallel_loop3A_1035 = vector.broadcast %parallel_loop3A_1034 : i32 to vector<16xi32>
        %parallel_loop3A_1036 = arith.muli %add3A_10, %parallel_loop3A_1035 : vector<16xi32>
        %parallel_loop3A_1037 = arith.constant 1 : i32
        %parallel_loop3A_1038 = arith.subi %parallel_loop3A_1007, %parallel_loop3A_1037 : i32
        %parallel_loop3A_1039 = vector.broadcast %parallel_loop3A_1038 : i32 to vector<16xi32>
        %parallel_loop3A_1040 = arith.addi %parallel_loop3A_1036, %parallel_loop3A_1039 : vector<16xi32>
        %parallel_loop3A_1041 = tpu.vector_load_idx %arg9[%parallel_loop3A_1040] : memref<4096xf32, #tpu.memory_space<vmem>>[vector<16xi32>], vector<16xf32>,
        %parallel_loop3A_1042 = arith.addf %parallel_loop3A_1041, %add3A_577 : vector<16xf32>
        %parallel_loop3A_1043 = arith.mulf %parallel_loop3A_1042, %div3A_571 : vector<16xf32>
        %parallel_loop3A_1044 = arith.addf %parallel_loop3A_1008, %parallel_loop3A_1043 : vector<16xf32>
        %parallel_loop3A_1045 = arith.constant 1.000000e+00 : f32
        %parallel_loop3A_1046 = vector.broadcast %parallel_loop3A_1045 : f32 to vector<16xf32>
        %parallel_loop3A_1047 = arith.minimumf %parallel_loop3A_1044, %parallel_loop3A_1046 : vector<16xf32>
        %parallel_loop3A_1048 = arith.constant 1.290000e+02 : f32
        %parallel_loop3A_1049 = vector.broadcast %parallel_loop3A_1048 : f32 to vector<16xf32>
        %parallel_loop3A_1050 = arith.mulf %parallel_loop3A_1047, %parallel_loop3A_1049 : vector<16xf32>
        %parallel_loop3A_1051 = arith.constant 5.000000e-01 : f32
        %parallel_loop3A_1052 = vector.broadcast %parallel_loop3A_1051 : f32 to vector<16xf32>
        %parallel_loop3A_1053 = arith.subf %parallel_loop3A_1050, %parallel_loop3A_1052 : vector<16xf32>
        %parallel_loop3A_1054 = arith.fptosi %parallel_loop3A_1053 : vector<16xf32> to vector<16xi32>
        %parallel_loop3A_1055 = arith.sitofp %parallel_loop3A_1054 : vector<16xi32> to vector<16xf32>
        %parallel_loop3A_1056 = arith.cmpf olt, %parallel_loop3A_1055, %parallel_loop3A_1053 : vector<16xf32>
        %parallel_loop3A_1057 = arith.select %parallel_loop3A_1056, %broadcast_in_dim3A_7, %broadcast_in_dim3A_5 : vector<16xi1>, vector<16xi32>
        %parallel_loop3A_1058 = arith.addi %parallel_loop3A_1054, %parallel_loop3A_1057 : vector<16xi32>
        %parallel_loop3A_1059 = arith.constant 0 : i32
        %parallel_loop3A_1060 = vector.broadcast %parallel_loop3A_1059 : i32 to vector<16xi32>
        %parallel_loop3A_1061 = arith.maxsi %parallel_loop3A_1058, %parallel_loop3A_1060 : vector<16xi32>
        %parallel_loop3A_1062 = arith.subf %parallel_loop3A_1047, %parallel_loop3A_1009 : vector<16xf32>
        %parallel_loop3A_1063 = arith.constant 0.000000e+00 : f32
        %parallel_loop3A_1064 = vector.broadcast %parallel_loop3A_1063 : f32 to vector<16xf32>
        %parallel_loop3A_1065 = arith.cmpf ogt, %parallel_loop3A_1062, %parallel_loop3A_1064 : vector<16xf32>
        %parallel_loop3A_1066 = arith.constant 1.000000e+00 : f32
        %parallel_loop3A_1067 = vector.broadcast %parallel_loop3A_1066 : f32 to vector<16xf32>
        %parallel_loop3A_1068 = arith.divf %parallel_loop3A_1067, %parallel_loop3A_1062 : vector<16xf32>
        %parallel_loop3A_1069 = arith.constant 0.000000e+00 : f32
        %parallel_loop3A_1070 = vector.broadcast %parallel_loop3A_1069 : f32 to vector<16xf32>
        %parallel_loop3A_1071 = arith.select %parallel_loop3A_1065, %parallel_loop3A_1068, %parallel_loop3A_1070 : vector<16xi1>, vector<16xf32>
        %parallel_loop3A_1072 = arith.subf %parallel_loop3A_1033, %parallel_loop3A_1010 : vector<16xf32>
        %parallel_loop3A_1073 = arith.mulf %parallel_loop3A_1072, %parallel_loop3A_1071 : vector<16xf32>
        %parallel_loop3A_1074 = arith.constant 0.00775193795 : f32
        %parallel_loop3A_1075 = vector.broadcast %parallel_loop3A_1074 : f32 to vector<16xf32>
        %parallel_loop3A_1076 = arith.mulf %parallel_loop3A_1073, %parallel_loop3A_1075 : vector<16xf32>
        %parallel_loop3A_1077 = arith.sitofp %parallel_loop3A_1007 : i32 to f32
        %parallel_loop3A_1078 = arith.constant 5.000000e-01 : f32
        %parallel_loop3A_1079 = arith.subf %parallel_loop3A_1078, %parallel_loop3A_1077 : f32
        %parallel_loop3A_1080 = arith.constant 0.00775193795 : f32
        %parallel_loop3A_1081 = arith.mulf %parallel_loop3A_1079, %parallel_loop3A_1080 : f32
        %parallel_loop3A_1082 = vector.broadcast %parallel_loop3A_1081 : f32 to vector<16xf32>
        %parallel_loop3A_1083 = arith.subf %parallel_loop3A_1082, %parallel_loop3A_1009 : vector<16xf32>
        %parallel_loop3A_1084 = arith.mulf %parallel_loop3A_1073, %parallel_loop3A_1083 : vector<16xf32>
        %parallel_loop3A_1085 = arith.addf %parallel_loop3A_1010, %parallel_loop3A_1084 : vector<16xf32>
        %parallel_loop3A_1086 = arith.mulf %parallel_loop3A_1076, %parallel_loop3A_1011 : vector<16xf32>
        %parallel_loop3A_1087 = arith.addf %parallel_loop3A_1085, %parallel_loop3A_1086 : vector<16xf32>
        %parallel_loop3A_1088 = arith.subf %parallel_loop3A_1087, %parallel_loop3A_1010 : vector<16xf32>
        %parallel_loop3A_1089 = arith.constant 64 : i32
        %parallel_loop3A_1090 = vector.broadcast %parallel_loop3A_1089 : i32 to vector<16xi32>
        %parallel_loop3A_1091 = arith.addi %parallel_loop3A_1012, %parallel_loop3A_1090 : vector<16xi32>
        tpu.vector_store_idx %arg15[%parallel_loop3A_1091], %parallel_loop3A_1088 {add = true} : memref<12416xf32, #tpu.memory_space<vmem>>[vector<16xi32>], vector<16xf32>,
        tpu.vector_store_idx %arg17[%parallel_loop3A_1091], %parallel_loop3A_1076 {add = true} : memref<12416xf32, #tpu.memory_space<vmem>>[vector<16xi32>], vector<16xf32>,
        %parallel_loop3A_1092 = vector.broadcast %parallel_loop3A_1007 : i32 to vector<16xi32>
        %parallel_loop3A_1093 = arith.addi %parallel_loop3A_1061, %parallel_loop3A_1092 : vector<16xi32>
        %parallel_loop3A_1094 = arith.sitofp %parallel_loop3A_1093 : vector<16xi32> to vector<16xf32>
        %parallel_loop3A_1095 = arith.constant 1.000000e+00 : f32
        %parallel_loop3A_1096 = vector.broadcast %parallel_loop3A_1095 : f32 to vector<16xf32>
        %parallel_loop3A_1097 = arith.subf %parallel_loop3A_1094, %parallel_loop3A_1096 : vector<16xf32>
        %parallel_loop3A_1098 = arith.mulf %parallel_loop3A_1076, %parallel_loop3A_1097 : vector<16xf32>
        %parallel_loop3A_1099 = arith.addf %parallel_loop3A_1085, %parallel_loop3A_1098 : vector<16xf32>
        %parallel_loop3A_1100 = arith.subf %parallel_loop3A_1033, %parallel_loop3A_1099 : vector<16xf32>
        %parallel_loop3A_1101 = arith.constant 64 : i32
        %parallel_loop3A_1102 = vector.broadcast %parallel_loop3A_1101 : i32 to vector<16xi32>
        %parallel_loop3A_1103 = arith.muli %parallel_loop3A_1093, %parallel_loop3A_1102 : vector<16xi32>
        %parallel_loop3A_1104 = arith.addi %parallel_loop3A_1103, %add3A_10 : vector<16xi32>
        tpu.vector_store_idx %arg15[%parallel_loop3A_1104], %parallel_loop3A_1100 {add = true} : memref<12416xf32, #tpu.memory_space<vmem>>[vector<16xi32>], vector<16xf32>,
        %parallel_loop3A_1105 = arith.constant 0.000000e+00 : f32
        %parallel_loop3A_1106 = vector.broadcast %parallel_loop3A_1105 : f32 to vector<16xf32>
        %parallel_loop3A_1107 = arith.subf %parallel_loop3A_1106, %parallel_loop3A_1076 : vector<16xf32>
        tpu.vector_store_idx %arg17[%parallel_loop3A_1104], %parallel_loop3A_1107 {add = true} : memref<12416xf32, #tpu.memory_space<vmem>>[vector<16xi32>], vector<16xf32>,
        %parallel_loop3A_1108 = arith.constant 64 : i32
        %parallel_loop3A_1109 = vector.broadcast %parallel_loop3A_1108 : i32 to vector<16xi32>
        %parallel_loop3A_1110 = arith.muli %add3A_13, %parallel_loop3A_1109 : vector<16xi32>
        %parallel_loop3A_1111 = vector.broadcast %parallel_loop3A_1007 : i32 to vector<16xi32>
        %parallel_loop3A_1112 = arith.addi %parallel_loop3A_1110, %parallel_loop3A_1111 : vector<16xi32>
        %parallel_loop3A_1113 = tpu.vector_load_idx %arg11[%parallel_loop3A_1112] : memref<4096xf32, #tpu.memory_space<vmem>>[vector<16xi32>], vector<16xf32>,
        %parallel_loop3A_1114 = arith.constant 64 : i32
        %parallel_loop3A_1115 = vector.broadcast %parallel_loop3A_1114 : i32 to vector<16xi32>
        %parallel_loop3A_1116 = arith.muli %add3A_13, %parallel_loop3A_1115 : vector<16xi32>
        %parallel_loop3A_1117 = arith.constant 1 : i32
        %parallel_loop3A_1118 = arith.subi %parallel_loop3A_1007, %parallel_loop3A_1117 : i32
        %parallel_loop3A_1119 = vector.broadcast %parallel_loop3A_1118 : i32 to vector<16xi32>
        %parallel_loop3A_1120 = arith.addi %parallel_loop3A_1116, %parallel_loop3A_1119 : vector<16xi32>
        %parallel_loop3A_1121 = tpu.vector_load_idx %arg9[%parallel_loop3A_1120] : memref<4096xf32, #tpu.memory_space<vmem>>[vector<16xi32>], vector<16xf32>,
        %parallel_loop3A_1122 = arith.addf %parallel_loop3A_1121, %add3A_596 : vector<16xf32>
        %parallel_loop3A_1123 = arith.mulf %parallel_loop3A_1122, %div3A_590 : vector<16xf32>
        %parallel_loop3A_1124 = arith.addf %parallel_loop3A_1013, %parallel_loop3A_1123 : vector<16xf32>
        %parallel_loop3A_1125 = arith.constant 1.000000e+00 : f32
        %parallel_loop3A_1126 = vector.broadcast %parallel_loop3A_1125 : f32 to vector<16xf32>
        %parallel_loop3A_1127 = arith.minimumf %parallel_loop3A_1124, %parallel_loop3A_1126 : vector<16xf32>
        %parallel_loop3A_1128 = arith.constant 1.290000e+02 : f32
        %parallel_loop3A_1129 = vector.broadcast %parallel_loop3A_1128 : f32 to vector<16xf32>
        %parallel_loop3A_1130 = arith.mulf %parallel_loop3A_1127, %parallel_loop3A_1129 : vector<16xf32>
        %parallel_loop3A_1131 = arith.constant 5.000000e-01 : f32
        %parallel_loop3A_1132 = vector.broadcast %parallel_loop3A_1131 : f32 to vector<16xf32>
        %parallel_loop3A_1133 = arith.subf %parallel_loop3A_1130, %parallel_loop3A_1132 : vector<16xf32>
        %parallel_loop3A_1134 = arith.fptosi %parallel_loop3A_1133 : vector<16xf32> to vector<16xi32>
        %parallel_loop3A_1135 = arith.sitofp %parallel_loop3A_1134 : vector<16xi32> to vector<16xf32>
        %parallel_loop3A_1136 = arith.cmpf olt, %parallel_loop3A_1135, %parallel_loop3A_1133 : vector<16xf32>
        %parallel_loop3A_1137 = arith.select %parallel_loop3A_1136, %broadcast_in_dim3A_7, %broadcast_in_dim3A_5 : vector<16xi1>, vector<16xi32>
        %parallel_loop3A_1138 = arith.addi %parallel_loop3A_1134, %parallel_loop3A_1137 : vector<16xi32>
        %parallel_loop3A_1139 = arith.constant 0 : i32
        %parallel_loop3A_1140 = vector.broadcast %parallel_loop3A_1139 : i32 to vector<16xi32>
        %parallel_loop3A_1141 = arith.maxsi %parallel_loop3A_1138, %parallel_loop3A_1140 : vector<16xi32>
        %parallel_loop3A_1142 = arith.subf %parallel_loop3A_1127, %parallel_loop3A_1014 : vector<16xf32>
        %parallel_loop3A_1143 = arith.constant 0.000000e+00 : f32
        %parallel_loop3A_1144 = vector.broadcast %parallel_loop3A_1143 : f32 to vector<16xf32>
        %parallel_loop3A_1145 = arith.cmpf ogt, %parallel_loop3A_1142, %parallel_loop3A_1144 : vector<16xf32>
        %parallel_loop3A_1146 = arith.constant 1.000000e+00 : f32
        %parallel_loop3A_1147 = vector.broadcast %parallel_loop3A_1146 : f32 to vector<16xf32>
        %parallel_loop3A_1148 = arith.divf %parallel_loop3A_1147, %parallel_loop3A_1142 : vector<16xf32>
        %parallel_loop3A_1149 = arith.constant 0.000000e+00 : f32
        %parallel_loop3A_1150 = vector.broadcast %parallel_loop3A_1149 : f32 to vector<16xf32>
        %parallel_loop3A_1151 = arith.select %parallel_loop3A_1145, %parallel_loop3A_1148, %parallel_loop3A_1150 : vector<16xi1>, vector<16xf32>
        %parallel_loop3A_1152 = arith.subf %parallel_loop3A_1113, %parallel_loop3A_1015 : vector<16xf32>
        %parallel_loop3A_1153 = arith.mulf %parallel_loop3A_1152, %parallel_loop3A_1151 : vector<16xf32>
        %parallel_loop3A_1154 = arith.constant 0.00775193795 : f32
        %parallel_loop3A_1155 = vector.broadcast %parallel_loop3A_1154 : f32 to vector<16xf32>
        %parallel_loop3A_1156 = arith.mulf %parallel_loop3A_1153, %parallel_loop3A_1155 : vector<16xf32>
        %parallel_loop3A_1157 = arith.sitofp %parallel_loop3A_1007 : i32 to f32
        %parallel_loop3A_1158 = arith.constant 5.000000e-01 : f32
        %parallel_loop3A_1159 = arith.subf %parallel_loop3A_1158, %parallel_loop3A_1157 : f32
        %parallel_loop3A_1160 = arith.constant 0.00775193795 : f32
        %parallel_loop3A_1161 = arith.mulf %parallel_loop3A_1159, %parallel_loop3A_1160 : f32
        %parallel_loop3A_1162 = vector.broadcast %parallel_loop3A_1161 : f32 to vector<16xf32>
        %parallel_loop3A_1163 = arith.subf %parallel_loop3A_1162, %parallel_loop3A_1014 : vector<16xf32>
        %parallel_loop3A_1164 = arith.mulf %parallel_loop3A_1153, %parallel_loop3A_1163 : vector<16xf32>
        %parallel_loop3A_1165 = arith.addf %parallel_loop3A_1015, %parallel_loop3A_1164 : vector<16xf32>
        %parallel_loop3A_1166 = arith.mulf %parallel_loop3A_1156, %parallel_loop3A_1016 : vector<16xf32>
        %parallel_loop3A_1167 = arith.addf %parallel_loop3A_1165, %parallel_loop3A_1166 : vector<16xf32>
        %parallel_loop3A_1168 = arith.subf %parallel_loop3A_1167, %parallel_loop3A_1015 : vector<16xf32>
        %parallel_loop3A_1169 = arith.constant 64 : i32
        %parallel_loop3A_1170 = vector.broadcast %parallel_loop3A_1169 : i32 to vector<16xi32>
        %parallel_loop3A_1171 = arith.addi %parallel_loop3A_1017, %parallel_loop3A_1170 : vector<16xi32>
        tpu.vector_store_idx %arg15[%parallel_loop3A_1171], %parallel_loop3A_1168 {add = true} : memref<12416xf32, #tpu.memory_space<vmem>>[vector<16xi32>], vector<16xf32>,
        tpu.vector_store_idx %arg17[%parallel_loop3A_1171], %parallel_loop3A_1156 {add = true} : memref<12416xf32, #tpu.memory_space<vmem>>[vector<16xi32>], vector<16xf32>,
        %parallel_loop3A_1172 = vector.broadcast %parallel_loop3A_1007 : i32 to vector<16xi32>
        %parallel_loop3A_1173 = arith.addi %parallel_loop3A_1141, %parallel_loop3A_1172 : vector<16xi32>
        %parallel_loop3A_1174 = arith.sitofp %parallel_loop3A_1173 : vector<16xi32> to vector<16xf32>
        %parallel_loop3A_1175 = arith.constant 1.000000e+00 : f32
        %parallel_loop3A_1176 = vector.broadcast %parallel_loop3A_1175 : f32 to vector<16xf32>
        %parallel_loop3A_1177 = arith.subf %parallel_loop3A_1174, %parallel_loop3A_1176 : vector<16xf32>
        %parallel_loop3A_1178 = arith.mulf %parallel_loop3A_1156, %parallel_loop3A_1177 : vector<16xf32>
        %parallel_loop3A_1179 = arith.addf %parallel_loop3A_1165, %parallel_loop3A_1178 : vector<16xf32>
        %parallel_loop3A_1180 = arith.subf %parallel_loop3A_1113, %parallel_loop3A_1179 : vector<16xf32>
        %parallel_loop3A_1181 = arith.constant 64 : i32
        %parallel_loop3A_1182 = vector.broadcast %parallel_loop3A_1181 : i32 to vector<16xi32>
        %parallel_loop3A_1183 = arith.muli %parallel_loop3A_1173, %parallel_loop3A_1182 : vector<16xi32>
        %parallel_loop3A_1184 = arith.addi %parallel_loop3A_1183, %add3A_13 : vector<16xi32>
        tpu.vector_store_idx %arg15[%parallel_loop3A_1184], %parallel_loop3A_1180 {add = true} : memref<12416xf32, #tpu.memory_space<vmem>>[vector<16xi32>], vector<16xf32>,
        %parallel_loop3A_1185 = arith.constant 0.000000e+00 : f32
        %parallel_loop3A_1186 = vector.broadcast %parallel_loop3A_1185 : f32 to vector<16xf32>
        %parallel_loop3A_1187 = arith.subf %parallel_loop3A_1186, %parallel_loop3A_1156 : vector<16xf32>
        tpu.vector_store_idx %arg17[%parallel_loop3A_1184], %parallel_loop3A_1187 {add = true} : memref<12416xf32, #tpu.memory_space<vmem>>[vector<16xi32>], vector<16xf32>,
        %parallel_loop3A_1188 = arith.constant 64 : i32
        %parallel_loop3A_1189 = vector.broadcast %parallel_loop3A_1188 : i32 to vector<16xi32>
        %parallel_loop3A_1190 = arith.muli %add3A_16, %parallel_loop3A_1189 : vector<16xi32>
        %parallel_loop3A_1191 = vector.broadcast %parallel_loop3A_1007 : i32 to vector<16xi32>
        %parallel_loop3A_1192 = arith.addi %parallel_loop3A_1190, %parallel_loop3A_1191 : vector<16xi32>
        %parallel_loop3A_1193 = tpu.vector_load_idx %arg11[%parallel_loop3A_1192] : memref<4096xf32, #tpu.memory_space<vmem>>[vector<16xi32>], vector<16xf32>,
        %parallel_loop3A_1194 = arith.constant 64 : i32
        %parallel_loop3A_1195 = vector.broadcast %parallel_loop3A_1194 : i32 to vector<16xi32>
        %parallel_loop3A_1196 = arith.muli %add3A_16, %parallel_loop3A_1195 : vector<16xi32>
        %parallel_loop3A_1197 = arith.constant 1 : i32
        %parallel_loop3A_1198 = arith.subi %parallel_loop3A_1007, %parallel_loop3A_1197 : i32
        %parallel_loop3A_1199 = vector.broadcast %parallel_loop3A_1198 : i32 to vector<16xi32>
        %parallel_loop3A_1200 = arith.addi %parallel_loop3A_1196, %parallel_loop3A_1199 : vector<16xi32>
        %parallel_loop3A_1201 = tpu.vector_load_idx %arg9[%parallel_loop3A_1200] : memref<4096xf32, #tpu.memory_space<vmem>>[vector<16xi32>], vector<16xf32>,
        %parallel_loop3A_1202 = arith.addf %parallel_loop3A_1201, %add3A_615 : vector<16xf32>
        %parallel_loop3A_1203 = arith.mulf %parallel_loop3A_1202, %div3A_609 : vector<16xf32>
        %parallel_loop3A_1204 = arith.addf %parallel_loop3A_1018, %parallel_loop3A_1203 : vector<16xf32>
        %parallel_loop3A_1205 = arith.constant 1.000000e+00 : f32
        %parallel_loop3A_1206 = vector.broadcast %parallel_loop3A_1205 : f32 to vector<16xf32>
        %parallel_loop3A_1207 = arith.minimumf %parallel_loop3A_1204, %parallel_loop3A_1206 : vector<16xf32>
        %parallel_loop3A_1208 = arith.constant 1.290000e+02 : f32
        %parallel_loop3A_1209 = vector.broadcast %parallel_loop3A_1208 : f32 to vector<16xf32>
        %parallel_loop3A_1210 = arith.mulf %parallel_loop3A_1207, %parallel_loop3A_1209 : vector<16xf32>
        %parallel_loop3A_1211 = arith.constant 5.000000e-01 : f32
        %parallel_loop3A_1212 = vector.broadcast %parallel_loop3A_1211 : f32 to vector<16xf32>
        %parallel_loop3A_1213 = arith.subf %parallel_loop3A_1210, %parallel_loop3A_1212 : vector<16xf32>
        %parallel_loop3A_1214 = arith.fptosi %parallel_loop3A_1213 : vector<16xf32> to vector<16xi32>
        %parallel_loop3A_1215 = arith.sitofp %parallel_loop3A_1214 : vector<16xi32> to vector<16xf32>
        %parallel_loop3A_1216 = arith.cmpf olt, %parallel_loop3A_1215, %parallel_loop3A_1213 : vector<16xf32>
        %parallel_loop3A_1217 = arith.select %parallel_loop3A_1216, %broadcast_in_dim3A_7, %broadcast_in_dim3A_5 : vector<16xi1>, vector<16xi32>
        %parallel_loop3A_1218 = arith.addi %parallel_loop3A_1214, %parallel_loop3A_1217 : vector<16xi32>
        %parallel_loop3A_1219 = arith.constant 0 : i32
        %parallel_loop3A_1220 = vector.broadcast %parallel_loop3A_1219 : i32 to vector<16xi32>
        %parallel_loop3A_1221 = arith.maxsi %parallel_loop3A_1218, %parallel_loop3A_1220 : vector<16xi32>
        %parallel_loop3A_1222 = arith.subf %parallel_loop3A_1207, %parallel_loop3A_1019 : vector<16xf32>
        %parallel_loop3A_1223 = arith.constant 0.000000e+00 : f32
        %parallel_loop3A_1224 = vector.broadcast %parallel_loop3A_1223 : f32 to vector<16xf32>
        %parallel_loop3A_1225 = arith.cmpf ogt, %parallel_loop3A_1222, %parallel_loop3A_1224 : vector<16xf32>
        %parallel_loop3A_1226 = arith.constant 1.000000e+00 : f32
        %parallel_loop3A_1227 = vector.broadcast %parallel_loop3A_1226 : f32 to vector<16xf32>
        %parallel_loop3A_1228 = arith.divf %parallel_loop3A_1227, %parallel_loop3A_1222 : vector<16xf32>
        %parallel_loop3A_1229 = arith.constant 0.000000e+00 : f32
        %parallel_loop3A_1230 = vector.broadcast %parallel_loop3A_1229 : f32 to vector<16xf32>
        %parallel_loop3A_1231 = arith.select %parallel_loop3A_1225, %parallel_loop3A_1228, %parallel_loop3A_1230 : vector<16xi1>, vector<16xf32>
        %parallel_loop3A_1232 = arith.subf %parallel_loop3A_1193, %parallel_loop3A_1020 : vector<16xf32>
        %parallel_loop3A_1233 = arith.mulf %parallel_loop3A_1232, %parallel_loop3A_1231 : vector<16xf32>
        %parallel_loop3A_1234 = arith.constant 0.00775193795 : f32
        %parallel_loop3A_1235 = vector.broadcast %parallel_loop3A_1234 : f32 to vector<16xf32>
        %parallel_loop3A_1236 = arith.mulf %parallel_loop3A_1233, %parallel_loop3A_1235 : vector<16xf32>
        %parallel_loop3A_1237 = arith.sitofp %parallel_loop3A_1007 : i32 to f32
        %parallel_loop3A_1238 = arith.constant 5.000000e-01 : f32
        %parallel_loop3A_1239 = arith.subf %parallel_loop3A_1238, %parallel_loop3A_1237 : f32
        %parallel_loop3A_1240 = arith.constant 0.00775193795 : f32
        %parallel_loop3A_1241 = arith.mulf %parallel_loop3A_1239, %parallel_loop3A_1240 : f32
        %parallel_loop3A_1242 = vector.broadcast %parallel_loop3A_1241 : f32 to vector<16xf32>
        %parallel_loop3A_1243 = arith.subf %parallel_loop3A_1242, %parallel_loop3A_1019 : vector<16xf32>
        %parallel_loop3A_1244 = arith.mulf %parallel_loop3A_1233, %parallel_loop3A_1243 : vector<16xf32>
        %parallel_loop3A_1245 = arith.addf %parallel_loop3A_1020, %parallel_loop3A_1244 : vector<16xf32>
        %parallel_loop3A_1246 = arith.mulf %parallel_loop3A_1236, %parallel_loop3A_1021 : vector<16xf32>
        %parallel_loop3A_1247 = arith.addf %parallel_loop3A_1245, %parallel_loop3A_1246 : vector<16xf32>
        %parallel_loop3A_1248 = arith.subf %parallel_loop3A_1247, %parallel_loop3A_1020 : vector<16xf32>
        %parallel_loop3A_1249 = arith.constant 64 : i32
        %parallel_loop3A_1250 = vector.broadcast %parallel_loop3A_1249 : i32 to vector<16xi32>
        %parallel_loop3A_1251 = arith.addi %parallel_loop3A_1022, %parallel_loop3A_1250 : vector<16xi32>
        tpu.vector_store_idx %arg15[%parallel_loop3A_1251], %parallel_loop3A_1248 {add = true} : memref<12416xf32, #tpu.memory_space<vmem>>[vector<16xi32>], vector<16xf32>,
        tpu.vector_store_idx %arg17[%parallel_loop3A_1251], %parallel_loop3A_1236 {add = true} : memref<12416xf32, #tpu.memory_space<vmem>>[vector<16xi32>], vector<16xf32>,
        %parallel_loop3A_1252 = vector.broadcast %parallel_loop3A_1007 : i32 to vector<16xi32>
        %parallel_loop3A_1253 = arith.addi %parallel_loop3A_1221, %parallel_loop3A_1252 : vector<16xi32>
        %parallel_loop3A_1254 = arith.sitofp %parallel_loop3A_1253 : vector<16xi32> to vector<16xf32>
        %parallel_loop3A_1255 = arith.constant 1.000000e+00 : f32
        %parallel_loop3A_1256 = vector.broadcast %parallel_loop3A_1255 : f32 to vector<16xf32>
        %parallel_loop3A_1257 = arith.subf %parallel_loop3A_1254, %parallel_loop3A_1256 : vector<16xf32>
        %parallel_loop3A_1258 = arith.mulf %parallel_loop3A_1236, %parallel_loop3A_1257 : vector<16xf32>
        %parallel_loop3A_1259 = arith.addf %parallel_loop3A_1245, %parallel_loop3A_1258 : vector<16xf32>
        %parallel_loop3A_1260 = arith.subf %parallel_loop3A_1193, %parallel_loop3A_1259 : vector<16xf32>
        %parallel_loop3A_1261 = arith.constant 64 : i32
        %parallel_loop3A_1262 = vector.broadcast %parallel_loop3A_1261 : i32 to vector<16xi32>
        %parallel_loop3A_1263 = arith.muli %parallel_loop3A_1253, %parallel_loop3A_1262 : vector<16xi32>
        %parallel_loop3A_1264 = arith.addi %parallel_loop3A_1263, %add3A_16 : vector<16xi32>
        tpu.vector_store_idx %arg15[%parallel_loop3A_1264], %parallel_loop3A_1260 {add = true} : memref<12416xf32, #tpu.memory_space<vmem>>[vector<16xi32>], vector<16xf32>,
        %parallel_loop3A_1265 = arith.constant 0.000000e+00 : f32
        %parallel_loop3A_1266 = vector.broadcast %parallel_loop3A_1265 : f32 to vector<16xf32>
        %parallel_loop3A_1267 = arith.subf %parallel_loop3A_1266, %parallel_loop3A_1236 : vector<16xf32>
        tpu.vector_store_idx %arg17[%parallel_loop3A_1264], %parallel_loop3A_1267 {add = true} : memref<12416xf32, #tpu.memory_space<vmem>>[vector<16xi32>], vector<16xf32>,
        %parallel_loop3A_1268 = arith.constant 64 : i32
        %parallel_loop3A_1269 = vector.broadcast %parallel_loop3A_1268 : i32 to vector<16xi32>
        %parallel_loop3A_1270 = arith.muli %add3A_19, %parallel_loop3A_1269 : vector<16xi32>
        %parallel_loop3A_1271 = vector.broadcast %parallel_loop3A_1007 : i32 to vector<16xi32>
        %parallel_loop3A_1272 = arith.addi %parallel_loop3A_1270, %parallel_loop3A_1271 : vector<16xi32>
        %parallel_loop3A_1273 = tpu.vector_load_idx %arg11[%parallel_loop3A_1272] : memref<4096xf32, #tpu.memory_space<vmem>>[vector<16xi32>], vector<16xf32>,
        %parallel_loop3A_1274 = arith.constant 64 : i32
        %parallel_loop3A_1275 = vector.broadcast %parallel_loop3A_1274 : i32 to vector<16xi32>
        %parallel_loop3A_1276 = arith.muli %add3A_19, %parallel_loop3A_1275 : vector<16xi32>
        %parallel_loop3A_1277 = arith.constant 1 : i32
        %parallel_loop3A_1278 = arith.subi %parallel_loop3A_1007, %parallel_loop3A_1277 : i32
        %parallel_loop3A_1279 = vector.broadcast %parallel_loop3A_1278 : i32 to vector<16xi32>
        %parallel_loop3A_1280 = arith.addi %parallel_loop3A_1276, %parallel_loop3A_1279 : vector<16xi32>
        %parallel_loop3A_1281 = tpu.vector_load_idx %arg9[%parallel_loop3A_1280] : memref<4096xf32, #tpu.memory_space<vmem>>[vector<16xi32>], vector<16xf32>,
        %parallel_loop3A_1282 = arith.addf %parallel_loop3A_1281, %add3A_634 : vector<16xf32>
        %parallel_loop3A_1283 = arith.mulf %parallel_loop3A_1282, %div3A_628 : vector<16xf32>
        %parallel_loop3A_1284 = arith.addf %parallel_loop3A_1023, %parallel_loop3A_1283 : vector<16xf32>
        %parallel_loop3A_1285 = arith.constant 1.000000e+00 : f32
        %parallel_loop3A_1286 = vector.broadcast %parallel_loop3A_1285 : f32 to vector<16xf32>
        %parallel_loop3A_1287 = arith.minimumf %parallel_loop3A_1284, %parallel_loop3A_1286 : vector<16xf32>
        %parallel_loop3A_1288 = arith.constant 1.290000e+02 : f32
        %parallel_loop3A_1289 = vector.broadcast %parallel_loop3A_1288 : f32 to vector<16xf32>
        %parallel_loop3A_1290 = arith.mulf %parallel_loop3A_1287, %parallel_loop3A_1289 : vector<16xf32>
        %parallel_loop3A_1291 = arith.constant 5.000000e-01 : f32
        %parallel_loop3A_1292 = vector.broadcast %parallel_loop3A_1291 : f32 to vector<16xf32>
        %parallel_loop3A_1293 = arith.subf %parallel_loop3A_1290, %parallel_loop3A_1292 : vector<16xf32>
        %parallel_loop3A_1294 = arith.fptosi %parallel_loop3A_1293 : vector<16xf32> to vector<16xi32>
        %parallel_loop3A_1295 = arith.sitofp %parallel_loop3A_1294 : vector<16xi32> to vector<16xf32>
        %parallel_loop3A_1296 = arith.cmpf olt, %parallel_loop3A_1295, %parallel_loop3A_1293 : vector<16xf32>
        %parallel_loop3A_1297 = arith.select %parallel_loop3A_1296, %broadcast_in_dim3A_7, %broadcast_in_dim3A_5 : vector<16xi1>, vector<16xi32>
        %parallel_loop3A_1298 = arith.addi %parallel_loop3A_1294, %parallel_loop3A_1297 : vector<16xi32>
        %parallel_loop3A_1299 = arith.constant 0 : i32
        %parallel_loop3A_1300 = vector.broadcast %parallel_loop3A_1299 : i32 to vector<16xi32>
        %parallel_loop3A_1301 = arith.maxsi %parallel_loop3A_1298, %parallel_loop3A_1300 : vector<16xi32>
        %parallel_loop3A_1302 = arith.subf %parallel_loop3A_1287, %parallel_loop3A_1024 : vector<16xf32>
        %parallel_loop3A_1303 = arith.constant 0.000000e+00 : f32
        %parallel_loop3A_1304 = vector.broadcast %parallel_loop3A_1303 : f32 to vector<16xf32>
        %parallel_loop3A_1305 = arith.cmpf ogt, %parallel_loop3A_1302, %parallel_loop3A_1304 : vector<16xf32>
        %parallel_loop3A_1306 = arith.constant 1.000000e+00 : f32
        %parallel_loop3A_1307 = vector.broadcast %parallel_loop3A_1306 : f32 to vector<16xf32>
        %parallel_loop3A_1308 = arith.divf %parallel_loop3A_1307, %parallel_loop3A_1302 : vector<16xf32>
        %parallel_loop3A_1309 = arith.constant 0.000000e+00 : f32
        %parallel_loop3A_1310 = vector.broadcast %parallel_loop3A_1309 : f32 to vector<16xf32>
        %parallel_loop3A_1311 = arith.select %parallel_loop3A_1305, %parallel_loop3A_1308, %parallel_loop3A_1310 : vector<16xi1>, vector<16xf32>
        %parallel_loop3A_1312 = arith.subf %parallel_loop3A_1273, %parallel_loop3A_1025 : vector<16xf32>
        %parallel_loop3A_1313 = arith.mulf %parallel_loop3A_1312, %parallel_loop3A_1311 : vector<16xf32>
        %parallel_loop3A_1314 = arith.constant 0.00775193795 : f32
        %parallel_loop3A_1315 = vector.broadcast %parallel_loop3A_1314 : f32 to vector<16xf32>
        %parallel_loop3A_1316 = arith.mulf %parallel_loop3A_1313, %parallel_loop3A_1315 : vector<16xf32>
        %parallel_loop3A_1317 = arith.sitofp %parallel_loop3A_1007 : i32 to f32
        %parallel_loop3A_1318 = arith.constant 5.000000e-01 : f32
        %parallel_loop3A_1319 = arith.subf %parallel_loop3A_1318, %parallel_loop3A_1317 : f32
        %parallel_loop3A_1320 = arith.constant 0.00775193795 : f32
        %parallel_loop3A_1321 = arith.mulf %parallel_loop3A_1319, %parallel_loop3A_1320 : f32
        %parallel_loop3A_1322 = vector.broadcast %parallel_loop3A_1321 : f32 to vector<16xf32>
        %parallel_loop3A_1323 = arith.subf %parallel_loop3A_1322, %parallel_loop3A_1024 : vector<16xf32>
        %parallel_loop3A_1324 = arith.mulf %parallel_loop3A_1313, %parallel_loop3A_1323 : vector<16xf32>
        %parallel_loop3A_1325 = arith.addf %parallel_loop3A_1025, %parallel_loop3A_1324 : vector<16xf32>
        %parallel_loop3A_1326 = arith.mulf %parallel_loop3A_1316, %parallel_loop3A_1026 : vector<16xf32>
        %parallel_loop3A_1327 = arith.addf %parallel_loop3A_1325, %parallel_loop3A_1326 : vector<16xf32>
        %parallel_loop3A_1328 = arith.subf %parallel_loop3A_1327, %parallel_loop3A_1025 : vector<16xf32>
        %parallel_loop3A_1329 = arith.constant 64 : i32
        %parallel_loop3A_1330 = vector.broadcast %parallel_loop3A_1329 : i32 to vector<16xi32>
        %parallel_loop3A_1331 = arith.addi %parallel_loop3A_1027, %parallel_loop3A_1330 : vector<16xi32>
        tpu.vector_store_idx %arg15[%parallel_loop3A_1331], %parallel_loop3A_1328 {add = true} : memref<12416xf32, #tpu.memory_space<vmem>>[vector<16xi32>], vector<16xf32>,
        tpu.vector_store_idx %arg17[%parallel_loop3A_1331], %parallel_loop3A_1316 {add = true} : memref<12416xf32, #tpu.memory_space<vmem>>[vector<16xi32>], vector<16xf32>,
        %parallel_loop3A_1332 = vector.broadcast %parallel_loop3A_1007 : i32 to vector<16xi32>
        %parallel_loop3A_1333 = arith.addi %parallel_loop3A_1301, %parallel_loop3A_1332 : vector<16xi32>
        %parallel_loop3A_1334 = arith.sitofp %parallel_loop3A_1333 : vector<16xi32> to vector<16xf32>
        %parallel_loop3A_1335 = arith.constant 1.000000e+00 : f32
        %parallel_loop3A_1336 = vector.broadcast %parallel_loop3A_1335 : f32 to vector<16xf32>
        %parallel_loop3A_1337 = arith.subf %parallel_loop3A_1334, %parallel_loop3A_1336 : vector<16xf32>
        %parallel_loop3A_1338 = arith.mulf %parallel_loop3A_1316, %parallel_loop3A_1337 : vector<16xf32>
        %parallel_loop3A_1339 = arith.addf %parallel_loop3A_1325, %parallel_loop3A_1338 : vector<16xf32>
        %parallel_loop3A_1340 = arith.subf %parallel_loop3A_1273, %parallel_loop3A_1339 : vector<16xf32>
        %parallel_loop3A_1341 = arith.constant 64 : i32
        %parallel_loop3A_1342 = vector.broadcast %parallel_loop3A_1341 : i32 to vector<16xi32>
        %parallel_loop3A_1343 = arith.muli %parallel_loop3A_1333, %parallel_loop3A_1342 : vector<16xi32>
        %parallel_loop3A_1344 = arith.addi %parallel_loop3A_1343, %add3A_19 : vector<16xi32>
        tpu.vector_store_idx %arg15[%parallel_loop3A_1344], %parallel_loop3A_1340 {add = true} : memref<12416xf32, #tpu.memory_space<vmem>>[vector<16xi32>], vector<16xf32>,
        %parallel_loop3A_1345 = arith.constant 0.000000e+00 : f32
        %parallel_loop3A_1346 = vector.broadcast %parallel_loop3A_1345 : f32 to vector<16xf32>
        %parallel_loop3A_1347 = arith.subf %parallel_loop3A_1346, %parallel_loop3A_1316 : vector<16xf32>
        tpu.vector_store_idx %arg17[%parallel_loop3A_1344], %parallel_loop3A_1347 {add = true} : memref<12416xf32, #tpu.memory_space<vmem>>[vector<16xi32>], vector<16xf32>,
        scf.yield %parallel_loop3A_1044, %parallel_loop3A_1047, %parallel_loop3A_1033, %parallel_loop3A_1094, %parallel_loop3A_1104, %parallel_loop3A_1124, %parallel_loop3A_1127, %parallel_loop3A_1113, %parallel_loop3A_1174, %parallel_loop3A_1184, %parallel_loop3A_1204, %parallel_loop3A_1207, %parallel_loop3A_1193, %parallel_loop3A_1254, %parallel_loop3A_1264, %parallel_loop3A_1284, %parallel_loop3A_1287, %parallel_loop3A_1273, %parallel_loop3A_1334, %parallel_loop3A_1344 : vector<16xf32>, vector<16xf32>, vector<16xf32>, vector<16xf32>, vector<16xi32>, vector<16xf32>, vector<16xf32>, vector<16xf32>, vector<16xf32>, vector<16xi32>, vector<16xf32>, vector<16xf32>, vector<16xf32>, vector<16xf32>, vector<16xi32>, vector<16xf32>, vector<16xf32>, vector<16xf32>, vector<16xf32>, vector<16xi32>
      } {sc.loop_unroll_factor = 1 : i64, sc.parallel_access}
      %mul3A_663 = arith.constant 64 : i32
      %mul3A_664 = vector.broadcast %mul3A_663 : i32 to vector<16xi32>
      %mul3A_665 = arith.muli %add3A_10, %mul3A_664 : vector<16xi32>
      %add3A_666 = arith.constant 63 : i32
      %add3A_667 = vector.broadcast %add3A_666 : i32 to vector<16xi32>
      %add3A_668 = arith.addi %mul3A_665, %add3A_667 : vector<16xi32>
      %gather3A_669 = tpu.vector_load_idx %arg9[%add3A_668] : memref<4096xf32, #tpu.memory_space<vmem>>[vector<16xi32>], vector<16xf32>,
      %add3A_670 = arith.addf %gather3A_669, %add3A_577 : vector<16xf32>
      %mul3A_671 = arith.mulf %add3A_670, %div3A_571 : vector<16xf32>
      %add3A_672 = arith.addf %parallel_loop3A_662#0, %mul3A_671 : vector<16xf32>
      %min3A_673 = arith.constant 1.000000e+00 : f32
      %min3A_674 = vector.broadcast %min3A_673 : f32 to vector<16xf32>
      %min3A_675 = arith.minimumf %add3A_672, %min3A_674 : vector<16xf32>
      %mul3A_676 = arith.constant 1.290000e+02 : f32
      %mul3A_677 = vector.broadcast %mul3A_676 : f32 to vector<16xf32>
      %mul3A_678 = arith.mulf %min3A_675, %mul3A_677 : vector<16xf32>
      %sub3A_679 = arith.constant 5.000000e-01 : f32
      %sub3A_680 = vector.broadcast %sub3A_679 : f32 to vector<16xf32>
      %sub3A_681 = arith.subf %mul3A_678, %sub3A_680 : vector<16xf32>
      %convert_element_type3A_682 = arith.fptosi %sub3A_681 : vector<16xf32> to vector<16xi32>
      %convert_element_type3A_683 = arith.sitofp %convert_element_type3A_682 : vector<16xi32> to vector<16xf32>
      %lt3A_684 = arith.cmpf olt, %convert_element_type3A_683, %sub3A_681 : vector<16xf32>
      %select_n3A_685 = arith.select %lt3A_684, %broadcast_in_dim3A_7, %broadcast_in_dim3A_5 : vector<16xi1>, vector<16xi32>
      %add3A_686 = arith.addi %convert_element_type3A_682, %select_n3A_685 : vector<16xi32>
      %max3A_687 = arith.constant 0 : i32
      %max3A_688 = vector.broadcast %max3A_687 : i32 to vector<16xi32>
      %max3A_689 = arith.maxsi %add3A_686, %max3A_688 : vector<16xi32>
      %sub3A_690 = arith.subf %min3A_675, %parallel_loop3A_662#1 : vector<16xf32>
      %gt3A_691 = arith.constant 0.000000e+00 : f32
      %gt3A_692 = vector.broadcast %gt3A_691 : f32 to vector<16xf32>
      %gt3A_693 = arith.cmpf ogt, %sub3A_690, %gt3A_692 : vector<16xf32>
      %div3A_694 = arith.constant 1.000000e+00 : f32
      %div3A_695 = vector.broadcast %div3A_694 : f32 to vector<16xf32>
      %div3A_696 = arith.divf %div3A_695, %sub3A_690 : vector<16xf32>
      %jit3A_697 = arith.constant 0.000000e+00 : f32
      %broadcast_in_dim3A_698 = vector.broadcast %jit3A_697 : f32 to vector<16xf32>
      %select_n3A_699 = arith.select %gt3A_693, %div3A_696, %broadcast_in_dim3A_698 : vector<16xi1>, vector<16xf32>
      %sub3A_700 = arith.subf %get3A_636, %parallel_loop3A_662#2 : vector<16xf32>
      %mul3A_701 = arith.mulf %sub3A_700, %select_n3A_699 : vector<16xf32>
      %mul3A_702 = arith.constant 0.00775193795 : f32
      %mul3A_703 = vector.broadcast %mul3A_702 : f32 to vector<16xf32>
      %mul3A_704 = arith.mulf %mul3A_701, %mul3A_703 : vector<16xf32>
      %sub3A_705 = arith.constant -0.492248058 : f32
      %sub3A_706 = vector.broadcast %sub3A_705 : f32 to vector<16xf32>
      %sub3A_707 = arith.subf %sub3A_706, %parallel_loop3A_662#1 : vector<16xf32>
      %mul3A_708 = arith.mulf %mul3A_701, %sub3A_707 : vector<16xf32>
      %add3A_709 = arith.addf %parallel_loop3A_662#2, %mul3A_708 : vector<16xf32>
      %mul3A_710 = arith.mulf %mul3A_704, %parallel_loop3A_662#3 : vector<16xf32>
      %add3A_711 = arith.addf %add3A_709, %mul3A_710 : vector<16xf32>
      %sub3A_712 = arith.subf %add3A_711, %parallel_loop3A_662#2 : vector<16xf32>
      %add3A_713 = arith.constant 64 : i32
      %add3A_714 = vector.broadcast %add3A_713 : i32 to vector<16xi32>
      %add3A_715 = arith.addi %parallel_loop3A_662#4, %add3A_714 : vector<16xi32>
      tpu.vector_store_idx %arg15[%add3A_715], %sub3A_712 {add = true} : memref<12416xf32, #tpu.memory_space<vmem>>[vector<16xi32>], vector<16xf32>,
      tpu.vector_store_idx %arg17[%add3A_715], %mul3A_704 {add = true} : memref<12416xf32, #tpu.memory_space<vmem>>[vector<16xi32>], vector<16xf32>,
      %add3A_716 = arith.constant 64 : i32
      %add3A_717 = vector.broadcast %add3A_716 : i32 to vector<16xi32>
      %add3A_718 = arith.addi %max3A_689, %add3A_717 : vector<16xi32>
      %convert_element_type3A_719 = arith.sitofp %add3A_718 : vector<16xi32> to vector<16xf32>
      %sub3A_720 = arith.constant 1.000000e+00 : f32
      %sub3A_721 = vector.broadcast %sub3A_720 : f32 to vector<16xf32>
      %sub3A_722 = arith.subf %convert_element_type3A_719, %sub3A_721 : vector<16xf32>
      %mul3A_723 = arith.mulf %mul3A_704, %sub3A_722 : vector<16xf32>
      %add3A_724 = arith.addf %add3A_709, %mul3A_723 : vector<16xf32>
      %sub3A_725 = arith.subf %get3A_636, %add3A_724 : vector<16xf32>
      %mul3A_726 = arith.constant 64 : i32
      %mul3A_727 = vector.broadcast %mul3A_726 : i32 to vector<16xi32>
      %mul3A_728 = arith.muli %add3A_718, %mul3A_727 : vector<16xi32>
      %add3A_729 = arith.addi %mul3A_728, %add3A_10 : vector<16xi32>
      tpu.vector_store_idx %arg15[%add3A_729], %sub3A_725 {add = true} : memref<12416xf32, #tpu.memory_space<vmem>>[vector<16xi32>], vector<16xf32>,
      %neg3A_730 = arith.constant 0.000000e+00 : f32
      %neg3A_731 = vector.broadcast %neg3A_730 : f32 to vector<16xf32>
      %neg3A_732 = arith.subf %neg3A_731, %mul3A_704 : vector<16xf32>
      tpu.vector_store_idx %arg17[%add3A_729], %neg3A_732 {add = true} : memref<12416xf32, #tpu.memory_space<vmem>>[vector<16xi32>], vector<16xf32>,
      %mul3A_733 = arith.constant 64 : i32
      %mul3A_734 = vector.broadcast %mul3A_733 : i32 to vector<16xi32>
      %mul3A_735 = arith.muli %add3A_13, %mul3A_734 : vector<16xi32>
      %add3A_736 = arith.constant 63 : i32
      %add3A_737 = vector.broadcast %add3A_736 : i32 to vector<16xi32>
      %add3A_738 = arith.addi %mul3A_735, %add3A_737 : vector<16xi32>
      %gather3A_739 = tpu.vector_load_idx %arg9[%add3A_738] : memref<4096xf32, #tpu.memory_space<vmem>>[vector<16xi32>], vector<16xf32>,
      %add3A_740 = arith.addf %gather3A_739, %add3A_596 : vector<16xf32>
      %mul3A_741 = arith.mulf %add3A_740, %div3A_590 : vector<16xf32>
      %add3A_742 = arith.addf %parallel_loop3A_662#5, %mul3A_741 : vector<16xf32>
      %min3A_743 = arith.constant 1.000000e+00 : f32
      %min3A_744 = vector.broadcast %min3A_743 : f32 to vector<16xf32>
      %min3A_745 = arith.minimumf %add3A_742, %min3A_744 : vector<16xf32>
      %mul3A_746 = arith.constant 1.290000e+02 : f32
      %mul3A_747 = vector.broadcast %mul3A_746 : f32 to vector<16xf32>
      %mul3A_748 = arith.mulf %min3A_745, %mul3A_747 : vector<16xf32>
      %sub3A_749 = arith.constant 5.000000e-01 : f32
      %sub3A_750 = vector.broadcast %sub3A_749 : f32 to vector<16xf32>
      %sub3A_751 = arith.subf %mul3A_748, %sub3A_750 : vector<16xf32>
      %convert_element_type3A_752 = arith.fptosi %sub3A_751 : vector<16xf32> to vector<16xi32>
      %convert_element_type3A_753 = arith.sitofp %convert_element_type3A_752 : vector<16xi32> to vector<16xf32>
      %lt3A_754 = arith.cmpf olt, %convert_element_type3A_753, %sub3A_751 : vector<16xf32>
      %select_n3A_755 = arith.select %lt3A_754, %broadcast_in_dim3A_7, %broadcast_in_dim3A_5 : vector<16xi1>, vector<16xi32>
      %add3A_756 = arith.addi %convert_element_type3A_752, %select_n3A_755 : vector<16xi32>
      %max3A_757 = arith.constant 0 : i32
      %max3A_758 = vector.broadcast %max3A_757 : i32 to vector<16xi32>
      %max3A_759 = arith.maxsi %add3A_756, %max3A_758 : vector<16xi32>
      %sub3A_760 = arith.subf %min3A_745, %parallel_loop3A_662#6 : vector<16xf32>
      %gt3A_761 = arith.constant 0.000000e+00 : f32
      %gt3A_762 = vector.broadcast %gt3A_761 : f32 to vector<16xf32>
      %gt3A_763 = arith.cmpf ogt, %sub3A_760, %gt3A_762 : vector<16xf32>
      %div3A_764 = arith.constant 1.000000e+00 : f32
      %div3A_765 = vector.broadcast %div3A_764 : f32 to vector<16xf32>
      %div3A_766 = arith.divf %div3A_765, %sub3A_760 : vector<16xf32>
      %jit3A_767 = arith.constant 0.000000e+00 : f32
      %broadcast_in_dim3A_768 = vector.broadcast %jit3A_767 : f32 to vector<16xf32>
      %select_n3A_769 = arith.select %gt3A_763, %div3A_766, %broadcast_in_dim3A_768 : vector<16xi1>, vector<16xf32>
      %sub3A_770 = arith.subf %get3A_638, %parallel_loop3A_662#7 : vector<16xf32>
      %mul3A_771 = arith.mulf %sub3A_770, %select_n3A_769 : vector<16xf32>
      %mul3A_772 = arith.constant 0.00775193795 : f32
      %mul3A_773 = vector.broadcast %mul3A_772 : f32 to vector<16xf32>
      %mul3A_774 = arith.mulf %mul3A_771, %mul3A_773 : vector<16xf32>
      %sub3A_775 = arith.constant -0.492248058 : f32
      %sub3A_776 = vector.broadcast %sub3A_775 : f32 to vector<16xf32>
      %sub3A_777 = arith.subf %sub3A_776, %parallel_loop3A_662#6 : vector<16xf32>
      %mul3A_778 = arith.mulf %mul3A_771, %sub3A_777 : vector<16xf32>
      %add3A_779 = arith.addf %parallel_loop3A_662#7, %mul3A_778 : vector<16xf32>
      %mul3A_780 = arith.mulf %mul3A_774, %parallel_loop3A_662#8 : vector<16xf32>
      %add3A_781 = arith.addf %add3A_779, %mul3A_780 : vector<16xf32>
      %sub3A_782 = arith.subf %add3A_781, %parallel_loop3A_662#7 : vector<16xf32>
      %add3A_783 = arith.constant 64 : i32
      %add3A_784 = vector.broadcast %add3A_783 : i32 to vector<16xi32>
      %add3A_785 = arith.addi %parallel_loop3A_662#9, %add3A_784 : vector<16xi32>
      tpu.vector_store_idx %arg15[%add3A_785], %sub3A_782 {add = true} : memref<12416xf32, #tpu.memory_space<vmem>>[vector<16xi32>], vector<16xf32>,
      tpu.vector_store_idx %arg17[%add3A_785], %mul3A_774 {add = true} : memref<12416xf32, #tpu.memory_space<vmem>>[vector<16xi32>], vector<16xf32>,
      %add3A_786 = arith.constant 64 : i32
      %add3A_787 = vector.broadcast %add3A_786 : i32 to vector<16xi32>
      %add3A_788 = arith.addi %max3A_759, %add3A_787 : vector<16xi32>
      %convert_element_type3A_789 = arith.sitofp %add3A_788 : vector<16xi32> to vector<16xf32>
      %sub3A_790 = arith.constant 1.000000e+00 : f32
      %sub3A_791 = vector.broadcast %sub3A_790 : f32 to vector<16xf32>
      %sub3A_792 = arith.subf %convert_element_type3A_789, %sub3A_791 : vector<16xf32>
      %mul3A_793 = arith.mulf %mul3A_774, %sub3A_792 : vector<16xf32>
      %add3A_794 = arith.addf %add3A_779, %mul3A_793 : vector<16xf32>
      %sub3A_795 = arith.subf %get3A_638, %add3A_794 : vector<16xf32>
      %mul3A_796 = arith.constant 64 : i32
      %mul3A_797 = vector.broadcast %mul3A_796 : i32 to vector<16xi32>
      %mul3A_798 = arith.muli %add3A_788, %mul3A_797 : vector<16xi32>
      %add3A_799 = arith.addi %mul3A_798, %add3A_13 : vector<16xi32>
      tpu.vector_store_idx %arg15[%add3A_799], %sub3A_795 {add = true} : memref<12416xf32, #tpu.memory_space<vmem>>[vector<16xi32>], vector<16xf32>,
      %neg3A_800 = arith.constant 0.000000e+00 : f32
      %neg3A_801 = vector.broadcast %neg3A_800 : f32 to vector<16xf32>
      %neg3A_802 = arith.subf %neg3A_801, %mul3A_774 : vector<16xf32>
      tpu.vector_store_idx %arg17[%add3A_799], %neg3A_802 {add = true} : memref<12416xf32, #tpu.memory_space<vmem>>[vector<16xi32>], vector<16xf32>,
      %mul3A_803 = arith.constant 64 : i32
      %mul3A_804 = vector.broadcast %mul3A_803 : i32 to vector<16xi32>
      %mul3A_805 = arith.muli %add3A_16, %mul3A_804 : vector<16xi32>
      %add3A_806 = arith.constant 63 : i32
      %add3A_807 = vector.broadcast %add3A_806 : i32 to vector<16xi32>
      %add3A_808 = arith.addi %mul3A_805, %add3A_807 : vector<16xi32>
      %gather3A_809 = tpu.vector_load_idx %arg9[%add3A_808] : memref<4096xf32, #tpu.memory_space<vmem>>[vector<16xi32>], vector<16xf32>,
      %add3A_810 = arith.addf %gather3A_809, %add3A_615 : vector<16xf32>
      %mul3A_811 = arith.mulf %add3A_810, %div3A_609 : vector<16xf32>
      %add3A_812 = arith.addf %parallel_loop3A_662#10, %mul3A_811 : vector<16xf32>
      %min3A_813 = arith.constant 1.000000e+00 : f32
      %min3A_814 = vector.broadcast %min3A_813 : f32 to vector<16xf32>
      %min3A_815 = arith.minimumf %add3A_812, %min3A_814 : vector<16xf32>
      %mul3A_816 = arith.constant 1.290000e+02 : f32
      %mul3A_817 = vector.broadcast %mul3A_816 : f32 to vector<16xf32>
      %mul3A_818 = arith.mulf %min3A_815, %mul3A_817 : vector<16xf32>
      %sub3A_819 = arith.constant 5.000000e-01 : f32
      %sub3A_820 = vector.broadcast %sub3A_819 : f32 to vector<16xf32>
      %sub3A_821 = arith.subf %mul3A_818, %sub3A_820 : vector<16xf32>
      %convert_element_type3A_822 = arith.fptosi %sub3A_821 : vector<16xf32> to vector<16xi32>
      %convert_element_type3A_823 = arith.sitofp %convert_element_type3A_822 : vector<16xi32> to vector<16xf32>
      %lt3A_824 = arith.cmpf olt, %convert_element_type3A_823, %sub3A_821 : vector<16xf32>
      %select_n3A_825 = arith.select %lt3A_824, %broadcast_in_dim3A_7, %broadcast_in_dim3A_5 : vector<16xi1>, vector<16xi32>
      %add3A_826 = arith.addi %convert_element_type3A_822, %select_n3A_825 : vector<16xi32>
      %max3A_827 = arith.constant 0 : i32
      %max3A_828 = vector.broadcast %max3A_827 : i32 to vector<16xi32>
      %max3A_829 = arith.maxsi %add3A_826, %max3A_828 : vector<16xi32>
      %sub3A_830 = arith.subf %min3A_815, %parallel_loop3A_662#11 : vector<16xf32>
      %gt3A_831 = arith.constant 0.000000e+00 : f32
      %gt3A_832 = vector.broadcast %gt3A_831 : f32 to vector<16xf32>
      %gt3A_833 = arith.cmpf ogt, %sub3A_830, %gt3A_832 : vector<16xf32>
      %div3A_834 = arith.constant 1.000000e+00 : f32
      %div3A_835 = vector.broadcast %div3A_834 : f32 to vector<16xf32>
      %div3A_836 = arith.divf %div3A_835, %sub3A_830 : vector<16xf32>
      %jit3A_837 = arith.constant 0.000000e+00 : f32
      %broadcast_in_dim3A_838 = vector.broadcast %jit3A_837 : f32 to vector<16xf32>
      %select_n3A_839 = arith.select %gt3A_833, %div3A_836, %broadcast_in_dim3A_838 : vector<16xi1>, vector<16xf32>
      %sub3A_840 = arith.subf %get3A_640, %parallel_loop3A_662#12 : vector<16xf32>
      %mul3A_841 = arith.mulf %sub3A_840, %select_n3A_839 : vector<16xf32>
      %mul3A_842 = arith.constant 0.00775193795 : f32
      %mul3A_843 = vector.broadcast %mul3A_842 : f32 to vector<16xf32>
      %mul3A_844 = arith.mulf %mul3A_841, %mul3A_843 : vector<16xf32>
      %sub3A_845 = arith.constant -0.492248058 : f32
      %sub3A_846 = vector.broadcast %sub3A_845 : f32 to vector<16xf32>
      %sub3A_847 = arith.subf %sub3A_846, %parallel_loop3A_662#11 : vector<16xf32>
      %mul3A_848 = arith.mulf %mul3A_841, %sub3A_847 : vector<16xf32>
      %add3A_849 = arith.addf %parallel_loop3A_662#12, %mul3A_848 : vector<16xf32>
      %mul3A_850 = arith.mulf %mul3A_844, %parallel_loop3A_662#13 : vector<16xf32>
      %add3A_851 = arith.addf %add3A_849, %mul3A_850 : vector<16xf32>
      %sub3A_852 = arith.subf %add3A_851, %parallel_loop3A_662#12 : vector<16xf32>
      %add3A_853 = arith.constant 64 : i32
      %add3A_854 = vector.broadcast %add3A_853 : i32 to vector<16xi32>
      %add3A_855 = arith.addi %parallel_loop3A_662#14, %add3A_854 : vector<16xi32>
      tpu.vector_store_idx %arg15[%add3A_855], %sub3A_852 {add = true} : memref<12416xf32, #tpu.memory_space<vmem>>[vector<16xi32>], vector<16xf32>,
      tpu.vector_store_idx %arg17[%add3A_855], %mul3A_844 {add = true} : memref<12416xf32, #tpu.memory_space<vmem>>[vector<16xi32>], vector<16xf32>,
      %add3A_856 = arith.constant 64 : i32
      %add3A_857 = vector.broadcast %add3A_856 : i32 to vector<16xi32>
      %add3A_858 = arith.addi %max3A_829, %add3A_857 : vector<16xi32>
      %convert_element_type3A_859 = arith.sitofp %add3A_858 : vector<16xi32> to vector<16xf32>
      %sub3A_860 = arith.constant 1.000000e+00 : f32
      %sub3A_861 = vector.broadcast %sub3A_860 : f32 to vector<16xf32>
      %sub3A_862 = arith.subf %convert_element_type3A_859, %sub3A_861 : vector<16xf32>
      %mul3A_863 = arith.mulf %mul3A_844, %sub3A_862 : vector<16xf32>
      %add3A_864 = arith.addf %add3A_849, %mul3A_863 : vector<16xf32>
      %sub3A_865 = arith.subf %get3A_640, %add3A_864 : vector<16xf32>
      %mul3A_866 = arith.constant 64 : i32
      %mul3A_867 = vector.broadcast %mul3A_866 : i32 to vector<16xi32>
      %mul3A_868 = arith.muli %add3A_858, %mul3A_867 : vector<16xi32>
      %add3A_869 = arith.addi %mul3A_868, %add3A_16 : vector<16xi32>
      tpu.vector_store_idx %arg15[%add3A_869], %sub3A_865 {add = true} : memref<12416xf32, #tpu.memory_space<vmem>>[vector<16xi32>], vector<16xf32>,
      %neg3A_870 = arith.constant 0.000000e+00 : f32
      %neg3A_871 = vector.broadcast %neg3A_870 : f32 to vector<16xf32>
      %neg3A_872 = arith.subf %neg3A_871, %mul3A_844 : vector<16xf32>
      tpu.vector_store_idx %arg17[%add3A_869], %neg3A_872 {add = true} : memref<12416xf32, #tpu.memory_space<vmem>>[vector<16xi32>], vector<16xf32>,
      %mul3A_873 = arith.constant 64 : i32
      %mul3A_874 = vector.broadcast %mul3A_873 : i32 to vector<16xi32>
      %mul3A_875 = arith.muli %add3A_19, %mul3A_874 : vector<16xi32>
      %add3A_876 = arith.constant 63 : i32
      %add3A_877 = vector.broadcast %add3A_876 : i32 to vector<16xi32>
      %add3A_878 = arith.addi %mul3A_875, %add3A_877 : vector<16xi32>
      %gather3A_879 = tpu.vector_load_idx %arg9[%add3A_878] : memref<4096xf32, #tpu.memory_space<vmem>>[vector<16xi32>], vector<16xf32>,
      %add3A_880 = arith.addf %gather3A_879, %add3A_634 : vector<16xf32>
      %mul3A_881 = arith.mulf %add3A_880, %div3A_628 : vector<16xf32>
      %add3A_882 = arith.addf %parallel_loop3A_662#15, %mul3A_881 : vector<16xf32>
      %min3A_883 = arith.constant 1.000000e+00 : f32
      %min3A_884 = vector.broadcast %min3A_883 : f32 to vector<16xf32>
      %min3A_885 = arith.minimumf %add3A_882, %min3A_884 : vector<16xf32>
      %mul3A_886 = arith.constant 1.290000e+02 : f32
      %mul3A_887 = vector.broadcast %mul3A_886 : f32 to vector<16xf32>
      %mul3A_888 = arith.mulf %min3A_885, %mul3A_887 : vector<16xf32>
      %sub3A_889 = arith.constant 5.000000e-01 : f32
      %sub3A_890 = vector.broadcast %sub3A_889 : f32 to vector<16xf32>
      %sub3A_891 = arith.subf %mul3A_888, %sub3A_890 : vector<16xf32>
      %convert_element_type3A_892 = arith.fptosi %sub3A_891 : vector<16xf32> to vector<16xi32>
      %convert_element_type3A_893 = arith.sitofp %convert_element_type3A_892 : vector<16xi32> to vector<16xf32>
      %lt3A_894 = arith.cmpf olt, %convert_element_type3A_893, %sub3A_891 : vector<16xf32>
      %select_n3A_895 = arith.select %lt3A_894, %broadcast_in_dim3A_7, %broadcast_in_dim3A_5 : vector<16xi1>, vector<16xi32>
      %add3A_896 = arith.addi %convert_element_type3A_892, %select_n3A_895 : vector<16xi32>
      %max3A_897 = arith.constant 0 : i32
      %max3A_898 = vector.broadcast %max3A_897 : i32 to vector<16xi32>
      %max3A_899 = arith.maxsi %add3A_896, %max3A_898 : vector<16xi32>
      %sub3A_900 = arith.subf %min3A_885, %parallel_loop3A_662#16 : vector<16xf32>
      %gt3A_901 = arith.constant 0.000000e+00 : f32
      %gt3A_902 = vector.broadcast %gt3A_901 : f32 to vector<16xf32>
      %gt3A_903 = arith.cmpf ogt, %sub3A_900, %gt3A_902 : vector<16xf32>
      %div3A_904 = arith.constant 1.000000e+00 : f32
      %div3A_905 = vector.broadcast %div3A_904 : f32 to vector<16xf32>
      %div3A_906 = arith.divf %div3A_905, %sub3A_900 : vector<16xf32>
      %jit3A_907 = arith.constant 0.000000e+00 : f32
      %broadcast_in_dim3A_908 = vector.broadcast %jit3A_907 : f32 to vector<16xf32>
      %select_n3A_909 = arith.select %gt3A_903, %div3A_906, %broadcast_in_dim3A_908 : vector<16xi1>, vector<16xf32>
      %sub3A_910 = arith.subf %get3A_642, %parallel_loop3A_662#17 : vector<16xf32>
      %mul3A_911 = arith.mulf %sub3A_910, %select_n3A_909 : vector<16xf32>
      %mul3A_912 = arith.constant 0.00775193795 : f32
      %mul3A_913 = vector.broadcast %mul3A_912 : f32 to vector<16xf32>
      %mul3A_914 = arith.mulf %mul3A_911, %mul3A_913 : vector<16xf32>
      %sub3A_915 = arith.constant -0.492248058 : f32
      %sub3A_916 = vector.broadcast %sub3A_915 : f32 to vector<16xf32>
      %sub3A_917 = arith.subf %sub3A_916, %parallel_loop3A_662#16 : vector<16xf32>
      %mul3A_918 = arith.mulf %mul3A_911, %sub3A_917 : vector<16xf32>
      %add3A_919 = arith.addf %parallel_loop3A_662#17, %mul3A_918 : vector<16xf32>
      %mul3A_920 = arith.mulf %mul3A_914, %parallel_loop3A_662#18 : vector<16xf32>
      %add3A_921 = arith.addf %add3A_919, %mul3A_920 : vector<16xf32>
      %sub3A_922 = arith.subf %add3A_921, %parallel_loop3A_662#17 : vector<16xf32>
      %add3A_923 = arith.constant 64 : i32
      %add3A_924 = vector.broadcast %add3A_923 : i32 to vector<16xi32>
      %add3A_925 = arith.addi %parallel_loop3A_662#19, %add3A_924 : vector<16xi32>
      tpu.vector_store_idx %arg15[%add3A_925], %sub3A_922 {add = true} : memref<12416xf32, #tpu.memory_space<vmem>>[vector<16xi32>], vector<16xf32>,
      tpu.vector_store_idx %arg17[%add3A_925], %mul3A_914 {add = true} : memref<12416xf32, #tpu.memory_space<vmem>>[vector<16xi32>], vector<16xf32>,
      %add3A_926 = arith.constant 64 : i32
      %add3A_927 = vector.broadcast %add3A_926 : i32 to vector<16xi32>
      %add3A_928 = arith.addi %max3A_899, %add3A_927 : vector<16xi32>
      %convert_element_type3A_929 = arith.sitofp %add3A_928 : vector<16xi32> to vector<16xf32>
      %sub3A_930 = arith.constant 1.000000e+00 : f32
      %sub3A_931 = vector.broadcast %sub3A_930 : f32 to vector<16xf32>
      %sub3A_932 = arith.subf %convert_element_type3A_929, %sub3A_931 : vector<16xf32>
      %mul3A_933 = arith.mulf %mul3A_914, %sub3A_932 : vector<16xf32>
      %add3A_934 = arith.addf %add3A_919, %mul3A_933 : vector<16xf32>
      %sub3A_935 = arith.subf %get3A_642, %add3A_934 : vector<16xf32>
      %mul3A_936 = arith.constant 64 : i32
      %mul3A_937 = vector.broadcast %mul3A_936 : i32 to vector<16xi32>
      %mul3A_938 = arith.muli %add3A_928, %mul3A_937 : vector<16xi32>
      %add3A_939 = arith.addi %mul3A_938, %add3A_19 : vector<16xi32>
      tpu.vector_store_idx %arg15[%add3A_939], %sub3A_935 {add = true} : memref<12416xf32, #tpu.memory_space<vmem>>[vector<16xi32>], vector<16xf32>,
      %neg3A_940 = arith.constant 0.000000e+00 : f32
      %neg3A_941 = vector.broadcast %neg3A_940 : f32 to vector<16xf32>
      %neg3A_942 = arith.subf %neg3A_941, %mul3A_914 : vector<16xf32>
      tpu.vector_store_idx %arg17[%add3A_939], %neg3A_942 {add = true} : memref<12416xf32, #tpu.memory_space<vmem>>[vector<16xi32>], vector<16xf32>,
      %lt3A_943 = arith.constant 62 : i32
      %lt3A_944 = arith.cmpi slt, %mul3A_89, %lt3A_943 : i32
      %convert_element_type3A_945 = arith.extui %lt3A_944 : i1 to i32
      %cond3A_946 = arith.constant 0 : i32
      %cond3A_947 = arith.cmpi ne, %convert_element_type3A_945, %cond3A_946 : i32
      scf.if %cond3A_947 {
        %add3A_1007 = arith.constant 2 : i32
        %add3A_1008 = arith.addi %add3A_542, %add3A_1007 : i32
        %mul3A_1009 = arith.constant 64 : i32
        %mul3A_1010 = arith.muli %add3A_1008, %mul3A_1009 : i32
        %add3A_1011 = arith.addi %mul3A_2, %mul3A_1010 : i32
        %mul3A_1012 = arith.constant 64 : i32
        %mul3A_1013 = arith.muli %add3A_1011, %mul3A_1012 : i32
        %dma_start3A_1014 = tpu.memref_slice %arg2[%mul3A_1013] : memref<8388608xf32, #tpu.memory_space<hbm>> -> memref<4096xf32, #tpu.memory_space<hbm>>
        %dma_start3A_1015 = tpu.memref_slice %arg2[%mul3A_1013] : memref<8388608xf32, #tpu.memory_space<hbm>> -> memref<4096xf32, #tpu.memory_space<hbm>>
        tpu.enqueue_dma source(%dma_start3A_1015 : memref<4096xf32, #tpu.memory_space<hbm>>) target(%arg9 : memref<4096xf32, #tpu.memory_space<vmem>>) target_semaphore(%arg23 : memref<!tpu.dma_semaphore, #tpu.memory_space<semaphore_mem>>)
        %mul3A_1016 = arith.constant 64 : i32
        %mul3A_1017 = arith.muli %add3A_1011, %mul3A_1016 : i32
        %dma_start3A_1018 = tpu.memref_slice %arg3[%mul3A_1017] : memref<8388608xf32, #tpu.memory_space<hbm>> -> memref<4096xf32, #tpu.memory_space<hbm>>
        %dma_start3A_1019 = tpu.memref_slice %arg3[%mul3A_1017] : memref<8388608xf32, #tpu.memory_space<hbm>> -> memref<4096xf32, #tpu.memory_space<hbm>>
        tpu.enqueue_dma source(%dma_start3A_1019 : memref<4096xf32, #tpu.memory_space<hbm>>) target(%arg11 : memref<4096xf32, #tpu.memory_space<vmem>>) target_semaphore(%arg23 : memref<!tpu.dma_semaphore, #tpu.memory_space<semaphore_mem>>)
        %dma_start3A_1020 = tpu.memref_slice %arg4[%add3A_1011] : memref<131072xf32, #tpu.memory_space<hbm>> -> memref<64xf32, #tpu.memory_space<hbm>>
        %dma_start3A_1021 = tpu.memref_slice %arg4[%add3A_1011] : memref<131072xf32, #tpu.memory_space<hbm>> -> memref<64xf32, #tpu.memory_space<hbm>>
        tpu.enqueue_dma source(%dma_start3A_1021 : memref<64xf32, #tpu.memory_space<hbm>>) target(%arg13 : memref<64xf32, #tpu.memory_space<vmem>>) target_semaphore(%arg23 : memref<!tpu.dma_semaphore, #tpu.memory_space<semaphore_mem>>)
      } else {
      }
      %gt3A_948 = arith.constant 0 : i32
      %gt3A_949 = arith.cmpi sgt, %mul3A_89, %gt3A_948 : i32
      %convert_element_type3A_950 = arith.extui %gt3A_949 : i1 to i32
      %cond3A_951 = arith.constant 0 : i32
      %cond3A_952 = arith.cmpi ne, %convert_element_type3A_950, %cond3A_951 : i32
      scf.if %cond3A_952 {
        %dma_wait3A_1007 = arith.constant 0 : i32
        %dma_wait3A_1008 = tpu.memref_slice %arg6[%dma_wait3A_1007] : memref<25165824xf32, #tpu.memory_space<hbm>> -> memref<12288xf32, #tpu.memory_space<hbm>>
        %dma_wait3A_1009 = arith.constant 0 : i32
        %dma_wait3A_1010 = tpu.memref_slice %arg6[%dma_wait3A_1009] : memref<25165824xf32, #tpu.memory_space<hbm>> -> memref<12288xf32, #tpu.memory_space<hbm>>
        tpu.wait_dma2 semaphore(%arg27 : memref<!tpu.dma_semaphore, #tpu.memory_space<semaphore_mem>>) src(%arg19 : memref<12288xf32, #tpu.memory_space<vmem>>) dst(%dma_wait3A_1010 : memref<12288xf32, #tpu.memory_space<hbm>>)
        %dma_wait3A_1011 = arith.constant 0 : i32
        %dma_wait3A_1012 = tpu.memref_slice %arg7[%dma_wait3A_1011] : memref<131072xf32, #tpu.memory_space<hbm>> -> memref<64xf32, #tpu.memory_space<hbm>>
        %dma_wait3A_1013 = arith.constant 0 : i32
        %dma_wait3A_1014 = tpu.memref_slice %arg7[%dma_wait3A_1013] : memref<131072xf32, #tpu.memory_space<hbm>> -> memref<64xf32, #tpu.memory_space<hbm>>
        tpu.wait_dma2 semaphore(%arg27 : memref<!tpu.dma_semaphore, #tpu.memory_space<semaphore_mem>>) src(%arg21 : memref<64xf32, #tpu.memory_space<vmem>>) dst(%dma_wait3A_1014 : memref<64xf32, #tpu.memory_space<hbm>>)
      } else {
      }
      %parallel_loop3A_953 = arith.constant 0 : i32
      %parallel_loop3A_954 = arith.constant 192 : i32
      %parallel_loop3A_955 = arith.constant 1 : i32
      %parallel_loop3A_956:12 = scf.for %parallel_loop3A_1007 = %parallel_loop3A_953 to %parallel_loop3A_954 step %parallel_loop3A_955 iter_args(%parallel_loop3A_1008 = %broadcast_in_dim3A_3, %parallel_loop3A_1009 = %broadcast_in_dim3A_3, %parallel_loop3A_1010 = %mul3A_25, %parallel_loop3A_1011 = %broadcast_in_dim3A_3, %parallel_loop3A_1012 = %broadcast_in_dim3A_3, %parallel_loop3A_1013 = %mul3A_31, %parallel_loop3A_1014 = %broadcast_in_dim3A_3, %parallel_loop3A_1015 = %broadcast_in_dim3A_3, %parallel_loop3A_1016 = %mul3A_37, %parallel_loop3A_1017 = %broadcast_in_dim3A_3, %parallel_loop3A_1018 = %broadcast_in_dim3A_3, %parallel_loop3A_1019 = %mul3A_43) -> (vector<16xf32>, vector<16xf32>, vector<16xi32>, vector<16xf32>, vector<16xf32>, vector<16xi32>, vector<16xf32>, vector<16xf32>, vector<16xi32>, vector<16xf32>, vector<16xf32>, vector<16xi32>)  : i32 {
        %parallel_loop3A_1020 = arith.constant 64 : i32
        %parallel_loop3A_1021 = arith.muli %parallel_loop3A_1007, %parallel_loop3A_1020 : i32
        %parallel_loop3A_1022 = arith.constant 0 : i32
        %parallel_loop3A_1023 = arith.addi %parallel_loop3A_1021, %parallel_loop3A_1022 : i32
        %parallel_loop3A_1024 = arith.index_cast %parallel_loop3A_1023 : i32 to index
        %parallel_loop3A_1025 = tpu.vector_load %arg15[%parallel_loop3A_1024] {strides = array<i32>} : memref<12416xf32, #tpu.memory_space<vmem>>, vector<16xf32>,
        %parallel_loop3A_1026 = arith.constant 0 : i32
        %parallel_loop3A_1027 = arith.addi %parallel_loop3A_1021, %parallel_loop3A_1026 : i32
        %parallel_loop3A_1028 = arith.index_cast %parallel_loop3A_1027 : i32 to index
        %parallel_loop3A_1029 = tpu.vector_load %arg17[%parallel_loop3A_1028] {strides = array<i32>} : memref<12416xf32, #tpu.memory_space<vmem>>, vector<16xf32>,
        %parallel_loop3A_1030 = arith.addf %parallel_loop3A_1008, %parallel_loop3A_1029 : vector<16xf32>
        %parallel_loop3A_1031 = arith.addf %parallel_loop3A_1009, %parallel_loop3A_1030 : vector<16xf32>
        %parallel_loop3A_1032 = arith.addf %parallel_loop3A_1031, %parallel_loop3A_1025 : vector<16xf32>
        tpu.vector_store_idx %arg19[%parallel_loop3A_1010], %parallel_loop3A_1032 : memref<12288xf32, #tpu.memory_space<vmem>>[vector<16xi32>], vector<16xf32>,
        %parallel_loop3A_1033 = arith.constant 1 : i32
        %parallel_loop3A_1034 = vector.broadcast %parallel_loop3A_1033 : i32 to vector<16xi32>
        %parallel_loop3A_1035 = arith.addi %parallel_loop3A_1010, %parallel_loop3A_1034 : vector<16xi32>
        %parallel_loop3A_1036 = arith.constant 16 : i32
        %parallel_loop3A_1037 = arith.addi %parallel_loop3A_1021, %parallel_loop3A_1036 : i32
        %parallel_loop3A_1038 = arith.index_cast %parallel_loop3A_1037 : i32 to index
        %parallel_loop3A_1039 = tpu.vector_load %arg15[%parallel_loop3A_1038] {strides = array<i32>} : memref<12416xf32, #tpu.memory_space<vmem>>, vector<16xf32>,
        %parallel_loop3A_1040 = arith.constant 16 : i32
        %parallel_loop3A_1041 = arith.addi %parallel_loop3A_1021, %parallel_loop3A_1040 : i32
        %parallel_loop3A_1042 = arith.index_cast %parallel_loop3A_1041 : i32 to index
        %parallel_loop3A_1043 = tpu.vector_load %arg17[%parallel_loop3A_1042] {strides = array<i32>} : memref<12416xf32, #tpu.memory_space<vmem>>, vector<16xf32>,
        %parallel_loop3A_1044 = arith.addf %parallel_loop3A_1011, %parallel_loop3A_1043 : vector<16xf32>
        %parallel_loop3A_1045 = arith.addf %parallel_loop3A_1012, %parallel_loop3A_1044 : vector<16xf32>
        %parallel_loop3A_1046 = arith.addf %parallel_loop3A_1045, %parallel_loop3A_1039 : vector<16xf32>
        tpu.vector_store_idx %arg19[%parallel_loop3A_1013], %parallel_loop3A_1046 : memref<12288xf32, #tpu.memory_space<vmem>>[vector<16xi32>], vector<16xf32>,
        %parallel_loop3A_1047 = arith.constant 1 : i32
        %parallel_loop3A_1048 = vector.broadcast %parallel_loop3A_1047 : i32 to vector<16xi32>
        %parallel_loop3A_1049 = arith.addi %parallel_loop3A_1013, %parallel_loop3A_1048 : vector<16xi32>
        %parallel_loop3A_1050 = arith.constant 32 : i32
        %parallel_loop3A_1051 = arith.addi %parallel_loop3A_1021, %parallel_loop3A_1050 : i32
        %parallel_loop3A_1052 = arith.index_cast %parallel_loop3A_1051 : i32 to index
        %parallel_loop3A_1053 = tpu.vector_load %arg15[%parallel_loop3A_1052] {strides = array<i32>} : memref<12416xf32, #tpu.memory_space<vmem>>, vector<16xf32>,
        %parallel_loop3A_1054 = arith.constant 32 : i32
        %parallel_loop3A_1055 = arith.addi %parallel_loop3A_1021, %parallel_loop3A_1054 : i32
        %parallel_loop3A_1056 = arith.index_cast %parallel_loop3A_1055 : i32 to index
        %parallel_loop3A_1057 = tpu.vector_load %arg17[%parallel_loop3A_1056] {strides = array<i32>} : memref<12416xf32, #tpu.memory_space<vmem>>, vector<16xf32>,
        %parallel_loop3A_1058 = arith.addf %parallel_loop3A_1014, %parallel_loop3A_1057 : vector<16xf32>
        %parallel_loop3A_1059 = arith.addf %parallel_loop3A_1015, %parallel_loop3A_1058 : vector<16xf32>
        %parallel_loop3A_1060 = arith.addf %parallel_loop3A_1059, %parallel_loop3A_1053 : vector<16xf32>
        tpu.vector_store_idx %arg19[%parallel_loop3A_1016], %parallel_loop3A_1060 : memref<12288xf32, #tpu.memory_space<vmem>>[vector<16xi32>], vector<16xf32>,
        %parallel_loop3A_1061 = arith.constant 1 : i32
        %parallel_loop3A_1062 = vector.broadcast %parallel_loop3A_1061 : i32 to vector<16xi32>
        %parallel_loop3A_1063 = arith.addi %parallel_loop3A_1016, %parallel_loop3A_1062 : vector<16xi32>
        %parallel_loop3A_1064 = arith.constant 48 : i32
        %parallel_loop3A_1065 = arith.addi %parallel_loop3A_1021, %parallel_loop3A_1064 : i32
        %parallel_loop3A_1066 = arith.index_cast %parallel_loop3A_1065 : i32 to index
        %parallel_loop3A_1067 = tpu.vector_load %arg15[%parallel_loop3A_1066] {strides = array<i32>} : memref<12416xf32, #tpu.memory_space<vmem>>, vector<16xf32>,
        %parallel_loop3A_1068 = arith.constant 48 : i32
        %parallel_loop3A_1069 = arith.addi %parallel_loop3A_1021, %parallel_loop3A_1068 : i32
        %parallel_loop3A_1070 = arith.index_cast %parallel_loop3A_1069 : i32 to index
        %parallel_loop3A_1071 = tpu.vector_load %arg17[%parallel_loop3A_1070] {strides = array<i32>} : memref<12416xf32, #tpu.memory_space<vmem>>, vector<16xf32>,
        %parallel_loop3A_1072 = arith.addf %parallel_loop3A_1017, %parallel_loop3A_1071 : vector<16xf32>
        %parallel_loop3A_1073 = arith.addf %parallel_loop3A_1018, %parallel_loop3A_1072 : vector<16xf32>
        %parallel_loop3A_1074 = arith.addf %parallel_loop3A_1073, %parallel_loop3A_1067 : vector<16xf32>
        tpu.vector_store_idx %arg19[%parallel_loop3A_1019], %parallel_loop3A_1074 : memref<12288xf32, #tpu.memory_space<vmem>>[vector<16xi32>], vector<16xf32>,
        %parallel_loop3A_1075 = arith.constant 1 : i32
        %parallel_loop3A_1076 = vector.broadcast %parallel_loop3A_1075 : i32 to vector<16xi32>
        %parallel_loop3A_1077 = arith.addi %parallel_loop3A_1019, %parallel_loop3A_1076 : vector<16xi32>
        scf.yield %parallel_loop3A_1030, %parallel_loop3A_1032, %parallel_loop3A_1035, %parallel_loop3A_1044, %parallel_loop3A_1046, %parallel_loop3A_1049, %parallel_loop3A_1058, %parallel_loop3A_1060, %parallel_loop3A_1063, %parallel_loop3A_1072, %parallel_loop3A_1074, %parallel_loop3A_1077 : vector<16xf32>, vector<16xf32>, vector<16xi32>, vector<16xf32>, vector<16xf32>, vector<16xi32>, vector<16xf32>, vector<16xf32>, vector<16xi32>, vector<16xf32>, vector<16xf32>, vector<16xi32>
      } {sc.loop_unroll_factor = 1 : i64, sc.parallel_access}
      %get3A_957 = arith.constant 12288 : index
      %get3A_958 = tpu.vector_load %arg15[%get3A_957] {strides = array<i32>} : memref<12416xf32, #tpu.memory_space<vmem>>, vector<16xf32>,
      %get3A_959 = arith.constant 12288 : index
      %get3A_960 = tpu.vector_load %arg17[%get3A_959] {strides = array<i32>} : memref<12416xf32, #tpu.memory_space<vmem>>, vector<16xf32>,
      %add3A_961 = arith.addf %parallel_loop3A_956#0, %get3A_960 : vector<16xf32>
      %add3A_962 = arith.addf %parallel_loop3A_956#1, %add3A_961 : vector<16xf32>
      %add3A_963 = arith.addf %add3A_962, %get3A_958 : vector<16xf32>
      %swap3A_964 = arith.constant 0 : index
      %swap3A_965 = tpu.vector_load %arg21[%swap3A_964] {strides = array<i32>} : memref<64xf32, #tpu.memory_space<vmem>>, vector<16xf32>,
      tpu.vector_store %arg21[%swap3A_964], %add3A_963 {strides = array<i32>} : memref<64xf32, #tpu.memory_space<vmem>>, vector<16xf32>,
      %get3A_966 = arith.constant 12304 : index
      %get3A_967 = tpu.vector_load %arg15[%get3A_966] {strides = array<i32>} : memref<12416xf32, #tpu.memory_space<vmem>>, vector<16xf32>,
      %get3A_968 = arith.constant 12304 : index
      %get3A_969 = tpu.vector_load %arg17[%get3A_968] {strides = array<i32>} : memref<12416xf32, #tpu.memory_space<vmem>>, vector<16xf32>,
      %add3A_970 = arith.addf %parallel_loop3A_956#3, %get3A_969 : vector<16xf32>
      %add3A_971 = arith.addf %parallel_loop3A_956#4, %add3A_970 : vector<16xf32>
      %add3A_972 = arith.addf %add3A_971, %get3A_967 : vector<16xf32>
      %swap3A_973 = arith.constant 16 : index
      %swap3A_974 = tpu.vector_load %arg21[%swap3A_973] {strides = array<i32>} : memref<64xf32, #tpu.memory_space<vmem>>, vector<16xf32>,
      tpu.vector_store %arg21[%swap3A_973], %add3A_972 {strides = array<i32>} : memref<64xf32, #tpu.memory_space<vmem>>, vector<16xf32>,
      %get3A_975 = arith.constant 12320 : index
      %get3A_976 = tpu.vector_load %arg15[%get3A_975] {strides = array<i32>} : memref<12416xf32, #tpu.memory_space<vmem>>, vector<16xf32>,
      %get3A_977 = arith.constant 12320 : index
      %get3A_978 = tpu.vector_load %arg17[%get3A_977] {strides = array<i32>} : memref<12416xf32, #tpu.memory_space<vmem>>, vector<16xf32>,
      %add3A_979 = arith.addf %parallel_loop3A_956#6, %get3A_978 : vector<16xf32>
      %add3A_980 = arith.addf %parallel_loop3A_956#7, %add3A_979 : vector<16xf32>
      %add3A_981 = arith.addf %add3A_980, %get3A_976 : vector<16xf32>
      %swap3A_982 = arith.constant 32 : index
      %swap3A_983 = tpu.vector_load %arg21[%swap3A_982] {strides = array<i32>} : memref<64xf32, #tpu.memory_space<vmem>>, vector<16xf32>,
      tpu.vector_store %arg21[%swap3A_982], %add3A_981 {strides = array<i32>} : memref<64xf32, #tpu.memory_space<vmem>>, vector<16xf32>,
      %get3A_984 = arith.constant 12336 : index
      %get3A_985 = tpu.vector_load %arg15[%get3A_984] {strides = array<i32>} : memref<12416xf32, #tpu.memory_space<vmem>>, vector<16xf32>,
      %get3A_986 = arith.constant 12336 : index
      %get3A_987 = tpu.vector_load %arg17[%get3A_986] {strides = array<i32>} : memref<12416xf32, #tpu.memory_space<vmem>>, vector<16xf32>,
      %add3A_988 = arith.addf %parallel_loop3A_956#9, %get3A_987 : vector<16xf32>
      %add3A_989 = arith.addf %parallel_loop3A_956#10, %add3A_988 : vector<16xf32>
      %add3A_990 = arith.addf %add3A_989, %get3A_985 : vector<16xf32>
      %swap3A_991 = arith.constant 48 : index
      %swap3A_992 = tpu.vector_load %arg21[%swap3A_991] {strides = array<i32>} : memref<64xf32, #tpu.memory_space<vmem>>, vector<16xf32>,
      tpu.vector_store %arg21[%swap3A_991], %add3A_990 {strides = array<i32>} : memref<64xf32, #tpu.memory_space<vmem>>, vector<16xf32>,
      %mul3A_993 = arith.constant 64 : i32
      %mul3A_994 = arith.muli %add3A_542, %mul3A_993 : i32
      %add3A_995 = arith.addi %mul3A_2, %mul3A_994 : i32
      %mul3A_996 = arith.constant 192 : i32
      %mul3A_997 = arith.muli %add3A_995, %mul3A_996 : i32
      %dma_start3A_998 = tpu.memref_slice %arg6[%mul3A_997] : memref<25165824xf32, #tpu.memory_space<hbm>> -> memref<12288xf32, #tpu.memory_space<hbm>>
      %dma_start3A_999 = tpu.memref_slice %arg6[%mul3A_997] : memref<25165824xf32, #tpu.memory_space<hbm>> -> memref<12288xf32, #tpu.memory_space<hbm>>
      tpu.enqueue_dma source(%arg19 : memref<12288xf32, #tpu.memory_space<vmem>>) target(%dma_start3A_999 : memref<12288xf32, #tpu.memory_space<hbm>>) target_semaphore(%arg27 : memref<!tpu.dma_semaphore, #tpu.memory_space<semaphore_mem>>)
      %dma_start3A_1000 = tpu.memref_slice %arg7[%add3A_995] : memref<131072xf32, #tpu.memory_space<hbm>> -> memref<64xf32, #tpu.memory_space<hbm>>
      %dma_start3A_1001 = tpu.memref_slice %arg7[%add3A_995] : memref<131072xf32, #tpu.memory_space<hbm>> -> memref<64xf32, #tpu.memory_space<hbm>>
      tpu.enqueue_dma source(%arg21 : memref<64xf32, #tpu.memory_space<vmem>>) target(%dma_start3A_1001 : memref<64xf32, #tpu.memory_space<hbm>>) target_semaphore(%arg27 : memref<!tpu.dma_semaphore, #tpu.memory_space<semaphore_mem>>)
      %lt3A_1002 = arith.constant 62 : i32
      %lt3A_1003 = arith.cmpi slt, %mul3A_89, %lt3A_1002 : i32
      %convert_element_type3A_1004 = arith.extui %lt3A_1003 : i1 to i32
      %cond3A_1005 = arith.constant 0 : i32
      %cond3A_1006 = arith.cmpi ne, %convert_element_type3A_1004, %cond3A_1005 : i32
      scf.if %cond3A_1006 {
        tpu.enqueue_dma source(%arg5 : memref<12416xf32, #tpu.memory_space<hbm>>) target(%arg15 : memref<12416xf32, #tpu.memory_space<vmem>>) target_semaphore(%arg25 : memref<!tpu.dma_semaphore, #tpu.memory_space<semaphore_mem>>)
        tpu.enqueue_dma source(%arg5 : memref<12416xf32, #tpu.memory_space<hbm>>) target(%arg17 : memref<12416xf32, #tpu.memory_space<vmem>>) target_semaphore(%arg25 : memref<!tpu.dma_semaphore, #tpu.memory_space<semaphore_mem>>)
      } else {
      }
    }
    %scan3A_71 = arith.constant 32 : i32
    %dma_wait3A = arith.constant 0 : i32
    %dma_wait3A_72 = tpu.memref_slice %arg6[%dma_wait3A] : memref<25165824xf32, #tpu.memory_space<hbm>> -> memref<12288xf32, #tpu.memory_space<hbm>>
    %dma_wait3A_73 = arith.constant 0 : i32
    %dma_wait3A_74 = tpu.memref_slice %arg6[%dma_wait3A_73] : memref<25165824xf32, #tpu.memory_space<hbm>> -> memref<12288xf32, #tpu.memory_space<hbm>>
    tpu.wait_dma2 semaphore(%arg26 : memref<!tpu.dma_semaphore, #tpu.memory_space<semaphore_mem>>) src(%arg18 : memref<12288xf32, #tpu.memory_space<vmem>>) dst(%dma_wait3A_74 : memref<12288xf32, #tpu.memory_space<hbm>>)
    %dma_wait3A_75 = arith.constant 0 : i32
    %dma_wait3A_76 = tpu.memref_slice %arg7[%dma_wait3A_75] : memref<131072xf32, #tpu.memory_space<hbm>> -> memref<64xf32, #tpu.memory_space<hbm>>
    %dma_wait3A_77 = arith.constant 0 : i32
    %dma_wait3A_78 = tpu.memref_slice %arg7[%dma_wait3A_77] : memref<131072xf32, #tpu.memory_space<hbm>> -> memref<64xf32, #tpu.memory_space<hbm>>
    tpu.wait_dma2 semaphore(%arg26 : memref<!tpu.dma_semaphore, #tpu.memory_space<semaphore_mem>>) src(%arg20 : memref<64xf32, #tpu.memory_space<vmem>>) dst(%dma_wait3A_78 : memref<64xf32, #tpu.memory_space<hbm>>)
    %dma_wait3A_79 = arith.constant 0 : i32
    %dma_wait3A_80 = tpu.memref_slice %arg6[%dma_wait3A_79] : memref<25165824xf32, #tpu.memory_space<hbm>> -> memref<12288xf32, #tpu.memory_space<hbm>>
    %dma_wait3A_81 = arith.constant 0 : i32
    %dma_wait3A_82 = tpu.memref_slice %arg6[%dma_wait3A_81] : memref<25165824xf32, #tpu.memory_space<hbm>> -> memref<12288xf32, #tpu.memory_space<hbm>>
    tpu.wait_dma2 semaphore(%arg27 : memref<!tpu.dma_semaphore, #tpu.memory_space<semaphore_mem>>) src(%arg19 : memref<12288xf32, #tpu.memory_space<vmem>>) dst(%dma_wait3A_82 : memref<12288xf32, #tpu.memory_space<hbm>>)
    %dma_wait3A_83 = arith.constant 0 : i32
    %dma_wait3A_84 = tpu.memref_slice %arg7[%dma_wait3A_83] : memref<131072xf32, #tpu.memory_space<hbm>> -> memref<64xf32, #tpu.memory_space<hbm>>
    %dma_wait3A_85 = arith.constant 0 : i32
    %dma_wait3A_86 = tpu.memref_slice %arg7[%dma_wait3A_85] : memref<131072xf32, #tpu.memory_space<hbm>> -> memref<64xf32, #tpu.memory_space<hbm>>
    tpu.wait_dma2 semaphore(%arg27 : memref<!tpu.dma_semaphore, #tpu.memory_space<semaphore_mem>>) src(%arg21 : memref<64xf32, #tpu.memory_space<vmem>>) dst(%dma_wait3A_86 : memref<64xf32, #tpu.memory_space<hbm>>)
    return
  }
}

</mosaic_0001>

<sc_bundles>
// kernel: kernel.3.cloned.1.call-start
scs
__scs_entry_jumppad:
0x0: {  	(pc) =	sbr.rel $0x88, $3  }
0x1: {  	(tag) =	ssettag $0x0;
	lr =	simm.s32 $0x1  }
0x2: {  	[smem:$0x3F9C] =	sst lr;
	_ =	strace $0xD0000000  }
0x3: {  	_ = 	snop  }
0x4: {  	_ = 	snop  }
0x5: {  	_ = 	snop  }
0x6: {  	_ = 	snop  }
0x7: {  	_ = 	snop  }
__scs_overlays_trampoline_lowered:
0x8: {  	[smem:$0x3FAB] =	sst s0  }
0x9: {  	[smem:$0x3FAC] =	sst s1  }
0xa: {  	[smem:$0x3FAD] =	sst s2  }
0xb: {  	[smem:$0x3FAE] =	sst s3  }
0xc: {  	[smem:$0x3FAF] =	sst s4  }
0xd: {  	[smem:$0x3FB0] =	sst s5  }
0xe: {  	[smem:$0x3FB1] =	sst s6  }
0xf: {  	[smem:$0x3FB2] =	sst s7  }
0x10: {  	[smem:$0x3FB3] =	sst s8  }
0x11: {  	[smem:$0x3FB4] =	sst s9;
	s0 =	simm.s32 @!p0 $0x0  }
0x12: {  	s1 =	sld [smem:$0x3F9A];
	s0 =	simm.s32 @p0 $0x1  }
0x13: {  	[smem:$0x3FB5] =	sst s0;
	s0 =	simm.s32 @!p1 $0x0  }
0x14: {  	s2 =	sld [smem:$0x3F99];
	s0 =	simm.s32 @p1 $0x1  }
0x15: {  	[smem:$0x3FB6] =	sst s0;
	s0 =	simm.s32 @!p2 $0x0  }
0x16: {  	s3 =	sld [smem:$0x3FDB];
	s0 =	simm.s32 @p2 $0x1  }
0x17: {  	s4 =	simm.s32 $0x1BF5;
	[smem:$0x3FB8] =	sst s0  }
0x18: {  	s0 =	sld [smem:$0x3F9B];
	_ =	swait.ge [sflag:s4], $0x0  }
0x19: {  	s7 =	sld [smem:$0x3F9C]  }
0x1a: {  	s8 =	sadd.s32 $0xFFFFE003, lr  }
0x1b: {  	s9 =	sadd.s32 $0xFFFFFEF7, lr;
	s5 =	simm.s32 $0xFFFFFFFF;
	p2 =	slt.u32 s8, $0xFFFFF086  }
0x1c: {  	p1 =	slt.u32 s9, $0xF7A;
	s5 =	simm.s32 @!p2 $0x0  }
0x1d: {  	s5 =	simm.s32 @p1 $0x1;
	p0 =	seq.s32 s7, s2  }
0x1e: {  	s7 =	smul.u32 @!p0 $0xF7A, s2;
	p2 =	seq.s32 @!p0 s5, $0x0  }
0x1f: {  	s9 =	smul.u32 $0xF7A, s1;
	s8 =	simm.s32 @!p0 $0x1BF5;
	p2 =	por !p2, p0  }
0x20: {  	[sflag:s8] =	ssyncset.s32 @!p0 $0xFFFFF086;
	s6 =	sadd.s32 @!p0 s3, s7;
	s7 =	simm.s32 @!p0 $0x108  }
0x21: {  	s3 =	sadd.s32 s3, s9;
	s6 =	sadd.s32 @!p0 $0x88, s6;
	s7 =	simm.s32 @p2 $0x1082  }
0x22: {  	[simem:s7], [sflag:s8] =	dma.local @!p0 [hbm:s6], $0xF7A  }
0x23: {  	s9 =	sor.u32 $0xD0000000, s2;
	s6 =	simm.s32 $0x108;
	_ =	swait.ge @!p0 [sflag:s8], $0x0  }
0x24: {  	s3 =	sadd.s32 $0x88, s3;
	s6 =	simm.s32 @!p1 $0x1082;
	[sflag:s4] =	ssyncset.s32 $0xFFFFF086  }
0x25: {  	[simem:s6], [sflag:s4] =	dma.local [hbm:s3], $0xF7A  }
0x26: {  	[smem:$0x3F9C] =	sst s1;
	(tag) =	ssettag s2;
	_ =	strace s9  }
0x27: {  	s1 =	sld [smem:$0x3FAC]  }
0x28: {  	s2 =	sld [smem:$0x3FAD]  }
0x29: {  	s4 =	sld [smem:$0x3FAF]  }
0x2a: {  	p0 =	seq.s32 s5, $0x0;
	s5 =	sld [smem:$0x3FB0]  }
0x2b: {  	s6 =	sld [smem:$0x3FB1]  }
0x2c: {  	s7 =	sld [smem:$0x3FB2]  }
0x2d: {  	s3 =	simm.s32 $0x108;
	s8 =	sld [smem:$0x3FB3]  }
0x2e: {  	s3 =	simm.s32 @!p0 $0x1082;
	s9 =	sld [smem:$0x3FB4]  }
0x2f: {  	lr =	sadd.s32 s0, s3;
	s0 =	sld [smem:$0x3FAB]  }
0x30: {  	s3 =	sld [smem:$0x3FAE]  }
0x31: {  	[smem:$0x3FB7] =	sst s10  }
0x32: {  	s10 =	sld [smem:$0x3FB5];
	_ =	sdelay $0x3  }
0x33: {  	p0 =	seq.s32 s10, $0x1;
	s10 =	sld [smem:$0x3FB7];
	_ =	sdelay $0x3  }
0x34: {  	[smem:$0x3FB7] =	sst s10  }
0x35: {  	s10 =	sld [smem:$0x3FB6];
	_ =	sdelay $0x3  }
0x36: {  	p1 =	seq.s32 s10, $0x1;
	s10 =	sld [smem:$0x3FB7];
	_ =	sdelay $0x3  }
0x37: {  	[smem:$0x3FB7] =	sst s10  }
0x38: {  	s10 =	sld [smem:$0x3FB8]  }
0x39: {  	_ = 	snop;
	(pc) =	sbr.ind lr, $3  }
0x3a: {  	_ = 	snop  }
0x3b: {  	_ = 	snop  }
0x3c: {  	p2 =	seq.s32 s10, $0x1;
	s10 =	sld [smem:$0x3FB7]  }
0x3d: {  	_ =	shalt  }
0x3e: {  	_ =	shalt  }
0x3f: {  	_ =	shalt  }
0x40: {  	_ =	shalt  }
0x41: {  	_ =	shalt  }
0x42: {  	_ =	shalt  }
0x43: {  	_ =	shalt  }
0x44: {  	_ =	shalt  }
0x45: {  	_ =	shalt  }
0x46: {  	_ =	shalt  }
0x47: {  	_ =	shalt  }
0x48: {  	_ =	shalt  }
0x49: {  	_ =	shalt  }
0x4a: {  	_ =	shalt  }
0x4b: {  	_ =	shalt  }
0x4c: {  	_ =	shalt  }
0x4d: {  	_ =	shalt  }
0x4e: {  	_ =	shalt  }
0x4f: {  	_ =	shalt  }
0x50: {  	_ =	shalt  }
0x51: {  	_ =	shalt  }
0x52: {  	_ =	shalt  }
0x53: {  	_ =	shalt  }
0x54: {  	_ =	shalt  }
0x55: {  	_ =	shalt  }
0x56: {  	_ =	shalt  }
0x57: {  	_ =	shalt  }
0x58: {  	_ =	shalt  }
0x59: {  	_ =	shalt  }
0x5a: {  	_ =	shalt  }
0x5b: {  	_ =	shalt  }
0x5c: {  	_ =	shalt  }
0x5d: {  	_ =	shalt  }
0x5e: {  	_ =	shalt  }
0x5f: {  	_ =	shalt  }
0x60: {  	_ =	shalt  }
0x61: {  	_ =	shalt  }
0x62: {  	_ =	shalt  }
0x63: {  	_ =	shalt  }
0x64: {  	_ =	shalt  }
0x65: {  	_ =	shalt  }
0x66: {  	_ =	shalt  }
0x67: {  	_ =	shalt  }
0x68: {  	_ =	shalt  }
0x69: {  	_ =	shalt  }
0x6a: {  	_ =	shalt  }
0x6b: {  	_ =	shalt  }
0x6c: {  	_ =	shalt  }
0x6d: {  	_ =	shalt  }
0x6e: {  	_ =	shalt  }
0x6f: {  	_ =	shalt  }
0x70: {  	_ =	shalt  }
0x71: {  	_ =	shalt  }
0x72: {  	_ =	shalt  }
0x73: {  	_ =	shalt  }
0x74: {  	_ =	shalt  }
0x75: {  	_ =	shalt  }
0x76: {  	_ =	shalt  }
0x77: {  	_ =	shalt  }
0x78: {  	_ =	shalt  }
0x79: {  	_ =	shalt  }
0x7a: {  	_ =	shalt  }
0x7b: {  	_ =	shalt  }
0x7c: {  	_ =	shalt  }
0x7d: {  	_ =	shalt  }
0x7e: {  	_ =	shalt  }
0x7f: {  	_ =	shalt  }
0x80: {  	_ =	shalt  }
0x81: {  	_ =	shalt  }
0x82: {  	_ =	shalt  }
0x83: {  	_ =	shalt  }
0x84: {  	_ =	shalt  }
0x85: {  	_ =	shalt  }
0x86: {  	_ =	shalt  }
0x87: {  	_ =	shalt  }
.Lfunc_end0:
.L_simem_size_0:
called_computation.1_lowered:
.L_overlay_start_0:
0x88: {  	s2 =	sld [smem:$0x3FD9]  }
0x89: {  	s3 =	sld [smem:$0x3FFE];
	_ =	sdelay $0x1  }
0x8a: {  	s1 =	srdreg.scid  }
0x8b: {  	s0 =	sand.u32 $0x1, s1  }
0x8c: {  	s14 =	sshll.u32 s0, $0xA;
	s2 =	sadd.s32 s3, s2  }
0x8d: {  	s2 =	sadd.s32 s2, s14  }
0x8e: {  	[smem:$0x3FC3] =	sst s2  }
0x8f: {  	_ = 	snop  }
0x90: {  	s2 =	sld [smem:$0x3FD0];
	_ =	sdelay $0x2  }
0x91: {  	s4 =	simm.s32 $0xA;
	s5 =	simm.s32 $0x10;
	s15 =	sld [smem:$0x3FC5]  }
0x92: {  	[smem:s5], [sflag:s4] =	dma.local [hbm:s2], $0x1  }
0x93: {  	_ =	swait.eq [sflag:s4], $0x1  }
0x94: {  	s16 =	sld [smem:$0x11];
	[sflag:s4] =	ssyncset.done $0x0  }
0x95: {  	s17 =	sld [smem:$0x12];
	[sflag:s4] =	ssyncadd.s32 $0xFFFFFFFF  }
0x96: {  	s18 =	sld [smem:$0x13];
	(tm) =	ssettm $0x1  }
0x97: {  	s6 =	sld [smem:$0x3FFB];
	_ =	sdelay $0x3  }
0x98: {  	_ =	strace s6  }
0x99: {  	s6 =	sld [smem:$0x3FFC];
	_ =	sdelay $0x3  }
0x9a: {  	_ =	strace s6  }
0x9b: {  	s6 =	sld [smem:$0x3FFD];
	_ =	sdelay $0x3  }
0x9c: {  	_ =	strace s6  }
0x9d: {  	_ =	strace $0x8FFFFFFF  }
0x9e: {  	s19 =	sld [smem:$0x3FDB];
	_ =	sdelay $0x1  }
0x9f: {  	s7 =	simm.s32 $_scs_section_size  }
0xa0: {  	s8 =	simm.s32 $_size__tile_overlayer_lowered;
	s9 =	simm.s32 $_tile_overlayer_lowered  }
0xa1: {  	s22 =	simm.s32 $0x1BFF;
	s21 =	sshll.u32 s9, $0x1;
	s6 =	sadd.s32 s7, s19  }
0xa2: {  	s10 =	simm.s32 $0x0;
	s20 =	sshll.u32 s8, $0x1;
	s8 =	sadd.s32 s21, s6  }
0xa3: {  	[timem:s10], [sflag:s22] =	dma.local [hbm:s8], s20  }
0xa4: {  	_ =	swait.ge [sflag:s22], s20  }
0xa5: {  	s7 =	ssub.s32 $0x0, s20;
	[sflag:s22] =	ssyncset.done $0x0  }
0xa6: {  	[sflag:s22] =	ssyncadd.s32 s7;
	_ =	sdelay $0x1  }
0xa7: {  	s23 =	simm.s32 $0x1B8B  }
0xa8: {  	_ =	swait.ge [sflag:s23], $0x1  }
0xa9: {  	[sflag:s23] =	ssyncset.done $0x0  }
0xaa: {  	s25 =	simm.s32 $0x1B8E;
	s24 =	sld [smem:$0x3FFE];
	[sflag:s23] =	ssyncadd.s32 $0xFFFFFFFF  }
0xab: {  	s26 =	simm.s32 $execute0_lowered;
	[smem:$0x3FD2] =	sst s25  }
0xac: {  	s8 =	sshll.u32 s26, $0x1;
	_ =	strace $0x80000046;
	[dreg:$0x1] =	wrdreg $0xFFFFFFFF  }
0xad: {  	s28 =	simm.s32 $_size_execute0_lowered;
	s6 =	sadd.s32 s6, s8;
	[dreg:$0x0] =	wrdreg $0x0  }
0xae: {  	s8 =	sshll.u32 s28, $0x1;
	[dreg:$0x2] =	wrdreg s6  }
0xaf: {  	[dreg:$0x3] =	wrdreg s8  }
0xb0: {  	[dreg:$0x4] =	wrdreg $0xC0  }
0xb1: {  	_ =	task [dreg:s10], $0x5FFFF  }
0xb2: {  	[dreg:$0x1] =	wrdreg $0xFFFFFFFF  }
0xb3: {  	[dreg:$0x0] =	wrdreg $0x60  }
0xb4: {  	[dreg:$0x2] =	wrdreg s24  }
0xb5: {  	[dreg:$0x3] =	wrdreg s15  }
0xb6: {  	[dreg:$0x4] =	wrdreg s16  }
0xb7: {  	[dreg:$0x5] =	wrdreg s17  }
0xb8: {  	[dreg:$0x6] =	wrdreg s18  }
0xb9: {  	[dreg:$0x7] =	wrdreg $0x9  }
0xba: {  	_ =	task.clear_ibuf [dreg:s10], $0x8FFFF;
	_ =	strace $0x90000046  }
0xbb: {  	s29 =	simm.s32 $0x9;
	_ =	strace $0x80000048  }
0xbc: {  	_ =	swait.ge [sflag:s29], $0x1  }
0xbd: {  	[sflag:s29] =	ssyncadd.s32 $0xFFFFFFFF  }
0xbe: {  	_ =	strace $0x90000048  }
0xbf: {  	_ =	sfence  }
0xc0: {  	s30 =	sld [smem:$0x0];
	_ =	sdelay $0x2  }
0xc1: {  	s31 =	sshll.u32 s1, $0xD;
	s1 =	sshrl.u32 s1, $0x2  }
0xc2: {  	s3 =	sand.u32 $0x4000, s31;
	s1 =	sadd.s32 s1, s30  }
0xc3: {  	s0 =	sor.u32 s3, s0;
	s1 =	sshll.u32 s1, $0x11  }
0xc4: {  	s0 =	sor.u32 s1, s0  }
0xc5: {  	s0 =	sadd.s32 $0x8F2B, s0  }
0xc6: {  	[sflag:s0] =	ssyncadd.remote.s32 $0x1  }
0xc7: {  	_ =	sfence.sel $0xFFFF  }
0xc8: {  	[dreg:$0x0] =	wrdreg $0xFFFFFFFF;
	(pc) =	sbr.abs _section_cstart, $3  }
0xc9: {  	[dreg:$0x1] =	wrdreg $0xFFFFFFFF  }
0xca: {  	_ =	task.clear_ibuf [dreg:s10], $0x2FFFF;
	_ =	strace $0x9FFFFFFF  }
0xcb: {  	(tm) =	ssettm $0x7FFFFFFF  }
tec
execute0_lowered:
.L_overlay_start_1:
0x0: {  	(tag) =	ssettag $0x1  }
0x1: {  	s0 =	rddreg [dreg:$0x0]  }
0x2: {  	s18 =	rddreg [dreg:$0x1];
	s6 =	simm.s32 $0x0  }
0x3: {  	s1 =	srdreg.scid;
	s4 =	stileid.u32;
	s28 =	simm.s32 $0xD280  }
0x4: {  	s29 =	simm.s32 $0x1;
	s30 =	simm.s32 $0x3;
	s31 =	simm.s32 $0x10300  }
0x5: {  	[smem:$0x7FF] =	sst s6;
	s1 =	sand.u32 $0x1, s1;
	s5 =	sadd.s32 $0x1000, s0  }
0x6: {  	s4 =	sshll.u32 s4, $0x1;
	s7 =	sadd.s32 $0x101000, s0;
	_ =	strace $0x80000047  }
0x7: {  	s3 =	ssub.s32 $0x2, s1;
	s1 =	sor.u32 s1, s4;
	[dreg:$0x6] =	wrdreg s5  }
0x8: {  	s17 =	sshrl.u32 s3, $0x1;
	s8 =	sshll.u32 s1, $0xC;
	s19 =	sshll.u32 s1, $0xF  }
0x9: {  	s1 =	sshll.u32 s1, $0x9;
	s0 =	ssub.s32 s3, s17;
	s2 =	sadd.s32 s5, s19  }
0xa: {  	s20 =	sor.u32 $0x40, s8;
	s21 =	sadd.s32 s7, s19;
	[dreg:$0x7] =	wrdreg s8  }
0xb: {  	s1 =	sadd.s32 s18, s1;
	s25 =	sor.u32 $0x80, s8;
	[dreg:$0x8] =	wrdreg s2  }
0xc: {  	s26 =	sor.u32 $0xC0, s8;
	s19 =	simm.s32 $0x2000;
	[dreg:$0x9] =	wrdreg s21  }
0xd: {  	s3 =	simm.s32 $0x0;
	[dreg:$0xa] =	wrdreg s1;
	s22 =	sshll.u32 s20, $0x3  }
0xe: {  	s2 =	smov.u32 s7;
	s24 =	sshrl.u32 s20, $0x3;
	[dreg:$0xe] =	wrdreg s25  }
0xf: {  	[dreg:$0xf] =	wrdreg s26;
	s0 =	smax.u32 s0, $0x1;
	s21 =	simm.s32 $0x4100  }
.Ltmp0:
0x10: {  	s26 =	simm.s32 $0x7180;
	s20 =	simm.s32 $0x4;
	(pc) =	sbr.rel .LBB2_1-.Ltmp0, $4  }
0x11: {  	v60 =	vlaneseq.u32;
	s25 =	simm.s32 $0x13300;
	s23 =	sadd.s32 s5, s22;
	[dreg:$0x10] =	wrdreg s0  }
0x12: {  	v5 =	vimm.s32 $0x0;
	v1 =	vmul.u32 $0x40, v60;
	s1 =	sadd.s32 s7, s22;
	s22 =	simm.s32 $0xA200;
	[dreg:$0xb] =	wrdreg s23  }
0x13: {  	v59 =	vor.u32 $0x10, v60;
	v58 =	vor.u32 $0x20, v60;
	v63 =	vor.u32 $0x30, v60;
	s5 =	simm.s32 $0x2;
	[dreg:$0xc] =	wrdreg s1;
	s1 =	sadd.s32 s18, s24  }
0x14: {  	v2 =	vor.u32 $0x400, v1;
	v3 =	vor.u32 $0x800, v1;
	v4 =	vor.u32 $0xC00, v1;
	s23 =	simm.s32 $0x1000;
	s24 =	simm.s32 $0x3000;
	[dreg:$0xd] =	wrdreg s1  }
.LBB2_19:
0x15: {  	s0 =	simm.s32 $0x5  }
0x16: {  	_ =	swait.ge [sflag:s0], $0x3000  }
0x17: {  	[sflag:s0] =	ssyncset.done $0x0  }
0x18: {  	[sflag:s0] =	ssyncadd.s32 $0xFFFFD000  }
0x19: {  	_ =	swait.ge [sflag:s0], $0x40  }
0x1a: {  	[sflag:s0] =	ssyncset.done $0x0  }
0x1b: {  	s1 =	simm.s32 $0x6;
	[sflag:s0] =	ssyncadd.s32 $0xFFFFFFC0  }
0x1c: {  	_ =	swait.ge [sflag:s1], $0x3000  }
0x1d: {  	[sflag:s1] =	ssyncset.done $0x0  }
0x1e: {  	[sflag:s1] =	ssyncadd.s32 $0xFFFFD000  }
0x1f: {  	_ =	swait.ge [sflag:s1], $0x40  }
0x20: {  	s3 =	rddreg [dreg:$0x11]  }
0x21: {  	s17 =	rddreg [dreg:$0x10];
	s3 =	sadd.s32 $0x1, s3  }
0x22: {  	p0 =	sne.s32 s3, s17  }
.Ltmp1:
0x23: {  	_ = 	snop;
	(pc) =	sbr.rel @!p0 .LBB2_20-.Ltmp1, $3  }
0x24: {  	_ =	sdelay $0x1  }
0x25: {  	[sflag:s1] =	ssyncset.done $0x0  }
0x26: {  	[sflag:s1] =	ssyncadd.s32 $0xFFFFFFC0  }
.LBB2_1:
0x27: {  	s0 =	rddreg [dreg:$0x8]  }
0x28: {  	[tilespmem:s6], [sflag:$0x1] =	stream.linear.gather [hbm4b:s0+s6], $0x1000, $0x38;
	[tilespmem:$0x16400] =	vst v63  }
0x29: {  	s11 =	rddreg [dreg:$0x9]  }
0x2a: {  	[tilespmem:s19], [sflag:$0x1] =	stream.linear.gather [hbm4b:s11+s6], $0x1000, $0x38;
	[tilespmem:$0x16400] =	vst v63  }
0x2b: {  	s12 =	rddreg [dreg:$0xa];
	s1 =	simm.s32 $0x4000  }
0x2c: {  	[tilespmem:s1], [sflag:$0x1] =	stream.linear.gather [hbm4b:s12+s6], $0x40, $0x38;
	[tilespmem:$0x16400] =	vst v63  }
0x2d: {  	s13 =	rddreg [dreg:$0x2]  }
0x2e: {  	[tilespmem:s21], [sflag:$0x3] =	stream.linear.gather [hbm4b:s13+s6], $0x3080, $0x38;
	[tilespmem:$0x16400] =	vst v63  }
0x2f: {  	_ = 	snop  }
0x30: {  	[tilespmem:s22], [sflag:$0x3] =	stream.linear.gather [hbm4b:s13+s6], $0x3080, $0x38;
	[tilespmem:$0x16400] =	vst v63  }
0x31: {  	s14 =	rddreg [dreg:$0xb]  }
0x32: {  	[tilespmem:s23], [sflag:$0x2] =	stream.linear.gather [hbm4b:s14+s6], $0x1000, $0x38;
	[tilespmem:$0x16400] =	vst v63  }
0x33: {  	s15 =	rddreg [dreg:$0xc]  }
0x34: {  	[tilespmem:s24], [sflag:$0x2] =	stream.linear.gather [hbm4b:s15+s6], $0x1000, $0x38;
	[tilespmem:$0x16400] =	vst v63  }
0x35: {  	s16 =	rddreg [dreg:$0xd];
	s17 =	simm.s32 $0x4080  }
0x36: {  	[tilespmem:s17], [sflag:$0x2] =	stream.linear.gather [hbm4b:s16+s6], $0x40, $0x38;
	[tilespmem:$0x16400] =	vst v63  }
0x37: {  	_ = 	snop  }
0x38: {  	[tilespmem:s26], [sflag:$0x4] =	stream.linear.gather [hbm4b:s13+s6], $0x3080, $0x38;
	[tilespmem:$0x16400] =	vst v63  }
0x39: {  	[dreg:$0x11] =	wrdreg s3;
	s14 =	simm.s32 $0x0  }
0x3a: {  	[tilespmem:s28], [sflag:$0x4] =	stream.linear.gather [hbm4b:s13+s6], $0x3080, $0x38;
	[tilespmem:$0x16400] =	vst v63  }
.LBB2_2:
0x3b: {  	_ =	swait.ge [sflag:s29], $0x1000  }
0x3c: {  	[sflag:s29] =	ssyncset.done $0x0  }
0x3d: {  	[sflag:s29] =	ssyncadd.s32 $0xFFFFF000  }
0x3e: {  	s0 =	simm.s32 $0x0;
	_ =	swait.ge [sflag:s29], $0x1000  }
0x3f: {  	v9 =	vor.u32 s0, v4;
	[sflag:s29] =	ssyncset.done $0x0  }
0x40: {  	v10 =	vor.u32 s0, v3;
	[sflag:s29] =	ssyncadd.s32 $0xFFFFF000  }
0x41: {  	v11 =	vor.u32 s0, v2;
	_ =	swait.ge [sflag:s29], $0x40  }
0x42: {  	v13 =	vor.u32 s0, v1;
	[sflag:s29] =	ssyncset.done $0x0  }
0x43: {  	s17 =	simm.s32 $0x1;
	[sflag:s29] =	ssyncadd.s32 $0xFFFFFFC0  }
0x44: {  	v18 =	vor.u32 s17, v4;
	v17 =	vld.idx.msk [tilespmem:v9+s6+$0x0], $0xffff  }
0x45: {  	v14 =	vor.u32 s17, v3;
	v9 =	vld.idx.msk [tilespmem:v10+s6+$0x0], $0xffff  }
0x46: {  	v16 =	vor.u32 s17, v2;
	v12 =	vld.idx.msk [tilespmem:v11+s6+$0x0], $0xffff  }
0x47: {  	v20 =	vor.u32 s17, v1;
	v15 =	vld.idx.msk [tilespmem:v13+s6+$0x0], $0xffff  }
0x48: {  	v19 =	vimm.f32 $0.0e+00  }
0x49: {  	s0 =	simm.s32 $0x2;
	v10 =	vimm.f32 $0.0e+00;
	v11 =	vld.idx.msk [tilespmem:v18+s6+$0x0], $0xffff;
	v13 =	vimm.f32 $0.0e+00;
	v18 =	vimm.f32 $0.0e+00  }
.LBB2_3:
0x4a: {  	v21 =	vor.u32 s0, v4;
	v22 =	vmov v9;
	v9 =	vld.idx.msk [tilespmem:v14+s6+$0x0], $0xffff;
	p0 =	sne.s32 s0, $0x3F  }
.Ltmp2:
0x4b: {  	v14 =	vor.u32 s0, v3;
	v13 =	vadd.f32 v17, v13;
	v17 =	vmovc v12;
	v10 =	vadd.f32 v22, v10;
	v12 =	vld.idx.msk [tilespmem:v16+s6+$0x0], $0xffff;
	(pc) =	sbr.rel @p0 .LBB2_3-.Ltmp2, $3  }
0x4c: {  	v16 =	vor.u32 s0, v2;
	v18 =	vadd.f32 v15, v18;
	v19 =	vadd.f32 v17, v19;
	v15 =	vld.idx.msk [tilespmem:v20+s6+$0x0], $0xffff  }
0x4d: {  	v20 =	vor.u32 s0, v1;
	s0 =	sadd.s32 $0x1, s0;
	_ =	sdelay $0x1  }
0x4e: {  	v17 =	vmov v11;
	v11 =	vld.idx.msk [tilespmem:v21+s6+$0x0], $0xffff  }
0x4f: {  	_ =	sdelay $0x3  }
0x50: {  	v20 =	vld.idx.msk [tilespmem:v20+s6+$0x0], $0xffff  }
0x51: {  	v16 =	vld.idx.msk [tilespmem:v16+s6+$0x0], $0xffff  }
0x52: {  	v14 =	vld.idx.msk [tilespmem:v14+s6+$0x0], $0xffff  }
0x53: {  	v15 =	vadd.f32 v15, v18  }
0x54: {  	v12 =	vadd.f32 v12, v19  }
0x55: {  	v9 =	vadd.f32 v9, v10;
	v10 =	vadd.f32 v20, v15  }
0x56: {  	v13 =	vadd.f32 v17, v13;
	v12 =	vadd.f32 v16, v12  }
0x57: {  	v9 =	vadd.f32 v14, v9;
	v10 =	vadd.f32 $6.399999860e-01, v10  }
0x58: {  	v11 =	vadd.f32 v11, v13;
	v12 =	vadd.f32 $6.399999860e-01, v12  }
0x59: {  	v9 =	vadd.f32 $6.399999860e-01, v9;
	v13 =	vsub.f32 $9.999999740e-06, v10  }
0x5a: {  	v11 =	vadd.f32 $6.399999860e-01, v11;
	v14 =	vsub.f32 $9.999999740e-06, v12  }
0x5b: {  	v15 =	vmax.f32 v13, $0.0e+00;
	v13 =	vsub.f32 $9.999999740e-06, v9  }
0x5c: {  	v19 =	vmax.f32 v14, $0.0e+00;
	v14 =	vsub.f32 $9.999999740e-06, v11;
	v10 =	vadd.f32 v15, v10  }
0x5d: {  	v12 =	vadd.f32 v19, v12;
	v20 =	vmax.f32 v13, $0.0e+00  }
0x5e: {  	v21 =	vmax.f32 v14, $0.0e+00;
	(erf) = vrcp.f32 v10;
	v9 =	vadd.f32 v20, v9  }
0x5f: {  	v10 =	vadd.f32 v21, v11;
	(erf) = vrcp.f32 v12  }
0x60: {  	(erf) = vrcp.f32 v9  }
0x61: {  	(erf) = vrcp.f32 v10;
	_ =	sdelay $0x5  }
0x62: {  	v12 =	vpop (erf)  }
0x63: {  	v7 =	vpop (erf)  }
0x64: {  	v8 =	vpop (erf)  }
0x65: {  	v6 =	vpop (erf)  }
0x66: {  	_ =	swait.ge [sflag:s30], $0x3080  }
0x67: {  	[sflag:s30] =	ssyncset.done $0x0  }
0x68: {  	[sflag:s30] =	ssyncadd.s32 $0xFFFFCF80  }
0x69: {  	_ =	swait.ge [sflag:s30], $0x3080  }
0x6a: {  	[sflag:s30] =	ssyncset.done $0x0  }
0x6b: {  	[sflag:s30] =	ssyncadd.s32 $0xFFFFCF80  }
0x6c: {  	v0 =	vld [tilespmem:$0x4000];
	_ =	sdelay $0x3  }
0x6d: {  	v27 =	vlaneseq.u32  }
0x6e: {  	v9 =	vmul.u32 $0x40, v27;
	[tilespmem:$0x1FFB0] =	vst v0;
	v0 =	vld [tilespmem:$0x4010];
	_ =	sdelay $0x1  }
0x6f: {  	v10 =	vor.u32 $0x400, v9  }
0x70: {  	v22 =	vor.u32 $0x800, v9  }
0x71: {  	v23 =	vor.u32 $0xC00, v9  }
0x72: {  	[tilespmem:$0x1FFC0] =	vst v0;
	v0 =	vld [tilespmem:$0x4020]  }
0x73: {  	v29 =	vld.idx.msk [tilespmem:v9+s19+$0x0], $0xffff  }
0x74: {  	v28 =	vor.u32 $0x10, v27;
	v26 =	vld.idx.msk [tilespmem:v10+s19+$0x0], $0xffff  }
0x75: {  	v25 =	vor.u32 $0x20, v27;
	v24 =	vld.idx.msk [tilespmem:v22+s19+$0x0], $0xffff  }
0x76: {  	v10 =	vld.idx.msk [tilespmem:v23+s19+$0x0], $0xffff;
	v23 =	vor.u32 $0x30, v27  }
0x77: {  	s4 =	simm.s32 $0x0;
	[tilespmem:$0x1FFD0] =	vst v0;
	v0 =	vld [tilespmem:$0x4030]  }
0x78: {  	v22 =	vadd.s32 s4, v1;
	[tilespmem:v27+s21+$0x0] =	vst.idx.msk $0xffff, v29  }
0x79: {  	[tilespmem:v28+s21+$0x0] =	vst.idx.msk $0xffff, v26  }
0x7a: {  	[tilespmem:v25+s21+$0x0] =	vst.idx.msk $0xffff, v24  }
0x7b: {  	[tilespmem:v23+s21+$0x0] =	vst.idx.msk $0xffff, v10  }
0x7c: {  	[tilespmem:$0x1FFE0] =	vst v0  }
0x7d: {  	v22 =	vld.idx.msk [tilespmem:v22+s6+$0x0], $0xffff  }
0x7e: {  	v15 =	vmul.f32 $1.562500000e-02, v15;
	_ =	sdelay $0x1  }
0x7f: {  	v0 =	vadd.f32 $9.999999770e-03, v15;
	_ =	sdelay $0x1  }
0x80: {  	v22 =	vadd.f32 v22, v0;
	_ =	sdelay $0x1  }
0x81: {  	v30 =	vmul.f32 v22, v12  }
0x82: {  	v22 =	vimm.f32 $0.0e+00  }
0x83: {  	v30 =	vadd.f32 v30, v22;
	_ =	sdelay $0x1  }
0x84: {  	v31 =	vmin.f32 v30, $1.000000000e+00  }
0x85: {  	s17 =	simm.s32 $0x1;
	v32 =	vsub.f32 v31, v22  }
0x86: {  	v33 =	vor.u32 s17, v1  }
0x87: {  	(erf) = vrcp.f32 v32  }
0x88: {  	v34 =	vmul.f32 $1.290000000e+02, v31;
	_ =	sdelay $0x1  }
0x89: {  	v34 =	vadd.f32 $-5.000000000e-01, v34  }
0x8a: {  	v33 =	vld.idx.msk [tilespmem:v33+s19+$0x0], $0xffff  }
0x8b: {  	s0 =	scvt.s32.f32 s17;
	v35 =	vtrunc.f32 v34  }
0x8c: {  	v36 =	vcvt.f32.s32 v35;
	vm0 =	vgt.f32 v34, v35  }
0x8d: {  	s0 =	ssub.f32 $5.000000000e-01, s0;
	v34 =	vsel vm0, $0x1, v5  }
0x8e: {  	v34 =	vadd.s32 v36, v34  }
0x8f: {  	s12 =	smul.f32 $7.751937950e-03, s0;
	v44 =	vsub.f32 v33, v29;
	vm1 =	vgt.f32 v32, $0.0e+00;
	vm15 =	vgt.s32 v34, $0x0;
	v43 =	vpop (erf)  }
0x90: {  	v34 =	vnsel vm15, $0x0, v34;
	v32 =	vnsel vm1, $0x0, v43  }
0x91: {  	v45 =	vsub.f32 s12, v22;
	v34 =	vadd.s32 s17, v34;
	v32 =	vmul.f32 v32, v44  }
0x92: {  	v46 =	vcvt.s32.f32 v34  }
0x93: {  	v37 =	vmul.f32 $7.751937950e-03, v32;
	v32 =	vmul.f32 v32, v45;
	_ =	sdelay $0x1  }
0x94: {  	v47 =	vadd.f32 $-1.000000000e+00, v46;
	v32 =	vadd.f32 v32, v29;
	v38 =	vmul.f32 v37, v22  }
0x95: {  	v27 =	vadd.s32 $0x40, v27  }
0x96: {  	v34 =	vshll.u32 v34, $0x6;
	v36 =	vmul.f32 v47, v37;
	v38 =	vadd.f32 v38, v32  }
0x97: {  	v34 =	vor.u32 v60, v34  }
0x98: {  	v32 =	vadd.f32 v36, v32;
	v29 =	vsub.f32 v38, v29  }
0x99: {  	s1 =	simm.s32 $0x1;
	v48 =	vadd.s32 s4, v2  }
0x9a: {  	v32 =	vsub.f32 v33, v32;
	[tilespmem:v27+s21+$0x0] =	vst.idx.add.f32.msk $0xffff, v29;
	v29 =	vadd.s32 s1, v1  }
0x9b: {  	[tilespmem:v27+s22+$0x0] =	vst.idx.add.f32.msk $0xffff, v37;
	v27 =	vsub.f32 $0.0e+00, v37  }
0x9c: {  	[tilespmem:v34+s21+$0x0] =	vst.idx.add.f32.msk $0xffff, v32  }
0x9d: {  	[tilespmem:v34+s22+$0x0] =	vst.idx.add.f32.msk $0xffff, v27  }
0x9e: {  	v27 =	vld.idx.msk [tilespmem:v48+s6+$0x0], $0xffff  }
0x9f: {  	v19 =	vmul.f32 $1.562500000e-02, v19;
	v29 =	vld.idx.msk [tilespmem:v29+s6+$0x0], $0xffff;
	_ =	sdelay $0x1  }
0xa0: {  	v9 =	vadd.f32 $9.999999770e-03, v19;
	_ =	sdelay $0x1  }
0xa1: {  	v27 =	vadd.f32 v27, v9  }
0xa2: {  	v29 =	vadd.f32 v29, v0  }
0xa3: {  	v27 =	vmul.f32 v27, v7  }
0xa4: {  	v29 =	vmul.f32 v29, v12  }
0xa5: {  	v27 =	vadd.f32 v27, v22  }
0xa6: {  	v29 =	vadd.f32 v29, v30  }
0xa7: {  	v30 =	vmin.f32 v27, $1.000000000e+00  }
0xa8: {  	v49 =	vsub.f32 v30, v22;
	v37 =	vmin.f32 v29, $1.000000000e+00  }
0xa9: {  	s15 =	simm.s32 $0x2;
	v50 =	vsub.f32 v37, v31  }
0xaa: {  	v51 =	vor.u32 s15, v1;
	(erf) = vrcp.f32 v49  }
0xab: {  	(erf) = vrcp.f32 v50;
	_ =	sdelay $0x2  }
0xac: {  	v39 =	vmul.f32 $1.290000000e+02, v37  }
0xad: {  	v32 =	vld.idx.msk [tilespmem:v51+s19+$0x0], $0xffff  }
0xae: {  	s13 =	scvt.s32.f32 s15;
	v39 =	vadd.f32 $-5.000000000e-01, v39;
	_ =	sdelay $0x1  }
0xaf: {  	s0 =	ssub.f32 $5.000000000e-01, s13;
	v40 =	vtrunc.f32 v39  }
0xb0: {  	v41 =	vcvt.f32.s32 v40;
	vm4 =	vgt.f32 v39, v40;
	v52 =	vpop (erf)  }
0xb1: {  	s13 =	smul.f32 $7.751937950e-03, s0;
	v54 =	vsub.f32 v32, v33;
	vm6 =	vgt.f32 v50, $0.0e+00;
	v39 =	vsel vm4, $0x1, v5;
	v53 =	vpop (erf)  }
0xb2: {  	v39 =	vadd.s32 v41, v39;
	v38 =	vnsel vm6, $0x0, v53  }
0xb3: {  	v31 =	vsub.f32 s13, v31;
	vm5 =	vgt.s32 v39, $0x0;
	v38 =	vmul.f32 v38, v54  }
0xb4: {  	v39 =	vnsel vm5, $0x0, v39  }
0xb5: {  	v39 =	vadd.s32 s15, v39;
	v42 =	vmul.f32 $7.751937950e-03, v38;
	v31 =	vmul.f32 v38, v31  }
0xb6: {  	v41 =	vcvt.s32.f32 v39  }
0xb7: {  	v31 =	vadd.f32 v31, v33;
	v35 =	vmul.f32 v42, v46  }
0xb8: {  	v34 =	vadd.s32 $0x40, v34;
	v55 =	vadd.f32 $-1.000000000e+00, v41  }
0xb9: {  	s3 =	simm.s32 $0x2;
	v35 =	vadd.f32 v35, v31  }
0xba: {  	v62 =	vadd.s32 s3, v1;
	v39 =	vshll.u32 v39, $0x6;
	v38 =	vmul.f32 v55, v42  }
0xbb: {  	v39 =	vor.u32 v60, v39;
	v33 =	vsub.f32 v35, v33  }
0xbc: {  	v57 =	vor.u32 s17, v2;
	v31 =	vadd.f32 v38, v31  }
0xbd: {  	[tilespmem:v34+s21+$0x0] =	vst.idx.add.f32.msk $0xffff, v33  }
0xbe: {  	v56 =	vadd.s32 s1, v2;
	v31 =	vsub.f32 v32, v31;
	[tilespmem:v34+s22+$0x0] =	vst.idx.add.f32.msk $0xffff, v42  }
0xbf: {  	v34 =	vld.idx.msk [tilespmem:v62+s6+$0x0], $0xffff  }
0xc0: {  	v61 =	vsub.f32 $0.0e+00, v42;
	[tilespmem:v39+s21+$0x0] =	vst.idx.add.f32.msk $0xffff, v31  }
0xc1: {  	v45 =	vmul.f32 $1.290000000e+02, v30;
	v31 =	vld.idx.msk [tilespmem:v57+s19+$0x0], $0xffff  }
0xc2: {  	[tilespmem:v39+s22+$0x0] =	vst.idx.add.f32.msk $0xffff, v61  }
0xc3: {  	v46 =	vadd.f32 $-5.000000000e-01, v45;
	v33 =	vld.idx.msk [tilespmem:v56+s6+$0x0], $0xffff;
	_ =	sdelay $0x1  }
0xc4: {  	v47 =	vtrunc.f32 v46  }
0xc5: {  	vm8 =	vgt.f32 v49, $0.0e+00;
	v48 =	vcvt.f32.s32 v47;
	vm7 =	vgt.f32 v46, v47  }
0xc6: {  	v50 =	vnsel vm8, $0x0, v52;
	v35 =	vsel vm7, $0x1, v5;
	v49 =	vsub.f32 v31, v26  }
0xc7: {  	v35 =	vadd.s32 v48, v35;
	v34 =	vadd.f32 v34, v0;
	v33 =	vadd.f32 v33, v9  }
0xc8: {  	v51 =	vsub.f32 s12, v22;
	vm9 =	vgt.s32 v35, $0x0;
	v36 =	vmul.f32 v50, v49  }
0xc9: {  	v52 =	vnsel vm9, $0x0, v35;
	v53 =	vmul.f32 v34, v12;
	v33 =	vmul.f32 v33, v7  }
0xca: {  	v55 =	vadd.s32 s17, v52;
	v54 =	vmul.f32 v36, v51;
	v36 =	vmul.f32 $7.751937950e-03, v36  }
0xcb: {  	v43 =	vcvt.s32.f32 v55;
	v38 =	vadd.f32 v53, v29  }
0xcc: {  	s0 =	simm.s32 $0x3;
	v35 =	vadd.f32 v33, v27;
	v29 =	vadd.f32 v54, v26;
	v56 =	vmul.f32 v36, v22  }
0xcd: {  	v46 =	vor.u32 s0, v1;
	v57 =	vadd.s32 $0x40, v28;
	v61 =	vadd.f32 $-1.000000000e+00, v43  }
0xce: {  	v40 =	vshll.u32 v55, $0x6;
	v27 =	vmin.f32 v35, $1.000000000e+00;
	v33 =	vadd.f32 v56, v29  }
0xcf: {  	v28 =	vmin.f32 v38, $1.000000000e+00;
	v42 =	vmul.f32 v61, v36;
	v44 =	vsub.f32 v27, v30  }
0xd0: {  	v40 =	vor.u32 v59, v40;
	v45 =	vsub.f32 v28, v37;
	v26 =	vsub.f32 v33, v26  }
0xd1: {  	v29 =	vadd.f32 v42, v29;
	(erf) = vrcp.f32 v44  }
0xd2: {  	v62 =	vadd.s32 s4, v3;
	v47 =	vmul.f32 $1.290000000e+02, v28;
	(erf) = vrcp.f32 v45;
	[tilespmem:v57+s21+$0x0] =	vst.idx.add.f32.msk $0xffff, v26  }
0xd3: {  	v29 =	vsub.f32 v31, v29;
	v26 =	vld.idx.msk [tilespmem:v46+s19+$0x0], $0xffff  }
0xd4: {  	s7 =	scvt.s32.f32 s0;
	v48 =	vsub.f32 $0.0e+00, v36;
	v49 =	vadd.f32 $-5.000000000e-01, v47;
	[tilespmem:v57+s22+$0x0] =	vst.idx.add.f32.msk $0xffff, v36  }
0xd5: {  	[tilespmem:v40+s21+$0x0] =	vst.idx.add.f32.msk $0xffff, v29  }
0xd6: {  	s7 =	ssub.f32 $5.000000000e-01, s7;
	v20 =	vmul.f32 $1.562500000e-02, v20;
	v29 =	vtrunc.f32 v49;
	[tilespmem:v40+s22+$0x0] =	vst.idx.add.f32.msk $0xffff, v48  }
0xd7: {  	v21 =	vmul.f32 $1.562500000e-02, v21;
	v50 =	vcvt.f32.s32 v29;
	vm10 =	vgt.f32 v49, v29;
	v29 =	vld.idx.msk [tilespmem:v62+s6+$0x0], $0xffff  }
0xd8: {  	s10 =	smul.f32 $7.751937950e-03, s7;
	v14 =	vadd.f32 $9.999999770e-03, v20  }
0xd9: {  	v16 =	vadd.f32 $9.999999770e-03, v21;
	v25 =	vadd.s32 $0x40, v25;
	v39 =	vadd.s32 $0x40, v39  }
0xda: {  	v51 =	vor.u32 s15, v2;
	v37 =	vsub.f32 s10, v37;
	v52 =	vsel vm10, $0x1, v5;
	v36 =	vpop (erf)  }
0xdb: {  	vm11 =	vgt.f32 v45, $0.0e+00;
	v34 =	vadd.s32 v50, v52;
	v54 =	vsub.f32 v26, v32;
	v53 =	vpop (erf)  }
0xdc: {  	vm12 =	vgt.s32 v34, $0x0;
	v57 =	vadd.f32 v29, v14;
	v42 =	vnsel vm11, $0x0, v53  }
0xdd: {  	v55 =	vmul.f32 $1.290000000e+02, v27;
	v34 =	vnsel vm12, $0x0, v34;
	v42 =	vmul.f32 v42, v54  }
0xde: {  	v30 =	vsub.f32 s13, v30;
	v56 =	vadd.s32 s0, v34;
	v61 =	vmul.f32 v57, v8  }
0xdf: {  	vm13 =	vgt.f32 v44, $0.0e+00;
	v29 =	vcvt.s32.f32 v56;
	v47 =	vmul.f32 v42, v37;
	v37 =	vld.idx.msk [tilespmem:v51+s19+$0x0], $0xffff  }
0xe0: {  	v45 =	vadd.f32 $-5.000000000e-01, v55;
	v48 =	vmul.f32 $7.751937950e-03, v42;
	v34 =	vadd.f32 v61, v22  }
0xe1: {  	v50 =	vor.u32 s17, v3;
	v46 =	vshll.u32 v56, $0x6;
	v62 =	vadd.f32 $-1.000000000e+00, v29  }
0xe2: {  	v47 =	vadd.f32 v47, v32;
	v41 =	vmul.f32 v48, v41;
	v33 =	vmin.f32 v34, $1.000000000e+00  }
0xe3: {  	v42 =	vor.u32 v60, v46;
	v52 =	vmul.f32 v62, v48;
	v46 =	vsub.f32 v33, v22  }
0xe4: {  	v36 =	vnsel vm13, $0x0, v36;
	v41 =	vadd.f32 v41, v47;
	v53 =	vsub.f32 v37, v31  }
0xe5: {  	v51 =	vtrunc.f32 v45;
	v52 =	vadd.f32 v52, v47;
	(erf) = vrcp.f32 v46  }
0xe6: {  	v41 =	vsub.f32 v41, v32;
	v36 =	vmul.f32 v36, v53;
	v53 =	vmul.f32 $1.290000000e+02, v33  }
0xe7: {  	v49 =	vadd.s32 s3, v2;
	v54 =	vcvt.f32.s32 v51;
	vm14 =	vgt.f32 v45, v51;
	v32 =	vld.idx.msk [tilespmem:v50+s19+$0x0], $0xffff  }
0xe8: {  	v51 =	vor.u32 s17, v4;
	v44 =	vsub.f32 v26, v52;
	[tilespmem:v39+s21+$0x0] =	vst.idx.add.f32.msk $0xffff, v41;
	v56 =	vadd.f32 $-5.000000000e-01, v53  }
0xe9: {  	v55 =	vsub.f32 $0.0e+00, v48;
	v57 =	vsel vm14, $0x1, v5;
	[tilespmem:v39+s22+$0x0] =	vst.idx.add.f32.msk $0xffff, v48;
	v30 =	vmul.f32 v36, v30  }
0xea: {  	vm2 =	vgt.f32 v46, $0.0e+00;
	v47 =	vmul.f32 $7.751937950e-03, v36;
	[tilespmem:v42+s21+$0x0] =	vst.idx.add.f32.msk $0xffff, v44;
	v61 =	vtrunc.f32 v56  }
0xeb: {  	s9 =	simm.s32 $0x3;
	v36 =	vadd.s32 v54, v57;
	[tilespmem:v42+s22+$0x0] =	vst.idx.add.f32.msk $0xffff, v55;
	v52 =	vcvt.f32.s32 v61;
	vm15 =	vgt.f32 v56, v61  }
0xec: {  	v53 =	vadd.s32 s9, v1;
	v48 =	vadd.s32 $0x40, v40;
	v62 =	vld.idx.msk [tilespmem:v49+s6+$0x0], $0xffff;
	v39 =	vsel vm15, $0x1, v5  }
0xed: {  	v57 =	vsub.f32 s12, v22;
	v30 =	vadd.f32 v30, v31;
	v39 =	vadd.s32 v52, v39  }
0xee: {  	v43 =	vmul.f32 v47, v43;
	v55 =	vsub.f32 v32, v24;
	v56 =	vpop (erf);
	vm5 =	vgt.s32 v39, $0x0  }
0xef: {  	vm4 =	vgt.s32 v36, $0x0;
	v44 =	vnsel vm2, $0x0, v56;
	v39 =	vnsel vm5, $0x0, v39  }
0xf0: {  	v54 =	vadd.f32 v43, v30;
	v43 =	vmul.f32 v44, v55;
	v39 =	vadd.s32 s17, v39  }
0xf1: {  	v46 =	vnsel vm4, $0x0, v36;
	v45 =	vld.idx.msk [tilespmem:v53+s6+$0x0], $0xffff;
	v41 =	vadd.f32 v62, v9;
	v36 =	vcvt.s32.f32 v39  }
0xf2: {  	v49 =	vsub.f32 v54, v31;
	v50 =	vmul.f32 $7.751937950e-03, v43;
	v31 =	vmul.f32 v43, v57  }
0xf3: {  	v42 =	vadd.s32 $0x40, v42;
	v41 =	vmul.f32 v41, v7;
	v61 =	vadd.f32 $-1.000000000e+00, v36  }
0xf4: {  	v43 =	vor.u32 s0, v2;
	v62 =	vadd.f32 v31, v24;
	v57 =	vmul.f32 v50, v22  }
0xf5: {  	v39 =	vshll.u32 v39, $0x6;
	v35 =	vadd.f32 v41, v35;
	v61 =	vmul.f32 v61, v50  }
0xf6: {  	v45 =	vadd.f32 v45, v0;
	v40 =	vor.u32 v58, v39;
	v44 =	vadd.f32 v57, v62  }
0xf7: {  	v57 =	vadd.s32 s15, v46;
	v31 =	vmin.f32 v35, $1.000000000e+00;
	v41 =	vadd.f32 v61, v62  }
0xf8: {  	[tilespmem:$0x1FFF0] =	vst v0;
	v24 =	vsub.f32 v44, v24;
	v62 =	vmul.f32 v45, v12;
	v56 =	vmul.f32 $1.290000000e+02, v31  }
0xf9: {  	v39 =	vld.idx.msk [tilespmem:v43+s19+$0x0], $0xffff;
	v43 =	vadd.s32 s4, v4;
	v54 =	vsub.f32 v31, v27;
	v41 =	vsub.f32 v32, v41  }
0xfa: {  	v52 =	vcvt.s32.f32 v57;
	[tilespmem:v25+s21+$0x0] =	vst.idx.add.f32.msk $0xffff, v24;
	v24 =	vadd.f32 v62, v38;
	v62 =	vadd.f32 $-5.000000000e-01, v56  }
0xfb: {  	v61 =	vsub.f32 $0.0e+00, v50;
	(erf) = vrcp.f32 v54;
	v56 =	vshll.u32 v57, $0x6;
	[tilespmem:v25+s22+$0x0] =	vst.idx.add.f32.msk $0xffff, v50  }
0xfc: {  	v50 =	vor.u32 v59, v56;
	[tilespmem:v40+s21+$0x0] =	vst.idx.add.f32.msk $0xffff, v41;
	v25 =	vmin.f32 v24, $1.000000000e+00;
	v57 =	vtrunc.f32 v62  }
0xfd: {  	s4 =	simm.s32 $0x4;
	[tilespmem:v40+s22+$0x0] =	vst.idx.add.f32.msk $0xffff, v61;
	vm6 =	vgt.f32 v62, v57;
	v61 =	vadd.f32 $-1.000000000e+00, v52;
	v62 =	vmul.f32 $1.290000000e+02, v25  }
0xfe: {  	s16 =	scvt.s32.f32 s4;
	v56 =	vor.u32 s4, v1;
	v55 =	vsub.f32 v25, v28;
	v38 =	vcvt.f32.s32 v57;
	v43 =	vld.idx.msk [tilespmem:v43+s6+$0x0], $0xffff  }
0xff: {  	v46 =	vsel vm6, $0x1, v5;
	v41 =	vmul.f32 v61, v47;
	v44 =	vadd.f32 $-5.000000000e-01, v62  }
0x100: {  	vm7 =	vgt.f32 v54, $0.0e+00;
	s7 =	ssub.f32 $5.000000000e-01, s16;
	(erf) = vrcp.f32 v55;
	v54 =	vadd.s32 v38, v46  }
0x101: {  	[tilespmem:v48+s21+$0x0] =	vst.idx.add.f32.msk $0xffff, v49;
	v38 =	vsub.f32 s10, v27;
	v27 =	vadd.f32 v41, v30;
	v30 =	vtrunc.f32 v44  }
0x102: {  	v53 =	vadd.s32 s1, v3;
	[tilespmem:v48+s22+$0x0] =	vst.idx.add.f32.msk $0xffff, v47;
	v45 =	vsub.f32 $0.0e+00, v47;
	s16 =	smul.f32 $7.751937950e-03, s7;
	v57 =	vcvt.f32.s32 v30  }
0x103: {  	vm8 =	vgt.f32 v44, v30;
	v43 =	vadd.f32 v43, v16;
	v30 =	vsub.f32 v37, v27  }
0x104: {  	v28 =	vsub.f32 s16, v28;
	v61 =	vsub.f32 v39, v37;
	vm11 =	vgt.f32 v55, $0.0e+00;
	v62 =	vpop (erf);
	v27 =	vld.idx.msk [tilespmem:v56+s19+$0x0], $0xffff  }
0x105: {  	v44 =	vsel vm8, $0x1, v5;
	v46 =	vnsel vm7, $0x0, v62;
	v43 =	vmul.f32 v43, v6;
	[tilespmem:v50+s21+$0x0] =	vst.idx.add.f32.msk $0xffff, v30  }
0x106: {  	vm9 =	vgt.s32 v54, $0x0;
	v44 =	vadd.s32 v57, v44;
	v46 =	vmul.f32 v46, v61;
	[tilespmem:v50+s22+$0x0] =	vst.idx.add.f32.msk $0xffff, v45  }
0x107: {  	v55 =	vnsel vm9, $0x0, v54;
	vm10 =	vgt.s32 v44, $0x0;
	v41 =	vadd.f32 v43, v22;
	v45 =	vld.idx.msk [tilespmem:v53+s6+$0x0], $0xffff  }
0x108: {  	v30 =	vnsel vm10, $0x0, v44;
	v44 =	vadd.s32 $0x40, v50;
	v43 =	vmul.f32 v46, v38  }
0x109: {  	v46 =	vmul.f32 $7.751937950e-03, v46;
	v61 =	vpop (erf);
	v49 =	vsub.f32 v27, v26;
	v38 =	vmin.f32 v41, $1.000000000e+00  }
0x10a: {  	v62 =	vadd.s32 s4, v30;
	v48 =	vnsel vm11, $0x0, v61;
	v56 =	vsub.f32 v38, v22  }
0x10b: {  	v30 =	vcvt.s32.f32 v62;
	v50 =	vadd.f32 v43, v37;
	v48 =	vmul.f32 v48, v49  }
0x10c: {  	v61 =	vmul.f32 v46, v52;
	(erf) = vrcp.f32 v56;
	v45 =	vadd.f32 v45, v14  }
0x10d: {  	v49 =	vshll.u32 v62, $0x6;
	v54 =	vmul.f32 $7.751937950e-03, v48;
	v48 =	vmul.f32 v48, v28  }
0x10e: {  	v62 =	vadd.f32 $-1.000000000e+00, v30;
	v43 =	vadd.f32 v61, v50;
	v57 =	vmul.f32 v45, v8  }
0x10f: {  	v28 =	vld.idx.msk [tilespmem:v51+s19+$0x0], $0xffff;
	v51 =	vmul.f32 $1.290000000e+02, v38;
	v61 =	vadd.f32 v48, v26;
	v29 =	vmul.f32 v54, v29  }
0x110: {  	v47 =	vadd.s32 s9, v2;
	v52 =	vsub.f32 v43, v37;
	v43 =	vadd.f32 v57, v34  }
0x111: {  	vm12 =	vgt.f32 v56, $0.0e+00;
	v37 =	vadd.f32 $-5.000000000e-01, v51;
	v29 =	vadd.f32 v29, v61  }
0x112: {  	v48 =	vor.u32 s15, v3;
	v53 =	vmul.f32 v62, v54;
	v57 =	vmin.f32 v43, $1.000000000e+00  }
0x113: {  	v51 =	vor.u32 v60, v49;
	v26 =	vsub.f32 v29, v26;
	v56 =	vmul.f32 $1.290000000e+02, v57  }
0x114: {  	v11 =	vmovc v7;
	v7 =	vmovc v8;
	v34 =	vtrunc.f32 v37;
	v45 =	vadd.f32 v53, v61;
	v49 =	vsub.f32 v28, v10  }
0x115: {  	v8 =	vmovc v59;
	v60 =	vcvt.f32.s32 v34;
	vm13 =	vgt.f32 v37, v34;
	[tilespmem:v42+s21+$0x0] =	vst.idx.add.f32.msk $0xffff, v26;
	v26 =	vadd.f32 $-5.000000000e-01, v56  }
0x116: {  	v29 =	vor.u32 s4, v2;
	v59 =	vsub.f32 v27, v45;
	v34 =	vsel vm13, $0x1, v5;
	v62 =	vpop (erf)  }
0x117: {  	v19 =	vmovc v58;
	v53 =	vld.idx.msk [tilespmem:v48+s19+$0x0], $0xffff;
	v48 =	vadd.s32 v60, v34;
	v62 =	vnsel vm12, $0x0, v62;
	v58 =	vtrunc.f32 v26  }
0x118: {  	[tilespmem:v42+s22+$0x0] =	vst.idx.add.f32.msk $0xffff, v54;
	v56 =	vsub.f32 $0.0e+00, v54;
	v45 =	vmul.f32 v62, v49;
	vm14 =	vgt.f32 v26, v58  }
0x119: {  	v13 =	vmovc v16;
	v61 =	vsub.f32 v57, v33;
	vm15 =	vgt.s32 v48, $0x0;
	[tilespmem:v51+s21+$0x0] =	vst.idx.add.f32.msk $0xffff, v59;
	v42 =	vsel vm14, $0x1, v5  }
0x11a: {  	v21 =	vmovc v14;
	v20 =	vmovc v9;
	v48 =	vnsel vm15, $0x0, v48;
	[tilespmem:v51+s22+$0x0] =	vst.idx.add.f32.msk $0xffff, v56;
	v59 =	vcvt.f32.s32 v58;
	v34 =	vmul.f32 $7.751937950e-03, v45  }
0x11b: {  	v15 =	vmovc v12;
	v16 =	vmovc v6;
	(erf) = vrcp.f32 v61;
	v48 =	vadd.s32 s17, v48;
	v49 =	vor.u32 s15, v4;
	v62 =	vld.idx.msk [tilespmem:v47+s6+$0x0], $0xffff  }
0x11c: {  	s11 =	simm.s32 $0x5;
	v26 =	vld.idx.msk [tilespmem:v29+s19+$0x0], $0xffff;
	v29 =	vmovc v28;
	v59 =	vadd.s32 v59, v42;
	v47 =	vmul.f32 v34, v22;
	v42 =	vmov v39  }
.LBB2_5:
0x11d: {  	_ =	sdelay $0x3  }
0x11e: {  	v60 =	vadd.s32 s3, v3;
	v12 =	vmov v63;
	v63 =	vadd.s32 s1, v4;
	s1 =	smov.u32 s3;
	s3 =	smov.u32 s9;
	s9 =	sadd.s32 $0xFFFFFFFF, s11  }
0x11f: {  	vm0 =	vgt.s32 v59, $0x0;
	v37 =	vmov v25;
	v25 =	vadd.s32 s9, v1  }
0x120: {  	v56 =	vmovc v27;
	v58 =	vmovc v30;
	vm7 =	vgt.f32 v61, $0.0e+00;
	v30 =	vsub.f32 v53, v32;
	v9 =	vsub.f32 s13, v33  }
0x121: {  	v55 =	vadd.s32 s0, v55;
	v27 =	vnsel vm0, $0x0, v59;
	v61 =	vadd.f32 v62, v20;
	v59 =	vpop (erf)  }
0x122: {  	v14 =	vadd.s32 $0x40, v40;
	v18 =	vsub.f32 $0.0e+00, v34;
	v59 =	vnsel vm7, $0x0, v59  }
0x123: {  	v33 =	vmovc v57;
	v6 =	vld [tilespmem:$0x1FFF0];
	v27 =	vadd.s32 s15, v27;
	v57 =	vmul.f32 v61, v11;
	v59 =	vmul.f32 v59, v30  }
0x124: {  	v62 =	vcvt.s32.f32 v27;
	v61 =	vsub.f32 s12, v22;
	v30 =	vadd.s32 $0x40, v23;
	v23 =	vld.idx.msk [tilespmem:v25+s6+$0x0], $0xffff  }
0x125: {  	v35 =	vadd.f32 v57, v35;
	v25 =	vmul.f32 $7.751937950e-03, v59;
	v9 =	vmul.f32 v59, v9  }
0x126: {  	v27 =	vshll.u32 v27, $0x6;
	v22 =	vmovc v38;
	v38 =	vadd.f32 $-1.000000000e+00, v62;
	v57 =	vsub.f32 $0.0e+00, v46  }
0x127: {  	v9 =	vadd.f32 v9, v32;
	v59 =	vmul.f32 v25, v36;
	v36 =	vmovc v62;
	v62 =	vmin.f32 v35, $1.000000000e+00  }
0x128: {  	v38 =	vmul.f32 v38, v25;
	v17 =	vmul.f32 $1.290000000e+02, v62;
	v0 =	vsub.f32 v62, v31  }
0x129: {  	v40 =	vor.u32 v19, v27;
	v23 =	vadd.f32 v23, v6;
	v59 =	vadd.f32 v59, v9  }
0x12a: {  	v6 =	vcvt.s32.f32 v55;
	v9 =	vadd.f32 v38, v9;
	v17 =	vadd.f32 $-5.000000000e-01, v17  }
0x12b: {  	(erf) = vrcp.f32 v0;
	v23 =	vmul.f32 v23, v15;
	vm1 =	vgt.f32 v0, $0.0e+00  }
0x12c: {  	v0 =	vadd.f32 $-1.000000000e+00, v6;
	v38 =	vsub.f32 v59, v32;
	v59 =	vshll.u32 v55, $0x6  }
0x12d: {  	v27 =	vsub.f32 $0.0e+00, v25;
	v32 =	vmovc v53;
	v9 =	vsub.f32 v53, v9;
	v55 =	vor.u32 v8, v59  }
0x12e: {  	v53 =	vtrunc.f32 v17;
	v24 =	vadd.f32 v23, v24;
	v0 =	vmul.f32 v0, v46;
	[tilespmem:v14+s21+$0x0] =	vst.idx.add.f32.msk $0xffff, v38  }
0x12f: {  	s12 =	smov.u32 s13;
	s13 =	smov.u32 s10;
	s10 =	smov.u32 s16;
	v59 =	vcvt.f32.s32 v53;
	vm8 =	vgt.f32 v17, v53;
	v17 =	vmul.f32 v45, v61;
	[tilespmem:v14+s22+$0x0] =	vst.idx.add.f32.msk $0xffff, v25  }
0x130: {  	v53 =	vsub.f32 s10, v31;
	v14 =	vsel vm8, $0x1, v5;
	v0 =	vadd.f32 v0, v50;
	[tilespmem:v40+s21+$0x0] =	vst.idx.add.f32.msk $0xffff, v9  }
0x131: {  	v25 =	vmin.f32 v24, $1.000000000e+00;
	v9 =	vadd.s32 v59, v14;
	v59 =	vcvt.s32.f32 v48;
	[tilespmem:v40+s22+$0x0] =	vst.idx.add.f32.msk $0xffff, v27  }
0x132: {  	v45 =	vmul.f32 $1.290000000e+02, v25;
	v17 =	vadd.f32 v17, v10;
	v0 =	vsub.f32 v39, v0;
	v14 =	vld.idx.msk [tilespmem:v63+s6+$0x0], $0xffff  }
0x133: {  	s7 =	smov.u32 s11;
	v38 =	vld.idx.msk [tilespmem:v49+s19+$0x0], $0xffff;
	v23 =	vadd.f32 $-1.000000000e+00, v59;
	v49 =	vsub.f32 v25, v37  }
0x134: {  	v27 =	vor.u32 s7, v1;
	v45 =	vadd.f32 $-5.000000000e-01, v45;
	v47 =	vadd.f32 v47, v17  }
0x135: {  	vm9 =	vgt.s32 v9, $0x0;
	[tilespmem:v44+s21+$0x0] =	vst.idx.add.f32.msk $0xffff, v52;
	v52 =	vsub.f32 v26, v42;
	v23 =	vmul.f32 v23, v34  }
0x136: {  	[tilespmem:v44+s22+$0x0] =	vst.idx.add.f32.msk $0xffff, v46;
	v44 =	vadd.s32 $0x40, v55;
	v61 =	vpop (erf);
	(erf) = vrcp.f32 v49;
	v39 =	vtrunc.f32 v45  }
0x137: {  	s17 =	scvt.s32.f32 s7;
	v31 =	vmovc v62;
	[tilespmem:v55+s21+$0x0] =	vst.idx.add.f32.msk $0xffff, v0;
	v62 =	vcvt.f32.s32 v39;
	vm2 =	vgt.f32 v45, v39;
	v50 =	vnsel vm1, $0x0, v61  }
0x138: {  	[tilespmem:v55+s22+$0x0] =	vst.idx.add.f32.msk $0xffff, v57;
	v17 =	vadd.f32 v23, v17;
	v23 =	vshll.u32 v48, $0x6;
	v14 =	vadd.f32 v14, v13  }
0x139: {  	s16 =	ssub.f32 $5.000000000e-01, s17;
	v0 =	vsel vm2, $0x1, v5;
	v27 =	vld.idx.msk [tilespmem:v27+s19+$0x0], $0xffff;
	v45 =	vmul.f32 v50, v52;
	v52 =	vsub.f32 v47, v10  }
0x13a: {  	v57 =	vld.idx.msk [tilespmem:v60+s6+$0x0], $0xffff;
	v23 =	vor.u32 v12, v23;
	v0 =	vadd.s32 v62, v0;
	v14 =	vmul.f32 v14, v16  }
0x13b: {  	s16 =	smul.f32 $7.751937950e-03, s16;
	vm11 =	vgt.f32 v49, $0.0e+00;
	vm10 =	vgt.s32 v0, $0x0;
	[tilespmem:v30+s21+$0x0] =	vst.idx.add.f32.msk $0xffff, v52;
	v46 =	vmul.f32 $7.751937950e-03, v45  }
0x13c: {  	v41 =	vadd.f32 v14, v41;
	v14 =	vsub.f32 v28, v17;
	v17 =	vmul.f32 v45, v53  }
0x13d: {  	v61 =	vsub.f32 s16, v37;
	v55 =	vnsel vm9, $0x0, v9;
	v10 =	vmovc v29;
	v0 =	vnsel vm10, $0x0, v0;
	[tilespmem:v30+s22+$0x0] =	vst.idx.add.f32.msk $0xffff, v34  }
0x13e: {  	v29 =	vmovc v38;
	v6 =	vmul.f32 v46, v6;
	v28 =	vmovc v38;
	v38 =	vmin.f32 v41, $1.000000000e+00;
	v50 =	vadd.f32 v17, v42  }
0x13f: {  	v0 =	vadd.s32 s7, v0;
	v30 =	vpop (erf);
	[tilespmem:v23+s21+$0x0] =	vst.idx.add.f32.msk $0xffff, v14;
	v14 =	vsub.f32 v27, v56;
	v17 =	vsub.f32 v38, v22  }
0x140: {  	v37 =	vshll.u32 v0, $0x6;
	v9 =	vnsel vm11, $0x0, v30;
	v30 =	vcvt.s32.f32 v0  }
0x141: {  	v0 =	vadd.f32 v6, v50;
	v6 =	vmul.f32 v9, v14;
	(erf) = vrcp.f32 v17  }
0x142: {  	v54 =	vadd.s32 s9, v2;
	v60 =	vlaneseq.u32;
	v45 =	vor.u32 s0, v3  }
0x143: {  	[tilespmem:v23+s22+$0x0] =	vst.idx.add.f32.msk $0xffff, v18;
	v9 =	vadd.f32 v57, v21;
	v18 =	vmul.f32 $7.751937950e-03, v6;
	v6 =	vmul.f32 v6, v61  }
0x144: {  	v14 =	vadd.f32 $-1.000000000e+00, v30;
	v52 =	vsub.f32 v0, v42;
	v0 =	vmul.f32 $1.290000000e+02, v38  }
0x145: {  	v9 =	vmul.f32 v9, v7;
	v6 =	vadd.f32 v6, v56;
	v62 =	vmul.f32 v18, v58  }
0x146: {  	v39 =	vmovc v26;
	vm12 =	vgt.f32 v17, $0.0e+00;
	v42 =	vmovc v26;
	v26 =	vadd.s32 $0x40, v51;
	v0 =	vadd.f32 $-5.000000000e-01, v0  }
0x147: {  	v14 =	vmul.f32 v14, v18;
	v43 =	vadd.f32 v9, v43;
	v9 =	vadd.f32 v62, v6  }
0x148: {  	v17 =	vor.u32 s7, v2;
	v51 =	vor.u32 v60, v37;
	v34 =	vtrunc.f32 v0  }
0x149: {  	v6 =	vadd.f32 v14, v6;
	v57 =	vmin.f32 v43, $1.000000000e+00;
	v9 =	vsub.f32 v9, v56  }
0x14a: {  	v53 =	vld.idx.msk [tilespmem:v45+s19+$0x0], $0xffff;
	v14 =	vsub.f32 v28, v10;
	v58 =	vcvt.f32.s32 v34;
	v56 =	vmul.f32 $1.290000000e+02, v57;
	v62 =	vpop (erf)  }
0x14b: {  	vm13 =	vgt.f32 v0, v34;
	v6 =	vsub.f32 v27, v6;
	[tilespmem:v26+s21+$0x0] =	vst.idx.add.f32.msk $0xffff, v9;
	v0 =	vnsel vm12, $0x0, v62  }
0x14c: {  	p0 =	sne.s32 s11, $0x3F;
	v9 =	vsub.f32 $0.0e+00, v18;
	[tilespmem:v26+s22+$0x0] =	vst.idx.add.f32.msk $0xffff, v18;
	v18 =	vadd.f32 $-5.000000000e-01, v56;
	v45 =	vmul.f32 v0, v14  }
.Ltmp3:
0x14d: {  	v49 =	vor.u32 s0, v4;
	v61 =	vsub.f32 v57, v33;
	v0 =	vsel vm13, $0x1, v5;
	(pc) =	sbr.rel @p0 .LBB2_5-.Ltmp3, $4  }
0x14e: {  	[tilespmem:v51+s21+$0x0] =	vst.idx.add.f32.msk $0xffff, v6;
	v6 =	vtrunc.f32 v18;
	v0 =	vadd.s32 v58, v0;
	v34 =	vmul.f32 $7.751937950e-03, v45  }
0x14f: {  	[tilespmem:v51+s22+$0x0] =	vst.idx.add.f32.msk $0xffff, v9;
	v9 =	vcvt.f32.s32 v6;
	vm14 =	vgt.f32 v18, v6;
	vm15 =	vgt.s32 v0, $0x0  }
0x150: {  	s11 =	sadd.s32 $0x1, s11;
	(erf) = vrcp.f32 v61;
	v62 =	vld.idx.msk [tilespmem:v54+s6+$0x0], $0xffff;
	v6 =	vsel vm14, $0x1, v5;
	v0 =	vnsel vm15, $0x0, v0  }
0x151: {  	v63 =	vmovc v12;
	v26 =	vld.idx.msk [tilespmem:v17+s19+$0x0], $0xffff;
	v47 =	vmul.f32 v34, v59;
	v59 =	vadd.s32 v9, v6;
	v48 =	vadd.s32 s15, v0;
	s15 =	smov.u32 s0;
	s0 =	smov.u32 s4;
	s4 =	smov.u32 s7  }
0x152: {  	_ =	sdelay $0x6  }
0x153: {  	vm0 =	vgt.s32 v59, $0x0;
	vm1 =	vgt.f32 v61, $0.0e+00;
	v0 =	vsub.f32 v53, v32;
	v6 =	vpop (erf)  }
0x154: {  	v9 =	vnsel vm0, $0x0, v59;
	v6 =	vnsel vm1, $0x0, v6  }
0x155: {  	v9 =	vadd.s32 s15, v9;
	v0 =	vmul.f32 v6, v0;
	v6 =	vsub.f32 s13, v33  }
0x156: {  	v14 =	vcvt.s32.f32 v9  }
0x157: {  	v17 =	vmul.f32 $7.751937950e-03, v0;
	v0 =	vmul.f32 v0, v6  }
0x158: {  	v59 =	vadd.s32 s0, v55  }
0x159: {  	v6 =	vadd.f32 $-1.000000000e+00, v14;
	v0 =	vadd.f32 v0, v32;
	v18 =	vmul.f32 v17, v36  }
0x15a: {  	v58 =	vadd.s32 $0x40, v40;
	v40 =	vcvt.s32.f32 v59  }
0x15b: {  	v9 =	vshll.u32 v9, $0x6;
	v6 =	vmul.f32 v6, v17;
	v18 =	vadd.f32 v18, v0  }
0x15c: {  	v9 =	vor.u32 v19, v9;
	v54 =	vadd.f32 $-1.000000000e+00, v40  }
0x15d: {  	v0 =	vadd.f32 v6, v0;
	v6 =	vsub.f32 v18, v32  }
0x15e: {  	v61 =	vadd.s32 s1, v4;
	[tilespmem:v44+s21+$0x0] =	vst.idx.add.f32.msk $0xffff, v52  }
0x15f: {  	v55 =	vmul.f32 v54, v46;
	v36 =	vshll.u32 v59, $0x6;
	v0 =	vsub.f32 v53, v0;
	[tilespmem:v58+s21+$0x0] =	vst.idx.add.f32.msk $0xffff, v6  }
0x160: {  	v51 =	vor.u32 v8, v36;
	v6 =	vsub.f32 $0.0e+00, v17;
	[tilespmem:v58+s22+$0x0] =	vst.idx.add.f32.msk $0xffff, v17  }
0x161: {  	[tilespmem:v9+s21+$0x0] =	vst.idx.add.f32.msk $0xffff, v0;
	v0 =	vadd.f32 v55, v50  }
0x162: {  	[tilespmem:v9+s22+$0x0] =	vst.idx.add.f32.msk $0xffff, v6;
	v6 =	vadd.s32 s3, v3  }
0x163: {  	[tilespmem:v44+s22+$0x0] =	vst.idx.add.f32.msk $0xffff, v46;
	v0 =	vsub.f32 v39, v0  }
0x164: {  	v58 =	vsub.f32 $0.0e+00, v46;
	v56 =	vld.idx.msk [tilespmem:v61+s6+$0x0], $0xffff  }
0x165: {  	[tilespmem:v51+s21+$0x0] =	vst.idx.add.f32.msk $0xffff, v0  }
0x166: {  	[tilespmem:v51+s22+$0x0] =	vst.idx.add.f32.msk $0xffff, v58  }
0x167: {  	v0 =	vld.idx.msk [tilespmem:v6+s6+$0x0], $0xffff;
	_ =	sdelay $0x2  }
0x168: {  	v6 =	vadd.f32 v62, v20  }
0x169: {  	v17 =	vadd.f32 v56, v13  }
0x16a: {  	v6 =	vmul.f32 v6, v11;
	v0 =	vadd.f32 v0, v21  }
0x16b: {  	v17 =	vmul.f32 v17, v16  }
0x16c: {  	v33 =	vmov v8;
	v8 =	vadd.f32 v6, v35;
	v0 =	vmul.f32 v0, v7  }
0x16d: {  	v6 =	vadd.f32 v17, v41  }
0x16e: {  	v32 =	vmin.f32 v8, $1.000000000e+00;
	v0 =	vadd.f32 v0, v43  }
0x16f: {  	v17 =	vsub.f32 v32, v31;
	v43 =	vmin.f32 v6, $1.000000000e+00  }
0x170: {  	v44 =	vsub.f32 v43, v38;
	v18 =	vmin.f32 v0, $1.000000000e+00  }
0x171: {  	(erf) = vrcp.f32 v17;
	v35 =	vsub.f32 v18, v57  }
0x172: {  	v59 =	vor.u32 s0, v3;
	(erf) = vrcp.f32 v44  }
0x173: {  	(erf) = vrcp.f32 v35  }
0x174: {  	v62 =	vmul.f32 $1.290000000e+02, v32;
	v46 =	vmul.f32 $1.290000000e+02, v18;
	_ =	sdelay $0x1  }
0x175: {  	v39 =	vadd.f32 $-5.000000000e-01, v62;
	v41 =	vadd.f32 $-5.000000000e-01, v46  }
0x176: {  	v52 =	vld.idx.msk [tilespmem:v59+s19+$0x0], $0xffff  }
0x177: {  	v50 =	vtrunc.f32 v39;
	v59 =	vtrunc.f32 v41  }
0x178: {  	v9 =	vadd.s32 $0x40, v9;
	v62 =	vcvt.f32.s32 v59;
	vm10 =	vgt.f32 v41, v59  }
0x179: {  	vm12 =	vgt.f32 v17, $0.0e+00;
	v54 =	vcvt.f32.s32 v50;
	v56 =	vpop (erf);
	v59 =	vsel vm10, $0x1, v5  }
0x17a: {  	vm11 =	vgt.f32 v39, v50;
	v57 =	vsub.f32 s10, v57;
	v36 =	vadd.s32 v62, v59;
	v50 =	vpop (erf)  }
0x17b: {  	vm14 =	vgt.f32 v35, $0.0e+00;
	v62 =	vsub.f32 v52, v53;
	vm13 =	vgt.s32 v36, $0x0;
	v55 =	vpop (erf)  }
0x17c: {  	v17 =	vsel vm11, $0x1, v5;
	v36 =	vnsel vm13, $0x0, v36;
	v41 =	vnsel vm14, $0x0, v55  }
0x17d: {  	v17 =	vadd.s32 v54, v17;
	v36 =	vadd.s32 s0, v36;
	v35 =	vmul.f32 v41, v62  }
0x17e: {  	v39 =	vnsel vm12, $0x0, v56;
	v56 =	vsub.f32 v26, v42;
	v55 =	vcvt.s32.f32 v36  }
0x17f: {  	vm15 =	vgt.s32 v17, $0x0;
	v62 =	vmul.f32 $7.751937950e-03, v35;
	v35 =	vmul.f32 v35, v57  }
0x180: {  	v17 =	vnsel vm15, $0x0, v17;
	v59 =	vsub.f32 s16, v31;
	v39 =	vmul.f32 v39, v56  }
0x181: {  	v57 =	vadd.f32 $-1.000000000e+00, v55;
	v35 =	vadd.f32 v35, v53;
	v14 =	vmul.f32 v62, v14  }
0x182: {  	v17 =	vadd.s32 s4, v17;
	v31 =	vmul.f32 v39, v59;
	v36 =	vshll.u32 v36, $0x6  }
0x183: {  	v41 =	vmul.f32 $7.751937950e-03, v39;
	v39 =	vmul.f32 v57, v62;
	v14 =	vadd.f32 v14, v35  }
0x184: {  	v31 =	vadd.f32 v31, v42;
	v54 =	vor.u32 v19, v36;
	v36 =	vcvt.s32.f32 v17  }
0x185: {  	v40 =	vmul.f32 v41, v40;
	v35 =	vadd.f32 v39, v35;
	v14 =	vsub.f32 v14, v53  }
0x186: {  	v56 =	vadd.f32 $-1.000000000e+00, v36;
	v53 =	vadd.s32 s3, v4  }
0x187: {  	v40 =	vadd.f32 v40, v31;
	v35 =	vsub.f32 v52, v35;
	[tilespmem:v9+s21+$0x0] =	vst.idx.add.f32.msk $0xffff, v14;
	v14 =	vadd.s32 $0x40, v51  }
0x188: {  	v59 =	vmul.f32 v56, v41;
	v39 =	vshll.u32 v17, $0x6;
	[tilespmem:v9+s22+$0x0] =	vst.idx.add.f32.msk $0xffff, v62;
	v9 =	vsub.f32 $0.0e+00, v62  }
0x189: {  	v62 =	vor.u32 v33, v39;
	[tilespmem:v54+s21+$0x0] =	vst.idx.add.f32.msk $0xffff, v35  }
0x18a: {  	v40 =	vsub.f32 v40, v42;
	[tilespmem:v54+s22+$0x0] =	vst.idx.add.f32.msk $0xffff, v9;
	v9 =	vadd.f32 v59, v31  }
0x18b: {  	v42 =	vadd.s32 s9, v3;
	v51 =	vld.idx.msk [tilespmem:v53+s6+$0x0], $0xffff  }
0x18c: {  	[tilespmem:v14+s21+$0x0] =	vst.idx.add.f32.msk $0xffff, v40;
	v9 =	vsub.f32 v26, v9  }
0x18d: {  	v53 =	vsub.f32 $0.0e+00, v41;
	[tilespmem:v14+s22+$0x0] =	vst.idx.add.f32.msk $0xffff, v41  }
0x18e: {  	[tilespmem:v62+s21+$0x0] =	vst.idx.add.f32.msk $0xffff, v9  }
0x18f: {  	[tilespmem:v62+s22+$0x0] =	vst.idx.add.f32.msk $0xffff, v53  }
0x190: {  	v9 =	vld.idx.msk [tilespmem:v42+s6+$0x0], $0xffff;
	_ =	sdelay $0x2  }
0x191: {  	v61 =	vmov v13  }
0x192: {  	v14 =	vadd.f32 v51, v61  }
0x193: {  	v9 =	vadd.f32 v9, v21  }
0x194: {  	v14 =	vmul.f32 v14, v16  }
0x195: {  	v9 =	vmul.f32 v9, v7  }
0x196: {  	v6 =	vadd.f32 v14, v6  }
0x197: {  	v40 =	vadd.f32 v9, v0  }
0x198: {  	v46 =	vmin.f32 v6, $1.000000000e+00  }
0x199: {  	v0 =	vsub.f32 v46, v43;
	v35 =	vmin.f32 v40, $1.000000000e+00  }
0x19a: {  	v9 =	vsub.f32 v35, v18  }
0x19b: {  	v14 =	vor.u32 s4, v3;
	(erf) = vrcp.f32 v0  }
0x19c: {  	(erf) = vrcp.f32 v9  }
0x19d: {  	v56 =	vmul.f32 $1.290000000e+02, v35;
	_ =	sdelay $0x1  }
0x19e: {  	v17 =	vadd.f32 $-5.000000000e-01, v56  }
0x19f: {  	v31 =	vld.idx.msk [tilespmem:v14+s19+$0x0], $0xffff  }
0x1a0: {  	v14 =	vtrunc.f32 v17  }
0x1a1: {  	v57 =	vcvt.f32.s32 v14;
	vm4 =	vgt.f32 v17, v14  }
0x1a2: {  	v14 =	vsel vm4, $0x1, v5  }
0x1a3: {  	v14 =	vadd.s32 v57, v14;
	v17 =	vpop (erf)  }
0x1a4: {  	vm6 =	vgt.f32 v9, $0.0e+00;
	v9 =	vsub.f32 v31, v52;
	vm5 =	vgt.s32 v14, $0x0;
	v59 =	vpop (erf)  }
0x1a5: {  	v14 =	vnsel vm5, $0x0, v14;
	v41 =	vnsel vm6, $0x0, v59  }
0x1a6: {  	v18 =	vsub.f32 s16, v18;
	v14 =	vadd.s32 s4, v14;
	v9 =	vmul.f32 v41, v9  }
0x1a7: {  	v41 =	vcvt.s32.f32 v14  }
0x1a8: {  	v51 =	vmul.f32 $7.751937950e-03, v9;
	v9 =	vmul.f32 v9, v18;
	_ =	sdelay $0x1  }
0x1a9: {  	v62 =	vadd.f32 $-1.000000000e+00, v41;
	v9 =	vadd.f32 v9, v52;
	v57 =	vmul.f32 v51, v55  }
0x1aa: {  	v54 =	vadd.s32 $0x40, v54  }
0x1ab: {  	v42 =	vshll.u32 v14, $0x6;
	v14 =	vmul.f32 v62, v51;
	v59 =	vadd.f32 v57, v9  }
0x1ac: {  	v62 =	vor.u32 v19, v42  }
0x1ad: {  	v9 =	vadd.f32 v14, v9;
	v14 =	vsub.f32 v59, v52  }
0x1ae: {  	v49 =	vld.idx.msk [tilespmem:v49+s19+$0x0], $0xffff;
	v56 =	vadd.s32 s9, v4  }
0x1af: {  	v9 =	vsub.f32 v31, v9;
	[tilespmem:v54+s21+$0x0] =	vst.idx.add.f32.msk $0xffff, v14  }
0x1b0: {  	v57 =	vsub.f32 $0.0e+00, v51;
	[tilespmem:v54+s22+$0x0] =	vst.idx.add.f32.msk $0xffff, v51  }
0x1b1: {  	vm8 =	vgt.f32 v44, $0.0e+00;
	v59 =	vmul.f32 $1.290000000e+02, v43;
	v14 =	vsub.f32 s12, v22;
	[tilespmem:v62+s21+$0x0] =	vst.idx.add.f32.msk $0xffff, v9  }
0x1b2: {  	v44 =	vnsel vm8, $0x0, v50;
	v51 =	vcvt.s32.f32 v48;
	[tilespmem:v62+s22+$0x0] =	vst.idx.add.f32.msk $0xffff, v57  }
0x1b3: {  	vm11 =	vgt.f32 v0, $0.0e+00;
	v22 =	vadd.f32 $-5.000000000e-01, v59;
	v9 =	vmul.f32 v45, v14;
	v18 =	vld.idx.msk [tilespmem:v56+s6+$0x0], $0xffff  }
0x1b4: {  	v17 =	vnsel vm11, $0x0, v17;
	v55 =	vsub.f32 v49, v29;
	v14 =	vadd.f32 $-1.000000000e+00, v51  }
0x1b5: {  	v52 =	vsub.f32 $0.0e+00, v34;
	v53 =	vtrunc.f32 v22;
	v9 =	vadd.f32 v9, v10  }
0x1b6: {  	v45 =	vadd.s32 $0x40, v23;
	v54 =	vcvt.f32.s32 v53;
	v14 =	vmul.f32 v14, v34  }
0x1b7: {  	vm7 =	vgt.f32 v22, v53;
	v56 =	vsub.f32 s13, v38;
	v62 =	vadd.f32 v47, v9  }
0x1b8: {  	v57 =	vmul.f32 $1.290000000e+02, v46;
	v9 =	vadd.f32 v14, v9;
	v18 =	vadd.f32 v18, v61  }
0x1b9: {  	v14 =	vshll.u32 v48, $0x6;
	v47 =	vsub.f32 v62, v10;
	v10 =	vsel vm7, $0x1, v5  }
0x1ba: {  	v48 =	vor.u32 s0, v4;
	v10 =	vadd.s32 v54, v10;
	v18 =	vmul.f32 v18, v16  }
0x1bb: {  	v14 =	vor.u32 v63, v14;
	v62 =	vor.u32 s4, v4;
	vm9 =	vgt.s32 v10, $0x0  }
0x1bc: {  	v10 =	vnsel vm9, $0x0, v10;
	v23 =	vadd.f32 v18, v6;
	v6 =	vmul.f32 v44, v55  }
0x1bd: {  	v9 =	vsub.f32 v28, v9;
	v18 =	vadd.s32 s15, v10;
	v44 =	vadd.f32 $-5.000000000e-01, v57  }
0x1be: {  	v38 =	vcvt.s32.f32 v18;
	v18 =	vshll.u32 v18, $0x6;
	v50 =	vmul.f32 $7.751937950e-03, v6  }
0x1bf: {  	v48 =	vld.idx.msk [tilespmem:v48+s19+$0x0], $0xffff;
	v10 =	vmin.f32 v23, $1.000000000e+00;
	v6 =	vmul.f32 v6, v56;
	v56 =	vtrunc.f32 v44  }
0x1c0: {  	[tilespmem:v45+s21+$0x0] =	vst.idx.add.f32.msk $0xffff, v47;
	v18 =	vor.u32 v63, v18;
	v53 =	vsub.f32 v10, v46;
	v59 =	vadd.f32 $-1.000000000e+00, v38  }
0x1c1: {  	[tilespmem:v45+s22+$0x0] =	vst.idx.add.f32.msk $0xffff, v34;
	vm10 =	vgt.f32 v44, v56;
	v44 =	vadd.s32 $0x40, v14;
	v34 =	vadd.s32 $0x40, v18  }
0x1c2: {  	v46 =	vsub.f32 s16, v46;
	v55 =	vmul.f32 v50, v51;
	(erf) = vrcp.f32 v53  }
0x1c3: {  	v6 =	vadd.f32 v6, v29;
	v51 =	vcvt.f32.s32 v56;
	v57 =	vsel vm10, $0x1, v5  }
0x1c4: {  	v0 =	vsub.f32 v48, v49;
	v22 =	vmul.f32 v59, v50;
	v59 =	vmul.f32 $1.290000000e+02, v10  }
0x1c5: {  	vm13 =	vgt.f32 v53, $0.0e+00;
	v28 =	vadd.f32 v55, v6;
	v51 =	vadd.s32 v51, v57  }
0x1c6: {  	v6 =	vadd.f32 v22, v6;
	v22 =	vld.idx.msk [tilespmem:v62+s19+$0x0], $0xffff;
	vm12 =	vgt.s32 v51, $0x0;
	v54 =	vadd.f32 $-5.000000000e-01, v59  }
0x1c7: {  	v0 =	vmul.f32 v17, v0;
	v62 =	vsub.f32 s10, v43;
	v51 =	vnsel vm12, $0x0, v51  }
0x1c8: {  	v58 =	vmovc v16;
	v28 =	vsub.f32 v28, v29;
	v17 =	vadd.s32 s0, v51;
	v16 =	vtrunc.f32 v54  }
0x1c9: {  	v29 =	vmul.f32 v0, v62;
	v0 =	vmul.f32 $7.751937950e-03, v0;
	v6 =	vsub.f32 v49, v6  }
0x1ca: {  	v43 =	vcvt.s32.f32 v17;
	vm14 =	vgt.f32 v54, v16;
	v51 =	vcvt.f32.s32 v16  }
0x1cb: {  	v62 =	vsel vm14, $0x1, v5;
	v38 =	vmul.f32 v0, v38;
	v57 =	vsub.f32 v22, v48;
	v59 =	vpop (erf)  }
0x1cc: {  	v29 =	vadd.f32 v29, v49;
	v55 =	vadd.s32 v51, v62;
	v54 =	vnsel vm13, $0x0, v59  }
0x1cd: {  	[tilespmem:v14+s21+$0x0] =	vst.idx.add.f32.msk $0xffff, v9;
	v56 =	vadd.f32 $-1.000000000e+00, v43;
	vm15 =	vgt.s32 v55, $0x0;
	v53 =	vmul.f32 v54, v57  }
0x1ce: {  	[tilespmem:v14+s22+$0x0] =	vst.idx.add.f32.msk $0xffff, v52;
	v17 =	vshll.u32 v17, $0x6;
	v9 =	vadd.f32 v38, v29;
	v59 =	vnsel vm15, $0x0, v55  }
0x1cf: {  	[tilespmem:v44+s21+$0x0] =	vst.idx.add.f32.msk $0xffff, v28;
	v57 =	vmul.f32 v56, v0;
	v51 =	vadd.s32 s4, v59;
	v62 =	vmul.f32 $7.751937950e-03, v53  }
0x1d0: {  	[tilespmem:v44+s22+$0x0] =	vst.idx.add.f32.msk $0xffff, v50;
	v9 =	vsub.f32 v9, v49;
	v52 =	vmul.f32 v53, v46;
	v53 =	vcvt.s32.f32 v51  }
0x1d1: {  	v17 =	vor.u32 v63, v17;
	[tilespmem:v18+s21+$0x0] =	vst.idx.add.f32.msk $0xffff, v6;
	v54 =	vsub.f32 $0.0e+00, v50;
	v14 =	vadd.f32 v57, v29  }
0x1d2: {  	[tilespmem:v34+s21+$0x0] =	vst.idx.add.f32.msk $0xffff, v9;
	v6 =	vmul.f32 v62, v43;
	v55 =	vadd.f32 $-1.000000000e+00, v53;
	v38 =	vadd.f32 v52, v48  }
0x1d3: {  	v56 =	vadd.s32 $0x40, v17;
	[tilespmem:v18+s22+$0x0] =	vst.idx.add.f32.msk $0xffff, v54;
	v29 =	vshll.u32 v51, $0x6  }
0x1d4: {  	v14 =	vsub.f32 v48, v14;
	v9 =	vmul.f32 v55, v62;
	v6 =	vadd.f32 v6, v38  }
0x1d5: {  	[tilespmem:v34+s22+$0x0] =	vst.idx.add.f32.msk $0xffff, v0;
	v0 =	vsub.f32 $0.0e+00, v0;
	v57 =	vor.u32 v63, v29  }
0x1d6: {  	[tilespmem:v17+s21+$0x0] =	vst.idx.add.f32.msk $0xffff, v14;
	v9 =	vadd.f32 v9, v38;
	v6 =	vsub.f32 v6, v48  }
0x1d7: {  	v14 =	vor.u32 $0x3F, v1;
	[tilespmem:v17+s22+$0x0] =	vst.idx.add.f32.msk $0xffff, v0  }
0x1d8: {  	[tilespmem:v56+s21+$0x0] =	vst.idx.add.f32.msk $0xffff, v6;
	v0 =	vsub.f32 v22, v9  }
0x1d9: {  	v6 =	vsub.f32 $0.0e+00, v62;
	[tilespmem:v56+s22+$0x0] =	vst.idx.add.f32.msk $0xffff, v62  }
0x1da: {  	[tilespmem:v57+s21+$0x0] =	vst.idx.add.f32.msk $0xffff, v0  }
0x1db: {  	[tilespmem:v57+s22+$0x0] =	vst.idx.add.f32.msk $0xffff, v6  }
0x1dc: {  	v0 =	vld.idx.msk [tilespmem:v14+s6+$0x0], $0xffff  }
0x1dd: {  	v6 =	vld [tilespmem:$0x1FFF0];
	_ =	sdelay $0x4  }
0x1de: {  	v0 =	vadd.f32 v0, v6;
	_ =	sdelay $0x1  }
0x1df: {  	v0 =	vmul.f32 v0, v15;
	_ =	sdelay $0x1  }
0x1e0: {  	v0 =	vadd.f32 v0, v24;
	_ =	sdelay $0x1  }
0x1e1: {  	v0 =	vmin.f32 v0, $1.000000000e+00  }
0x1e2: {  	v6 =	vsub.f32 v0, v25;
	_ =	sdelay $0x1  }
0x1e3: {  	(erf) = vrcp.f32 v6  }
0x1e4: {  	v0 =	vmul.f32 $1.290000000e+02, v0;
	_ =	sdelay $0x1  }
0x1e5: {  	v0 =	vadd.f32 $-5.000000000e-01, v0  }
0x1e6: {  	v59 =	vld [tilespmem:$0x1FFB0]  }
0x1e7: {  	v9 =	vtrunc.f32 v0  }
0x1e8: {  	v13 =	vmov v11;
	v11 =	vcvt.f32.s32 v9;
	vm4 =	vgt.f32 v0, v9  }
0x1e9: {  	v0 =	vsel vm4, $0x1, v5  }
0x1ea: {  	v0 =	vadd.s32 v11, v0  }
0x1eb: {  	vm5 =	vgt.f32 v6, $0.0e+00;
	v9 =	vsub.f32 v59, v27;
	vm6 =	vgt.s32 v0, $0x0;
	v6 =	vpop (erf)  }
0x1ec: {  	v0 =	vnsel vm6, $0x0, v0;
	v6 =	vnsel vm5, $0x0, v6  }
0x1ed: {  	v0 =	vadd.s32 $0x40, v0;
	v6 =	vmul.f32 v6, v9;
	v9 =	vsub.f32 $-4.922480580e-01, v25  }
0x1ee: {  	v11 =	vcvt.s32.f32 v0  }
0x1ef: {  	v9 =	vmul.f32 v6, v9;
	v6 =	vmul.f32 $7.751937950e-03, v6  }
0x1f0: {  	v15 =	vor.u32 $0x40, v60  }
0x1f1: {  	[tilespmem:$0x1FF30] =	vst v14;
	v11 =	vadd.f32 $-1.000000000e+00, v11;
	v9 =	vadd.f32 v9, v27;
	v14 =	vmul.f32 v30, v6  }
0x1f2: {  	[tilespmem:$0x1FF40] =	vst v15;
	v15 =	vadd.s32 v15, v37  }
0x1f3: {  	v0 =	vshll.u32 v0, $0x6;
	v11 =	vmul.f32 v11, v6;
	v14 =	vadd.f32 v14, v9  }
0x1f4: {  	v0 =	vor.u32 v60, v0  }
0x1f5: {  	v9 =	vadd.f32 v11, v9;
	v14 =	vsub.f32 v14, v27  }
0x1f6: {  	v11 =	vor.u32 $0x43F, v1  }
0x1f7: {  	v9 =	vsub.f32 v59, v9;
	[tilespmem:v15+s21+$0x0] =	vst.idx.add.f32.msk $0xffff, v14  }
0x1f8: {  	[tilespmem:v15+s22+$0x0] =	vst.idx.add.f32.msk $0xffff, v6;
	v6 =	vsub.f32 $0.0e+00, v6  }
0x1f9: {  	[tilespmem:v0+s21+$0x0] =	vst.idx.add.f32.msk $0xffff, v9  }
0x1fa: {  	[tilespmem:v0+s22+$0x0] =	vst.idx.add.f32.msk $0xffff, v6  }
0x1fb: {  	v0 =	vld.idx.msk [tilespmem:v11+s6+$0x0], $0xffff;
	_ =	sdelay $0x4  }
0x1fc: {  	v0 =	vadd.f32 v0, v20;
	_ =	sdelay $0x1  }
0x1fd: {  	v0 =	vmul.f32 v0, v13;
	_ =	sdelay $0x1  }
0x1fe: {  	v0 =	vadd.f32 v0, v8;
	_ =	sdelay $0x1  }
0x1ff: {  	v0 =	vmin.f32 v0, $1.000000000e+00  }
0x200: {  	v6 =	vsub.f32 v0, v32;
	_ =	sdelay $0x1  }
0x201: {  	(erf) = vrcp.f32 v6  }
0x202: {  	v0 =	vmul.f32 $1.290000000e+02, v0;
	_ =	sdelay $0x1  }
0x203: {  	v0 =	vadd.f32 $-5.000000000e-01, v0  }
0x204: {  	v62 =	vld [tilespmem:$0x1FFC0]  }
0x205: {  	v9 =	vtrunc.f32 v0  }
0x206: {  	[tilespmem:$0x1FF50] =	vst v11;
	v11 =	vcvt.f32.s32 v9;
	vm7 =	vgt.f32 v0, v9  }
0x207: {  	v0 =	vsel vm7, $0x1, v5  }
0x208: {  	v0 =	vadd.s32 v11, v0  }
0x209: {  	vm8 =	vgt.f32 v6, $0.0e+00;
	v9 =	vsub.f32 v62, v26;
	vm9 =	vgt.s32 v0, $0x0;
	v6 =	vpop (erf)  }
0x20a: {  	v0 =	vnsel vm9, $0x0, v0;
	v6 =	vnsel vm8, $0x0, v6  }
0x20b: {  	v0 =	vadd.s32 $0x40, v0;
	v6 =	vmul.f32 v6, v9;
	v9 =	vsub.f32 $-4.922480580e-01, v32  }
0x20c: {  	v11 =	vcvt.s32.f32 v0  }
0x20d: {  	v9 =	vmul.f32 v6, v9;
	v6 =	vmul.f32 $7.751937950e-03, v6  }
0x20e: {  	v14 =	vor.u32 $0x50, v60  }
0x20f: {  	v11 =	vadd.f32 $-1.000000000e+00, v11;
	v9 =	vadd.f32 v9, v26;
	v15 =	vmul.f32 v36, v6  }
0x210: {  	[tilespmem:$0x1FF60] =	vst v14;
	v14 =	vadd.s32 v14, v39  }
0x211: {  	v0 =	vshll.u32 v0, $0x6;
	v11 =	vmul.f32 v11, v6;
	v15 =	vadd.f32 v15, v9  }
0x212: {  	v0 =	vor.u32 v33, v0  }
0x213: {  	v9 =	vadd.f32 v11, v9;
	v15 =	vsub.f32 v15, v26  }
0x214: {  	v11 =	vor.u32 $0x83F, v1  }
0x215: {  	v9 =	vsub.f32 v62, v9;
	[tilespmem:v14+s21+$0x0] =	vst.idx.add.f32.msk $0xffff, v15  }
0x216: {  	[tilespmem:v14+s22+$0x0] =	vst.idx.add.f32.msk $0xffff, v6;
	v6 =	vsub.f32 $0.0e+00, v6  }
0x217: {  	[tilespmem:v0+s21+$0x0] =	vst.idx.add.f32.msk $0xffff, v9  }
0x218: {  	[tilespmem:v0+s22+$0x0] =	vst.idx.add.f32.msk $0xffff, v6  }
0x219: {  	v0 =	vld.idx.msk [tilespmem:v11+s6+$0x0], $0xffff;
	_ =	sdelay $0x4  }
0x21a: {  	v0 =	vadd.f32 v0, v21;
	_ =	sdelay $0x1  }
0x21b: {  	v0 =	vmul.f32 v0, v7;
	_ =	sdelay $0x1  }
0x21c: {  	v0 =	vadd.f32 v0, v40;
	_ =	sdelay $0x1  }
0x21d: {  	v0 =	vmin.f32 v0, $1.000000000e+00  }
0x21e: {  	v6 =	vsub.f32 v0, v35;
	_ =	sdelay $0x1  }
0x21f: {  	(erf) = vrcp.f32 v6  }
0x220: {  	v0 =	vmul.f32 $1.290000000e+02, v0;
	_ =	sdelay $0x1  }
0x221: {  	v0 =	vadd.f32 $-5.000000000e-01, v0  }
0x222: {  	v15 =	vld [tilespmem:$0x1FFD0]  }
0x223: {  	v9 =	vtrunc.f32 v0  }
0x224: {  	[tilespmem:$0x1FF70] =	vst v11;
	v11 =	vcvt.f32.s32 v9;
	vm10 =	vgt.f32 v0, v9  }
0x225: {  	v0 =	vsel vm10, $0x1, v5  }
0x226: {  	v0 =	vadd.s32 v11, v0  }
0x227: {  	vm11 =	vgt.f32 v6, $0.0e+00;
	v9 =	vsub.f32 v15, v31;
	vm12 =	vgt.s32 v0, $0x0;
	v6 =	vpop (erf)  }
0x228: {  	v0 =	vnsel vm12, $0x0, v0;
	v6 =	vnsel vm11, $0x0, v6  }
0x229: {  	v0 =	vadd.s32 $0x40, v0;
	v6 =	vmul.f32 v6, v9;
	v9 =	vsub.f32 $-4.922480580e-01, v35  }
0x22a: {  	v11 =	vcvt.s32.f32 v0  }
0x22b: {  	v9 =	vmul.f32 v6, v9;
	v6 =	vmul.f32 $7.751937950e-03, v6  }
0x22c: {  	v14 =	vor.u32 $0x60, v60  }
0x22d: {  	v11 =	vadd.f32 $-1.000000000e+00, v11;
	v9 =	vadd.f32 v9, v31;
	v7 =	vmul.f32 v41, v6  }
0x22e: {  	[tilespmem:$0x1FF80] =	vst v14;
	v14 =	vadd.s32 v14, v42  }
0x22f: {  	v0 =	vshll.u32 v0, $0x6;
	v11 =	vmul.f32 v11, v6;
	v7 =	vadd.f32 v7, v9  }
0x230: {  	v0 =	vor.u32 v19, v0  }
0x231: {  	v9 =	vadd.f32 v11, v9;
	v7 =	vsub.f32 v7, v31  }
0x232: {  	v11 =	vor.u32 $0xC3F, v1  }
0x233: {  	v9 =	vsub.f32 v15, v9;
	[tilespmem:v14+s21+$0x0] =	vst.idx.add.f32.msk $0xffff, v7  }
0x234: {  	[tilespmem:v14+s22+$0x0] =	vst.idx.add.f32.msk $0xffff, v6;
	v6 =	vsub.f32 $0.0e+00, v6  }
0x235: {  	[tilespmem:v0+s21+$0x0] =	vst.idx.add.f32.msk $0xffff, v9  }
0x236: {  	[tilespmem:v0+s22+$0x0] =	vst.idx.add.f32.msk $0xffff, v6  }
0x237: {  	v0 =	vld.idx.msk [tilespmem:v11+s6+$0x0], $0xffff;
	_ =	sdelay $0x4  }
0x238: {  	v0 =	vadd.f32 v0, v61;
	_ =	sdelay $0x1  }
0x239: {  	v0 =	vmul.f32 v0, v58;
	_ =	sdelay $0x1  }
0x23a: {  	v0 =	vadd.f32 v0, v23;
	_ =	sdelay $0x1  }
0x23b: {  	v0 =	vmin.f32 v0, $1.000000000e+00  }
0x23c: {  	v6 =	vsub.f32 v0, v10;
	_ =	sdelay $0x1  }
0x23d: {  	(erf) = vrcp.f32 v6  }
0x23e: {  	v0 =	vmul.f32 $1.290000000e+02, v0;
	_ =	sdelay $0x1  }
0x23f: {  	v0 =	vadd.f32 $-5.000000000e-01, v0  }
0x240: {  	v14 =	vld [tilespmem:$0x1FFE0]  }
0x241: {  	v9 =	vtrunc.f32 v0  }
0x242: {  	[tilespmem:$0x1FF90] =	vst v11;
	v11 =	vcvt.f32.s32 v9;
	vm13 =	vgt.f32 v0, v9  }
0x243: {  	v0 =	vsel vm13, $0x1, v5  }
0x244: {  	v0 =	vadd.s32 v11, v0  }
0x245: {  	vm14 =	vgt.f32 v6, $0.0e+00;
	v9 =	vsub.f32 v14, v22;
	vm15 =	vgt.s32 v0, $0x0;
	v6 =	vpop (erf)  }
0x246: {  	v0 =	vnsel vm15, $0x0, v0;
	v6 =	vnsel vm14, $0x0, v6  }
0x247: {  	v0 =	vadd.s32 $0x40, v0;
	v6 =	vmul.f32 v6, v9;
	v9 =	vsub.f32 $-4.922480580e-01, v10  }
0x248: {  	v10 =	vcvt.s32.f32 v0  }
0x249: {  	v9 =	vmul.f32 v6, v9;
	v6 =	vmul.f32 $7.751937950e-03, v6  }
0x24a: {  	v7 =	vor.u32 $0x70, v60  }
0x24b: {  	v10 =	vadd.f32 $-1.000000000e+00, v10;
	v9 =	vadd.f32 v9, v22;
	v11 =	vmul.f32 v53, v6  }
0x24c: {  	[tilespmem:$0x1FFA0] =	vst v7;
	v7 =	vadd.s32 v7, v29  }
0x24d: {  	v0 =	vshll.u32 v0, $0x6;
	v10 =	vmul.f32 v10, v6;
	v11 =	vadd.f32 v11, v9  }
0x24e: {  	v0 =	vor.u32 v63, v0  }
0x24f: {  	p0 =	seq.s32 s14, $0x1F;
	v9 =	vadd.f32 v10, v9;
	v11 =	vsub.f32 v11, v22  }
0x250: {  	s0 =	sshll.u32 @!p0 s14, $0x7;
	s1 =	rddreg [dreg:$0xe]  }
0x251: {  	s0 =	sadd.s32 @!p0 s0, s1;
	v9 =	vsub.f32 v14, v9;
	[tilespmem:v7+s21+$0x0] =	vst.idx.add.f32.msk $0xffff, v11  }
0x252: {  	s1 =	sshll.u32 @!p0 s0, $0x3;
	[tilespmem:v7+s22+$0x0] =	vst.idx.add.f32.msk $0xffff, v6;
	v6 =	vsub.f32 $0.0e+00, v6  }
0x253: {  	p1 =	seq.s32 @!p0 s14, $0x0;
	s3 =	rddreg [dreg:$0x6];
	s1 =	sand.u32 @!p0 $0x1FFFFC00, s1;
	[tilespmem:v0+s21+$0x0] =	vst.idx.add.f32.msk $0xffff, v9  }
0x254: {  	p1 =	por p0, !p1;
	s4 =	simm.s32 @!p0 $0x0;
	s3 =	sadd.s32 @!p0 s3, s1;
	[tilespmem:v0+s22+$0x0] =	vst.idx.add.f32.msk $0xffff, v6  }
0x255: {  	[tilespmem:s4], [sflag:$0x1] =	stream.linear.gather @!p0 [hbm4b:s3+s4], $0x1000, $0x38;
	[tilespmem:$0x16400] =	vst v63  }
.Ltmp4:
0x256: {  	_ = 	snop;
	(pc) =	sbr.rel @!p1 .LBB2_7-.Ltmp4, $4  }
0x257: {  	s0 =	sshrl.u32 @!p0 s0, $0x3;
	s1 =	sadd.s32 @!p0 s2, s1;
	s3 =	simm.s32 @!p0 $0x2000  }
0x258: {  	[tilespmem:s3], [sflag:$0x1] =	stream.linear.gather @!p0 [hbm4b:s1+s4], $0x1000, $0x38;
	[tilespmem:$0x16400] =	vst v63  }
0x259: {  	s0 =	sadd.s32 @!p0 s18, s0;
	s1 =	simm.s32 @!p0 $0x4000  }
0x25a: {  	v59 =	vmov v19;
	v9 =	vmov v33;
	[tilespmem:s1], [sflag:$0x1] =	stream.linear.gather @!p0 [hbm4b:s0+s4], $0x40, $0x38;
	[tilespmem:$0x16400] =	vst v63  }
0x25b: {  	s0 =	simm.s32 $0x5  }
0x25c: {  	_ =	swait.ge [sflag:s0], $0x3000  }
.Ltmp5:
0x25d: {  	[sflag:s0] =	ssyncset.done $0x0;
	(pc) =	sbr.rel .LBB2_9-.Ltmp5, $4  }
0x25e: {  	[sflag:s0] =	ssyncadd.s32 $0xFFFFD000  }
0x25f: {  	_ =	swait.ge [sflag:s0], $0x40  }
0x260: {  	[sflag:s0] =	ssyncset.done $0x0  }
0x261: {  	p1 =	por $0x0, $0x0;
	[sflag:s0] =	ssyncadd.s32 $0xFFFFFFC0  }
.LBB2_7:
0x262: {  	p1 =	por @!p0 $0x1, $0x1  }
.LBB2_9:
0x263: {  	s9 =	simm.s32 $0x0  }
0x264: {  	v0 =	vld [tilespmem:s9+$0xA200];
	_ =	sdelay $0x3  }
0x265: {  	v6 =	vimm.f32 $0.0e+00;
	v10 =	vld [tilespmem:s9+$0x4100]  }
0x266: {  	v7 =	vmul.u32 $0xC0, v60;
	v0 =	vadd.f32 v0, v6  }
0x267: {  	s3 =	simm.s32 $0x40  }
0x268: {  	v8 =	vld [tilespmem:s3+$0xA200];
	v11 =	vadd.f32 v0, v6;
	_ =	sdelay $0x1  }
0x269: {  	v10 =	vadd.f32 v11, v10;
	_ =	sdelay $0x1  }
0x26a: {  	v11 =	vld [tilespmem:s3+$0x4100];
	[tilespmem:v7+s31+$0x0] =	vst.idx.msk $0xffff, v10  }
0x26b: {  	v0 =	vadd.f32 v8, v0;
	v13 =	vld [tilespmem:s9+$0xA210]  }
0x26c: {  	v19 =	vadd.s32 $0x1, v7  }
0x26d: {  	s0 =	simm.s32 $0x80;
	v10 =	vadd.f32 v0, v10  }
0x26e: {  	v8 =	vld [tilespmem:s0+$0xA200]  }
0x26f: {  	v14 =	vld [tilespmem:s9+$0x4110];
	v10 =	vadd.f32 v10, v11  }
0x270: {  	v11 =	vadd.f32 v13, v6  }
0x271: {  	v17 =	vadd.s32 $0xC00, v7;
	[tilespmem:v19+s31+$0x0] =	vst.idx.msk $0xffff, v10;
	v13 =	vld [tilespmem:s0+$0x4100]  }
0x272: {  	v16 =	vld [tilespmem:s3+$0xA210];
	v15 =	vadd.f32 v11, v6  }
0x273: {  	v0 =	vadd.f32 v8, v0  }
0x274: {  	s1 =	simm.s32 $0xC0;
	[tilespmem:$0x1FEA0] =	vst v19;
	v19 =	vadd.s32 $0x1, v19;
	v8 =	vadd.f32 v15, v14  }
0x275: {  	v10 =	vadd.f32 v0, v10;
	v14 =	vld [tilespmem:s1+$0xA200]  }
0x276: {  	v15 =	vld [tilespmem:s3+$0x4110];
	[tilespmem:v17+s31+$0x0] =	vst.idx.msk $0xffff, v8  }
0x277: {  	v10 =	vadd.f32 v10, v13;
	v11 =	vadd.f32 v16, v11;
	v13 =	vld [tilespmem:s9+$0xA220]  }
0x278: {  	[tilespmem:$0x1FEB0] =	vst v17  }
0x279: {  	v24 =	vadd.s32 $0x1, v17;
	v8 =	vadd.f32 v11, v8;
	v16 =	vld [tilespmem:s1+$0x4100];
	[tilespmem:v19+s31+$0x0] =	vst.idx.msk $0xffff, v10  }
0x27a: {  	v17 =	vld [tilespmem:s0+$0xA210];
	v0 =	vadd.f32 v14, v0  }
0x27b: {  	v26 =	vadd.s32 $0x1, v19;
	v14 =	vld [tilespmem:s9+$0x4120];
	v15 =	vadd.f32 v8, v15  }
0x27c: {  	s4 =	simm.s32 $0x100;
	[tilespmem:$0x1FEC0] =	vst v19;
	v10 =	vadd.f32 v0, v10;
	v13 =	vadd.f32 v13, v6  }
0x27d: {  	v25 =	vadd.s32 $0x1800, v7;
	v20 =	vld [tilespmem:s4+$0xA200]  }
0x27e: {  	v19 =	vld [tilespmem:s0+$0x4110];
	[tilespmem:v24+s31+$0x0] =	vst.idx.msk $0xffff, v15;
	v10 =	vadd.f32 v10, v16;
	v8 =	vadd.f32 v13, v6  }
0x27f: {  	v16 =	vld [tilespmem:s3+$0xA220];
	v11 =	vadd.f32 v17, v11  }
0x280: {  	v23 =	vld [tilespmem:s4+$0x4100];
	[tilespmem:v26+s31+$0x0] =	vst.idx.msk $0xffff, v10;
	v22 =	vadd.f32 v8, v14  }
0x281: {  	v21 =	vld [tilespmem:s3+$0x4120];
	[tilespmem:$0x1FED0] =	vst v24;
	v14 =	vadd.f32 v11, v15  }
0x282: {  	v0 =	vadd.f32 v20, v0;
	v8 =	vadd.s32 $0x1, v24;
	v24 =	vld [tilespmem:s1+$0xA210];
	[tilespmem:v25+s31+$0x0] =	vst.idx.msk $0xffff, v22  }
0x283: {  	v20 =	vld [tilespmem:s1+$0x4110];
	v27 =	vadd.f32 v14, v19;
	v14 =	vadd.s32 $0x1, v26;
	[tilespmem:$0x1FEE0] =	vst v26  }
0x284: {  	v10 =	vadd.f32 v0, v10;
	v30 =	vadd.f32 v16, v13;
	v13 =	vld [tilespmem:s9+$0xA230]  }
0x285: {  	s7 =	simm.s32 $0x140;
	v17 =	vld [tilespmem:s9+$0x4130];
	[tilespmem:$0x1FEF0] =	vst v25  }
0x286: {  	v15 =	vadd.s32 $0x1, v25;
	v25 =	vadd.f32 v10, v23;
	v28 =	vld [tilespmem:s7+$0xA200]  }
0x287: {  	v22 =	vadd.f32 v30, v22;
	[tilespmem:v8+s31+$0x0] =	vst.idx.msk $0xffff, v27;
	v26 =	vld [tilespmem:s7+$0x4100]  }
0x288: {  	v19 =	vadd.f32 v24, v11;
	v31 =	vld [tilespmem:s0+$0xA220];
	[tilespmem:v14+s31+$0x0] =	vst.idx.msk $0xffff, v25  }
0x289: {  	v16 =	vld [tilespmem:s0+$0x4120];
	v24 =	vadd.f32 v22, v21;
	[tilespmem:$0x1FF00] =	vst v7  }
0x28a: {  	v23 =	vadd.s32 $0x1, v8;
	v21 =	vadd.f32 v19, v27;
	v29 =	vld [tilespmem:s4+$0xA210];
	[tilespmem:$0x1FF10] =	vst v8  }
0x28b: {  	v13 =	vadd.f32 v13, v6;
	[tilespmem:v15+s31+$0x0] =	vst.idx.msk $0xffff, v24  }
0x28c: {  	v11 =	vadd.s32 $0x2400, v7;
	v10 =	vadd.f32 v28, v0;
	v22 =	vld [tilespmem:s4+$0x4110];
	v28 =	vadd.f32 v21, v20;
	[tilespmem:$0x1FF20] =	vst v14  }
0x28d: {  	s8 =	smov.u32 s18;
	s9 =	simm.s32 $0x600;
	v27 =	vadd.s32 $0x1, v14;
	v20 =	vadd.f32 v31, v30;
	v30 =	vadd.f32 v13, v6;
	v21 =	vld [tilespmem:s3+$0xA230]  }
.LBB2_10:
0x28e: {  	s10 =	sshra.s32 s9, $0x2;
	p2 =	sne.s32 s9, $0xBF00;
	s9 =	sadd.s32 $0x100, s9;
	v0 =	vadd.f32 v10, v25;
	v15 =	vadd.s32 $0x1, v15;
	v6 =	vld [tilespmem:s3+$0x4130]  }
0x28f: {  	s3 =	smov.u32 s0;
	s0 =	smov.u32 s1;
	s1 =	smov.u32 s4;
	v31 =	vld [tilespmem:s10+$0xA200];
	[tilespmem:v23+s31+$0x0] =	vst.idx.msk $0xffff, v28;
	v24 =	vadd.f32 v20, v24;
	v30 =	vadd.f32 v30, v17  }
0x290: {  	s4 =	smov.u32 s7;
	s7 =	smov.u32 s10;
	v25 =	vadd.f32 v0, v26;
	v19 =	vadd.f32 v29, v19;
	v0 =	vld [tilespmem:s0+$0xA220]  }
.Ltmp6:
0x291: {  	v24 =	vadd.f32 v24, v16;
	v16 =	vld [tilespmem:s0+$0x4120];
	[tilespmem:v11+s31+$0x0] =	vst.idx.msk $0xffff, v30;
	(pc) =	sbr.rel @p2 .LBB2_10-.Ltmp6, $4  }
0x292: {  	v23 =	vadd.s32 $0x1, v23;
	v26 =	vld [tilespmem:s7+$0x4100];
	[tilespmem:v27+s31+$0x0] =	vst.idx.msk $0xffff, v25;
	v28 =	vadd.f32 v19, v28;
	v13 =	vadd.f32 v21, v13  }
0x293: {  	v29 =	vld [tilespmem:s4+$0xA210];
	[tilespmem:v15+s31+$0x0] =	vst.idx.msk $0xffff, v24;
	v17 =	vmov v6  }
0x294: {  	v11 =	vadd.s32 $0x1, v11;
	v10 =	vadd.f32 v31, v10;
	v28 =	vadd.f32 v28, v22;
	v22 =	vld [tilespmem:s4+$0x4110]  }
0x295: {  	v27 =	vadd.s32 $0x1, v27;
	v30 =	vadd.f32 v13, v30;
	v20 =	vadd.f32 v0, v20;
	v21 =	vld [tilespmem:s3+$0xA230]  }
0x296: {  	v0 =	vadd.f32 v10, v25;
	_ =	sdelay $0x1  }
0x297: {  	v0 =	vadd.f32 v0, v26;
	_ =	sdelay $0x1  }
0x298: {  	[tilespmem:v27+s31+$0x0] =	vst.idx.msk $0xffff, v0  }
0x299: {  	v6 =	vld [tilespmem:s7+$0xA210]  }
0x29a: {  	[tilespmem:v23+s31+$0x0] =	vst.idx.msk $0xffff, v28;
	v19 =	vadd.f32 v29, v19  }
0x29b: {  	v23 =	vadd.s32 $0x1, v23;
	v25 =	vld [tilespmem:s1+$0xA220]  }
0x29c: {  	v15 =	vadd.s32 $0x1, v15;
	v26 =	vadd.f32 v19, v28  }
0x29d: {  	v24 =	vadd.f32 v20, v24;
	v27 =	vld [tilespmem:s7+$0x4110]  }
0x29e: {  	v22 =	vadd.f32 v26, v22;
	v6 =	vadd.f32 v6, v19  }
0x29f: {  	v16 =	vadd.f32 v24, v16;
	v26 =	vld [tilespmem:s1+$0x4120];
	v19 =	vadd.s32 $0x1, v23  }
0x2a0: {  	v20 =	vadd.f32 v25, v20;
	[tilespmem:v23+s31+$0x0] =	vst.idx.msk $0xffff, v22;
	v22 =	vadd.f32 v6, v22  }
0x2a1: {  	[tilespmem:v15+s31+$0x0] =	vst.idx.msk $0xffff, v16;
	v15 =	vadd.s32 $0x1, v15;
	v23 =	vld [tilespmem:s4+$0xA220]  }
0x2a2: {  	v24 =	vld [tilespmem:s3+$0x4130];
	v16 =	vadd.f32 v20, v16;
	v22 =	vadd.f32 v22, v27  }
0x2a3: {  	v25 =	vld [tilespmem:s0+$0xA230]  }
0x2a4: {  	v16 =	vadd.f32 v16, v26;
	v27 =	vld [tilespmem:s4+$0x4120];
	[tilespmem:v19+s31+$0x0] =	vst.idx.msk $0xffff, v22  }
0x2a5: {  	v17 =	vadd.f32 v30, v17;
	v13 =	vadd.f32 v21, v13;
	v19 =	vld [tilespmem:s7+$0xA220]  }
0x2a6: {  	[tilespmem:v15+s31+$0x0] =	vst.idx.msk $0xffff, v16;
	v20 =	vadd.f32 v23, v20  }
0x2a7: {  	v21 =	vadd.f32 v13, v17;
	v15 =	vadd.s32 $0x1, v15;
	v26 =	vld [tilespmem:s1+$0xA230]  }
0x2a8: {  	v23 =	vld [tilespmem:s0+$0x4130];
	v16 =	vadd.f32 v20, v16  }
0x2a9: {  	v21 =	vadd.f32 v21, v24;
	v13 =	vadd.f32 v25, v13;
	v24 =	vld [tilespmem:s7+$0x4120]  }
0x2aa: {  	v16 =	vadd.f32 v16, v27;
	v19 =	vadd.f32 v19, v20  }
0x2ab: {  	v25 =	vadd.s32 $0x1, v15;
	v20 =	vadd.f32 v13, v21  }
0x2ac: {  	v27 =	vld [tilespmem:s1+$0x4130];
	[tilespmem:v15+s31+$0x0] =	vst.idx.msk $0xffff, v16;
	v15 =	vadd.f32 v19, v16  }
0x2ad: {  	v16 =	vadd.f32 v20, v23;
	v20 =	vld [tilespmem:s4+$0xA230]  }
0x2ae: {  	v13 =	vadd.f32 v26, v13;
	v15 =	vadd.f32 v15, v24;
	_ =	sdelay $0x1  }
0x2af: {  	v23 =	vadd.f32 v13, v16;
	v24 =	vld [tilespmem:s4+$0x4130];
	[tilespmem:v25+s31+$0x0] =	vst.idx.msk $0xffff, v15  }
0x2b0: {  	v25 =	vld [tilespmem:s7+$0xA230]  }
0x2b1: {  	v23 =	vadd.f32 v23, v27;
	v13 =	vadd.f32 v20, v13  }
0x2b2: {  	v20 =	vadd.s32 $0x1, v11  }
0x2b3: {  	v26 =	vadd.s32 $0x1, v20;
	v27 =	vadd.f32 v13, v23  }
0x2b4: {  	v63 =	vld [tilespmem:s7+$0x4130];
	v62 =	vadd.s32 $0x1, v26  }
0x2b5: {  	v24 =	vadd.f32 v27, v24;
	v27 =	vadd.s32 $0x1, v62;
	v13 =	vadd.f32 v25, v13  }
0x2b6: {  	[tilespmem:v11+s31+$0x0] =	vst.idx.msk $0xffff, v17;
	v11 =	vadd.s32 $0x1, v27  }
0x2b7: {  	[tilespmem:v20+s31+$0x0] =	vst.idx.msk $0xffff, v21;
	v17 =	vadd.f32 v13, v24  }
0x2b8: {  	[tilespmem:v26+s31+$0x0] =	vst.idx.msk $0xffff, v16  }
0x2b9: {  	[tilespmem:v62+s31+$0x0] =	vst.idx.msk $0xffff, v23;
	v16 =	vadd.f32 v17, v63  }
0x2ba: {  	[tilespmem:v27+s31+$0x0] =	vst.idx.msk $0xffff, v24  }
0x2bb: {  	[tilespmem:v11+s31+$0x0] =	vst.idx.msk $0xffff, v16  }
0x2bc: {  	v11 =	vld [tilespmem:$0xD200]  }
0x2bd: {  	v17 =	vld [tilespmem:$0xD210]  }
0x2be: {  	v20 =	vld [tilespmem:$0xD220]  }
0x2bf: {  	v21 =	vld [tilespmem:$0xD230]  }
0x2c0: {  	v23 =	vld [tilespmem:$0x7100]  }
0x2c1: {  	v10 =	vadd.f32 v11, v10;
	v11 =	vld [tilespmem:$0x7110]  }
0x2c2: {  	v6 =	vadd.f32 v17, v6;
	v17 =	vld [tilespmem:$0x7120]  }
0x2c3: {  	v0 =	vadd.f32 v10, v0;
	v10 =	vadd.f32 v20, v19;
	v19 =	vld [tilespmem:$0x7130]  }
0x2c4: {  	v13 =	vadd.f32 v21, v13;
	v6 =	vadd.f32 v6, v22  }
0x2c5: {  	v0 =	vadd.f32 v0, v23;
	v10 =	vadd.f32 v10, v15  }
0x2c6: {  	s18 =	sshll.u32 s14, $0x7;
	s9 =	rddreg [dreg:$0x7];
	v6 =	vadd.f32 v6, v11;
	v11 =	vadd.f32 v13, v16  }
0x2c7: {  	s15 =	sor.u32 s9, s18;
	[tilespmem:$0x16300] =	vst v0;
	v0 =	vadd.f32 v10, v17  }
0x2c8: {  	s0 =	smul.u32 $0x18, s15;
	[tilespmem:$0x16310] =	vst v6;
	v6 =	vadd.f32 v11, v19  }
0x2c9: {  	s10 =	rddreg [dreg:$0x3];
	[tilespmem:$0x16320] =	vst v0  }
0x2ca: {  	s12 =	rddreg [dreg:$0x4];
	s11 =	sshrl.u32 s15, $0x3;
	s0 =	sadd.s32 s10, s0;
	[tilespmem:$0x16330] =	vst v6  }
0x2cb: {  	[hbm4b:s0+s6] =	stream.linear.scatter [tilespmem:s31], [sflag:$0x5], $0x3000, $0x38;
	[tilespmem:$0x16400] =	vst v63  }
0x2cc: {  	s13 =	simm.s32 $0x16300;
	s0 =	sadd.s32 s12, s11  }
0x2cd: {  	[hbm4b:s0+s6] =	stream.linear.scatter [tilespmem:s13], [sflag:$0x5], $0x40, $0x38;
	[tilespmem:$0x16400] =	vst v63  }
0x2ce: {  	s3 =	rddreg [dreg:$0x2];
	s1 =	simm.s32 @!p0 $0x4100;
	s0 =	simm.s32 @!p0 $0x0  }
0x2cf: {  	[tilespmem:s1], [sflag:$0x3] =	stream.linear.gather @!p0 [hbm4b:s3+s0], $0x3080, $0x38;
	[tilespmem:$0x16400] =	vst v63  }
0x2d0: {  	s1 =	simm.s32 @!p0 $0xA200  }
0x2d1: {  	[tilespmem:s1], [sflag:$0x3] =	stream.linear.gather @!p0 [hbm4b:s3+s0], $0x3080, $0x38;
	[tilespmem:$0x16400] =	vst v63  }
0x2d2: {  	_ =	swait.ge [sflag:s5], $0x1000  }
0x2d3: {  	[sflag:s5] =	ssyncset.done $0x0  }
0x2d4: {  	[sflag:s5] =	ssyncadd.s32 $0xFFFFF000  }
0x2d5: {  	s16 =	simm.s32 $0x0;
	_ =	swait.ge [sflag:s5], $0x1000  }
0x2d6: {  	v0 =	vor.u32 s16, v4;
	[sflag:s5] =	ssyncset.done $0x0  }
0x2d7: {  	v6 =	vor.u32 s16, v3;
	[sflag:s5] =	ssyncadd.s32 $0xFFFFF000  }
0x2d8: {  	v13 =	vor.u32 s16, v2;
	_ =	swait.ge [sflag:s5], $0x40  }
0x2d9: {  	v16 =	vor.u32 s16, v1;
	[sflag:s5] =	ssyncset.done $0x0  }
0x2da: {  	s17 =	simm.s32 $0x1;
	[sflag:s5] =	ssyncadd.s32 $0xFFFFFFC0  }
0x2db: {  	v22 =	vor.u32 s17, v4;
	v21 =	vld.idx.msk [tilespmem:v0+s23+$0x0], $0xffff  }
0x2dc: {  	v17 =	vor.u32 s17, v3;
	v10 =	vld.idx.msk [tilespmem:v6+s23+$0x0], $0xffff  }
0x2dd: {  	v20 =	vor.u32 s17, v2;
	v15 =	vld.idx.msk [tilespmem:v13+s23+$0x0], $0xffff  }
0x2de: {  	v24 =	vor.u32 s17, v1;
	v19 =	vld.idx.msk [tilespmem:v16+s23+$0x0], $0xffff  }
0x2df: {  	v23 =	vimm.f32 $0.0e+00  }
0x2e0: {  	v11 =	vimm.f32 $0.0e+00;
	s0 =	simm.s32 $0x2;
	v13 =	vld.idx.msk [tilespmem:v22+s23+$0x0], $0xffff;
	v16 =	vimm.f32 $0.0e+00;
	v22 =	vimm.f32 $0.0e+00  }
.LBB2_12:
0x2e1: {  	v0 =	vor.u32 s0, v4;
	v7 =	vmov v10;
	v10 =	vld.idx.msk [tilespmem:v17+s23+$0x0], $0xffff;
	p2 =	sne.s32 s0, $0x3F  }
.Ltmp7:
0x2e2: {  	v17 =	vor.u32 s0, v3;
	v16 =	vadd.f32 v21, v16;
	v6 =	vmovc v15;
	v11 =	vadd.f32 v7, v11;
	v15 =	vld.idx.msk [tilespmem:v20+s23+$0x0], $0xffff;
	(pc) =	sbr.rel @p2 .LBB2_12-.Ltmp7, $3  }
0x2e3: {  	v20 =	vor.u32 s0, v2;
	v22 =	vadd.f32 v19, v22;
	v23 =	vadd.f32 v6, v23;
	v19 =	vld.idx.msk [tilespmem:v24+s23+$0x0], $0xffff  }
0x2e4: {  	v24 =	vor.u32 s0, v1;
	s0 =	sadd.s32 $0x1, s0;
	_ =	sdelay $0x1  }
0x2e5: {  	v21 =	vmov v13;
	v13 =	vld.idx.msk [tilespmem:v0+s23+$0x0], $0xffff  }
0x2e6: {  	_ =	sdelay $0x3  }
0x2e7: {  	v0 =	vld.idx.msk [tilespmem:v24+s23+$0x0], $0xffff  }
0x2e8: {  	v6 =	vld.idx.msk [tilespmem:v20+s23+$0x0], $0xffff  }
0x2e9: {  	v17 =	vld.idx.msk [tilespmem:v17+s23+$0x0], $0xffff  }
0x2ea: {  	v19 =	vadd.f32 v19, v22  }
0x2eb: {  	v15 =	vadd.f32 v15, v23  }
0x2ec: {  	v10 =	vadd.f32 v10, v11;
	v0 =	vadd.f32 v0, v19  }
0x2ed: {  	v11 =	vadd.f32 v21, v16;
	v6 =	vadd.f32 v6, v15  }
0x2ee: {  	v10 =	vadd.f32 v17, v10;
	v0 =	vadd.f32 $6.399999860e-01, v0  }
0x2ef: {  	v11 =	vadd.f32 v13, v11;
	v6 =	vadd.f32 $6.399999860e-01, v6  }
0x2f0: {  	v10 =	vadd.f32 $6.399999860e-01, v10;
	v13 =	vsub.f32 $9.999999740e-06, v0  }
0x2f1: {  	v11 =	vadd.f32 $6.399999860e-01, v11;
	v15 =	vsub.f32 $9.999999740e-06, v6  }
0x2f2: {  	v17 =	vmax.f32 v13, $0.0e+00;
	v13 =	vsub.f32 $9.999999740e-06, v10  }
0x2f3: {  	v16 =	vsub.f32 $9.999999740e-06, v11;
	v20 =	vmax.f32 v15, $0.0e+00;
	v0 =	vadd.f32 v17, v0  }
0x2f4: {  	v6 =	vadd.f32 v20, v6;
	v15 =	vmax.f32 v13, $0.0e+00  }
0x2f5: {  	v13 =	vmax.f32 v16, $0.0e+00;
	(erf) = vrcp.f32 v0;
	v0 =	vadd.f32 v15, v10  }
0x2f6: {  	(erf) = vrcp.f32 v6;
	v6 =	vadd.f32 v13, v11  }
0x2f7: {  	(erf) = vrcp.f32 v0  }
0x2f8: {  	(erf) = vrcp.f32 v6;
	_ =	sdelay $0x5  }
0x2f9: {  	v29 =	vpop (erf)  }
0x2fa: {  	v27 =	vpop (erf)  }
0x2fb: {  	v14 =	vpop (erf)  }
0x2fc: {  	v8 =	vpop (erf)  }
0x2fd: {  	_ =	swait.ge [sflag:s20], $0x3080  }
0x2fe: {  	[sflag:s20] =	ssyncset.done $0x0  }
0x2ff: {  	[sflag:s20] =	ssyncadd.s32 $0xFFFFCF80  }
0x300: {  	_ =	swait.ge [sflag:s20], $0x3080  }
0x301: {  	[sflag:s20] =	ssyncset.done $0x0  }
0x302: {  	[sflag:s20] =	ssyncadd.s32 $0xFFFFCF80  }
0x303: {  	v7 =	vld [tilespmem:$0x4080];
	_ =	sdelay $0x3  }
0x304: {  	v0 =	vlaneseq.u32  }
0x305: {  	v6 =	vmul.u32 $0x40, v0;
	[tilespmem:$0x1FE50] =	vst v7;
	v7 =	vld [tilespmem:$0x4090];
	_ =	sdelay $0x1  }
0x306: {  	v10 =	vor.u32 $0x400, v6  }
0x307: {  	v11 =	vor.u32 $0x800, v6  }
0x308: {  	v21 =	vor.u32 $0xC00, v6  }
0x309: {  	[tilespmem:$0x1FE60] =	vst v7;
	v7 =	vld [tilespmem:$0x40A0]  }
0x30a: {  	v6 =	vld.idx.msk [tilespmem:v6+s24+$0x0], $0xffff  }
0x30b: {  	v16 =	vor.u32 $0x10, v0;
	v19 =	vld.idx.msk [tilespmem:v10+s24+$0x0], $0xffff  }
0x30c: {  	v10 =	vld.idx.msk [tilespmem:v11+s24+$0x0], $0xffff;
	v11 =	vor.u32 $0x20, v0  }
0x30d: {  	v40 =	vor.u32 $0x30, v0;
	v36 =	vld.idx.msk [tilespmem:v21+s24+$0x0], $0xffff  }
0x30e: {  	s1 =	simm.s32 $0x0;
	[tilespmem:$0x1FE70] =	vst v7;
	v7 =	vld [tilespmem:$0x40B0]  }
0x30f: {  	v21 =	vadd.s32 s1, v1;
	[tilespmem:v0+s26+$0x0] =	vst.idx.msk $0xffff, v6  }
0x310: {  	[tilespmem:v16+s26+$0x0] =	vst.idx.msk $0xffff, v19  }
0x311: {  	[tilespmem:v11+s26+$0x0] =	vst.idx.msk $0xffff, v10  }
0x312: {  	[tilespmem:v40+s26+$0x0] =	vst.idx.msk $0xffff, v36  }
0x313: {  	[tilespmem:$0x1FE80] =	vst v7  }
0x314: {  	v21 =	vld.idx.msk [tilespmem:v21+s23+$0x0], $0xffff  }
0x315: {  	v17 =	vmul.f32 $1.562500000e-02, v17;
	_ =	sdelay $0x1  }
0x316: {  	v7 =	vadd.f32 $9.999999770e-03, v17;
	_ =	sdelay $0x1  }
0x317: {  	v17 =	vadd.f32 v21, v7;
	_ =	sdelay $0x1  }
0x318: {  	v17 =	vmul.f32 v17, v29  }
0x319: {  	v39 =	vimm.f32 $0.0e+00  }
0x31a: {  	v17 =	vadd.f32 v17, v39;
	_ =	sdelay $0x1  }
0x31b: {  	v22 =	vmin.f32 v17, $1.000000000e+00  }
0x31c: {  	s11 =	simm.s32 $0x1;
	v21 =	vsub.f32 v22, v39  }
0x31d: {  	v23 =	vor.u32 s11, v1  }
0x31e: {  	(erf) = vrcp.f32 v21  }
0x31f: {  	v24 =	vmul.f32 $1.290000000e+02, v22;
	_ =	sdelay $0x1  }
0x320: {  	v24 =	vadd.f32 $-5.000000000e-01, v24  }
0x321: {  	v23 =	vld.idx.msk [tilespmem:v23+s24+$0x0], $0xffff  }
0x322: {  	s0 =	scvt.s32.f32 s11;
	v25 =	vtrunc.f32 v24  }
0x323: {  	v26 =	vcvt.f32.s32 v25;
	vm0 =	vgt.f32 v24, v25  }
0x324: {  	s0 =	ssub.f32 $5.000000000e-01, s0;
	v24 =	vsel vm0, $0x1, v5  }
0x325: {  	v24 =	vadd.s32 v26, v24  }
0x326: {  	s12 =	smul.f32 $7.751937950e-03, s0;
	vm1 =	vgt.f32 v21, $0.0e+00;
	v25 =	vsub.f32 v23, v6;
	vm15 =	vgt.s32 v24, $0x0;
	v21 =	vpop (erf)  }
0x327: {  	v24 =	vnsel vm15, $0x0, v24;
	v21 =	vnsel vm1, $0x0, v21  }
0x328: {  	v26 =	vsub.f32 s12, v39;
	v24 =	vadd.s32 s11, v24;
	v21 =	vmul.f32 v21, v25  }
0x329: {  	v25 =	vcvt.s32.f32 v24  }
0x32a: {  	v28 =	vmul.f32 $7.751937950e-03, v21;
	v21 =	vmul.f32 v21, v26;
	_ =	sdelay $0x1  }
0x32b: {  	v26 =	vadd.f32 $-1.000000000e+00, v25;
	v21 =	vadd.f32 v21, v6;
	v30 =	vmul.f32 v28, v39  }
0x32c: {  	v0 =	vadd.s32 $0x40, v0  }
0x32d: {  	v24 =	vshll.u32 v24, $0x6;
	v26 =	vmul.f32 v26, v28;
	v30 =	vadd.f32 v30, v21  }
0x32e: {  	v24 =	vor.u32 v60, v24  }
0x32f: {  	v21 =	vadd.f32 v26, v21;
	v6 =	vsub.f32 v30, v6  }
0x330: {  	s9 =	simm.s32 $0x1;
	v26 =	vadd.s32 s1, v2  }
0x331: {  	v21 =	vsub.f32 v23, v21;
	[tilespmem:v0+s26+$0x0] =	vst.idx.add.f32.msk $0xffff, v6;
	v6 =	vadd.s32 s9, v1  }
0x332: {  	[tilespmem:v0+s28+$0x0] =	vst.idx.add.f32.msk $0xffff, v28;
	v0 =	vsub.f32 $0.0e+00, v28  }
0x333: {  	[tilespmem:v24+s26+$0x0] =	vst.idx.add.f32.msk $0xffff, v21  }
0x334: {  	[tilespmem:v24+s28+$0x0] =	vst.idx.add.f32.msk $0xffff, v0  }
0x335: {  	v0 =	vld.idx.msk [tilespmem:v26+s23+$0x0], $0xffff  }
0x336: {  	v20 =	vmul.f32 $1.562500000e-02, v20;
	v6 =	vld.idx.msk [tilespmem:v6+s23+$0x0], $0xffff;
	_ =	sdelay $0x1  }
0x337: {  	v31 =	vadd.f32 $9.999999770e-03, v20;
	_ =	sdelay $0x1  }
0x338: {  	v0 =	vadd.f32 v0, v31  }
0x339: {  	v6 =	vadd.f32 v6, v7  }
0x33a: {  	v0 =	vmul.f32 v0, v27  }
0x33b: {  	v6 =	vmul.f32 v6, v29  }
0x33c: {  	v0 =	vadd.f32 v0, v39  }
0x33d: {  	v6 =	vadd.f32 v6, v17  }
0x33e: {  	v21 =	vmin.f32 v0, $1.000000000e+00  }
0x33f: {  	v17 =	vsub.f32 v21, v39;
	v20 =	vmin.f32 v6, $1.000000000e+00  }
0x340: {  	s13 =	simm.s32 $0x2;
	v28 =	vsub.f32 v20, v22  }
0x341: {  	v26 =	vor.u32 s13, v1;
	(erf) = vrcp.f32 v17  }
0x342: {  	(erf) = vrcp.f32 v28  }
0x343: {  	v30 =	vmul.f32 $1.290000000e+02, v20;
	_ =	sdelay $0x1  }
0x344: {  	v30 =	vadd.f32 $-5.000000000e-01, v30  }
0x345: {  	v26 =	vld.idx.msk [tilespmem:v26+s24+$0x0], $0xffff  }
0x346: {  	s17 =	scvt.s32.f32 s13;
	v37 =	vtrunc.f32 v30  }
0x347: {  	v38 =	vcvt.f32.s32 v37;
	vm4 =	vgt.f32 v30, v37  }
0x348: {  	s0 =	ssub.f32 $5.000000000e-01, s17;
	v30 =	vsel vm4, $0x1, v5  }
0x349: {  	v30 =	vadd.s32 v38, v30;
	v57 =	vpop (erf)  }
0x34a: {  	s0 =	smul.f32 $7.751937950e-03, s0;
	v58 =	vsub.f32 v26, v23;
	vm6 =	vgt.f32 v28, $0.0e+00;
	vm5 =	vgt.s32 v30, $0x0;
	v28 =	vpop (erf)  }
0x34b: {  	v30 =	vnsel vm5, $0x0, v30;
	v28 =	vnsel vm6, $0x0, v28  }
0x34c: {  	v22 =	vsub.f32 s0, v22;
	v30 =	vadd.s32 s13, v30;
	v28 =	vmul.f32 v28, v58  }
0x34d: {  	v61 =	vcvt.s32.f32 v30  }
0x34e: {  	v41 =	vmul.f32 $7.751937950e-03, v28;
	v22 =	vmul.f32 v28, v22;
	_ =	sdelay $0x1  }
0x34f: {  	v28 =	vadd.f32 $-1.000000000e+00, v61;
	v22 =	vadd.f32 v22, v23;
	v25 =	vmul.f32 v41, v25  }
0x350: {  	v24 =	vadd.s32 $0x40, v24  }
0x351: {  	v30 =	vshll.u32 v30, $0x6;
	v28 =	vmul.f32 v28, v41;
	v25 =	vadd.f32 v25, v22  }
0x352: {  	v30 =	vor.u32 v60, v30  }
0x353: {  	v22 =	vadd.f32 v28, v22;
	v23 =	vsub.f32 v25, v23  }
0x354: {  	v25 =	vadd.s32 s9, v2  }
0x355: {  	s4 =	simm.s32 $0x2;
	v28 =	vor.u32 s11, v2;
	v22 =	vsub.f32 v26, v22;
	[tilespmem:v24+s26+$0x0] =	vst.idx.add.f32.msk $0xffff, v23  }
0x356: {  	v23 =	vsub.f32 $0.0e+00, v41;
	[tilespmem:v24+s28+$0x0] =	vst.idx.add.f32.msk $0xffff, v41;
	v24 =	vadd.s32 s4, v1  }
0x357: {  	[tilespmem:v30+s26+$0x0] =	vst.idx.add.f32.msk $0xffff, v22  }
0x358: {  	v22 =	vmul.f32 $1.290000000e+02, v21;
	[tilespmem:v30+s28+$0x0] =	vst.idx.add.f32.msk $0xffff, v23  }
0x359: {  	v23 =	vld.idx.msk [tilespmem:v25+s23+$0x0], $0xffff  }
0x35a: {  	v41 =	vld.idx.msk [tilespmem:v28+s24+$0x0], $0xffff;
	v22 =	vadd.f32 $-5.000000000e-01, v22  }
0x35b: {  	v24 =	vld.idx.msk [tilespmem:v24+s23+$0x0], $0xffff  }
0x35c: {  	v25 =	vtrunc.f32 v22  }
0x35d: {  	v28 =	vcvt.f32.s32 v25;
	vm7 =	vgt.f32 v22, v25  }
0x35e: {  	v22 =	vsel vm7, $0x1, v5;
	v23 =	vadd.f32 v23, v31  }
0x35f: {  	vm8 =	vgt.f32 v17, $0.0e+00;
	v17 =	vadd.s32 v28, v22;
	v22 =	vsub.f32 v41, v19  }
0x360: {  	v25 =	vnsel vm8, $0x0, v57;
	v23 =	vmul.f32 v23, v27;
	v24 =	vadd.f32 v24, v7  }
0x361: {  	v28 =	vsub.f32 s12, v39;
	vm9 =	vgt.s32 v17, $0x0;
	v22 =	vmul.f32 v25, v22  }
0x362: {  	v17 =	vnsel vm9, $0x0, v17;
	v42 =	vadd.f32 v23, v0;
	v0 =	vmul.f32 v24, v29  }
0x363: {  	s10 =	simm.s32 $0x3;
	v23 =	vmul.f32 v22, v28;
	v22 =	vmul.f32 $7.751937950e-03, v22;
	v24 =	vadd.s32 s11, v17  }
0x364: {  	v45 =	vor.u32 s10, v1;
	v28 =	vcvt.s32.f32 v24  }
0x365: {  	v25 =	vadd.f32 v0, v6;
	v0 =	vadd.f32 v23, v19;
	v6 =	vmul.f32 v22, v39  }
0x366: {  	v17 =	vmin.f32 v42, $1.000000000e+00;
	v23 =	vadd.s32 $0x40, v16;
	v62 =	vadd.f32 $-1.000000000e+00, v28  }
0x367: {  	v43 =	vsub.f32 v17, v21;
	v16 =	vmin.f32 v25, $1.000000000e+00;
	v6 =	vadd.f32 v6, v0  }
0x368: {  	v24 =	vshll.u32 v24, $0x6;
	v44 =	vsub.f32 v16, v20;
	v37 =	vmul.f32 v62, v22  }
0x369: {  	v46 =	vor.u32 v9, v24;
	(erf) = vrcp.f32 v43;
	v6 =	vsub.f32 v6, v19  }
0x36a: {  	v19 =	vmul.f32 $1.290000000e+02, v16;
	(erf) = vrcp.f32 v44;
	v0 =	vadd.f32 v37, v0  }
0x36b: {  	[tilespmem:v23+s26+$0x0] =	vst.idx.add.f32.msk $0xffff, v6;
	v6 =	vsub.f32 $0.0e+00, v22  }
0x36c: {  	v24 =	vadd.s32 s1, v3;
	v0 =	vsub.f32 v41, v0;
	[tilespmem:v23+s28+$0x0] =	vst.idx.add.f32.msk $0xffff, v22;
	v22 =	vadd.f32 $-5.000000000e-01, v19  }
0x36d: {  	v19 =	vld.idx.msk [tilespmem:v45+s24+$0x0], $0xffff  }
0x36e: {  	[tilespmem:v46+s26+$0x0] =	vst.idx.add.f32.msk $0xffff, v0;
	v0 =	vtrunc.f32 v22  }
0x36f: {  	s3 =	scvt.s32.f32 s10;
	vm10 =	vgt.f32 v22, v0  }
0x370: {  	v15 =	vmul.f32 $1.562500000e-02, v15;
	[tilespmem:v46+s28+$0x0] =	vst.idx.add.f32.msk $0xffff, v6;
	v23 =	vsel vm10, $0x1, v5  }
0x371: {  	s3 =	ssub.f32 $5.000000000e-01, s3;
	v6 =	vcvt.f32.s32 v0;
	v0 =	vld.idx.msk [tilespmem:v24+s23+$0x0], $0xffff  }
0x372: {  	v32 =	vadd.f32 $9.999999770e-03, v15;
	v63 =	vpop (erf)  }
0x373: {  	s3 =	smul.f32 $7.751937950e-03, s3;
	vm11 =	vgt.f32 v44, $0.0e+00;
	v6 =	vadd.s32 v6, v23;
	v24 =	vsub.f32 v19, v26;
	v23 =	vpop (erf)  }
0x374: {  	v22 =	vor.u32 s13, v2;
	vm12 =	vgt.s32 v6, $0x0;
	v15 =	vnsel vm11, $0x0, v23  }
0x375: {  	v6 =	vnsel vm12, $0x0, v6;
	v23 =	vsub.f32 s3, v20;
	v15 =	vmul.f32 v15, v24  }
0x376: {  	v6 =	vadd.s32 s10, v6;
	v24 =	vmul.f32 $1.290000000e+02, v17;
	v0 =	vadd.f32 v0, v32  }
0x377: {  	v48 =	vadd.s32 s4, v2;
	v20 =	vcvt.s32.f32 v6;
	v52 =	vmul.f32 v15, v23  }
0x378: {  	v49 =	vor.u32 s11, v3;
	v15 =	vmul.f32 $7.751937950e-03, v15;
	v0 =	vmul.f32 v0, v14  }
0x379: {  	v13 =	vmul.f32 $1.562500000e-02, v13;
	v23 =	vld.idx.msk [tilespmem:v22+s24+$0x0], $0xffff;
	v47 =	vadd.f32 $-5.000000000e-01, v24;
	v24 =	vadd.f32 $-1.000000000e+00, v20  }
0x37a: {  	v44 =	vadd.f32 v52, v26;
	v38 =	vmul.f32 v15, v61;
	v22 =	vadd.f32 v0, v39  }
0x37b: {  	v30 =	vadd.s32 $0x40, v30;
	v21 =	vsub.f32 s0, v21;
	v51 =	vmul.f32 v24, v15  }
0x37c: {  	v6 =	vshll.u32 v6, $0x6;
	v38 =	vadd.f32 v38, v44;
	v50 =	vmin.f32 v22, $1.000000000e+00  }
0x37d: {  	v24 =	vor.u32 v60, v6;
	v53 =	vadd.f32 v51, v44;
	v6 =	vsub.f32 v50, v39  }
0x37e: {  	vm13 =	vgt.f32 v43, $0.0e+00;
	v52 =	vsub.f32 v23, v41;
	v26 =	vsub.f32 v38, v26  }
0x37f: {  	v49 =	vld.idx.msk [tilespmem:v49+s24+$0x0], $0xffff;
	v54 =	vnsel vm13, $0x0, v63;
	v0 =	vtrunc.f32 v47;
	(erf) = vrcp.f32 v6  }
0x380: {  	v57 =	vmul.f32 $1.290000000e+02, v50;
	v56 =	vsub.f32 v19, v53;
	v55 =	vmul.f32 v54, v52;
	[tilespmem:v30+s26+$0x0] =	vst.idx.add.f32.msk $0xffff, v26  }
0x381: {  	v11 =	vadd.s32 $0x40, v11;
	vm14 =	vgt.f32 v47, v0;
	[tilespmem:v30+s28+$0x0] =	vst.idx.add.f32.msk $0xffff, v15;
	v15 =	vsub.f32 $0.0e+00, v15  }
0x382: {  	v26 =	vcvt.f32.s32 v0;
	v0 =	vmul.f32 v55, v21;
	v21 =	vadd.f32 $-5.000000000e-01, v57;
	[tilespmem:v24+s26+$0x0] =	vst.idx.add.f32.msk $0xffff, v56  }
0x383: {  	v62 =	vsub.f32 s12, v39;
	v38 =	vadd.f32 $9.999999770e-03, v13;
	v13 =	vsel vm14, $0x1, v5;
	[tilespmem:v24+s28+$0x0] =	vst.idx.add.f32.msk $0xffff, v15  }
0x384: {  	v63 =	vor.u32 s10, v2;
	v13 =	vadd.s32 v26, v13;
	v15 =	vtrunc.f32 v21;
	v26 =	vld.idx.msk [tilespmem:v48+s23+$0x0], $0xffff  }
0x385: {  	s16 =	simm.s32 $0x3;
	v44 =	vadd.s32 $0x40, v46;
	v58 =	vcvt.f32.s32 v15;
	vm15 =	vgt.f32 v21, v15  }
0x386: {  	v30 =	vmul.f32 $7.751937950e-03, v55;
	v21 =	vadd.s32 s16, v1;
	v15 =	vsel vm15, $0x1, v5  }
0x387: {  	vm2 =	vgt.f32 v6, $0.0e+00;
	v6 =	vsub.f32 v49, v10;
	v15 =	vadd.s32 v58, v15  }
0x388: {  	v0 =	vadd.f32 v0, v41;
	v28 =	vmul.f32 v30, v28;
	vm5 =	vgt.s32 v15, $0x0;
	v61 =	vpop (erf)  }
0x389: {  	v15 =	vnsel vm5, $0x0, v15;
	v26 =	vadd.f32 v26, v31;
	v43 =	vnsel vm2, $0x0, v61  }
0x38a: {  	vm4 =	vgt.s32 v13, $0x0;
	v15 =	vadd.s32 s11, v15;
	v6 =	vmul.f32 v43, v6  }
0x38b: {  	v28 =	vadd.f32 v28, v0;
	v21 =	vld.idx.msk [tilespmem:v21+s23+$0x0], $0xffff;
	v53 =	vcvt.s32.f32 v15;
	v26 =	vmul.f32 v26, v27  }
0x38c: {  	v13 =	vnsel vm4, $0x0, v13;
	v45 =	vmul.f32 $7.751937950e-03, v6;
	v6 =	vmul.f32 v6, v62  }
0x38d: {  	v28 =	vsub.f32 v28, v41;
	v61 =	vadd.s32 s9, v3;
	v48 =	vadd.f32 $-1.000000000e+00, v53  }
0x38e: {  	v52 =	vadd.f32 v26, v42;
	v6 =	vadd.f32 v6, v10;
	v26 =	vmul.f32 v45, v39  }
0x38f: {  	v43 =	vor.u32 s11, v4;
	v15 =	vshll.u32 v15, $0x6;
	v55 =	vmul.f32 v48, v45  }
0x390: {  	v21 =	vadd.f32 v21, v7;
	v48 =	vmin.f32 v52, $1.000000000e+00;
	v26 =	vadd.f32 v26, v6  }
0x391: {  	[tilespmem:$0x1FE90] =	vst v7;
	v57 =	vor.u32 v59, v15;
	v62 =	vsub.f32 v48, v17;
	v6 =	vadd.f32 v55, v6  }
0x392: {  	v15 =	vmul.f32 v21, v29;
	v55 =	vld.idx.msk [tilespmem:v63+s24+$0x0], $0xffff;
	v21 =	vadd.s32 s1, v4;
	v63 =	vmul.f32 $1.290000000e+02, v48;
	s1 =	simm.s32 $0x4  }
0x393: {  	v17 =	vsub.f32 s3, v17;
	v54 =	vor.u32 s1, v1;
	v10 =	vsub.f32 v26, v10  }
0x394: {  	v26 =	vsub.f32 $0.0e+00, v30;
	(erf) = vrcp.f32 v62;
	v6 =	vsub.f32 v49, v6  }
0x395: {  	v41 =	vadd.f32 v15, v25;
	v15 =	vadd.f32 $-5.000000000e-01, v63;
	[tilespmem:v11+s26+$0x0] =	vst.idx.add.f32.msk $0xffff, v10;
	v10 =	vadd.s32 s13, v13  }
0x396: {  	v13 =	vsub.f32 $0.0e+00, v45;
	[tilespmem:v11+s28+$0x0] =	vst.idx.add.f32.msk $0xffff, v45;
	v11 =	vshll.u32 v10, $0x6;
	v10 =	vcvt.s32.f32 v10  }
0x397: {  	vm7 =	vgt.f32 v62, $0.0e+00;
	v42 =	vmin.f32 v41, $1.000000000e+00;
	[tilespmem:v57+s26+$0x0] =	vst.idx.add.f32.msk $0xffff, v6;
	v6 =	vtrunc.f32 v15  }
0x398: {  	v25 =	vmul.f32 $1.290000000e+02, v42;
	[tilespmem:v57+s28+$0x0] =	vst.idx.add.f32.msk $0xffff, v13;
	vm6 =	vgt.f32 v15, v6;
	v15 =	vadd.f32 $-1.000000000e+00, v10  }
0x399: {  	s7 =	scvt.s32.f32 s1;
	v56 =	vsub.f32 v55, v23;
	v11 =	vor.u32 v9, v11;
	v13 =	vsub.f32 v42, v16;
	v21 =	vld.idx.msk [tilespmem:v21+s23+$0x0], $0xffff  }
0x39a: {  	v6 =	vcvt.f32.s32 v6;
	v25 =	vadd.f32 $-5.000000000e-01, v25;
	v15 =	vmul.f32 v15, v30  }
0x39b: {  	s7 =	ssub.f32 $5.000000000e-01, s7;
	v63 =	vadd.s32 $0x40, v11;
	v35 =	vsel vm6, $0x1, v5;
	(erf) = vrcp.f32 v13  }
0x39c: {  	[tilespmem:v44+s26+$0x0] =	vst.idx.add.f32.msk $0xffff, v28;
	v6 =	vadd.s32 v6, v35;
	v0 =	vadd.f32 v15, v0;
	v15 =	vtrunc.f32 v25  }
0x39d: {  	[tilespmem:v44+s28+$0x0] =	vst.idx.add.f32.msk $0xffff, v30;
	s17 =	smul.f32 $7.751937950e-03, s7;
	vm11 =	vgt.f32 v13, $0.0e+00;
	v28 =	vcvt.f32.s32 v15;
	vm8 =	vgt.f32 v25, v15  }
0x39e: {  	v44 =	vld.idx.msk [tilespmem:v54+s24+$0x0], $0xffff;
	v58 =	vpop (erf);
	v21 =	vadd.f32 v21, v38;
	v0 =	vsub.f32 v23, v0;
	v15 =	vsel vm8, $0x1, v5  }
0x39f: {  	v13 =	vsub.f32 s17, v16;
	v25 =	vnsel vm7, $0x0, v58;
	v15 =	vadd.s32 v28, v15  }
0x3a0: {  	v25 =	vmul.f32 v25, v56;
	v21 =	vmul.f32 v21, v8;
	[tilespmem:v11+s26+$0x0] =	vst.idx.add.f32.msk $0xffff, v0;
	vm10 =	vgt.s32 v15, $0x0  }
0x3a1: {  	v35 =	vimm.s32 $0x0;
	vm9 =	vgt.s32 v6, $0x0;
	[tilespmem:v11+s28+$0x0] =	vst.idx.add.f32.msk $0xffff, v26;
	v0 =	vnsel vm10, $0x0, v15  }
0x3a2: {  	v15 =	vmul.f32 v25, v17;
	v11 =	vmul.f32 $7.751937950e-03, v25;
	v58 =	vadd.f32 v21, v39;
	v17 =	vld.idx.msk [tilespmem:v61+s23+$0x0], $0xffff  }
0x3a3: {  	v28 =	vadd.s32 s16, v2;
	v25 =	vsub.f32 v44, v19;
	v0 =	vadd.s32 s1, v0  }
0x3a4: {  	v16 =	vpop (erf);
	v15 =	vadd.f32 v15, v23;
	v10 =	vmul.f32 v11, v10;
	v56 =	vmin.f32 v58, $1.000000000e+00  }
0x3a5: {  	v47 =	vcvt.s32.f32 v0;
	v16 =	vnsel vm11, $0x0, v16;
	v26 =	vsub.f32 v56, v39  }
0x3a6: {  	v21 =	vnsel vm9, $0x0, v6;
	v6 =	vmul.f32 v16, v25;
	v10 =	vadd.f32 v10, v15  }
0x3a7: {  	v34 =	vmovc v29;
	v25 =	vadd.f32 $-1.000000000e+00, v47;
	(erf) = vrcp.f32 v26;
	v16 =	vadd.f32 v17, v32  }
0x3a8: {  	v29 =	vmovc v8;
	v8 =	vmovc v59;
	v59 =	vmul.f32 $7.751937950e-03, v6;
	v6 =	vmul.f32 v6, v13;
	v17 =	vsub.f32 v10, v23  }
0x3a9: {  	v10 =	vmul.f32 $1.290000000e+02, v56;
	v13 =	vadd.s32 $0x40, v24;
	v23 =	vmul.f32 v16, v14  }
0x3aa: {  	v45 =	vld.idx.msk [tilespmem:v43+s24+$0x0], $0xffff;
	v24 =	vor.u32 s13, v3;
	v6 =	vadd.f32 v6, v19;
	v20 =	vmul.f32 v59, v20  }
0x3ab: {  	v0 =	vshll.u32 v0, $0x6;
	v10 =	vadd.f32 $-5.000000000e-01, v10;
	v61 =	vadd.f32 v23, v22  }
0x3ac: {  	v25 =	vmul.f32 v25, v59;
	v16 =	vor.u32 v60, v0;
	v0 =	vadd.f32 v20, v6  }
0x3ad: {  	vm12 =	vgt.f32 v26, $0.0e+00;
	v20 =	vtrunc.f32 v10;
	v23 =	vmin.f32 v61, $1.000000000e+00  }
0x3ae: {  	v6 =	vadd.f32 v25, v6;
	v0 =	vsub.f32 v0, v19;
	v26 =	vmul.f32 $1.290000000e+02, v23  }
0x3af: {  	v33 =	vmovc v27;
	v22 =	vsub.f32 v45, v36;
	v25 =	vor.u32 s1, v2;
	vm13 =	vgt.f32 v10, v20;
	v19 =	vld.idx.msk [tilespmem:v24+s24+$0x0], $0xffff  }
0x3b0: {  	v6 =	vsub.f32 v44, v6;
	v24 =	vcvt.f32.s32 v20;
	[tilespmem:v13+s26+$0x0] =	vst.idx.add.f32.msk $0xffff, v0;
	v62 =	vpop (erf);
	v0 =	vadd.f32 $-5.000000000e-01, v26  }
0x3b1: {  	v37 =	vmovc v31;
	v31 =	vmovc v14;
	v20 =	vsel vm13, $0x1, v5;
	[tilespmem:v13+s28+$0x0] =	vst.idx.add.f32.msk $0xffff, v59;
	v13 =	vsub.f32 $0.0e+00, v59;
	v43 =	vnsel vm12, $0x0, v62  }
0x3b2: {  	v20 =	vadd.s32 v24, v20;
	[tilespmem:v16+s26+$0x0] =	vst.idx.add.f32.msk $0xffff, v6;
	v10 =	vmul.f32 v43, v22;
	v6 =	vtrunc.f32 v0  }
0x3b3: {  	v27 =	vmovc v38;
	v30 =	vsub.f32 v23, v50;
	vm15 =	vgt.s32 v20, $0x0;
	[tilespmem:v16+s28+$0x0] =	vst.idx.add.f32.msk $0xffff, v13;
	v13 =	vcvt.f32.s32 v6  }
0x3b4: {  	v7 =	vmovc v9;
	v38 =	vmovc v32;
	vm14 =	vgt.f32 v0, v6;
	v6 =	vnsel vm15, $0x0, v20;
	v51 =	vmul.f32 $7.751937950e-03, v10  }
0x3b5: {  	v46 =	vmovc v45;
	v60 =	vmovc v55;
	(erf) = vrcp.f32 v30;
	v28 =	vld.idx.msk [tilespmem:v28+s23+$0x0], $0xffff;
	v0 =	vsel vm14, $0x1, v5;
	v59 =	vadd.s32 s11, v6  }
0x3b6: {  	s7 =	simm.s32 $0x5;
	v43 =	vld.idx.msk [tilespmem:v25+s24+$0x0], $0xffff;
	v5 =	vmovc v12;
	v25 =	vadd.s32 v13, v0;
	v13 =	vor.u32 s13, v4;
	v62 =	vmul.f32 v51, v39  }
.LBB2_14:
0x3b7: {  	v26 =	vadd.s32 s4, v3;
	v0 =	vadd.s32 s9, v4;
	s9 =	smov.u32 s4;
	s4 =	smov.u32 s16;
	s16 =	sadd.s32 $0xFFFFFFFF, s7  }
0x3b8: {  	v6 =	vadd.s32 s16, v1;
	_ =	sdelay $0x3  }
0x3b9: {  	vm0 =	vgt.s32 v25, $0x0;
	vm7 =	vgt.f32 v30, $0.0e+00;
	v9 =	vld [tilespmem:$0x1FE90];
	v28 =	vadd.f32 v28, v37  }
0x3ba: {  	v24 =	vmovc v47;
	v30 =	vsub.f32 v19, v49;
	v32 =	vsub.f32 s0, v50;
	v50 =	vmovc v23;
	v23 =	vadd.s32 $0x40, v40;
	v6 =	vld.idx.msk [tilespmem:v6+s23+$0x0], $0xffff  }
0x3bb: {  	v21 =	vadd.s32 s10, v21;
	v25 =	vnsel vm0, $0x0, v25;
	v28 =	vmul.f32 v28, v33;
	v47 =	vpop (erf)  }
0x3bc: {  	v54 =	vmovc v42;
	v12 =	vsub.f32 $0.0e+00, v51;
	v25 =	vadd.s32 s13, v25;
	v42 =	vnsel vm7, $0x0, v47  }
0x3bd: {  	v22 =	vmovc v44;
	v44 =	vcvt.s32.f32 v25;
	v52 =	vadd.f32 v28, v52;
	v30 =	vmul.f32 v42, v30  }
0x3be: {  	v25 =	vshll.u32 v25, $0x6;
	v28 =	vsub.f32 $0.0e+00, v11;
	v47 =	vsub.f32 s12, v39  }
0x3bf: {  	v6 =	vadd.f32 v6, v9;
	v40 =	vmul.f32 $7.751937950e-03, v30;
	v30 =	vmul.f32 v30, v32  }
0x3c0: {  	v42 =	vadd.f32 $-1.000000000e+00, v44;
	v32 =	vadd.s32 $0x40, v57;
	v57 =	vor.u32 v8, v25  }
0x3c1: {  	v39 =	vmovc v56;
	v6 =	vmul.f32 v6, v34;
	v30 =	vadd.f32 v30, v49;
	v56 =	vmul.f32 v40, v53  }
0x3c2: {  	v42 =	vmul.f32 v42, v40;
	v53 =	vmovc v44;
	v44 =	vmin.f32 v52, $1.000000000e+00;
	v25 =	vsub.f32 $0.0e+00, v40  }
0x3c3: {  	v14 =	vmul.f32 $1.290000000e+02, v44;
	v18 =	vsub.f32 v44, v48;
	v56 =	vadd.f32 v56, v30  }
0x3c4: {  	v9 =	vcvt.s32.f32 v21;
	v41 =	vadd.f32 v6, v41;
	v30 =	vadd.f32 v42, v30  }
0x3c5: {  	v10 =	vmul.f32 v10, v47;
	v14 =	vadd.f32 $-5.000000000e-01, v14;
	v42 =	vsub.f32 v56, v49  }
0x3c6: {  	(erf) = vrcp.f32 v18;
	vm1 =	vgt.f32 v18, $0.0e+00;
	v18 =	vadd.f32 $-1.000000000e+00, v9  }
0x3c7: {  	v49 =	vmovc v19;
	v56 =	vshll.u32 v21, $0x6;
	v19 =	vsub.f32 v19, v30;
	v30 =	vtrunc.f32 v14;
	[tilespmem:v32+s26+$0x0] =	vst.idx.add.f32.msk $0xffff, v42  }
0x3c8: {  	s12 =	smov.u32 s0;
	s0 =	smov.u32 s3;
	s3 =	smov.u32 s17;
	v21 =	vor.u32 v7, v56;
	v56 =	vcvt.f32.s32 v30;
	vm8 =	vgt.f32 v14, v30;
	[tilespmem:v32+s28+$0x0] =	vst.idx.add.f32.msk $0xffff, v40  }
0x3c9: {  	v47 =	vsub.f32 s3, v48;
	v42 =	vmin.f32 v41, $1.000000000e+00;
	v14 =	vsel vm8, $0x1, v35;
	[tilespmem:v57+s26+$0x0] =	vst.idx.add.f32.msk $0xffff, v19  }
0x3ca: {  	v6 =	vadd.s32 v56, v14;
	v14 =	vmul.f32 v18, v11;
	[tilespmem:v57+s28+$0x0] =	vst.idx.add.f32.msk $0xffff, v25;
	v25 =	vcvt.s32.f32 v59  }
0x3cb: {  	v10 =	vadd.f32 v10, v36;
	v32 =	vsub.f32 v42, v54  }
0x3cc: {  	s11 =	smov.u32 s7;
	v20 =	vadd.s32 s16, v2;
	v0 =	vld.idx.msk [tilespmem:v0+s23+$0x0], $0xffff;
	v14 =	vadd.f32 v14, v15;
	v19 =	vadd.f32 $-1.000000000e+00, v25  }
0x3cd: {  	v30 =	vmul.f32 $1.290000000e+02, v42;
	v18 =	vor.u32 s11, v1;
	vm9 =	vgt.s32 v6, $0x0;
	v13 =	vld.idx.msk [tilespmem:v13+s24+$0x0], $0xffff  }
0x3ce: {  	vm11 =	vgt.f32 v32, $0.0e+00;
	[tilespmem:v63+s26+$0x0] =	vst.idx.add.f32.msk $0xffff, v17;
	v14 =	vsub.f32 v55, v14;
	v15 =	vmul.f32 v19, v51  }
0x3cf: {  	[tilespmem:v63+s28+$0x0] =	vst.idx.add.f32.msk $0xffff, v11;
	v63 =	vadd.s32 $0x40, v21;
	v19 =	vadd.f32 $-5.000000000e-01, v30;
	v30 =	vadd.f32 v62, v10  }
0x3d0: {  	v56 =	vpop (erf);
	(erf) = vrcp.f32 v32;
	v62 =	vsub.f32 v43, v60;
	v10 =	vadd.f32 v15, v10  }
0x3d1: {  	s17 =	scvt.s32.f32 s11;
	v15 =	vshll.u32 v59, $0x6;
	v17 =	vtrunc.f32 v19;
	v0 =	vadd.f32 v0, v27  }
0x3d2: {  	[tilespmem:v21+s26+$0x0] =	vst.idx.add.f32.msk $0xffff, v14;
	v11 =	vcvt.f32.s32 v17;
	vm2 =	vgt.f32 v19, v17;
	v40 =	vor.u32 v5, v15  }
0x3d3: {  	s17 =	ssub.f32 $5.000000000e-01, s17;
	v48 =	vmovc v44;
	[tilespmem:v21+s28+$0x0] =	vst.idx.add.f32.msk $0xffff, v28;
	v15 =	vnsel vm1, $0x0, v56;
	v14 =	vsel vm2, $0x1, v35;
	v0 =	vmul.f32 v0, v29  }
0x3d4: {  	v44 =	vld.idx.msk [tilespmem:v18+s24+$0x0], $0xffff;
	v11 =	vadd.s32 v11, v14;
	v14 =	vmul.f32 v15, v62;
	v15 =	vsub.f32 v30, v36  }
0x3d5: {  	s17 =	smul.f32 $7.751937950e-03, s17;
	v21 =	vnsel vm9, $0x0, v6;
	v17 =	vld.idx.msk [tilespmem:v26+s23+$0x0], $0xffff;
	vm10 =	vgt.s32 v11, $0x0;
	v58 =	vadd.f32 v0, v58  }
0x3d6: {  	v0 =	vsub.f32 v45, v10;
	v10 =	vnsel vm10, $0x0, v11;
	[tilespmem:v23+s26+$0x0] =	vst.idx.add.f32.msk $0xffff, v15;
	v11 =	vmul.f32 $7.751937950e-03, v14  }
0x3d7: {  	v19 =	vsub.f32 s17, v54;
	v36 =	vmovc v46;
	v46 =	vmov v13;
	v18 =	vmul.f32 v14, v47;
	[tilespmem:v23+s28+$0x0] =	vst.idx.add.f32.msk $0xffff, v51  }
0x3d8: {  	v45 =	vmovc v13;
	v14 =	vadd.s32 $0x40, v16;
	v56 =	vmin.f32 v58, $1.000000000e+00;
	[tilespmem:v40+s26+$0x0] =	vst.idx.add.f32.msk $0xffff, v0;
	v6 =	vmul.f32 v11, v9  }
0x3d9: {  	v13 =	vpop (erf);
	v10 =	vadd.s32 s11, v10;
	v9 =	vsub.f32 v44, v22;
	[tilespmem:v40+s28+$0x0] =	vst.idx.add.f32.msk $0xffff, v12;
	v12 =	vsub.f32 v56, v39  }
0x3da: {  	v0 =	vnsel vm11, $0x0, v13;
	v15 =	vadd.f32 v18, v60;
	v47 =	vcvt.s32.f32 v10  }
0x3db: {  	v16 =	vlaneseq.u32;
	v0 =	vmul.f32 v0, v9;
	(erf) = vrcp.f32 v12  }
0x3dc: {  	v54 =	vshll.u32 v10, $0x6;
	v6 =	vadd.f32 v6, v15;
	v9 =	vadd.f32 v17, v38  }
0x3dd: {  	v10 =	vadd.f32 $-1.000000000e+00, v47;
	v13 =	vmul.f32 $7.751937950e-03, v0;
	v0 =	vmul.f32 v0, v19  }
0x3de: {  	v17 =	vsub.f32 v6, v60;
	v6 =	vmul.f32 $1.290000000e+02, v56;
	v9 =	vmul.f32 v9, v31  }
0x3df: {  	v19 =	vor.u32 s10, v3;
	v0 =	vadd.f32 v0, v22;
	v18 =	vmul.f32 v13, v24  }
0x3e0: {  	v16 =	vor.u32 v16, v54;
	v6 =	vadd.f32 $-5.000000000e-01, v6;
	v10 =	vmul.f32 v10, v13  }
0x3e1: {  	vm12 =	vgt.f32 v12, $0.0e+00;
	v61 =	vadd.f32 v9, v61;
	v9 =	vadd.f32 v18, v0  }
0x3e2: {  	v12 =	vor.u32 s11, v2;
	v18 =	vtrunc.f32 v6;
	v0 =	vadd.f32 v10, v0  }
0x3e3: {  	v23 =	vmin.f32 v61, $1.000000000e+00;
	v10 =	vsub.f32 v45, v36;
	v9 =	vsub.f32 v9, v22  }
0x3e4: {  	v30 =	vsub.f32 v23, v50;
	v19 =	vld.idx.msk [tilespmem:v19+s24+$0x0], $0xffff;
	v24 =	vcvt.f32.s32 v18;
	v22 =	vmul.f32 $1.290000000e+02, v23;
	v26 =	vpop (erf)  }
0x3e5: {  	vm13 =	vgt.f32 v6, v18;
	v0 =	vsub.f32 v44, v0;
	[tilespmem:v14+s26+$0x0] =	vst.idx.add.f32.msk $0xffff, v9;
	v6 =	vnsel vm12, $0x0, v26  }
0x3e6: {  	p2 =	sne.s32 s7, $0x3F;
	v9 =	vsub.f32 $0.0e+00, v13;
	[tilespmem:v14+s28+$0x0] =	vst.idx.add.f32.msk $0xffff, v13;
	v13 =	vadd.f32 $-5.000000000e-01, v22;
	v10 =	vmul.f32 v6, v10  }
.Ltmp8:
0x3e7: {  	(erf) = vrcp.f32 v30;
	[tilespmem:v16+s26+$0x0] =	vst.idx.add.f32.msk $0xffff, v0;
	v0 =	vsel vm13, $0x1, v35;
	(pc) =	sbr.rel @p2 .LBB2_14-.Ltmp8, $4  }
0x3e8: {  	v6 =	vtrunc.f32 v13;
	v0 =	vadd.s32 v24, v0;
	v51 =	vmul.f32 $7.751937950e-03, v10  }
0x3e9: {  	[tilespmem:v16+s28+$0x0] =	vst.idx.add.f32.msk $0xffff, v9;
	v9 =	vcvt.f32.s32 v6;
	vm14 =	vgt.f32 v13, v6;
	vm15 =	vgt.s32 v0, $0x0  }
0x3ea: {  	s7 =	sadd.s32 $0x1, s7;
	v55 =	vmovc v43;
	v28 =	vld.idx.msk [tilespmem:v20+s23+$0x0], $0xffff;
	v13 =	vor.u32 s10, v4;
	v6 =	vsel vm14, $0x1, v35;
	v0 =	vnsel vm15, $0x0, v0  }
0x3eb: {  	v60 =	vmovc v43;
	v43 =	vld.idx.msk [tilespmem:v12+s24+$0x0], $0xffff;
	v62 =	vmul.f32 v51, v25;
	v25 =	vadd.s32 v9, v6;
	v59 =	vadd.s32 s13, v0;
	s13 =	smov.u32 s10;
	s10 =	smov.u32 s1;
	s1 =	smov.u32 s11  }
0x3ec: {  	_ =	sdelay $0x3  }
0x3ed: {  	vm0 =	vgt.f32 v30, $0.0e+00;
	v0 =	vsub.f32 v19, v49;
	vm11 =	vgt.s32 v25, $0x0;
	v6 =	vpop (erf)  }
0x3ee: {  	v9 =	vnsel vm11, $0x0, v25;
	v6 =	vnsel vm0, $0x0, v6  }
0x3ef: {  	v9 =	vadd.s32 s13, v9;
	v0 =	vmul.f32 v6, v0;
	v6 =	vsub.f32 s0, v50  }
0x3f0: {  	v12 =	vcvt.s32.f32 v9  }
0x3f1: {  	v6 =	vmul.f32 v0, v6;
	v0 =	vmul.f32 $7.751937950e-03, v0  }
0x3f2: {  	v16 =	vadd.f32 $-1.000000000e+00, v12  }
0x3f3: {  	v6 =	vadd.f32 v6, v49;
	v14 =	vmul.f32 v0, v53  }
0x3f4: {  	v18 =	vadd.s32 $0x40, v57;
	v20 =	vadd.s32 s10, v21;
	v16 =	vmul.f32 v16, v0  }
0x3f5: {  	v22 =	vcvt.s32.f32 v20;
	v9 =	vshll.u32 v9, $0x6;
	v14 =	vadd.f32 v14, v6  }
0x3f6: {  	v9 =	vor.u32 v8, v9;
	v6 =	vadd.f32 v16, v6  }
0x3f7: {  	v16 =	vadd.f32 $-1.000000000e+00, v22;
	v14 =	vsub.f32 v14, v49;
	_ =	sdelay $0x1  }
0x3f8: {  	v6 =	vsub.f32 v19, v6;
	v16 =	vmul.f32 v16, v11;
	[tilespmem:v18+s26+$0x0] =	vst.idx.add.f32.msk $0xffff, v14  }
0x3f9: {  	v14 =	vadd.s32 s9, v4;
	[tilespmem:v18+s28+$0x0] =	vst.idx.add.f32.msk $0xffff, v0;
	v0 =	vsub.f32 $0.0e+00, v0;
	v18 =	vshll.u32 v20, $0x6  }
0x3fa: {  	[tilespmem:v9+s26+$0x0] =	vst.idx.add.f32.msk $0xffff, v6;
	v6 =	vor.u32 v7, v18  }
0x3fb: {  	[tilespmem:v9+s28+$0x0] =	vst.idx.add.f32.msk $0xffff, v0;
	v0 =	vadd.f32 v16, v15  }
0x3fc: {  	[tilespmem:v63+s26+$0x0] =	vst.idx.add.f32.msk $0xffff, v17;
	v15 =	vadd.s32 s4, v3  }
0x3fd: {  	[tilespmem:v63+s28+$0x0] =	vst.idx.add.f32.msk $0xffff, v11;
	v0 =	vsub.f32 v55, v0  }
0x3fe: {  	v16 =	vsub.f32 $0.0e+00, v11;
	v14 =	vld.idx.msk [tilespmem:v14+s23+$0x0], $0xffff  }
0x3ff: {  	[tilespmem:v6+s26+$0x0] =	vst.idx.add.f32.msk $0xffff, v0  }
0x400: {  	[tilespmem:v6+s28+$0x0] =	vst.idx.add.f32.msk $0xffff, v16  }
0x401: {  	v0 =	vld.idx.msk [tilespmem:v15+s23+$0x0], $0xffff;
	_ =	sdelay $0x2  }
0x402: {  	v11 =	vadd.f32 v28, v37  }
0x403: {  	v14 =	vadd.f32 v14, v27  }
0x404: {  	v11 =	vmul.f32 v11, v33;
	v0 =	vadd.f32 v0, v38  }
0x405: {  	v14 =	vmul.f32 v14, v29  }
0x406: {  	v49 =	vadd.f32 v11, v52;
	v0 =	vmul.f32 v0, v31  }
0x407: {  	v14 =	vadd.f32 v14, v58  }
0x408: {  	v11 =	vmin.f32 v49, $1.000000000e+00;
	v0 =	vadd.f32 v0, v61  }
0x409: {  	v15 =	vsub.f32 v11, v48;
	v20 =	vmin.f32 v14, $1.000000000e+00  }
0x40a: {  	v17 =	vor.u32 s10, v3;
	v21 =	vsub.f32 v20, v56;
	v18 =	vmin.f32 v0, $1.000000000e+00  }
0x40b: {  	(erf) = vrcp.f32 v15;
	v16 =	vsub.f32 v18, v23  }
0x40c: {  	(erf) = vrcp.f32 v21  }
0x40d: {  	(erf) = vrcp.f32 v16  }
0x40e: {  	v24 =	vmul.f32 $1.290000000e+02, v18  }
0x40f: {  	v25 =	vld.idx.msk [tilespmem:v17+s24+$0x0], $0xffff  }
0x410: {  	v17 =	vadd.f32 $-5.000000000e-01, v24  }
0x411: {  	v9 =	vadd.s32 $0x40, v9;
	v24 =	vmul.f32 $1.290000000e+02, v11  }
0x412: {  	v55 =	vsub.f32 s17, v48;
	vm1 =	vgt.f32 v16, $0.0e+00;
	v61 =	vtrunc.f32 v17  }
0x413: {  	v26 =	vadd.f32 $-5.000000000e-01, v24;
	vm12 =	vgt.f32 v17, v61;
	v16 =	vcvt.f32.s32 v61  }
0x414: {  	vm13 =	vgt.f32 v15, $0.0e+00;
	v63 =	vsub.f32 v25, v19;
	v58 =	vpop (erf);
	v50 =	vsel vm12, $0x1, v35  }
0x415: {  	v23 =	vsub.f32 s3, v23;
	v17 =	vtrunc.f32 v26;
	v24 =	vpop (erf);
	v15 =	vadd.s32 v16, v50  }
0x416: {  	vm2 =	vgt.f32 v26, v17;
	v17 =	vcvt.f32.s32 v17;
	vm14 =	vgt.s32 v15, $0x0;
	v32 =	vpop (erf)  }
0x417: {  	v53 =	vsel vm2, $0x1, v35;
	v15 =	vnsel vm14, $0x0, v15;
	v26 =	vnsel vm1, $0x0, v32  }
0x418: {  	v17 =	vadd.s32 v17, v53;
	v15 =	vadd.s32 s10, v15;
	v16 =	vmul.f32 v26, v63  }
0x419: {  	v52 =	vsub.f32 v43, v60;
	vm15 =	vgt.s32 v17, $0x0;
	v57 =	vcvt.s32.f32 v15  }
0x41a: {  	v26 =	vnsel vm13, $0x0, v58;
	v23 =	vmul.f32 v16, v23;
	v16 =	vmul.f32 $7.751937950e-03, v16  }
0x41b: {  	v17 =	vnsel vm15, $0x0, v17;
	v15 =	vshll.u32 v15, $0x6;
	v26 =	vmul.f32 v26, v52  }
0x41c: {  	v58 =	vadd.f32 $-1.000000000e+00, v57;
	v23 =	vadd.f32 v23, v19;
	v12 =	vmul.f32 v16, v12  }
0x41d: {  	v61 =	vadd.s32 s1, v17;
	v28 =	vmul.f32 v26, v55;
	v26 =	vmul.f32 $7.751937950e-03, v26  }
0x41e: {  	v63 =	vor.u32 v8, v15;
	v32 =	vmul.f32 v58, v16;
	v12 =	vadd.f32 v12, v23  }
0x41f: {  	v17 =	vcvt.s32.f32 v61;
	v28 =	vadd.f32 v28, v60;
	v22 =	vmul.f32 v26, v22  }
0x420: {  	v6 =	vadd.s32 $0x40, v6;
	v15 =	vadd.f32 v32, v23;
	v12 =	vsub.f32 v12, v19  }
0x421: {  	v19 =	vadd.f32 v22, v28;
	v22 =	vadd.f32 $-1.000000000e+00, v17  }
0x422: {  	v48 =	vshll.u32 v61, $0x6;
	[tilespmem:v9+s26+$0x0] =	vst.idx.add.f32.msk $0xffff, v12;
	v12 =	vsub.f32 v25, v15;
	v15 =	vsub.f32 $0.0e+00, v16  }
0x423: {  	v19 =	vsub.f32 v19, v60;
	[tilespmem:v9+s28+$0x0] =	vst.idx.add.f32.msk $0xffff, v16;
	v9 =	vmul.f32 v22, v26;
	v16 =	vadd.s32 s4, v4  }
0x424: {  	[tilespmem:v63+s26+$0x0] =	vst.idx.add.f32.msk $0xffff, v12;
	v12 =	vor.u32 v7, v48  }
0x425: {  	[tilespmem:v6+s26+$0x0] =	vst.idx.add.f32.msk $0xffff, v19;
	v9 =	vadd.f32 v9, v28  }
0x426: {  	[tilespmem:v63+s28+$0x0] =	vst.idx.add.f32.msk $0xffff, v15;
	v15 =	vadd.s32 s16, v3  }
0x427: {  	[tilespmem:v6+s28+$0x0] =	vst.idx.add.f32.msk $0xffff, v26;
	v6 =	vsub.f32 v43, v9  }
0x428: {  	v9 =	vsub.f32 $0.0e+00, v26;
	v16 =	vld.idx.msk [tilespmem:v16+s23+$0x0], $0xffff  }
0x429: {  	[tilespmem:v12+s26+$0x0] =	vst.idx.add.f32.msk $0xffff, v6  }
0x42a: {  	[tilespmem:v12+s28+$0x0] =	vst.idx.add.f32.msk $0xffff, v9  }
0x42b: {  	v6 =	vld.idx.msk [tilespmem:v15+s23+$0x0], $0xffff;
	_ =	sdelay $0x3  }
0x42c: {  	v9 =	vadd.f32 v16, v27  }
0x42d: {  	v6 =	vadd.f32 v6, v38  }
0x42e: {  	v9 =	vmul.f32 v9, v29  }
0x42f: {  	v6 =	vmul.f32 v6, v31  }
0x430: {  	v9 =	vadd.f32 v9, v14  }
0x431: {  	v50 =	vadd.f32 v6, v0  }
0x432: {  	v22 =	vmin.f32 v9, $1.000000000e+00  }
0x433: {  	v0 =	vsub.f32 v22, v20;
	v16 =	vmin.f32 v50, $1.000000000e+00  }
0x434: {  	v12 =	vor.u32 s1, v3;
	v6 =	vsub.f32 v16, v18  }
0x435: {  	(erf) = vrcp.f32 v0  }
0x436: {  	(erf) = vrcp.f32 v6  }
0x437: {  	v14 =	vmul.f32 $1.290000000e+02, v16;
	_ =	sdelay $0x1  }
0x438: {  	v15 =	vld.idx.msk [tilespmem:v12+s24+$0x0], $0xffff;
	v12 =	vadd.f32 $-5.000000000e-01, v14;
	_ =	sdelay $0x1  }
0x439: {  	v14 =	vtrunc.f32 v12  }
0x43a: {  	vm4 =	vgt.f32 v12, v14;
	v12 =	vcvt.f32.s32 v14  }
0x43b: {  	vm5 =	vgt.f32 v6, $0.0e+00;
	v6 =	vsel vm4, $0x1, v35  }
0x43c: {  	v6 =	vadd.s32 v12, v6;
	v14 =	vpop (erf)  }
0x43d: {  	v19 =	vsub.f32 v15, v25;
	vm6 =	vgt.s32 v6, $0x0;
	v23 =	vpop (erf)  }
0x43e: {  	v6 =	vnsel vm6, $0x0, v6;
	v12 =	vnsel vm5, $0x0, v23  }
0x43f: {  	v18 =	vsub.f32 s17, v18;
	v6 =	vadd.s32 s1, v6;
	v12 =	vmul.f32 v12, v19  }
0x440: {  	v52 =	vcvt.s32.f32 v6  }
0x441: {  	v18 =	vmul.f32 v12, v18;
	v12 =	vmul.f32 $7.751937950e-03, v12;
	_ =	sdelay $0x1  }
0x442: {  	v26 =	vadd.f32 $-1.000000000e+00, v52;
	v18 =	vadd.f32 v18, v25;
	v23 =	vmul.f32 v12, v57  }
0x443: {  	v55 =	vadd.s32 $0x40, v63  }
0x444: {  	v19 =	vshll.u32 v6, $0x6;
	v6 =	vmul.f32 v26, v12;
	v23 =	vadd.f32 v23, v18  }
0x445: {  	v26 =	vor.u32 v8, v19  }
0x446: {  	v6 =	vadd.f32 v6, v18;
	v18 =	vsub.f32 v23, v25  }
0x447: {  	v23 =	vadd.s32 s16, v4  }
0x448: {  	v61 =	vmul.f32 $1.290000000e+02, v22;
	v6 =	vsub.f32 v15, v6;
	[tilespmem:v55+s26+$0x0] =	vst.idx.add.f32.msk $0xffff, v18  }
0x449: {  	[tilespmem:v55+s28+$0x0] =	vst.idx.add.f32.msk $0xffff, v12;
	v12 =	vsub.f32 $0.0e+00, v12  }
0x44a: {  	v28 =	vadd.f32 $-5.000000000e-01, v61;
	[tilespmem:v26+s26+$0x0] =	vst.idx.add.f32.msk $0xffff, v6  }
0x44b: {  	[tilespmem:v26+s28+$0x0] =	vst.idx.add.f32.msk $0xffff, v12  }
0x44c: {  	vm10 =	vgt.f32 v0, $0.0e+00;
	v0 =	vtrunc.f32 v28;
	v6 =	vld.idx.msk [tilespmem:v23+s23+$0x0], $0xffff  }
0x44d: {  	vm11 =	vgt.f32 v28, v0;
	v0 =	vcvt.f32.s32 v0  }
0x44e: {  	v53 =	vsel vm11, $0x1, v35;
	v12 =	vmul.f32 $1.290000000e+02, v20  }
0x44f: {  	vm8 =	vgt.f32 v21, $0.0e+00;
	v0 =	vadd.s32 v0, v53;
	v18 =	vsub.f32 s12, v39  }
0x450: {  	v58 =	vor.u32 s1, v4;
	vm14 =	vgt.s32 v0, $0x0;
	v23 =	vld.idx.msk [tilespmem:v13+s24+$0x0], $0xffff;
	v12 =	vadd.f32 $-5.000000000e-01, v12  }
0x451: {  	v0 =	vnsel vm14, $0x0, v0;
	v10 =	vmul.f32 v10, v18;
	v6 =	vadd.f32 v6, v27  }
0x452: {  	v0 =	vadd.s32 s10, v0;
	v13 =	vcvt.s32.f32 v59;
	v18 =	vtrunc.f32 v12  }
0x453: {  	vm7 =	vgt.f32 v12, v18;
	v12 =	vcvt.f32.s32 v18;
	v6 =	vmul.f32 v6, v29  }
0x454: {  	v53 =	vcvt.s32.f32 v0;
	v18 =	vadd.f32 $-1.000000000e+00, v13;
	v21 =	vsel vm7, $0x1, v35  }
0x455: {  	v12 =	vadd.s32 v12, v21;
	v39 =	vadd.f32 v6, v9;
	v6 =	vsub.f32 v23, v46  }
0x456: {  	vm9 =	vgt.s32 v12, $0x0;
	v9 =	vadd.f32 v10, v36;
	v10 =	vnsel vm8, $0x0, v24  }
0x457: {  	v6 =	vmul.f32 v10, v6;
	v10 =	vnsel vm9, $0x0, v12;
	v12 =	vor.u32 s10, v4  }
0x458: {  	v24 =	vsub.f32 s0, v56;
	v21 =	vadd.s32 s13, v10;
	v10 =	vmin.f32 v39, $1.000000000e+00  }
0x459: {  	v20 =	vsub.f32 s3, v20;
	v18 =	vmul.f32 v18, v51;
	v26 =	vsub.f32 v10, v22  }
0x45a: {  	v57 =	vadd.f32 v62, v9;
	v24 =	vmul.f32 v6, v24;
	v6 =	vmul.f32 $7.751937950e-03, v6  }
0x45b: {  	v9 =	vadd.f32 v18, v9;
	v25 =	vcvt.s32.f32 v21;
	(erf) = vrcp.f32 v26  }
0x45c: {  	v63 =	vmul.f32 $1.290000000e+02, v10;
	v13 =	vmul.f32 v6, v13;
	v24 =	vadd.f32 v24, v46;
	v12 =	vld.idx.msk [tilespmem:v12+s24+$0x0], $0xffff  }
0x45d: {  	v0 =	vshll.u32 v0, $0x6;
	v18 =	vsub.f32 v57, v36;
	v60 =	vadd.f32 $-1.000000000e+00, v25  }
0x45e: {  	v14 =	vnsel vm10, $0x0, v14;
	v30 =	vadd.f32 $-5.000000000e-01, v63;
	v62 =	vadd.f32 v13, v24;
	v13 =	vld.idx.msk [tilespmem:v58+s24+$0x0], $0xffff  }
0x45f: {  	v9 =	vsub.f32 v45, v9;
	v21 =	vshll.u32 v21, $0x6;
	v58 =	vadd.s32 $0x40, v40  }
0x460: {  	vm12 =	vgt.f32 v26, $0.0e+00;
	v32 =	vmul.f32 v60, v6;
	v26 =	vtrunc.f32 v30  }
0x461: {  	v22 =	vsub.f32 s17, v22;
	vm13 =	vgt.f32 v30, v26;
	v45 =	vsub.f32 v12, v23  }
0x462: {  	v24 =	vadd.f32 v32, v24;
	v36 =	vsub.f32 v62, v46;
	v46 =	vshll.u32 v59, $0x6  }
0x463: {  	v32 =	vor.u32 v5, v46;
	v55 =	vsub.f32 v13, v12;
	v14 =	vmul.f32 v14, v45  }
0x464: {  	v26 =	vcvt.f32.s32 v26;
	[tilespmem:v58+s26+$0x0] =	vst.idx.add.f32.msk $0xffff, v18;
	v18 =	vor.u32 v5, v21;
	v21 =	vsub.f32 v23, v24;
	v56 =	vpop (erf)  }
0x465: {  	v57 =	vnsel vm12, $0x0, v56;
	v20 =	vmul.f32 v14, v20;
	v14 =	vmul.f32 $7.751937950e-03, v14  }
0x466: {  	v56 =	vadd.s32 $0x40, v32;
	v28 =	vmul.f32 v57, v55;
	v55 =	vsel vm13, $0x1, v35  }
0x467: {  	v24 =	vsub.f32 $0.0e+00, v51;
	v57 =	vadd.f32 $-1.000000000e+00, v53;
	v26 =	vadd.s32 v26, v55  }
0x468: {  	[tilespmem:v58+s28+$0x0] =	vst.idx.add.f32.msk $0xffff, v51;
	v25 =	vmul.f32 v14, v25;
	v20 =	vadd.f32 v20, v23;
	vm15 =	vgt.s32 v26, $0x0  }
0x469: {  	[tilespmem:v32+s26+$0x0] =	vst.idx.add.f32.msk $0xffff, v9;
	v58 =	vmul.f32 v57, v14;
	v59 =	vmul.f32 $7.751937950e-03, v28;
	v9 =	vnsel vm15, $0x0, v26  }
0x46a: {  	[tilespmem:v32+s28+$0x0] =	vst.idx.add.f32.msk $0xffff, v24;
	v22 =	vmul.f32 v28, v22;
	v26 =	vadd.s32 $0x40, v18;
	v9 =	vadd.s32 s1, v9  }
0x46b: {  	v25 =	vadd.f32 v25, v20;
	v24 =	vadd.f32 v58, v20;
	[tilespmem:v56+s26+$0x0] =	vst.idx.add.f32.msk $0xffff, v36;
	v20 =	vcvt.s32.f32 v9  }
0x46c: {  	v0 =	vor.u32 v5, v0;
	v22 =	vadd.f32 v22, v12;
	[tilespmem:v56+s28+$0x0] =	vst.idx.add.f32.msk $0xffff, v6;
	v6 =	vsub.f32 $0.0e+00, v6  }
0x46d: {  	v23 =	vsub.f32 v25, v23;
	[tilespmem:v18+s26+$0x0] =	vst.idx.add.f32.msk $0xffff, v21;
	v21 =	vmul.f32 v59, v53;
	v25 =	vadd.f32 $-1.000000000e+00, v20  }
0x46e: {  	[tilespmem:v18+s28+$0x0] =	vst.idx.add.f32.msk $0xffff, v6;
	v6 =	vsub.f32 v12, v24;
	v18 =	vadd.s32 $0x40, v0  }
0x46f: {  	[tilespmem:v26+s26+$0x0] =	vst.idx.add.f32.msk $0xffff, v23;
	v24 =	vadd.f32 v21, v22;
	v21 =	vshll.u32 v9, $0x6;
	v23 =	vmul.f32 v25, v59  }
0x470: {  	v9 =	vsub.f32 $0.0e+00, v14;
	[tilespmem:v26+s28+$0x0] =	vst.idx.add.f32.msk $0xffff, v14;
	v14 =	vor.u32 v5, v21  }
0x471: {  	[tilespmem:v0+s26+$0x0] =	vst.idx.add.f32.msk $0xffff, v6;
	v12 =	vsub.f32 v24, v12;
	v6 =	vadd.f32 v23, v22  }
0x472: {  	[tilespmem:v0+s28+$0x0] =	vst.idx.add.f32.msk $0xffff, v9  }
0x473: {  	[tilespmem:v18+s26+$0x0] =	vst.idx.add.f32.msk $0xffff, v12;
	v0 =	vsub.f32 v13, v6  }
0x474: {  	[tilespmem:v18+s28+$0x0] =	vst.idx.add.f32.msk $0xffff, v59;
	v6 =	vsub.f32 $0.0e+00, v59  }
0x475: {  	[tilespmem:v14+s26+$0x0] =	vst.idx.add.f32.msk $0xffff, v0  }
0x476: {  	[tilespmem:v14+s28+$0x0] =	vst.idx.add.f32.msk $0xffff, v6  }
0x477: {  	v0 =	vld [tilespmem:$0x1FF30];
	_ =	sdelay $0x6  }
0x478: {  	v63 =	vmov v5;
	v5 =	vld [tilespmem:$0x1FE90]  }
0x479: {  	v0 =	vld.idx.msk [tilespmem:v0+s23+$0x0], $0xffff;
	_ =	sdelay $0x4  }
0x47a: {  	v0 =	vadd.f32 v0, v5;
	_ =	sdelay $0x1  }
0x47b: {  	v0 =	vmul.f32 v0, v34;
	_ =	sdelay $0x1  }
0x47c: {  	v0 =	vadd.f32 v0, v41;
	_ =	sdelay $0x1  }
0x47d: {  	v0 =	vmin.f32 v0, $1.000000000e+00  }
0x47e: {  	v6 =	vsub.f32 v0, v42;
	_ =	sdelay $0x1  }
0x47f: {  	(erf) = vrcp.f32 v6;
	_ =	sdelay $0x2  }
0x480: {  	v0 =	vmul.f32 $1.290000000e+02, v0  }
0x481: {  	v22 =	vld [tilespmem:$0x1FE50]  }
0x482: {  	v0 =	vadd.f32 $-5.000000000e-01, v0;
	_ =	sdelay $0x1  }
0x483: {  	v9 =	vtrunc.f32 v0  }
0x484: {  	v12 =	vcvt.f32.s32 v9;
	vm4 =	vgt.f32 v0, v9  }
0x485: {  	vm5 =	vgt.f32 v6, $0.0e+00;
	v9 =	vsub.f32 v22, v44;
	v0 =	vsel vm4, $0x1, v35;
	v6 =	vpop (erf)  }
0x486: {  	v0 =	vadd.s32 v12, v0;
	v6 =	vnsel vm5, $0x0, v6  }
0x487: {  	vm6 =	vgt.s32 v0, $0x0;
	v6 =	vmul.f32 v6, v9  }
0x488: {  	v18 =	vld [tilespmem:$0x1FF40];
	v0 =	vnsel vm6, $0x0, v0;
	v9 =	vsub.f32 $-4.922480580e-01, v42  }
0x489: {  	v0 =	vadd.s32 $0x40, v0;
	v12 =	vmul.f32 $7.751937950e-03, v6  }
0x48a: {  	v6 =	vmul.f32 v6, v9;
	v9 =	vcvt.s32.f32 v0;
	_ =	sdelay $0x1  }
0x48b: {  	v6 =	vadd.f32 v6, v44;
	v14 =	vmul.f32 v47, v12;
	v9 =	vadd.f32 $-1.000000000e+00, v9  }
0x48c: {  	v18 =	vadd.s32 v18, v54;
	v5 =	vlaneseq.u32  }
0x48d: {  	v0 =	vshll.u32 v0, $0x6;
	v14 =	vadd.f32 v14, v6;
	v9 =	vmul.f32 v9, v12  }
0x48e: {  	v0 =	vor.u32 v5, v0  }
0x48f: {  	v14 =	vsub.f32 v14, v44;
	v6 =	vadd.f32 v9, v6;
	_ =	sdelay $0x1  }
0x490: {  	[tilespmem:v18+s26+$0x0] =	vst.idx.add.f32.msk $0xffff, v14;
	v6 =	vsub.f32 v22, v6  }
0x491: {  	v9 =	vsub.f32 $0.0e+00, v12;
	[tilespmem:v18+s28+$0x0] =	vst.idx.add.f32.msk $0xffff, v12  }
0x492: {  	[tilespmem:v0+s26+$0x0] =	vst.idx.add.f32.msk $0xffff, v6  }
0x493: {  	[tilespmem:v0+s28+$0x0] =	vst.idx.add.f32.msk $0xffff, v9  }
0x494: {  	v0 =	vld [tilespmem:$0x1FF50];
	_ =	sdelay $0x7  }
0x495: {  	v0 =	vld.idx.msk [tilespmem:v0+s23+$0x0], $0xffff;
	_ =	sdelay $0x4  }
0x496: {  	v0 =	vadd.f32 v0, v37;
	_ =	sdelay $0x1  }
0x497: {  	v0 =	vmul.f32 v0, v33;
	_ =	sdelay $0x1  }
0x498: {  	v0 =	vadd.f32 v0, v49;
	_ =	sdelay $0x1  }
0x499: {  	v0 =	vmin.f32 v0, $1.000000000e+00  }
0x49a: {  	v6 =	vsub.f32 v0, v11;
	_ =	sdelay $0x1  }
0x49b: {  	(erf) = vrcp.f32 v6;
	_ =	sdelay $0x2  }
0x49c: {  	v0 =	vmul.f32 $1.290000000e+02, v0  }
0x49d: {  	v18 =	vld [tilespmem:$0x1FE60]  }
0x49e: {  	v0 =	vadd.f32 $-5.000000000e-01, v0;
	_ =	sdelay $0x1  }
0x49f: {  	v9 =	vtrunc.f32 v0  }
0x4a0: {  	v12 =	vcvt.f32.s32 v9;
	vm7 =	vgt.f32 v0, v9  }
0x4a1: {  	vm8 =	vgt.f32 v6, $0.0e+00;
	v9 =	vsub.f32 v18, v43;
	v0 =	vsel vm7, $0x1, v35;
	v6 =	vpop (erf)  }
0x4a2: {  	v0 =	vadd.s32 v12, v0;
	v6 =	vnsel vm8, $0x0, v6  }
0x4a3: {  	vm9 =	vgt.s32 v0, $0x0;
	v6 =	vmul.f32 v6, v9  }
0x4a4: {  	v14 =	vld [tilespmem:$0x1FF60];
	v0 =	vnsel vm9, $0x0, v0;
	v9 =	vsub.f32 $-4.922480580e-01, v11  }
0x4a5: {  	v0 =	vadd.s32 $0x40, v0;
	v11 =	vmul.f32 $7.751937950e-03, v6  }
0x4a6: {  	v6 =	vmul.f32 v6, v9;
	v9 =	vcvt.s32.f32 v0;
	_ =	sdelay $0x1  }
0x4a7: {  	v6 =	vadd.f32 v6, v43;
	v12 =	vmul.f32 v17, v11;
	v9 =	vadd.f32 $-1.000000000e+00, v9  }
0x4a8: {  	v14 =	vadd.s32 v14, v48  }
0x4a9: {  	v0 =	vshll.u32 v0, $0x6;
	v12 =	vadd.f32 v12, v6;
	v9 =	vmul.f32 v9, v11  }
0x4aa: {  	v0 =	vor.u32 v7, v0  }
0x4ab: {  	v12 =	vsub.f32 v12, v43;
	v6 =	vadd.f32 v9, v6;
	_ =	sdelay $0x1  }
0x4ac: {  	[tilespmem:v14+s26+$0x0] =	vst.idx.add.f32.msk $0xffff, v12;
	v6 =	vsub.f32 v18, v6  }
0x4ad: {  	v9 =	vsub.f32 $0.0e+00, v11;
	[tilespmem:v14+s28+$0x0] =	vst.idx.add.f32.msk $0xffff, v11  }
0x4ae: {  	[tilespmem:v0+s26+$0x0] =	vst.idx.add.f32.msk $0xffff, v6  }
0x4af: {  	[tilespmem:v0+s28+$0x0] =	vst.idx.add.f32.msk $0xffff, v9  }
0x4b0: {  	v0 =	vld [tilespmem:$0x1FF70];
	_ =	sdelay $0x7  }
0x4b1: {  	v0 =	vld.idx.msk [tilespmem:v0+s23+$0x0], $0xffff;
	_ =	sdelay $0x4  }
0x4b2: {  	v0 =	vadd.f32 v0, v38;
	_ =	sdelay $0x1  }
0x4b3: {  	v0 =	vmul.f32 v0, v31;
	_ =	sdelay $0x1  }
0x4b4: {  	v0 =	vadd.f32 v0, v50;
	_ =	sdelay $0x1  }
0x4b5: {  	v0 =	vmin.f32 v0, $1.000000000e+00  }
0x4b6: {  	v6 =	vsub.f32 v0, v16;
	_ =	sdelay $0x1  }
0x4b7: {  	(erf) = vrcp.f32 v6;
	_ =	sdelay $0x2  }
0x4b8: {  	v0 =	vmul.f32 $1.290000000e+02, v0  }
0x4b9: {  	v17 =	vld [tilespmem:$0x1FE70]  }
0x4ba: {  	v0 =	vadd.f32 $-5.000000000e-01, v0;
	_ =	sdelay $0x1  }
0x4bb: {  	v9 =	vtrunc.f32 v0  }
0x4bc: {  	v11 =	vcvt.f32.s32 v9;
	vm10 =	vgt.f32 v0, v9  }
0x4bd: {  	vm11 =	vgt.f32 v6, $0.0e+00;
	v9 =	vsub.f32 v17, v15;
	v0 =	vsel vm10, $0x1, v35;
	v6 =	vpop (erf)  }
0x4be: {  	v0 =	vadd.s32 v11, v0;
	v6 =	vnsel vm11, $0x0, v6  }
0x4bf: {  	vm12 =	vgt.s32 v0, $0x0;
	v6 =	vmul.f32 v6, v9  }
0x4c0: {  	v14 =	vld [tilespmem:$0x1FF80];
	v0 =	vnsel vm12, $0x0, v0;
	v9 =	vsub.f32 $-4.922480580e-01, v16  }
0x4c1: {  	v0 =	vadd.s32 $0x40, v0;
	v11 =	vmul.f32 $7.751937950e-03, v6  }
0x4c2: {  	v6 =	vmul.f32 v6, v9;
	v9 =	vcvt.s32.f32 v0;
	_ =	sdelay $0x1  }
0x4c3: {  	v6 =	vadd.f32 v6, v15;
	v12 =	vmul.f32 v52, v11;
	v9 =	vadd.f32 $-1.000000000e+00, v9  }
0x4c4: {  	v14 =	vadd.s32 v14, v19  }
0x4c5: {  	v0 =	vshll.u32 v0, $0x6;
	v12 =	vadd.f32 v12, v6;
	v9 =	vmul.f32 v9, v11  }
0x4c6: {  	v0 =	vor.u32 v8, v0  }
0x4c7: {  	v12 =	vsub.f32 v12, v15;
	v6 =	vadd.f32 v9, v6;
	_ =	sdelay $0x1  }
0x4c8: {  	[tilespmem:v14+s26+$0x0] =	vst.idx.add.f32.msk $0xffff, v12;
	v6 =	vsub.f32 v17, v6  }
0x4c9: {  	v9 =	vsub.f32 $0.0e+00, v11;
	[tilespmem:v14+s28+$0x0] =	vst.idx.add.f32.msk $0xffff, v11  }
0x4ca: {  	[tilespmem:v0+s26+$0x0] =	vst.idx.add.f32.msk $0xffff, v6  }
0x4cb: {  	[tilespmem:v0+s28+$0x0] =	vst.idx.add.f32.msk $0xffff, v9  }
0x4cc: {  	v0 =	vld [tilespmem:$0x1FF90];
	_ =	sdelay $0x7  }
0x4cd: {  	v0 =	vld.idx.msk [tilespmem:v0+s23+$0x0], $0xffff;
	_ =	sdelay $0x4  }
0x4ce: {  	v0 =	vadd.f32 v0, v27;
	_ =	sdelay $0x1  }
0x4cf: {  	v0 =	vmul.f32 v0, v29;
	_ =	sdelay $0x1  }
0x4d0: {  	v0 =	vadd.f32 v0, v39;
	_ =	sdelay $0x1  }
0x4d1: {  	v0 =	vmin.f32 v0, $1.000000000e+00  }
0x4d2: {  	v6 =	vsub.f32 v0, v10;
	_ =	sdelay $0x1  }
0x4d3: {  	(erf) = vrcp.f32 v6;
	_ =	sdelay $0x2  }
0x4d4: {  	v0 =	vmul.f32 $1.290000000e+02, v0  }
0x4d5: {  	v14 =	vld [tilespmem:$0x1FE80]  }
0x4d6: {  	v0 =	vadd.f32 $-5.000000000e-01, v0;
	_ =	sdelay $0x1  }
0x4d7: {  	v9 =	vtrunc.f32 v0  }
0x4d8: {  	v11 =	vcvt.f32.s32 v9;
	vm13 =	vgt.f32 v0, v9  }
0x4d9: {  	vm14 =	vgt.f32 v6, $0.0e+00;
	v9 =	vsub.f32 v14, v13;
	v0 =	vsel vm13, $0x1, v35;
	v6 =	vpop (erf)  }
0x4da: {  	v0 =	vadd.s32 v11, v0;
	v6 =	vnsel vm14, $0x0, v6  }
0x4db: {  	vm15 =	vgt.s32 v0, $0x0;
	v6 =	vmul.f32 v6, v9  }
0x4dc: {  	v12 =	vld [tilespmem:$0x1FFA0];
	v0 =	vnsel vm15, $0x0, v0;
	v9 =	vsub.f32 $-4.922480580e-01, v10  }
0x4dd: {  	v0 =	vadd.s32 $0x40, v0;
	v10 =	vmul.f32 $7.751937950e-03, v6  }
0x4de: {  	v6 =	vmul.f32 v6, v9;
	v9 =	vcvt.s32.f32 v0;
	_ =	sdelay $0x1  }
0x4df: {  	v6 =	vadd.f32 v6, v13;
	v11 =	vmul.f32 v20, v10;
	v9 =	vadd.f32 $-1.000000000e+00, v9  }
0x4e0: {  	v12 =	vadd.s32 v12, v21  }
0x4e1: {  	v0 =	vshll.u32 v0, $0x6;
	v11 =	vadd.f32 v11, v6;
	v9 =	vmul.f32 v9, v10  }
0x4e2: {  	v0 =	vor.u32 v63, v0  }
0x4e3: {  	v11 =	vsub.f32 v11, v13;
	v6 =	vadd.f32 v9, v6  }
0x4e4: {  	s0 =	rddreg [dreg:$0xf]  }
0x4e5: {  	s0 =	sadd.s32 @!p0 s18, s0;
	[tilespmem:v12+s26+$0x0] =	vst.idx.add.f32.msk $0xffff, v11;
	v6 =	vsub.f32 v14, v6  }
0x4e6: {  	s1 =	sshll.u32 @!p0 s0, $0x3;
	v9 =	vsub.f32 $0.0e+00, v10;
	[tilespmem:v12+s28+$0x0] =	vst.idx.add.f32.msk $0xffff, v10  }
0x4e7: {  	s3 =	rddreg [dreg:$0x6];
	s1 =	sand.u32 @!p0 $0x1FFFFE00, s1;
	[tilespmem:v0+s26+$0x0] =	vst.idx.add.f32.msk $0xffff, v6  }
0x4e8: {  	s7 =	simm.s32 @!p0 $0x1000;
	s4 =	simm.s32 @!p0 $0x0;
	s3 =	sadd.s32 @!p0 s3, s1;
	[tilespmem:v0+s28+$0x0] =	vst.idx.add.f32.msk $0xffff, v9  }
0x4e9: {  	[tilespmem:s7], [sflag:$0x2] =	stream.linear.gather @!p0 [hbm4b:s3+s4], $0x1000, $0x38;
	[tilespmem:$0x16400] =	vst v63  }
0x4ea: {  	s0 =	sshrl.u32 @!p0 s0, $0x3;
	s1 =	sadd.s32 @!p0 s2, s1;
	s3 =	simm.s32 @!p0 $0x3000  }
0x4eb: {  	[tilespmem:s3], [sflag:$0x2] =	stream.linear.gather @!p0 [hbm4b:s1+s4], $0x1000, $0x38;
	[tilespmem:$0x16400] =	vst v63  }
0x4ec: {  	s0 =	sadd.s32 @!p0 s8, s0;
	s1 =	simm.s32 @!p0 $0x4080  }
0x4ed: {  	[tilespmem:s1], [sflag:$0x2] =	stream.linear.gather @!p0 [hbm4b:s0+s4], $0x40, $0x38;
	[tilespmem:$0x16400] =	vst v63  }
0x4ee: {  	s0 =	simm.s32 @!p1 $0x6  }
0x4ef: {  	_ =	swait.ge @!p1 [sflag:s0], $0x3000  }
0x4f0: {  	[sflag:s0] =	ssyncset.done @!p1 $0x0  }
0x4f1: {  	[sflag:s0] =	ssyncadd.s32 @!p1 $0xFFFFD000  }
0x4f2: {  	_ =	swait.ge @!p1 [sflag:s0], $0x40  }
0x4f3: {  	[sflag:s0] =	ssyncset.done @!p1 $0x0  }
0x4f4: {  	s17 =	simm.s32 $0x0;
	[sflag:s0] =	ssyncadd.s32 @!p1 $0xFFFFFFC0  }
0x4f5: {  	v0 =	vld [tilespmem:s17+$0xD280];
	_ =	sdelay $0x2  }
0x4f6: {  	v60 =	vld [tilespmem:$0x1FF00]  }
0x4f7: {  	v6 =	vimm.f32 $0.0e+00;
	v9 =	vld [tilespmem:s17+$0x7180]  }
0x4f8: {  	v0 =	vadd.f32 v0, v6;
	_ =	sdelay $0x1  }
0x4f9: {  	v10 =	vadd.f32 v0, v6  }
0x4fa: {  	s3 =	simm.s32 $0x40  }
0x4fb: {  	v11 =	vld [tilespmem:s3+$0xD280];
	v9 =	vadd.f32 v10, v9;
	_ =	sdelay $0x1  }
0x4fc: {  	[tilespmem:v60+s25+$0x0] =	vst.idx.msk $0xffff, v9  }
0x4fd: {  	v14 =	vld [tilespmem:$0x1FEA0]  }
0x4fe: {  	v10 =	vld [tilespmem:s3+$0x7180]  }
0x4ff: {  	v0 =	vadd.f32 v11, v0;
	_ =	sdelay $0x1  }
0x500: {  	v9 =	vadd.f32 v0, v9;
	_ =	sdelay $0x1  }
0x501: {  	v12 =	vld [tilespmem:s17+$0xD290];
	v9 =	vadd.f32 v9, v10  }
0x502: {  	s0 =	simm.s32 $0x80  }
0x503: {  	v11 =	vld [tilespmem:s0+$0xD280];
	[tilespmem:v14+s25+$0x0] =	vst.idx.msk $0xffff, v9  }
0x504: {  	v16 =	vld [tilespmem:$0x1FEB0]  }
0x505: {  	v13 =	vld [tilespmem:s17+$0x7190]  }
0x506: {  	v10 =	vadd.f32 v12, v6;
	_ =	sdelay $0x1  }
0x507: {  	v14 =	vadd.f32 v10, v6;
	_ =	sdelay $0x1  }
0x508: {  	v0 =	vadd.f32 v11, v0;
	v11 =	vadd.f32 v14, v13;
	_ =	sdelay $0x1  }
0x509: {  	[tilespmem:v16+s25+$0x0] =	vst.idx.msk $0xffff, v11  }
0x50a: {  	v16 =	vld [tilespmem:$0x1FEC0]  }
0x50b: {  	v12 =	vld [tilespmem:s0+$0x7180];
	_ =	sdelay $0x2  }
0x50c: {  	v9 =	vadd.f32 v0, v9;
	_ =	sdelay $0x1  }
0x50d: {  	s1 =	simm.s32 $0xC0;
	v15 =	vld [tilespmem:s3+$0xD290];
	v9 =	vadd.f32 v9, v12  }
0x50e: {  	v13 =	vld [tilespmem:s1+$0xD280]  }
0x50f: {  	v14 =	vld [tilespmem:s3+$0x7190];
	[tilespmem:v16+s25+$0x0] =	vst.idx.msk $0xffff, v9  }
0x510: {  	v18 =	vld [tilespmem:$0x1FED0]  }
0x511: {  	v12 =	vld [tilespmem:s17+$0xD2A0]  }
0x512: {  	v10 =	vadd.f32 v15, v10;
	_ =	sdelay $0x1  }
0x513: {  	v11 =	vadd.f32 v10, v11  }
0x514: {  	v0 =	vadd.f32 v13, v0;
	v13 =	vld [tilespmem:s17+$0x71A0]  }
0x515: {  	v11 =	vadd.f32 v11, v14;
	v12 =	vadd.f32 v12, v6;
	_ =	sdelay $0x1  }
0x516: {  	[tilespmem:v18+s25+$0x0] =	vst.idx.msk $0xffff, v11;
	v18 =	vadd.f32 v12, v6;
	_ =	sdelay $0x1  }
0x517: {  	v18 =	vadd.f32 v18, v13;
	v13 =	vld [tilespmem:$0x1FEE0]  }
0x518: {  	v15 =	vld [tilespmem:s1+$0x7180];
	_ =	sdelay $0x2  }
0x519: {  	v9 =	vadd.f32 v0, v9;
	_ =	sdelay $0x1  }
0x51a: {  	v9 =	vadd.f32 v9, v15;
	_ =	sdelay $0x1  }
0x51b: {  	[tilespmem:v13+s25+$0x0] =	vst.idx.msk $0xffff, v9  }
0x51c: {  	v13 =	vld [tilespmem:$0x1FEF0];
	_ =	sdelay $0x5  }
0x51d: {  	v16 =	vld [tilespmem:s0+$0xD290];
	_ =	sdelay $0x1  }
0x51e: {  	[tilespmem:v13+s25+$0x0] =	vst.idx.msk $0xffff, v18  }
0x51f: {  	v61 =	vld [tilespmem:$0x1FF10]  }
0x520: {  	v14 =	vld [tilespmem:s0+$0x7190]  }
0x521: {  	v10 =	vadd.f32 v16, v10;
	_ =	sdelay $0x1  }
0x522: {  	s4 =	simm.s32 $0x100;
	v11 =	vadd.f32 v10, v11  }
0x523: {  	v17 =	vld [tilespmem:s4+$0xD280]  }
0x524: {  	v20 =	vld [tilespmem:s4+$0x7180];
	v11 =	vadd.f32 v11, v14  }
0x525: {  	v15 =	vld [tilespmem:s3+$0xD2A0]  }
0x526: {  	v22 =	vld [tilespmem:s1+$0xD290];
	[tilespmem:v61+s25+$0x0] =	vst.idx.msk $0xffff, v11  }
0x527: {  	s7 =	simm.s32 $0x140;
	v62 =	vld [tilespmem:$0x1FF20]  }
0x528: {  	v24 =	vld [tilespmem:s7+$0xD280]  }
0x529: {  	v0 =	vadd.f32 v17, v0;
	v19 =	vld [tilespmem:s3+$0x71A0]  }
0x52a: {  	v12 =	vadd.f32 v15, v12;
	v23 =	vld [tilespmem:s1+$0x7190]  }
0x52b: {  	v9 =	vadd.f32 v0, v9;
	v13 =	vadd.s32 $0x1, v13;
	v14 =	vld [tilespmem:s17+$0xD2B0]  }
0x52c: {  	v17 =	vadd.f32 v22, v10;
	v22 =	vld [tilespmem:s7+$0x7180];
	v18 =	vadd.f32 v12, v18  }
0x52d: {  	v21 =	vadd.f32 v9, v20;
	v26 =	vld [tilespmem:s0+$0xD2A0]  }
0x52e: {  	v16 =	vld [tilespmem:s17+$0x71B0];
	v20 =	vadd.f32 v18, v19  }
0x52f: {  	v18 =	vadd.f32 v17, v11;
	v19 =	vadd.s32 $0x1, v61;
	v15 =	vld [tilespmem:s0+$0x71A0];
	[tilespmem:v62+s25+$0x0] =	vst.idx.msk $0xffff, v21  }
0x530: {  	v5 =	vimm.s32 $0x0;
	v9 =	vadd.s32 $0x2400, v60;
	v11 =	vadd.f32 v14, v6;
	[tilespmem:v13+s25+$0x0] =	vst.idx.msk $0xffff, v20;
	v25 =	vld [tilespmem:s4+$0xD290]  }
0x531: {  	v60 =	vlaneseq.u32;
	v10 =	vadd.f32 v24, v0;
	v23 =	vadd.f32 v18, v23;
	v14 =	vld [tilespmem:s3+$0xD2B0]  }
0x532: {  	s9 =	simm.s32 $0x600;
	v58 =	vmovc v8;
	v59 =	vmovc v7;
	s18 =	smov.u32 s8;
	v24 =	vadd.s32 $0x1, v62;
	v12 =	vadd.f32 v26, v12;
	v26 =	vadd.f32 v11, v6;
	v18 =	vld [tilespmem:s4+$0x7190]  }
.LBB2_16:
0x533: {  	s10 =	sshra.s32 s9, $0x2;
	p1 =	sne.s32 s9, $0xBF00;
	s9 =	sadd.s32 $0x100, s9;
	v0 =	vadd.f32 v10, v21;
	v13 =	vadd.s32 $0x1, v13;
	v6 =	vld [tilespmem:s3+$0x71B0]  }
0x534: {  	s3 =	smov.u32 s0;
	s0 =	smov.u32 s1;
	s1 =	smov.u32 s4;
	v27 =	vld [tilespmem:s10+$0xD280];
	[tilespmem:v19+s25+$0x0] =	vst.idx.msk $0xffff, v23;
	v20 =	vadd.f32 v12, v20;
	v26 =	vadd.f32 v26, v16  }
0x535: {  	s4 =	smov.u32 s7;
	s7 =	smov.u32 s10;
	v21 =	vadd.f32 v0, v22;
	v17 =	vadd.f32 v25, v17;
	v0 =	vld [tilespmem:s0+$0xD2A0]  }
.Ltmp9:
0x536: {  	v20 =	vadd.f32 v20, v15;
	v15 =	vld [tilespmem:s0+$0x71A0];
	[tilespmem:v9+s25+$0x0] =	vst.idx.msk $0xffff, v26;
	(pc) =	sbr.rel @p1 .LBB2_16-.Ltmp9, $4  }
0x537: {  	v19 =	vadd.s32 $0x1, v19;
	v22 =	vld [tilespmem:s7+$0x7180];
	[tilespmem:v24+s25+$0x0] =	vst.idx.msk $0xffff, v21;
	v23 =	vadd.f32 v17, v23;
	v11 =	vadd.f32 v14, v11  }
0x538: {  	v25 =	vld [tilespmem:s4+$0xD290];
	[tilespmem:v13+s25+$0x0] =	vst.idx.msk $0xffff, v20;
	v16 =	vmov v6  }
0x539: {  	v9 =	vadd.s32 $0x1, v9;
	v10 =	vadd.f32 v27, v10;
	v23 =	vadd.f32 v23, v18;
	v18 =	vld [tilespmem:s4+$0x7190]  }
0x53a: {  	v24 =	vadd.s32 $0x1, v24;
	v26 =	vadd.f32 v11, v26;
	v12 =	vadd.f32 v0, v12;
	v14 =	vld [tilespmem:s3+$0xD2B0]  }
0x53b: {  	v0 =	vadd.f32 v10, v21;
	_ =	sdelay $0x1  }
0x53c: {  	v0 =	vadd.f32 v0, v22;
	_ =	sdelay $0x1  }
0x53d: {  	[tilespmem:v24+s25+$0x0] =	vst.idx.msk $0xffff, v0  }
0x53e: {  	v6 =	vld [tilespmem:s7+$0xD290]  }
0x53f: {  	v17 =	vadd.f32 v25, v17  }
0x540: {  	[tilespmem:v19+s25+$0x0] =	vst.idx.msk $0xffff, v23;
	v61 =	vadd.s32 $0x1, v19  }
0x541: {  	v62 =	vld [tilespmem:s1+$0xD2A0];
	v24 =	vadd.f32 v17, v23  }
0x542: {  	v13 =	vadd.s32 $0x1, v13;
	v20 =	vadd.f32 v12, v20;
	v25 =	vld [tilespmem:s7+$0x7190]  }
0x543: {  	v18 =	vadd.f32 v24, v18;
	v6 =	vadd.f32 v6, v17  }
0x544: {  	v27 =	vadd.s32 $0x1, v61  }
0x545: {  	v28 =	vld [tilespmem:s1+$0x71A0];
	v15 =	vadd.f32 v20, v15;
	[tilespmem:v61+s25+$0x0] =	vst.idx.msk $0xffff, v18;
	v18 =	vadd.f32 v6, v18  }
0x546: {  	v29 =	vadd.f32 v62, v12;
	v19 =	vld [tilespmem:s4+$0xD2A0]  }
0x547: {  	v30 =	vld [tilespmem:s3+$0x71B0];
	[tilespmem:v13+s25+$0x0] =	vst.idx.msk $0xffff, v15;
	v13 =	vadd.s32 $0x1, v13;
	v18 =	vadd.f32 v18, v25  }
0x548: {  	v31 =	vld [tilespmem:s0+$0xD2B0];
	v15 =	vadd.f32 v29, v15  }
0x549: {  	v16 =	vadd.f32 v26, v16;
	v32 =	vld [tilespmem:s4+$0x71A0];
	[tilespmem:v27+s25+$0x0] =	vst.idx.msk $0xffff, v18  }
0x54a: {  	v11 =	vadd.f32 v14, v11;
	v33 =	vadd.f32 v15, v28;
	v34 =	vld [tilespmem:s7+$0xD2A0]  }
0x54b: {  	v12 =	vadd.f32 v19, v29  }
0x54c: {  	v35 =	vadd.f32 v11, v16;
	v36 =	vld [tilespmem:s0+$0x71B0];
	[tilespmem:v13+s25+$0x0] =	vst.idx.msk $0xffff, v33;
	v13 =	vadd.s32 $0x1, v13  }
0x54d: {  	v37 =	vld [tilespmem:s1+$0xD2B0];
	v14 =	vadd.f32 v12, v33  }
0x54e: {  	v17 =	vadd.f32 v35, v30;
	v11 =	vadd.f32 v31, v11;
	v38 =	vld [tilespmem:s7+$0x71A0]  }
0x54f: {  	v14 =	vadd.f32 v14, v32;
	v12 =	vadd.f32 v34, v12  }
0x550: {  	v39 =	vadd.f32 v11, v17;
	v40 =	vadd.s32 $0x1, v13  }
0x551: {  	v41 =	vld [tilespmem:s1+$0x71B0];
	[tilespmem:v13+s25+$0x0] =	vst.idx.msk $0xffff, v14;
	v42 =	vadd.f32 v12, v14  }
0x552: {  	v43 =	vadd.f32 v39, v36;
	v44 =	vld [tilespmem:s4+$0xD2B0]  }
0x553: {  	v11 =	vadd.f32 v37, v11;
	v13 =	vadd.f32 v42, v38;
	_ =	sdelay $0x1  }
0x554: {  	v19 =	vadd.f32 v11, v43;
	v45 =	vld [tilespmem:s4+$0x71B0];
	[tilespmem:v40+s25+$0x0] =	vst.idx.msk $0xffff, v13  }
0x555: {  	v21 =	vld [tilespmem:s7+$0xD2B0]  }
0x556: {  	v19 =	vadd.f32 v19, v41;
	v11 =	vadd.f32 v44, v11  }
0x557: {  	v46 =	vadd.s32 $0x1, v9  }
0x558: {  	v47 =	vadd.s32 $0x1, v46;
	v23 =	vadd.f32 v11, v19  }
0x559: {  	v48 =	vadd.s32 $0x1, v47;
	v49 =	vld [tilespmem:s7+$0x71B0]  }
0x55a: {  	v50 =	vadd.s32 $0x1, v48;
	v20 =	vadd.f32 v23, v45;
	v11 =	vadd.f32 v21, v11  }
0x55b: {  	[tilespmem:v9+s25+$0x0] =	vst.idx.msk $0xffff, v16;
	v51 =	vadd.s32 $0x1, v50  }
0x55c: {  	[tilespmem:v46+s25+$0x0] =	vst.idx.msk $0xffff, v17;
	v52 =	vadd.f32 v11, v20  }
0x55d: {  	[tilespmem:v47+s25+$0x0] =	vst.idx.msk $0xffff, v43  }
0x55e: {  	[tilespmem:v48+s25+$0x0] =	vst.idx.msk $0xffff, v19;
	v53 =	vadd.f32 v52, v49  }
0x55f: {  	[tilespmem:v50+s25+$0x0] =	vst.idx.msk $0xffff, v20  }
0x560: {  	[tilespmem:v51+s25+$0x0] =	vst.idx.msk $0xffff, v53  }
0x561: {  	v9 =	vld [tilespmem:$0x10280]  }
0x562: {  	v54 =	vld [tilespmem:$0x10290]  }
0x563: {  	v16 =	vld [tilespmem:$0x102A0]  }
0x564: {  	v17 =	vld [tilespmem:$0x102B0]  }
0x565: {  	v19 =	vld [tilespmem:$0xA180]  }
0x566: {  	v55 =	vld [tilespmem:$0xA190];
	v9 =	vadd.f32 v9, v10  }
0x567: {  	v56 =	vld [tilespmem:$0xA1A0];
	v6 =	vadd.f32 v54, v6  }
0x568: {  	v61 =	vld [tilespmem:$0xA1B0];
	v57 =	vadd.f32 v16, v12;
	v0 =	vadd.f32 v9, v0  }
0x569: {  	v11 =	vadd.f32 v17, v11;
	v6 =	vadd.f32 v6, v18  }
0x56a: {  	v9 =	vadd.f32 v57, v13;
	v0 =	vadd.f32 v0, v19  }
0x56b: {  	v62 =	vadd.f32 v11, v53;
	v6 =	vadd.f32 v6, v55  }
0x56c: {  	s12 =	sor.u32 $0x40, s15;
	[tilespmem:$0x16380] =	vst v0;
	v0 =	vadd.f32 v9, v56  }
0x56d: {  	s13 =	smul.u32 $0x18, s12;
	[tilespmem:$0x16390] =	vst v6;
	v6 =	vadd.f32 v62, v61  }
.Ltmp10:
0x56e: {  	s15 =	rddreg [dreg:$0x3];
	[tilespmem:$0x163A0] =	vst v0;
	(pc) =	sbr.rel @p0 .LBB2_19-.Ltmp10, $4  }
0x56f: {  	s16 =	rddreg [dreg:$0x4];
	s0 =	sshrl.u32 s12, $0x3;
	s1 =	sadd.s32 s15, s13;
	[tilespmem:$0x163B0] =	vst v6  }
0x570: {  	[hbm4b:s1+s6] =	stream.linear.scatter [tilespmem:s25], [sflag:$0x6], $0x3000, $0x38;
	[tilespmem:$0x16400] =	vst v63  }
0x571: {  	s17 =	simm.s32 $0x16380;
	s0 =	sadd.s32 s16, s0  }
0x572: {  	[hbm4b:s0+s6] =	stream.linear.scatter [tilespmem:s17], [sflag:$0x6], $0x40, $0x38;
	[tilespmem:$0x16400] =	vst v63  }
.Ltmp11:
0x573: {  	(pc) =	sbr.rel .LBB2_2-.Ltmp11, $4  }
0x574: {  	s0 =	rddreg [dreg:$0x2]  }
0x575: {  	[tilespmem:s26], [sflag:$0x4] =	stream.linear.gather [hbm4b:s0+s6], $0x3080, $0x38;
	[tilespmem:$0x16400] =	vst v63  }
0x576: {  	s14 =	sadd.s32 $0x1, s14  }
0x577: {  	[tilespmem:s28], [sflag:$0x4] =	stream.linear.gather [hbm4b:s0+s6], $0x3080, $0x38;
	[tilespmem:$0x16400] =	vst v63  }
.LBB2_20:
0x578: {  	_ =	sfence.sel $0x180000  }
0x579: {  	[bflag:$0x0] =	sbarrier.arrive $0xFFFF  }
0x57a: {  	_ =	strace $0x90000047  }
0x57b: {  	s0 =	stileid.u32;
	[bflag:$0x2] =	sbarrier.arrive $0xFFFF  }
0x57c: {  	p0 =	sne.s32 s0, $0x0;
	s0 =	rddreg [dreg:$0x5]  }
0x57d: {  	s0 =	sadd.s32 @!p0 $0x100000, s0  }
0x57e: {  	[sflag:s0] =	ssyncadd.tile.s32 @!p0 $0x1;
	_ =	shalt  }
.Lfunc_end2:
_tile_overlayer_lowered:
.L_overlay_start_2:
0x57f: {  	(tag) =	ssettag $0x2  }
0x580: {  	s0 =	rddreg [dreg:$0x0];
	s2 =	stileid.u32  }
0x581: {  	s1 =	rddreg [dreg:$0x1];
	p0 =	sne.s32 s2, $0x0  }
0x582: {  	s3 =	rddreg [dreg:$0x2];
	[bflag:$0x3] =	sbarrier.arrive $0xFFFF;
	s2 =	simm.s32 @!p0 $0x1C07  }
0x583: {  	[timem:s3], [sflag:s2] =	dma.local @!p0 [hbm:s0], s1  }
0x584: {  	s0 =	simm.s32 @!p0 $0x7  }
0x585: {  	_ =	swait.ge @!p0 [sflag:s0], s1  }
0x586: {  	s1 =	ssub.s32 @!p0 $0x0, s1;
	[sflag:s0] =	ssyncset.done @!p0 $0x0  }
0x587: {  	[sflag:s0] =	ssyncadd.s32 @!p0 s1  }
0x588: {  	[bflag:$0x3] =	sbarrier.arrive $0xFFFF  }
0x589: {  	_ =	shalt  }

// kernel: sparse-core-data-format-call.cloned.1.call-start
scs
called_computation_lowered:
.L_overlay_start_0:
0x0: {  	s2 =	sld [smem:$0x3FD9]  }
0x1: {  	s3 =	sld [smem:$0x3FFE];
	_ =	sdelay $0x1  }
0x2: {  	s1 =	srdreg.scid  }
0x3: {  	s0 =	sand.u32 $0x1, s1  }
0x4: {  	s15 =	sshll.u32 s0, $0xA;
	s2 =	sadd.s32 s3, s2  }
0x5: {  	s2 =	sadd.s32 s2, s15  }
0x6: {  	[smem:$0x3FC3] =	sst s2  }
0x7: {  	_ = 	snop  }
0x8: {  	s2 =	sld [smem:$0x3FD0];
	_ =	sdelay $0x2  }
0x9: {  	s16 =	simm.s32 $0xA;
	s4 =	simm.s32 $0x10  }
0xa: {  	[smem:s4], [sflag:s16] =	dma.local [hbm:s2], $0x1  }
0xb: {  	_ =	swait.eq [sflag:s16], $0x1  }
0xc: {  	[sflag:s16] =	ssyncset.done $0x0  }
0xd: {  	[sflag:s16] =	ssyncadd.s32 $0xFFFFFFFF  }
0xe: {  	s17 =	sld [smem:$0x12];
	(tm) =	ssettm $0x1  }
0xf: {  	s18 =	sld [smem:$0x3FFB];
	_ =	sdelay $0x3  }
0x10: {  	_ =	strace s18  }
0x11: {  	s3 =	sld [smem:$0x3FFC];
	_ =	sdelay $0x3  }
0x12: {  	_ =	strace s3  }
0x13: {  	s3 =	sld [smem:$0x3FFD];
	_ =	sdelay $0x3  }
0x14: {  	_ =	strace s3  }
0x15: {  	_ =	strace $0x8FFFFFFF  }
0x16: {  	s19 =	sld [smem:$0x3FDB];
	_ =	sdelay $0x1  }
0x17: {  	s20 =	simm.s32 $_scs_section_size  }
0x18: {  	s5 =	simm.s32 $_size__tile_overlayer_lowered;
	s6 =	simm.s32 $_tile_overlayer_lowered  }
0x19: {  	s23 =	simm.s32 $0x1BFF;
	s22 =	sshll.u32 s6, $0x1;
	s3 =	sadd.s32 s20, s19  }
0x1a: {  	s7 =	simm.s32 $0x0;
	s21 =	sshll.u32 s5, $0x1;
	s5 =	sadd.s32 s22, s3  }
0x1b: {  	[timem:s7], [sflag:s23] =	dma.local [hbm:s5], s21  }
0x1c: {  	_ =	swait.ge [sflag:s23], s21  }
0x1d: {  	s4 =	ssub.s32 $0x0, s21;
	[sflag:s23] =	ssyncset.done $0x0  }
0x1e: {  	[sflag:s23] =	ssyncadd.s32 s4;
	_ =	sdelay $0x1  }
0x1f: {  	s24 =	simm.s32 $0x1B8B  }
0x20: {  	_ =	swait.ge [sflag:s24], $0x1  }
0x21: {  	[sflag:s24] =	ssyncset.done $0x0  }
0x22: {  	s26 =	simm.s32 $0x1B8E;
	s25 =	sld [smem:$0x3FFE];
	[sflag:s24] =	ssyncadd.s32 $0xFFFFFFFF  }
0x23: {  	s27 =	simm.s32 $execute0_lowered;
	[smem:$0x3FD2] =	sst s26  }
0x24: {  	s5 =	sshll.u32 s27, $0x1;
	_ =	strace $0x80000049;
	[dreg:$0x1] =	wrdreg $0xFFFFFFFF  }
0x25: {  	s28 =	simm.s32 $_size_execute0_lowered;
	s3 =	sadd.s32 s3, s5;
	[dreg:$0x0] =	wrdreg $0x0  }
0x26: {  	s5 =	sshll.u32 s28, $0x1;
	[dreg:$0x2] =	wrdreg s3  }
0x27: {  	[dreg:$0x3] =	wrdreg s5  }
0x28: {  	[dreg:$0x4] =	wrdreg $0xC0  }
0x29: {  	_ =	task [dreg:s7], $0x5FFFF  }
0x2a: {  	[dreg:$0x1] =	wrdreg $0xFFFFFFFF  }
0x2b: {  	[dreg:$0x0] =	wrdreg $0x60  }
0x2c: {  	[dreg:$0x2] =	wrdreg s25  }
0x2d: {  	[dreg:$0x3] =	wrdreg s17  }
0x2e: {  	[dreg:$0x4] =	wrdreg $0x9  }
0x2f: {  	_ =	task.clear_ibuf [dreg:s7], $0x5FFFF;
	_ =	strace $0x90000049  }
0x30: {  	s29 =	simm.s32 $0x9;
	_ =	strace $0x8000004B  }
0x31: {  	_ =	swait.ge [sflag:s29], $0x1  }
0x32: {  	[sflag:s29] =	ssyncadd.s32 $0xFFFFFFFF  }
0x33: {  	_ =	strace $0x9000004B  }
0x34: {  	_ =	sfence  }
0x35: {  	s30 =	sld [smem:$0x0];
	_ =	sdelay $0x2  }
0x36: {  	s31 =	sshll.u32 s1, $0xD;
	s1 =	sshrl.u32 s1, $0x2  }
0x37: {  	s3 =	sand.u32 $0x4000, s31;
	s1 =	sadd.s32 s1, s30  }
0x38: {  	s0 =	sor.u32 s3, s0;
	s1 =	sshll.u32 s1, $0x11  }
0x39: {  	s0 =	sor.u32 s1, s0  }
0x3a: {  	s0 =	sadd.s32 $0x8F2B, s0  }
0x3b: {  	[sflag:s0] =	ssyncadd.remote.s32 $0x1  }
0x3c: {  	_ =	sfence.sel $0xFFFF  }
0x3d: {  	[dreg:$0x0] =	wrdreg $0xFFFFFFFF;
	(pc) =	sbr.abs _section_cstart, $3  }
0x3e: {  	[dreg:$0x1] =	wrdreg $0xFFFFFFFF  }
0x3f: {  	_ =	task.clear_ibuf [dreg:s7], $0x2FFFF;
	_ =	strace $0x9FFFFFFF  }
0x40: {  	(tm) =	ssettm $0x7FFFFFFF  }
0x41: {  	_ =	shalt  }
tec
execute0_lowered:
.L_overlay_start_1:
0x0: {  	(tag) =	ssettag $0x1  }
0x1: {  	s5 =	rddreg [dreg:$0x0]  }
0x2: {  	s0 =	srdreg.scid;
	s3 =	rddreg [dreg:$0x1];
	s7 =	simm.s32 $0x1  }
0x3: {  	s8 =	simm.s32 $0x2;
	s15 =	simm.s32 $0x0;
	s1 =	sshll.u32 s0, $0x4  }
0x4: {  	s14 =	simm.s32 $0x0;
	s0 =	stileid.u32;
	s1 =	sand.u32 $0x10, s1  }
0x5: {  	s9 =	simm.s32 $0x0;
	s10 =	simm.s32 $0x0;
	s1 =	sor.u32 s0, s1  }
0x6: {  	s11 =	simm.s32 $0x0;
	s13 =	simm.s32 $0x0;
	s2 =	sshll.u32 s1, $0x7  }
0x7: {  	s5 =	sadd.s32 $0x1000, s5;
	s1 =	rddreg [dreg:$0x2];
	s6 =	ssub.s32 $0x20000, s2  }
.Ltmp0:
0x8: {  	_ =	strace $0x8000004A;
	s4 =	sand.u32 $0xF80, s6;
	(pc) =	sbr.rel .LBB1_1-.Ltmp0, $4  }
0x9: {  	s12 =	smov.u32 s2;
	p0 =	sne.s32 s4, $0x0;
	s4 =	simm.s32 $0x1  }
0xa: {  	s6 =	sshrl.u32 s6, $0xC;
	s7 =	simm.s32 @!p0 $0x0;
	[sflag:s4] =	ssyncpa.u1 $0x0  }
0xb: {  	p0 =	por $0x0, $0x0;
	s7 =	sadd.s32 s7, s6;
	[sflag:s8] =	ssyncpa.u1 $0x0  }
0xc: {  	s8 =	simm.s32 $0x20000;
	s6 =	sshll.u32 s7, $0x1;
	s7 =	sshllo.u32 s7, $0x1  }
.LBB1_4:
0xd: {  	v5 =	vld [tilespmem:s17+$0xFFFFFFD0];
	[tilespmem:s19+$0x2040 ss:$0x81] =	vst.msk $0xffff, v3  }
0xe: {  	v58 =	vld [tilespmem:s17+$0xFFFFFFE0];
	[tilespmem:s19+$0x2850 ss:$0x81] =	vst.msk $0xffff, v4;
	s20 =	sshra.s32 s20, $0x2;
	p1 =	sgt.s32 s9, $0x40;
	s21 =	smov.u32 s9  }
0xf: {  	v59 =	vld [tilespmem:s17+$0xFFFFFFF0];
	[tilespmem:s19+$0x3060 ss:$0x81] =	vst.msk $0xffff, v2;
	s30 =	sshra.s32 s9, $0x1F;
	s22 =	sshra.s32 s10, $0x1F;
	s18 =	sadd.s32 s20, s18  }
0x10: {  	v60 =	vld [tilespmem:s17+$0x0];
	[tilespmem:s19+$0x0 ss:$0x81] =	vst.msk $0xffff, v1;
	s21 =	simm.s32 @!p1 $0x40;
	p1 =	sgt.s32 s10, $0x1FF80;
	s20 =	smov.u32 s10  }
0x11: {  	v61 =	vld [tilespmem:s17+$0x10];
	s31 =	sand.u32 s30, s9;
	s23 =	sand.u32 s22, s10;
	[tilespmem:s18+$0x3870 ss:$0x81] =	vst.msk $0xffff, v0;
	s20 =	simm.s32 @!p1 $0x1FF80  }
0x12: {  	v62 =	vld [tilespmem:s17+$0x20];
	s19 =	ssub.s32 s21, s31;
	s20 =	ssub.s32 s20, s23;
	[tilespmem:s18+$0x810 ss:$0x81] =	vst.msk $0xffff, v5  }
0x13: {  	v63 =	vld [tilespmem:s17+$0xFFFFFFC0];
	s24 =	sadd.s32 $0xFFFFFFC0, s19;
	s19 =	ssub.s32 $0xC0, s19;
	s25 =	sadd.s32 $0xFFFE0080, s20;
	[tilespmem:s18+$0x1020 ss:$0x81] =	vst.msk $0xffff, v58  }
0x14: {  	p1 =	sgt.s32 s24, $0x7F;
	s17 =	ssub.s32 $0x20000, s20;
	[tilespmem:s18+$0x1830 ss:$0x81] =	vst.msk $0xffff, v59;
	p2 =	sgt.s32 s25, $0x7F  }
0x15: {  	s26 =	sshrl.u32 s10, $0x3;
	s19 =	simm.s32 @p1 $0x0;
	[tilespmem:s18+$0x2040 ss:$0x81] =	vst.msk $0xffff, v60;
	s17 =	simm.s32 @p2 $0x0  }
0x16: {  	s28 =	sand.u32 $0x7, s10;
	s27 =	sand.u32 $0x3FFF, s26;
	[tilespmem:s18+$0x2850 ss:$0x81] =	vst.msk $0xffff, v61;
	s17 =	smul.u32 s17, s19  }
0x17: {  	s29 =	sshll.u32 s9, $0xE;
	s20 =	sshll.u32 s28, $0x12;
	[tilespmem:s18+$0x3060 ss:$0x81] =	vst.msk $0xffff, v62;
	s19 =	sadd.s32 s3, s27  }
0x18: {  	[tilespmem:s18+$0x0 ss:$0x81] =	vst.msk $0xffff, v63;
	s31 =	sor.u32 $0x80, s20;
	s30 =	sadd.s32 s29, s19;
	s17 =	sand.u32 $0x3FFFFFFF, s17  }
0x19: {  	[hbm4b:s30+s31] =	stream.strided.scatter [tilespmem:s16], [sflag:$0x2], s17, s8, s31, $0x20;
	[tilespmem:$0x10100] =	vst v63  }
.LBB1_5:
0x1a: {  	p1 =	slt.u32 s13, $0x2  }
0x1b: {  	s17 =	smov.u32 s15;
	p2 =	sgt.s32 @!p1 s15, $0x40;
	s16 =	sshra.s32 @!p1 s15, $0x1F  }
0x1c: {  	p3 =	sgt.s32 @!p1 s14, $0x1FF80;
	s18 =	sshra.s32 @!p1 s14, $0x1F;
	p2 =	por !p2, p1  }
0x1d: {  	s15 =	sand.u32 @!p1 s16, s15;
	p3 =	por !p3, p1;
	s16 =	smov.u32 s14  }
0x1e: {  	s14 =	sand.u32 @!p1 s18, s14;
	s17 =	simm.s32 @p2 $0x40;
	s16 =	simm.s32 @p3 $0x1FF80  }
0x1f: {  	s15 =	ssub.s32 @!p1 s17, s15;
	s14 =	ssub.s32 @!p1 s16, s14  }
0x20: {  	s18 =	smov.u32 s12;
	s16 =	sadd.s32 @!p1 $0xFFFFFFC0, s15;
	s17 =	sadd.s32 @!p1 $0xFFFE0080, s14  }
0x21: {  	s15 =	ssub.s32 @!p1 $0xC0, s15;
	p2 =	sgt.s32 @!p1 s16, $0x7F;
	p3 =	sgt.s32 @!p1 s17, $0x7F  }
0x22: {  	s14 =	ssub.s32 @!p1 $0x20000, s14;
	p2 =	por !p2, p1;
	p3 =	por !p3, p1  }
0x23: {  	s16 =	sadd.s32 $0x80, s11;
	s15 =	simm.s32 @!p2 $0x0;
	s14 =	simm.s32 @!p3 $0x0  }
0x24: {  	p2 =	sgt.s32 s16, $0xBF;
	s14 =	smul.u32 @!p1 s14, s15;
	s15 =	sadd.s32 $0x1000, s12  }
0x25: {  	s18 =	smov.u32 @p2 s15  }
0x26: {  	s16 =	simm.s32 @p2 $0x0;
	p2 =	sgt.s32 s18, $0x1FFFF  }
0x27: {  	s18 =	smov.u32 @p2 s2;
	p2 =	sne.s32 s13, s7  }
.Ltmp1:
0x28: {  	p0 =	por !p0, !p0;
	s17 =	simm.s32 @!p1 $0x2;
	(pc) =	sbr.rel @!p2 .LBB1_6-.Ltmp1, $4  }
0x29: {  	s15 =	smov.u32 s9;
	s9 =	smov.u32 s11;
	s14 =	sand.u32 @!p1 $0x3FFFFFFF, s14  }
0x2a: {  	s11 =	smov.u32 s16;
	_ =	swait.ge @!p1 [sflag:s17], s14;
	s19 =	ssub.s32 @!p1 $0x0, s14  }
0x2b: {  	s14 =	smov.u32 s10;
	s13 =	sadd.s32 $0x1, s13;
	[sflag:s17] =	ssyncset.done @!p1 $0x0  }
0x2c: {  	s10 =	smov.u32 s12;
	s12 =	smov.u32 s18;
	[sflag:s17] =	ssyncadd.s32 @!p1 s19  }
.LBB1_1:
0x2d: {  	p1 =	sge.u32 s13, s6  }
0x2e: {  	s31 =	sadd.s32 $0xFFFFFFFF, s13;
	s16 =	sshll.u32 @!p1 s12, $0x8  }
0x2f: {  	s17 =	sshll.u32 @!p1 s11, $0x3;
	s18 =	sshll.u32 @!p1 s12, $0x7;
	s16 =	sand.u32 @!p1 $0x1FFF800, s16  }
0x30: {  	s19 =	sand.u32 @!p1 $0x78, s11;
	s16 =	sadd.s32 @!p1 s16, s17;
	s17 =	sand.u32 @!p1 $0x380, s18  }
0x31: {  	s18 =	sxor.u32 @!p1 $0xFFFFFFFF, s13;
	s16 =	sand.u32 @!p1 $0x1FFFC00, s16;
	s17 =	sor.u32 @!p1 s19, s17  }
0x32: {  	s18 =	sshll.u32 @!p1 s18, $0xE;
	s16 =	sor.u32 @!p1 s16, s17;
	s17 =	sand.u32 @!p1 $0x7, s11  }
0x33: {  	s19 =	simm.s32 @!p1 $0x800;
	s16 =	sshrl.u32 @!p1 s16, $0x3;
	s17 =	sshll.u32 @!p1 s17, $0x12  }
0x34: {  	s18 =	sand.u32 @!p1 $0x4000, s18;
	s16 =	sadd.s32 @!p1 s5, s16;
	s17 =	sor.u32 @!p1 $0x400, s17  }
0x35: {  	[tilespmem:s18], [sflag:$0x1] =	stream.strided.gather @!p1 [hbm4b:s16+s17], $0x4000, s19, s17, $0x38;
	[tilespmem:$0x10100] =	vst v63  }
0x36: {  	p1 =	sge.u32 s31, s6  }
.Ltmp2:
0x37: {  	_ = 	snop;
	(pc) =	sbr.rel @p1 .LBB1_5-.Ltmp2, $1  }
0x38: {  	_ =	sdelay $0x3  }
0x39: {  	s16 =	simm.s32 $0x1  }
0x3a: {  	_ =	swait.ge [sflag:s4], $0x4000;
	s16 =	simm.s32 @!p0 $0x0  }
0x3b: {  	[sflag:s4] =	ssyncset.done $0x0;
	s17 =	sshll.u32 s16, $0xE  }
0x3c: {  	[sflag:s4] =	ssyncadd.s32 $0xFFFFC000;
	s17 =	sor.u32 $0x40, s17  }
0x3d: {  	s16 =	smul.u32 $0x10200, s16;
	v0 =	vld [tilespmem:s17+$0x30]  }
0x3e: {  	v1 =	vld [tilespmem:s17+$0xFFFFFFD0]  }
0x3f: {  	s16 =	sshrl.u32 s16, $0x2;
	v5 =	vld [tilespmem:s17+$0xFFFFFFE0]  }
0x40: {  	v6 =	vld [tilespmem:s17+$0xFFFFFFF0];
	s18 =	sor.u32 $0x8000, s16  }
0x41: {  	s31 =	sand.u32 $0x1, s13;
	v3 =	vld [tilespmem:s17+$0x0];
	s19 =	sadd.s32 $0x0, s18  }
0x42: {  	v4 =	vld [tilespmem:s17+$0x10];
	s16 =	smul.u32 $0x10200, s31;
	[tilespmem:s19+$0x3870 ss:$0x81] =	vst.msk $0xffff, v0  }
0x43: {  	v2 =	vld [tilespmem:s17+$0x20];
	[tilespmem:s19+$0x810 ss:$0x81] =	vst.msk $0xffff, v1  }
0x44: {  	s16 =	sshrl.u32 s16, $0x2;
	v1 =	vld [tilespmem:s17+$0xFFFFFFC0];
	[tilespmem:s19+$0x1020 ss:$0x81] =	vst.msk $0xffff, v5;
	s17 =	sadd.s32 $0x80, s17  }
0x45: {  	s20 =	simm.s32 $0x4;
	s21 =	simm.s32 $0x8;
	s16 =	sor.u32 $0x8000, s16;
	[tilespmem:s19+$0x1830 ss:$0x81] =	vst.msk $0xffff, v6;
	v0 =	vld [tilespmem:s17+$0x30]  }
.LBB1_3:
0x46: {  	p1 =	sne.s32 s21, $0x1FC;
	v5 =	vld [tilespmem:s17+$0xFFFFFFD0];
	[tilespmem:s19+$0x2040 ss:$0x81] =	vst.msk $0xffff, v3  }
0x47: {  	v6 =	vld [tilespmem:s17+$0xFFFFFFE0];
	[tilespmem:s19+$0x2850 ss:$0x81] =	vst.msk $0xffff, v4  }
0x48: {  	s22 =	sshra.s32 s20, $0x2;
	s20 =	smov.u32 s21;
	v7 =	vld [tilespmem:s17+$0xFFFFFFF0];
	[tilespmem:s19+$0x3060 ss:$0x81] =	vst.msk $0xffff, v2  }
.Ltmp3:
0x49: {  	v3 =	vld [tilespmem:s17+$0x0];
	[tilespmem:s19+$0x0 ss:$0x81] =	vst.msk $0xffff, v1;
	s19 =	sadd.s32 s22, s18;
	(pc) =	sbr.rel @p1 .LBB1_3-.Ltmp3, $4  }
0x4a: {  	v4 =	vld [tilespmem:s17+$0x10];
	[tilespmem:s19+$0x3870 ss:$0x81] =	vst.msk $0xffff, v0  }
0x4b: {  	[tilespmem:s19+$0x810 ss:$0x81] =	vst.msk $0xffff, v5;
	v2 =	vld [tilespmem:s17+$0x20]  }
0x4c: {  	v1 =	vld [tilespmem:s17+$0xFFFFFFC0];
	[tilespmem:s19+$0x1020 ss:$0x81] =	vst.msk $0xffff, v6;
	s17 =	sadd.s32 $0x80, s17  }
0x4d: {  	s21 =	sadd.s32 $0x4, s21;
	v0 =	vld [tilespmem:s17+$0x30];
	[tilespmem:s19+$0x1830 ss:$0x81] =	vst.msk $0xffff, v7  }
.Ltmp4:
0x4e: {  	_ = 	snop;
	(pc) =	sbr.rel .LBB1_4-.Ltmp4, $1  }
0x4f: {  	_ =	sdelay $0x3  }
.LBB1_6:
0x50: {  	_ =	sfence.sel $0x180000  }
0x51: {  	s2 =	simm.s32 $0x1;
	[bflag:$0x0] =	sbarrier.arrive $0xFFFF  }
0x52: {  	s31 =	simm.s32 $0x2;
	[sflag:s2] =	ssyncpa.u1 $0x1  }
0x53: {  	[sflag:s31] =	ssyncpa.u1 $0x1  }
0x54: {  	p0 =	sne.s32 s0, $0x0;
	_ =	strace $0x9000004A  }
0x55: {  	s0 =	sadd.s32 @!p0 $0x100000, s1;
	[bflag:$0x2] =	sbarrier.arrive $0xFFFF  }
0x56: {  	[sflag:s0] =	ssyncadd.tile.s32 @!p0 $0x1;
	_ =	shalt  }
.Lfunc_end1:
_tile_overlayer_lowered:
.L_overlay_start_2:
0x57: {  	(tag) =	ssettag $0x2  }
0x58: {  	s0 =	rddreg [dreg:$0x0];
	s2 =	stileid.u32  }
0x59: {  	s1 =	rddreg [dreg:$0x1];
	p0 =	sne.s32 s2, $0x0  }
0x5a: {  	s3 =	rddreg [dreg:$0x2];
	[bflag:$0x3] =	sbarrier.arrive $0xFFFF;
	s2 =	simm.s32 @!p0 $0x1C01  }
0x5b: {  	[timem:s3], [sflag:s2] =	dma.local @!p0 [hbm:s0], s1  }
0x5c: {  	s0 =	simm.s32 @!p0 $0x1  }
0x5d: {  	_ =	swait.ge @!p0 [sflag:s0], s1  }
0x5e: {  	s1 =	ssub.s32 @!p0 $0x0, s1;
	[sflag:s0] =	ssyncset.done @!p0 $0x0  }
0x5f: {  	[sflag:s0] =	ssyncadd.s32 @!p0 s1  }
0x60: {  	[bflag:$0x3] =	sbarrier.arrive $0xFFFF  }
0x61: {  	_ =	shalt  }

</sc_bundles>
